<compile_context>
chip_gen: v7x
topology: tpu7x:2x2x1
jax: 0.10.2.dev20260603
libtpu: 0.0.44.dev20260713+nightly
codegen_flags: <defaults>
</compile_context>

<pallas_src>
import functools

import jax
import jax.numpy as jnp
from jax import lax
from jax.experimental import pallas as pl
from jax.experimental.pallas import tpu as pltpu
from jax.experimental.pallas import tpu_sc as plsc

N_NODES = 10000
IN_CH = 128
MID_CH = 64
OUT_CH = 128

NC = 2
NS = 16
NW = NC * NS
CHUNK = 128
CHUNKS = 80
HALF_CHUNKS = 40
TOTAL_CHUNKS = NW * CHUNKS
SEG_CH = (152, 8)
E_PAD = NW * CHUNKS * CHUNK
N_PAD = 10240
N_SC = 10112
ROWS_PER_TILE = N_SC // NS
SCRAP = N_NODES

_mesh = plsc.VectorSubcoreMesh(core_axis_name="c", subcore_axis_name="s")

_ROW_BLOCKS = [(0, 128), (128, 128), (256, 128), (384, 128), (512, 120)]



DEG_W = 128


@functools.partial(
    pl.kernel,
    mesh=_mesh,
    out_type=jax.ShapeDtypeStruct((NC, N_PAD, DEG_W), jnp.float32),
    scratch_types=[
        pltpu.VMEM((CHUNKS, CHUNK), jnp.int32),
        pltpu.VMEM((CHUNK, DEG_W), jnp.float32),
        pltpu.VMEM((CHUNK, DEG_W), jnp.float32),
        pltpu.VMEM_SHARED((N_SC, DEG_W), jnp.float32),
        pltpu.SemaphoreType.DMA,
    ],
)
def _deg_kernel(dsts_hbm, ones_hbm, zeros_hbm, out_hbm, dst_v, ones_v, zbuf, S_sh,
                sem_s):
    cid = lax.axis_index("c")
    sid = lax.axis_index("s")
    wid = sid * NC + cid

    pltpu.sync_copy(zeros_hbm, zbuf)
    pltpu.sync_copy(ones_hbm, ones_v)
    pltpu.sync_copy(dsts_hbm.at[wid], dst_v)
    base = sid * ROWS_PER_TILE
    for off, sz in _ROW_BLOCKS:
        pltpu.sync_copy(zbuf.at[pl.ds(0, sz)], S_sh.at[pl.ds(base + off, sz)])
    plsc.subcore_barrier()

    def body(j, carry):
        pltpu.async_copy(ones_v, S_sh.at[dst_v.at[j]], sem_s, add=True)
        return carry

    lax.fori_loop(0, CHUNKS, body, 0)

    def drain(j, carry):
        pltpu.make_async_copy(ones_v, S_sh.at[dst_v.at[j]], sem_s).wait()
        return carry

    lax.fori_loop(0, CHUNKS, drain, 0)
    plsc.subcore_barrier()
    obufs = [zbuf, ones_v]
    for k, (off, sz) in enumerate(_ROW_BLOCKS):
        b = obufs[k % 2]
        if k >= 2:
            po, psz = _ROW_BLOCKS[k - 2]
            pltpu.make_async_copy(b.at[pl.ds(0, psz)],
                                  out_hbm.at[cid, pl.ds(base + po, psz)], sem_s).wait()
        pltpu.sync_copy(S_sh.at[pl.ds(base + off, sz)], b.at[pl.ds(0, sz)])
        pltpu.async_copy(b.at[pl.ds(0, sz)], out_hbm.at[cid, pl.ds(base + off, sz)], sem_s)
    for k in (len(_ROW_BLOCKS) - 2, len(_ROW_BLOCKS) - 1):
        off, sz = _ROW_BLOCKS[k]
        pltpu.make_async_copy(obufs[k % 2].at[pl.ds(0, sz)],
                              out_hbm.at[cid, pl.ds(base + off, sz)], sem_s).wait()




def _pieces(n):
    return [min(HALF_CHUNKS, n - i) for i in range(0, n, HALF_CHUNKS)]


def _make_seg_kernel(C):
    @functools.partial(
        pl.kernel,
        mesh=_mesh,
        out_type=jax.ShapeDtypeStruct((NC, N_PAD, C), jnp.float32),
        scratch_types=[
            pltpu.VMEM((HALF_CHUNKS, CHUNK), jnp.int32),
            pltpu.VMEM((HALF_CHUNKS, CHUNK), jnp.int32),
            pltpu.VMEM((CHUNK, C), jnp.float32),
            pltpu.VMEM((CHUNK, C), jnp.float32),
            pltpu.VMEM_SHARED((N_SC, C), jnp.float32),
            pltpu.SemaphoreType.DMA,
            pltpu.SemaphoreType.DMA,
            pltpu.SemaphoreType.DMA,
            pltpu.SemaphoreType.DMA,
        ],
    )
    def _seg(xl0_hbm, xl1_hbm, srcs_hbm, dsts_hbm, zeros_hbm, out_hbm,
             src_v, dst_v, buf_a, buf_b, S_sh, sem_ga, sem_gb, sem_sa, sem_sb):
        cid = lax.axis_index("c")
        sid = lax.axis_index("s")
        base = sid * ROWS_PER_TILE

        pltpu.sync_copy(zeros_hbm, buf_a)
        for off, sz in _ROW_BLOCKS:
            pltpu.async_copy(buf_a.at[pl.ds(0, sz)], S_sh.at[pl.ds(base + off, sz)],
                             sem_sa)
        for off, sz in _ROW_BLOCKS:
            pltpu.make_async_copy(buf_a.at[pl.ds(0, sz)],
                                  S_sh.at[pl.ds(base + off, sz)], sem_sa).wait()
        plsc.subcore_barrier()

        def run_piece(xl_hbm, chunk0, pn):
            pltpu.sync_copy(srcs_hbm.at[pl.ds(chunk0, pn)], src_v.at[pl.ds(0, pn)])
            pltpu.sync_copy(dsts_hbm.at[pl.ds(chunk0, pn)], dst_v.at[pl.ds(0, pn)])
            pltpu.async_copy(xl_hbm.at[src_v.at[0]], buf_a, sem_ga)

            def body(jj, carry):
                j = 2 * jj

                @pl.when(jj > 0)
                def _():
                    pltpu.make_async_copy(buf_b, S_sh.at[dst_v.at[j - 1]],
                                          sem_sb).wait()

                pltpu.async_copy(xl_hbm.at[src_v.at[j + 1]], buf_b, sem_gb)
                pltpu.make_async_copy(xl_hbm.at[src_v.at[j]], buf_a, sem_ga).wait()
                pltpu.async_copy(buf_a, S_sh.at[dst_v.at[j]], sem_sa, add=True)
                pltpu.make_async_copy(buf_a, S_sh.at[dst_v.at[j]], sem_sa).wait()

                @pl.when(jj < pn // 2 - 1)
                def _():
                    pltpu.async_copy(xl_hbm.at[src_v.at[j + 2]], buf_a, sem_ga)

                pltpu.make_async_copy(xl_hbm.at[src_v.at[j + 1]], buf_b, sem_gb).wait()
                pltpu.async_copy(buf_b, S_sh.at[dst_v.at[j + 1]], sem_sb, add=True)
                return carry

            lax.fori_loop(0, pn // 2, body, 0)
            pltpu.make_async_copy(buf_b, S_sh.at[dst_v.at[pn - 1]], sem_sb).wait()

        for c in range(NC):
            ch = SEG_CH[c]
            core_base = 0 if c == 0 else NS * SEG_CH[0]

            @pl.when(cid == c)
            def _(ch=ch, core_base=core_base):
                tile0 = core_base + sid * ch
                off = 0
                xl_hbm = xl0_hbm if c == 0 else xl1_hbm
                for pn in _pieces(ch):
                    run_piece(xl_hbm, tile0 + off, pn)
                    off += pn

        plsc.subcore_barrier()
        bufs = [buf_a, buf_b]
        sems = [sem_ga, sem_gb]
        for k, (off, sz) in enumerate(_ROW_BLOCKS):
            b, sm = bufs[k % 2], sems[k % 2]
            if k >= 2:
                po, psz = _ROW_BLOCKS[k - 2]
                pltpu.make_async_copy(b.at[pl.ds(0, psz)],
                                      out_hbm.at[cid, pl.ds(base + po, psz)], sm).wait()
            pltpu.sync_copy(S_sh.at[pl.ds(base + off, sz)], b.at[pl.ds(0, sz)])
            pltpu.async_copy(b.at[pl.ds(0, sz)], out_hbm.at[cid, pl.ds(base + off, sz)], sm)
        for k in (len(_ROW_BLOCKS) - 2, len(_ROW_BLOCKS) - 1):
            off, sz = _ROW_BLOCKS[k]
            pltpu.make_async_copy(bufs[k % 2].at[pl.ds(0, sz)],
                                  out_hbm.at[cid, pl.ds(base + off, sz)],
                                  sems[k % 2]).wait()

    return _seg


_seg128 = _make_seg_kernel(OUT_CH)



TC_R = 1024


def _tc0_body(x_ref, w_ref, xlr_ref):
    xlr_ref[...] = jnp.dot(x_ref[...], w_ref[...],
                           preferred_element_type=jnp.float32)


def _tc0(x, W1):
    grid = N_PAD // TC_R
    return pl.pallas_call(
        _tc0_body,
        grid=(grid,),
        in_specs=[
            pl.BlockSpec((TC_R, IN_CH), lambda i: (i, 0)),
            pl.BlockSpec((IN_CH, MID_CH), lambda i: (0, 0)),
        ],
        out_specs=pl.BlockSpec((TC_R, MID_CH), lambda i: (i, 0)),
        out_shape=jax.ShapeDtypeStruct((N_PAD, MID_CH), jnp.float32),
    )(x, W1)


def _tc1_body(xlr_ref, degp_ref, xl_ref, dis_ref):
    deg = degp_ref[0, :, 0:1] + degp_ref[1, :, 0:1] + 1.0
    dis = lax.rsqrt(deg)
    xl_ref[...] = jnp.concatenate(
        [xlr_ref[...] * dis, jnp.zeros((TC_R, OUT_CH - MID_CH), jnp.float32)],
        axis=1)
    dis_ref[...] = dis


def _tc1(xlr, degp):
    grid = N_PAD // TC_R
    return pl.pallas_call(
        _tc1_body,
        grid=(grid,),
        in_specs=[
            pl.BlockSpec((TC_R, MID_CH), lambda i: (i, 0)),
            pl.BlockSpec((NC, TC_R, DEG_W), lambda i: (0, i, 0)),
        ],
        out_specs=[
            pl.BlockSpec((TC_R, OUT_CH), lambda i: (i, 0)),
            pl.BlockSpec((TC_R, 1), lambda i: (i, 0)),
        ],
        out_shape=[
            jax.ShapeDtypeStruct((N_PAD, OUT_CH), jnp.float32),
            jax.ShapeDtypeStruct((N_PAD, 1), jnp.float32),
        ],
    )(xlr, degp)


def _tc2_body(s_ref, xl_ref, dis_ref, b_ref, w_ref, out_ref):
    dis = dis_ref[...]
    t = (s_ref[0] + s_ref[1] + xl_ref[...])[:, :MID_CH]
    z = dis * t + b_ref[...]
    h = jnp.where(z > 0, z, jnp.exp(z) - 1.0)
    out_ref[...] = jnp.dot(h, w_ref[...], preferred_element_type=jnp.float32) * dis


def _tc2(S1, xl1, dis, b1, W2):
    grid = N_PAD // TC_R
    return pl.pallas_call(
        _tc2_body,
        grid=(grid,),
        in_specs=[
            pl.BlockSpec((NC, TC_R, OUT_CH), lambda i: (0, i, 0)),
            pl.BlockSpec((TC_R, OUT_CH), lambda i: (i, 0)),
            pl.BlockSpec((TC_R, 1), lambda i: (i, 0)),
            pl.BlockSpec((1, MID_CH), lambda i: (0, 0)),
            pl.BlockSpec((MID_CH, OUT_CH), lambda i: (0, 0)),
        ],
        out_specs=pl.BlockSpec((TC_R, OUT_CH), lambda i: (i, 0)),
        out_shape=jax.ShapeDtypeStruct((N_PAD, OUT_CH), jnp.float32),
    )(S1, xl1, dis, b1, W2)


def _tc3_body(s_ref, xl_ref, dis_ref, b_ref, out_ref):
    z = dis_ref[...] * (s_ref[0] + s_ref[1] + xl_ref[...]) + b_ref[...]
    m = jnp.max(z, axis=1, keepdims=True)
    e = jnp.exp(z - m)
    out_ref[...] = (z - m) - jnp.log(jnp.sum(e, axis=1, keepdims=True))


def _tc3(S2, xl2, dis, b2):
    grid = N_PAD // TC_R
    return pl.pallas_call(
        _tc3_body,
        grid=(grid,),
        in_specs=[
            pl.BlockSpec((NC, TC_R, OUT_CH), lambda i: (0, i, 0)),
            pl.BlockSpec((TC_R, OUT_CH), lambda i: (i, 0)),
            pl.BlockSpec((TC_R, 1), lambda i: (i, 0)),
            pl.BlockSpec((1, OUT_CH), lambda i: (0, 0)),
        ],
        out_specs=pl.BlockSpec((TC_R, OUT_CH), lambda i: (i, 0)),
        out_shape=jax.ShapeDtypeStruct((N_NODES, OUT_CH), jnp.float32),
    )(S2, xl2, dis, b2)




def kernel(node_feature, adj_list, W1, b1, W2, b2):
    src = adj_list[0].astype(jnp.int32)
    dst = adj_list[1].astype(jnp.int32)
    n_edges = src.shape[0]
    pad = E_PAD - n_edges
    src = jnp.concatenate([src, jnp.full((pad,), SCRAP, jnp.int32)])
    dst = jnp.concatenate([dst, jnp.full((pad,), SCRAP, jnp.int32)])
    srcs3 = src.reshape(NW, CHUNKS, CHUNK)
    dsts3 = dst.reshape(NW, CHUNKS, CHUNK)
    srcs2 = src.reshape(TOTAL_CHUNKS, CHUNK)
    dsts2 = dst.reshape(TOTAL_CHUNKS, CHUNK)

    x = jnp.zeros((N_PAD, IN_CH), jnp.float32).at[:N_NODES].set(node_feature)
    ones128 = jnp.ones((CHUNK, DEG_W), jnp.float32)
    zeros128 = jnp.zeros((CHUNK, OUT_CH), jnp.float32)

    xlr = _tc0(x, W1)
    degp = _deg_kernel(dsts3, ones128, zeros128)
    xl1, dis = _tc1(xlr, degp)
    S1 = _seg128(xl1, xl1, srcs2, dsts2, zeros128)
    xl2 = _tc2(S1, xl1, dis, b1.reshape(1, MID_CH), W2)
    S2 = _seg128(xl2, xl2, srcs2, dsts2, zeros128)
    return _tc3(S2, xl2, dis, b2.reshape(1, OUT_CH))

# --- scband reference (transcript-rebuilt; emitter-appended) ---
"""Pipeline reference for scband-gcn-48524540510801 (READ-ONLY COPY).

The authoritative reference and input builder live on the scoring server;
editing this copy changes nothing except your own understanding.
"""

import jax, jax.numpy as jnp
import numpy as np

N_NODES = 10000
N_EDGES = 320000
IN_CH = 128
MID_CH = 64
OUT_CH = 128


def gcn_conv(x, edge_index, W, b):
    N = x.shape[0]
    loops = jnp.arange(N, dtype=edge_index.dtype)
    ei = jnp.concatenate([edge_index, jnp.stack([loops, loops])], axis=1)
    src, dst = ei[0], ei[1]
    deg = jax.ops.segment_sum(jnp.ones(ei.shape[1], dtype=x.dtype), dst, num_segments=N)
    dis = jnp.where(deg > 0, 1.0 / jnp.sqrt(deg), 0.0)
    norm = dis[src] * dis[dst]
    xl = x @ W
    msg = xl[src] * norm[:, None]
    out = jax.ops.segment_sum(msg, dst, num_segments=N)
    return out + b


def setup_inputs(seed: int = 0) -> dict:
    key = jax.random.key(seed)
    k1, k2, k3, k4, k5, k6 = jax.random.split(key, 6)
    node_feature = jax.random.normal(k1, (N_NODES, IN_CH), dtype=jnp.float32)
    adj_list = jax.random.randint(k2, (2, N_EDGES), 0, N_NODES, dtype=jnp.int64)
    s1 = 1.0 / np.sqrt(IN_CH)
    s2 = 1.0 / np.sqrt(MID_CH)
    W1 = jax.random.uniform(k3, (IN_CH, MID_CH), dtype=jnp.float32, minval=-s1, maxval=s1)
    b1 = jax.random.uniform(k4, (MID_CH,), dtype=jnp.float32, minval=-s1, maxval=s1)
    W2 = jax.random.uniform(k5, (MID_CH, OUT_CH), dtype=jnp.float32, minval=-s2, maxval=s2)
    b2 = jax.random.uniform(k6, (OUT_CH,), dtype=jnp.float32, minval=-s2, maxval=s2)
    return {"node_feature": node_feature, "adj_list": adj_list, "W1": W1, "b1": b1, "W2": W2, "b2": b2}


def reference(node_feature, adj_list, W1, b1, W2, b2):
    h = gcn_conv(node_feature, adj_list, W1, b1)
    h = jax.nn.elu(h)
    out = gcn_conv(h, adj_list, W2, b2)
    return jax.nn.log_softmax(out, axis=1)

if __name__ == "__main__":
    import jax
    _d = setup_inputs()
    print(jax.jit(kernel)(*tuple(_d.values())))

</pallas_src>

<mosaic_0001>
#map = affine_map<(d0, d1) -> (0, 0, 0)>
#map1 = affine_map<(d0, d1) -> (0, 0)>
module attributes {stable_mosaic.version = 14 : i64} {
  func.func @_deg_kernel(%arg0: i32, %arg1: i32, %arg2: memref<32x80x128xi32, #tpu.memory_space<hbm>>, %arg3: memref<128x128xf32, #tpu.memory_space<hbm>>, %arg4: memref<128x128xf32, #tpu.memory_space<hbm>>, %arg5: memref<2x10240x128xf32, #tpu.memory_space<hbm>>, %arg6: memref<80x128xi32, #tpu.memory_space<vmem>>, %arg7: memref<128x128xf32, #tpu.memory_space<vmem>>, %arg8: memref<128x128xf32, #tpu.memory_space<vmem>>, %arg9: memref<10112x128xf32, #tpu.memory_space<vmem_shared>>, %arg10: memref<!tpu.dma_semaphore, #tpu.memory_space<semaphore_mem>>) attributes {dimension_semantics = [#tpu.dimension_semantics<core_parallel>, #tpu.dimension_semantics<subcore_parallel>], iteration_bounds = array<i64: 2, 16>, scalar_prefetch = 0 : i64, scratch_operands = 5 : i64, tpu.core_type = #tpu.core_type<sc_vector_subcore>, window_params = [{transform_indices = #map}, {transform_indices = #map1}, {transform_indices = #map1}, {transform_indices = #map}]} {
    %mul3A = arith.constant 2 : i32
    %mul3A_0 = arith.muli %arg1, %mul3A : i32
    %add3A = arith.addi %mul3A_0, %arg0 : i32
    "tpu.region"() ({
      %run_scoped3A = tpu.sem_alloc : memref<!tpu.dma_semaphore, #tpu.memory_space<semaphore_mem>>
      tpu.enqueue_dma source(%arg4 : memref<128x128xf32, #tpu.memory_space<hbm>>) target(%arg8 : memref<128x128xf32, #tpu.memory_space<vmem>>) target_semaphore(%run_scoped3A : memref<!tpu.dma_semaphore, #tpu.memory_space<semaphore_mem>>)
      tpu.wait_dma2 semaphore(%run_scoped3A : memref<!tpu.dma_semaphore, #tpu.memory_space<semaphore_mem>>) src(%arg4 : memref<128x128xf32, #tpu.memory_space<hbm>>) dst(%arg8 : memref<128x128xf32, #tpu.memory_space<vmem>>)
      tpu.yield
    }) : () -> ()
    "tpu.region"() ({
      %run_scoped3A = tpu.sem_alloc : memref<!tpu.dma_semaphore, #tpu.memory_space<semaphore_mem>>
      tpu.enqueue_dma source(%arg3 : memref<128x128xf32, #tpu.memory_space<hbm>>) target(%arg7 : memref<128x128xf32, #tpu.memory_space<vmem>>) target_semaphore(%run_scoped3A : memref<!tpu.dma_semaphore, #tpu.memory_space<semaphore_mem>>)
      tpu.wait_dma2 semaphore(%run_scoped3A : memref<!tpu.dma_semaphore, #tpu.memory_space<semaphore_mem>>) src(%arg3 : memref<128x128xf32, #tpu.memory_space<hbm>>) dst(%arg7 : memref<128x128xf32, #tpu.memory_space<vmem>>)
      tpu.yield
    }) : () -> ()
    "tpu.region"() ({
      %run_scoped3A = tpu.sem_alloc : memref<!tpu.dma_semaphore, #tpu.memory_space<semaphore_mem>>
      %dma_start3A_173 = arith.constant 0 : i32
      %dma_start3A_174 = arith.constant 0 : i32
      %dma_start3A_175 = tpu.memref_slice %arg2[%add3A, %dma_start3A_173, %dma_start3A_174] : memref<32x80x128xi32, #tpu.memory_space<hbm>> -> memref<1x80x128xi32, #tpu.memory_space<hbm>>
      %dma_start3A_176 = tpu.memref_squeeze %dma_start3A_175 : memref<1x80x128xi32, #tpu.memory_space<hbm>> -> memref<80x128xi32, #tpu.memory_space<hbm>>
      %dma_start3A_177 = arith.constant 0 : i32
      %dma_start3A_178 = arith.constant 0 : i32
      %dma_start3A_179 = tpu.memref_slice %arg2[%add3A, %dma_start3A_177, %dma_start3A_178] : memref<32x80x128xi32, #tpu.memory_space<hbm>> -> memref<1x80x128xi32, #tpu.memory_space<hbm>>
      %dma_start3A_180 = tpu.memref_squeeze %dma_start3A_179 : memref<1x80x128xi32, #tpu.memory_space<hbm>> -> memref<80x128xi32, #tpu.memory_space<hbm>>
      tpu.enqueue_dma source(%dma_start3A_180 : memref<80x128xi32, #tpu.memory_space<hbm>>) target(%arg6 : memref<80x128xi32, #tpu.memory_space<vmem>>) target_semaphore(%run_scoped3A : memref<!tpu.dma_semaphore, #tpu.memory_space<semaphore_mem>>)
      %dma_wait3A_181 = arith.constant 0 : i32
      %dma_wait3A_182 = arith.constant 0 : i32
      %dma_wait3A_183 = tpu.memref_slice %arg2[%add3A, %dma_wait3A_181, %dma_wait3A_182] : memref<32x80x128xi32, #tpu.memory_space<hbm>> -> memref<1x80x128xi32, #tpu.memory_space<hbm>>
      %dma_wait3A_184 = tpu.memref_squeeze %dma_wait3A_183 : memref<1x80x128xi32, #tpu.memory_space<hbm>> -> memref<80x128xi32, #tpu.memory_space<hbm>>
      %dma_wait3A_185 = arith.constant 0 : i32
      %dma_wait3A_186 = arith.constant 0 : i32
      %dma_wait3A_187 = tpu.memref_slice %arg2[%add3A, %dma_wait3A_185, %dma_wait3A_186] : memref<32x80x128xi32, #tpu.memory_space<hbm>> -> memref<1x80x128xi32, #tpu.memory_space<hbm>>
      %dma_wait3A_188 = tpu.memref_squeeze %dma_wait3A_187 : memref<1x80x128xi32, #tpu.memory_space<hbm>> -> memref<80x128xi32, #tpu.memory_space<hbm>>
      tpu.wait_dma2 semaphore(%run_scoped3A : memref<!tpu.dma_semaphore, #tpu.memory_space<semaphore_mem>>) src(%dma_wait3A_188 : memref<80x128xi32, #tpu.memory_space<hbm>>) dst(%arg6 : memref<80x128xi32, #tpu.memory_space<vmem>>)
      tpu.yield
    }) : () -> ()
    %mul3A_1 = arith.constant 632 : i32
    %mul3A_2 = arith.muli %arg1, %mul3A_1 : i32
    %add3A_3 = arith.constant 0 : i32
    %add3A_4 = arith.addi %mul3A_2, %add3A_3 : i32
    "tpu.region"() ({
      %run_scoped3A = tpu.sem_alloc : memref<!tpu.dma_semaphore, #tpu.memory_space<semaphore_mem>>
      %dma_start3A_173 = arith.constant 0 : i32
      %dma_start3A_174 = arith.constant 0 : i32
      %dma_start3A_175 = tpu.memref_slice %arg8[%dma_start3A_173, %dma_start3A_174] : memref<128x128xf32, #tpu.memory_space<vmem>> -> memref<128x128xf32, #tpu.memory_space<vmem>>
      %dma_start3A_176 = arith.constant 0 : i32
      %dma_start3A_177 = tpu.memref_slice %arg9[%add3A_4, %dma_start3A_176] : memref<10112x128xf32, #tpu.memory_space<vmem_shared>> -> memref<128x128xf32, #tpu.memory_space<vmem_shared>>
      %dma_start3A_178 = arith.constant 0 : i32
      %dma_start3A_179 = tpu.memref_slice %arg9[%add3A_4, %dma_start3A_178] : memref<10112x128xf32, #tpu.memory_space<vmem_shared>> -> memref<128x128xf32, #tpu.memory_space<vmem_shared>>
      %dma_start3A_180 = arith.constant 0 : i32
      %dma_start3A_181 = arith.constant 0 : i32
      %dma_start3A_182 = tpu.memref_slice %arg8[%dma_start3A_180, %dma_start3A_181] : memref<128x128xf32, #tpu.memory_space<vmem>> -> memref<128x128xf32, #tpu.memory_space<vmem>>
      tpu.enqueue_dma source(%dma_start3A_182 : memref<128x128xf32, #tpu.memory_space<vmem>>) target(%dma_start3A_179 : memref<128x128xf32, #tpu.memory_space<vmem_shared>>) target_semaphore(%run_scoped3A : memref<!tpu.dma_semaphore, #tpu.memory_space<semaphore_mem>>)
      %dma_wait3A_183 = arith.constant 0 : i32
      %dma_wait3A_184 = arith.constant 0 : i32
      %dma_wait3A_185 = tpu.memref_slice %arg8[%dma_wait3A_183, %dma_wait3A_184] : memref<128x128xf32, #tpu.memory_space<vmem>> -> memref<128x128xf32, #tpu.memory_space<vmem>>
      %dma_wait3A_186 = arith.constant 0 : i32
      %dma_wait3A_187 = tpu.memref_slice %arg9[%add3A_4, %dma_wait3A_186] : memref<10112x128xf32, #tpu.memory_space<vmem_shared>> -> memref<128x128xf32, #tpu.memory_space<vmem_shared>>
      %dma_wait3A_188 = arith.constant 0 : i32
      %dma_wait3A_189 = tpu.memref_slice %arg9[%add3A_4, %dma_wait3A_188] : memref<10112x128xf32, #tpu.memory_space<vmem_shared>> -> memref<128x128xf32, #tpu.memory_space<vmem_shared>>
      %dma_wait3A_190 = arith.constant 0 : i32
      %dma_wait3A_191 = arith.constant 0 : i32
      %dma_wait3A_192 = tpu.memref_slice %arg8[%dma_wait3A_190, %dma_wait3A_191] : memref<128x128xf32, #tpu.memory_space<vmem>> -> memref<128x128xf32, #tpu.memory_space<vmem>>
      tpu.wait_dma2 semaphore(%run_scoped3A : memref<!tpu.dma_semaphore, #tpu.memory_space<semaphore_mem>>) src(%dma_wait3A_192 : memref<128x128xf32, #tpu.memory_space<vmem>>) dst(%dma_wait3A_189 : memref<128x128xf32, #tpu.memory_space<vmem_shared>>)
      tpu.yield
    }) : () -> ()
    %add3A_5 = arith.constant 128 : i32
    %add3A_6 = arith.addi %mul3A_2, %add3A_5 : i32
    "tpu.region"() ({
      %run_scoped3A = tpu.sem_alloc : memref<!tpu.dma_semaphore, #tpu.memory_space<semaphore_mem>>
      %dma_start3A_173 = arith.constant 0 : i32
      %dma_start3A_174 = arith.constant 0 : i32
      %dma_start3A_175 = tpu.memref_slice %arg8[%dma_start3A_173, %dma_start3A_174] : memref<128x128xf32, #tpu.memory_space<vmem>> -> memref<128x128xf32, #tpu.memory_space<vmem>>
      %dma_start3A_176 = arith.constant 0 : i32
      %dma_start3A_177 = tpu.memref_slice %arg9[%add3A_6, %dma_start3A_176] : memref<10112x128xf32, #tpu.memory_space<vmem_shared>> -> memref<128x128xf32, #tpu.memory_space<vmem_shared>>
      %dma_start3A_178 = arith.constant 0 : i32
      %dma_start3A_179 = tpu.memref_slice %arg9[%add3A_6, %dma_start3A_178] : memref<10112x128xf32, #tpu.memory_space<vmem_shared>> -> memref<128x128xf32, #tpu.memory_space<vmem_shared>>
      %dma_start3A_180 = arith.constant 0 : i32
      %dma_start3A_181 = arith.constant 0 : i32
      %dma_start3A_182 = tpu.memref_slice %arg8[%dma_start3A_180, %dma_start3A_181] : memref<128x128xf32, #tpu.memory_space<vmem>> -> memref<128x128xf32, #tpu.memory_space<vmem>>
      tpu.enqueue_dma source(%dma_start3A_182 : memref<128x128xf32, #tpu.memory_space<vmem>>) target(%dma_start3A_179 : memref<128x128xf32, #tpu.memory_space<vmem_shared>>) target_semaphore(%run_scoped3A : memref<!tpu.dma_semaphore, #tpu.memory_space<semaphore_mem>>)
      %dma_wait3A_183 = arith.constant 0 : i32
      %dma_wait3A_184 = arith.constant 0 : i32
      %dma_wait3A_185 = tpu.memref_slice %arg8[%dma_wait3A_183, %dma_wait3A_184] : memref<128x128xf32, #tpu.memory_space<vmem>> -> memref<128x128xf32, #tpu.memory_space<vmem>>
      %dma_wait3A_186 = arith.constant 0 : i32
      %dma_wait3A_187 = tpu.memref_slice %arg9[%add3A_6, %dma_wait3A_186] : memref<10112x128xf32, #tpu.memory_space<vmem_shared>> -> memref<128x128xf32, #tpu.memory_space<vmem_shared>>
      %dma_wait3A_188 = arith.constant 0 : i32
      %dma_wait3A_189 = tpu.memref_slice %arg9[%add3A_6, %dma_wait3A_188] : memref<10112x128xf32, #tpu.memory_space<vmem_shared>> -> memref<128x128xf32, #tpu.memory_space<vmem_shared>>
      %dma_wait3A_190 = arith.constant 0 : i32
      %dma_wait3A_191 = arith.constant 0 : i32
      %dma_wait3A_192 = tpu.memref_slice %arg8[%dma_wait3A_190, %dma_wait3A_191] : memref<128x128xf32, #tpu.memory_space<vmem>> -> memref<128x128xf32, #tpu.memory_space<vmem>>
      tpu.wait_dma2 semaphore(%run_scoped3A : memref<!tpu.dma_semaphore, #tpu.memory_space<semaphore_mem>>) src(%dma_wait3A_192 : memref<128x128xf32, #tpu.memory_space<vmem>>) dst(%dma_wait3A_189 : memref<128x128xf32, #tpu.memory_space<vmem_shared>>)
      tpu.yield
    }) : () -> ()
    %add3A_7 = arith.constant 256 : i32
    %add3A_8 = arith.addi %mul3A_2, %add3A_7 : i32
    "tpu.region"() ({
      %run_scoped3A = tpu.sem_alloc : memref<!tpu.dma_semaphore, #tpu.memory_space<semaphore_mem>>
      %dma_start3A_173 = arith.constant 0 : i32
      %dma_start3A_174 = arith.constant 0 : i32
      %dma_start3A_175 = tpu.memref_slice %arg8[%dma_start3A_173, %dma_start3A_174] : memref<128x128xf32, #tpu.memory_space<vmem>> -> memref<128x128xf32, #tpu.memory_space<vmem>>
      %dma_start3A_176 = arith.constant 0 : i32
      %dma_start3A_177 = tpu.memref_slice %arg9[%add3A_8, %dma_start3A_176] : memref<10112x128xf32, #tpu.memory_space<vmem_shared>> -> memref<128x128xf32, #tpu.memory_space<vmem_shared>>
      %dma_start3A_178 = arith.constant 0 : i32
      %dma_start3A_179 = tpu.memref_slice %arg9[%add3A_8, %dma_start3A_178] : memref<10112x128xf32, #tpu.memory_space<vmem_shared>> -> memref<128x128xf32, #tpu.memory_space<vmem_shared>>
      %dma_start3A_180 = arith.constant 0 : i32
      %dma_start3A_181 = arith.constant 0 : i32
      %dma_start3A_182 = tpu.memref_slice %arg8[%dma_start3A_180, %dma_start3A_181] : memref<128x128xf32, #tpu.memory_space<vmem>> -> memref<128x128xf32, #tpu.memory_space<vmem>>
      tpu.enqueue_dma source(%dma_start3A_182 : memref<128x128xf32, #tpu.memory_space<vmem>>) target(%dma_start3A_179 : memref<128x128xf32, #tpu.memory_space<vmem_shared>>) target_semaphore(%run_scoped3A : memref<!tpu.dma_semaphore, #tpu.memory_space<semaphore_mem>>)
      %dma_wait3A_183 = arith.constant 0 : i32
      %dma_wait3A_184 = arith.constant 0 : i32
      %dma_wait3A_185 = tpu.memref_slice %arg8[%dma_wait3A_183, %dma_wait3A_184] : memref<128x128xf32, #tpu.memory_space<vmem>> -> memref<128x128xf32, #tpu.memory_space<vmem>>
      %dma_wait3A_186 = arith.constant 0 : i32
      %dma_wait3A_187 = tpu.memref_slice %arg9[%add3A_8, %dma_wait3A_186] : memref<10112x128xf32, #tpu.memory_space<vmem_shared>> -> memref<128x128xf32, #tpu.memory_space<vmem_shared>>
      %dma_wait3A_188 = arith.constant 0 : i32
      %dma_wait3A_189 = tpu.memref_slice %arg9[%add3A_8, %dma_wait3A_188] : memref<10112x128xf32, #tpu.memory_space<vmem_shared>> -> memref<128x128xf32, #tpu.memory_space<vmem_shared>>
      %dma_wait3A_190 = arith.constant 0 : i32
      %dma_wait3A_191 = arith.constant 0 : i32
      %dma_wait3A_192 = tpu.memref_slice %arg8[%dma_wait3A_190, %dma_wait3A_191] : memref<128x128xf32, #tpu.memory_space<vmem>> -> memref<128x128xf32, #tpu.memory_space<vmem>>
      tpu.wait_dma2 semaphore(%run_scoped3A : memref<!tpu.dma_semaphore, #tpu.memory_space<semaphore_mem>>) src(%dma_wait3A_192 : memref<128x128xf32, #tpu.memory_space<vmem>>) dst(%dma_wait3A_189 : memref<128x128xf32, #tpu.memory_space<vmem_shared>>)
      tpu.yield
    }) : () -> ()
    %add3A_9 = arith.constant 384 : i32
    %add3A_10 = arith.addi %mul3A_2, %add3A_9 : i32
    "tpu.region"() ({
      %run_scoped3A = tpu.sem_alloc : memref<!tpu.dma_semaphore, #tpu.memory_space<semaphore_mem>>
      %dma_start3A_173 = arith.constant 0 : i32
      %dma_start3A_174 = arith.constant 0 : i32
      %dma_start3A_175 = tpu.memref_slice %arg8[%dma_start3A_173, %dma_start3A_174] : memref<128x128xf32, #tpu.memory_space<vmem>> -> memref<128x128xf32, #tpu.memory_space<vmem>>
      %dma_start3A_176 = arith.constant 0 : i32
      %dma_start3A_177 = tpu.memref_slice %arg9[%add3A_10, %dma_start3A_176] : memref<10112x128xf32, #tpu.memory_space<vmem_shared>> -> memref<128x128xf32, #tpu.memory_space<vmem_shared>>
      %dma_start3A_178 = arith.constant 0 : i32
      %dma_start3A_179 = tpu.memref_slice %arg9[%add3A_10, %dma_start3A_178] : memref<10112x128xf32, #tpu.memory_space<vmem_shared>> -> memref<128x128xf32, #tpu.memory_space<vmem_shared>>
      %dma_start3A_180 = arith.constant 0 : i32
      %dma_start3A_181 = arith.constant 0 : i32
      %dma_start3A_182 = tpu.memref_slice %arg8[%dma_start3A_180, %dma_start3A_181] : memref<128x128xf32, #tpu.memory_space<vmem>> -> memref<128x128xf32, #tpu.memory_space<vmem>>
      tpu.enqueue_dma source(%dma_start3A_182 : memref<128x128xf32, #tpu.memory_space<vmem>>) target(%dma_start3A_179 : memref<128x128xf32, #tpu.memory_space<vmem_shared>>) target_semaphore(%run_scoped3A : memref<!tpu.dma_semaphore, #tpu.memory_space<semaphore_mem>>)
      %dma_wait3A_183 = arith.constant 0 : i32
      %dma_wait3A_184 = arith.constant 0 : i32
      %dma_wait3A_185 = tpu.memref_slice %arg8[%dma_wait3A_183, %dma_wait3A_184] : memref<128x128xf32, #tpu.memory_space<vmem>> -> memref<128x128xf32, #tpu.memory_space<vmem>>
      %dma_wait3A_186 = arith.constant 0 : i32
      %dma_wait3A_187 = tpu.memref_slice %arg9[%add3A_10, %dma_wait3A_186] : memref<10112x128xf32, #tpu.memory_space<vmem_shared>> -> memref<128x128xf32, #tpu.memory_space<vmem_shared>>
      %dma_wait3A_188 = arith.constant 0 : i32
      %dma_wait3A_189 = tpu.memref_slice %arg9[%add3A_10, %dma_wait3A_188] : memref<10112x128xf32, #tpu.memory_space<vmem_shared>> -> memref<128x128xf32, #tpu.memory_space<vmem_shared>>
      %dma_wait3A_190 = arith.constant 0 : i32
      %dma_wait3A_191 = arith.constant 0 : i32
      %dma_wait3A_192 = tpu.memref_slice %arg8[%dma_wait3A_190, %dma_wait3A_191] : memref<128x128xf32, #tpu.memory_space<vmem>> -> memref<128x128xf32, #tpu.memory_space<vmem>>
      tpu.wait_dma2 semaphore(%run_scoped3A : memref<!tpu.dma_semaphore, #tpu.memory_space<semaphore_mem>>) src(%dma_wait3A_192 : memref<128x128xf32, #tpu.memory_space<vmem>>) dst(%dma_wait3A_189 : memref<128x128xf32, #tpu.memory_space<vmem_shared>>)
      tpu.yield
    }) : () -> ()
    %add3A_11 = arith.constant 512 : i32
    %add3A_12 = arith.addi %mul3A_2, %add3A_11 : i32
    "tpu.region"() ({
      %run_scoped3A = tpu.sem_alloc : memref<!tpu.dma_semaphore, #tpu.memory_space<semaphore_mem>>
      %dma_start3A_173 = arith.constant 0 : i32
      %dma_start3A_174 = arith.constant 0 : i32
      %dma_start3A_175 = tpu.memref_slice %arg8[%dma_start3A_173, %dma_start3A_174] : memref<128x128xf32, #tpu.memory_space<vmem>> -> memref<120x128xf32, #tpu.memory_space<vmem>>
      %dma_start3A_176 = arith.constant 0 : i32
      %dma_start3A_177 = tpu.memref_slice %arg9[%add3A_12, %dma_start3A_176] : memref<10112x128xf32, #tpu.memory_space<vmem_shared>> -> memref<120x128xf32, #tpu.memory_space<vmem_shared>>
      %dma_start3A_178 = arith.constant 0 : i32
      %dma_start3A_179 = tpu.memref_slice %arg9[%add3A_12, %dma_start3A_178] : memref<10112x128xf32, #tpu.memory_space<vmem_shared>> -> memref<120x128xf32, #tpu.memory_space<vmem_shared>>
      %dma_start3A_180 = arith.constant 0 : i32
      %dma_start3A_181 = arith.constant 0 : i32
      %dma_start3A_182 = tpu.memref_slice %arg8[%dma_start3A_180, %dma_start3A_181] : memref<128x128xf32, #tpu.memory_space<vmem>> -> memref<120x128xf32, #tpu.memory_space<vmem>>
      tpu.enqueue_dma source(%dma_start3A_182 : memref<120x128xf32, #tpu.memory_space<vmem>>) target(%dma_start3A_179 : memref<120x128xf32, #tpu.memory_space<vmem_shared>>) target_semaphore(%run_scoped3A : memref<!tpu.dma_semaphore, #tpu.memory_space<semaphore_mem>>)
      %dma_wait3A_183 = arith.constant 0 : i32
      %dma_wait3A_184 = arith.constant 0 : i32
      %dma_wait3A_185 = tpu.memref_slice %arg8[%dma_wait3A_183, %dma_wait3A_184] : memref<128x128xf32, #tpu.memory_space<vmem>> -> memref<120x128xf32, #tpu.memory_space<vmem>>
      %dma_wait3A_186 = arith.constant 0 : i32
      %dma_wait3A_187 = tpu.memref_slice %arg9[%add3A_12, %dma_wait3A_186] : memref<10112x128xf32, #tpu.memory_space<vmem_shared>> -> memref<120x128xf32, #tpu.memory_space<vmem_shared>>
      %dma_wait3A_188 = arith.constant 0 : i32
      %dma_wait3A_189 = tpu.memref_slice %arg9[%add3A_12, %dma_wait3A_188] : memref<10112x128xf32, #tpu.memory_space<vmem_shared>> -> memref<120x128xf32, #tpu.memory_space<vmem_shared>>
      %dma_wait3A_190 = arith.constant 0 : i32
      %dma_wait3A_191 = arith.constant 0 : i32
      %dma_wait3A_192 = tpu.memref_slice %arg8[%dma_wait3A_190, %dma_wait3A_191] : memref<128x128xf32, #tpu.memory_space<vmem>> -> memref<120x128xf32, #tpu.memory_space<vmem>>
      tpu.wait_dma2 semaphore(%run_scoped3A : memref<!tpu.dma_semaphore, #tpu.memory_space<semaphore_mem>>) src(%dma_wait3A_192 : memref<120x128xf32, #tpu.memory_space<vmem>>) dst(%dma_wait3A_189 : memref<120x128xf32, #tpu.memory_space<vmem_shared>>)
      tpu.yield
    }) : () -> ()
    %barrier3A = arith.constant 0 : index
    tpu.barrier barrier_id(%barrier3A)
    %scan3A = arith.constant 0 : i32
    %scan3A_13 = arith.constant 0 : i32
    %scan3A_14 = arith.constant 80 : i32
    %scan3A_15 = arith.addi %scan3A_13, %scan3A_14 : i32
    %scan3A_16 = arith.constant 1 : i32
    scf.for %scan3A_173 = %scan3A_13 to %scan3A_15 step %scan3A_16  : i32 {
      %dma_start3A_174 = arith.constant 0 : i32
      %dma_start3A_175 = tpu.memref_slice %arg6[%scan3A_173, %dma_start3A_174] : memref<80x128xi32, #tpu.memory_space<vmem>> -> memref<1x128xi32, #tpu.memory_space<vmem>>
      %dma_start3A_176 = tpu.memref_squeeze %dma_start3A_175 : memref<1x128xi32, #tpu.memory_space<vmem>> -> memref<128xi32, #tpu.memory_space<vmem>>
      %dma_start3A_177 = arith.constant 0 : i32
      %dma_start3A_178 = arith.constant 0 : i32
      %dma_start3A_179 = tpu.memref_slice %arg9[%dma_start3A_177, %dma_start3A_178] : memref<10112x128xf32, #tpu.memory_space<vmem_shared>> -> memref<10112x128xf32, #tpu.memory_space<vmem_shared>>
      tpu.enqueue_indirect_dma source(%arg7 : memref<128x128xf32, #tpu.memory_space<vmem>>) target(%dma_start3A_179 : memref<10112x128xf32, #tpu.memory_space<vmem_shared>>) offsets(%dma_start3A_176 : memref<128xi32, #tpu.memory_space<vmem>>) semaphore(%arg10 : memref<!tpu.dma_semaphore, #tpu.memory_space<semaphore_mem>>) {add = true}
    }
    %scan3A_17 = arith.constant 80 : i32
    %scan3A_18 = arith.constant 0 : i32
    %scan3A_19 = arith.constant 0 : i32
    %scan3A_20 = arith.constant 80 : i32
    %scan3A_21 = arith.addi %scan3A_19, %scan3A_20 : i32
    %scan3A_22 = arith.constant 1 : i32
    scf.for %scan3A_173 = %scan3A_19 to %scan3A_21 step %scan3A_22  : i32 {
      %dma_wait3A_174 = arith.constant 0 : i32
      %dma_wait3A_175 = tpu.memref_slice %arg6[%scan3A_173, %dma_wait3A_174] : memref<80x128xi32, #tpu.memory_space<vmem>> -> memref<1x128xi32, #tpu.memory_space<vmem>>
      %dma_wait3A_176 = tpu.memref_squeeze %dma_wait3A_175 : memref<1x128xi32, #tpu.memory_space<vmem>> -> memref<128xi32, #tpu.memory_space<vmem>>
      %dma_wait3A_177 = arith.constant 0 : i32
      %dma_wait3A_178 = arith.constant 0 : i32
      %dma_wait3A_179 = tpu.memref_slice %arg9[%dma_wait3A_177, %dma_wait3A_178] : memref<10112x128xf32, #tpu.memory_space<vmem_shared>> -> memref<10112x128xf32, #tpu.memory_space<vmem_shared>>
      tpu.wait_indirect_dma semaphore(%arg10 : memref<!tpu.dma_semaphore, #tpu.memory_space<semaphore_mem>>) src(%arg7 : memref<128x128xf32, #tpu.memory_space<vmem>>) dst(%dma_wait3A_179 : memref<10112x128xf32, #tpu.memory_space<vmem_shared>>)
    }
    %scan3A_23 = arith.constant 80 : i32
    %barrier3A_24 = arith.constant 0 : index
    tpu.barrier barrier_id(%barrier3A_24)
    %add3A_25 = arith.constant 0 : i32
    %add3A_26 = arith.addi %mul3A_2, %add3A_25 : i32
    "tpu.region"() ({
      %run_scoped3A = tpu.sem_alloc : memref<!tpu.dma_semaphore, #tpu.memory_space<semaphore_mem>>
      %dma_start3A_173 = arith.constant 0 : i32
      %dma_start3A_174 = arith.constant 0 : i32
      %dma_start3A_175 = tpu.memref_slice %arg8[%dma_start3A_173, %dma_start3A_174] : memref<128x128xf32, #tpu.memory_space<vmem>> -> memref<128x128xf32, #tpu.memory_space<vmem>>
      %dma_start3A_176 = arith.constant 0 : i32
      %dma_start3A_177 = tpu.memref_slice %arg9[%add3A_26, %dma_start3A_176] : memref<10112x128xf32, #tpu.memory_space<vmem_shared>> -> memref<128x128xf32, #tpu.memory_space<vmem_shared>>
      %dma_start3A_178 = arith.constant 0 : i32
      %dma_start3A_179 = arith.constant 0 : i32
      %dma_start3A_180 = tpu.memref_slice %arg8[%dma_start3A_178, %dma_start3A_179] : memref<128x128xf32, #tpu.memory_space<vmem>> -> memref<128x128xf32, #tpu.memory_space<vmem>>
      %dma_start3A_181 = arith.constant 0 : i32
      %dma_start3A_182 = tpu.memref_slice %arg9[%add3A_26, %dma_start3A_181] : memref<10112x128xf32, #tpu.memory_space<vmem_shared>> -> memref<128x128xf32, #tpu.memory_space<vmem_shared>>
      tpu.enqueue_dma source(%dma_start3A_182 : memref<128x128xf32, #tpu.memory_space<vmem_shared>>) target(%dma_start3A_180 : memref<128x128xf32, #tpu.memory_space<vmem>>) target_semaphore(%run_scoped3A : memref<!tpu.dma_semaphore, #tpu.memory_space<semaphore_mem>>)
      %dma_wait3A_183 = arith.constant 0 : i32
      %dma_wait3A_184 = arith.constant 0 : i32
      %dma_wait3A_185 = tpu.memref_slice %arg8[%dma_wait3A_183, %dma_wait3A_184] : memref<128x128xf32, #tpu.memory_space<vmem>> -> memref<128x128xf32, #tpu.memory_space<vmem>>
      %dma_wait3A_186 = arith.constant 0 : i32
      %dma_wait3A_187 = tpu.memref_slice %arg9[%add3A_26, %dma_wait3A_186] : memref<10112x128xf32, #tpu.memory_space<vmem_shared>> -> memref<128x128xf32, #tpu.memory_space<vmem_shared>>
      %dma_wait3A_188 = arith.constant 0 : i32
      %dma_wait3A_189 = arith.constant 0 : i32
      %dma_wait3A_190 = tpu.memref_slice %arg8[%dma_wait3A_188, %dma_wait3A_189] : memref<128x128xf32, #tpu.memory_space<vmem>> -> memref<128x128xf32, #tpu.memory_space<vmem>>
      %dma_wait3A_191 = arith.constant 0 : i32
      %dma_wait3A_192 = tpu.memref_slice %arg9[%add3A_26, %dma_wait3A_191] : memref<10112x128xf32, #tpu.memory_space<vmem_shared>> -> memref<128x128xf32, #tpu.memory_space<vmem_shared>>
      tpu.wait_dma2 semaphore(%run_scoped3A : memref<!tpu.dma_semaphore, #tpu.memory_space<semaphore_mem>>) src(%dma_wait3A_192 : memref<128x128xf32, #tpu.memory_space<vmem_shared>>) dst(%dma_wait3A_190 : memref<128x128xf32, #tpu.memory_space<vmem>>)
      tpu.yield
    }) : () -> ()
    %add3A_27 = arith.constant 0 : i32
    %add3A_28 = arith.addi %mul3A_2, %add3A_27 : i32
    %dma_start3A = arith.constant 0 : i32
    %dma_start3A_29 = arith.constant 0 : i32
    %dma_start3A_30 = tpu.memref_slice %arg8[%dma_start3A, %dma_start3A_29] : memref<128x128xf32, #tpu.memory_space<vmem>> -> memref<128x128xf32, #tpu.memory_space<vmem>>
    %dma_start3A_31 = arith.constant 0 : i32
    %dma_start3A_32 = tpu.memref_slice %arg5[%arg0, %add3A_28, %dma_start3A_31] : memref<2x10240x128xf32, #tpu.memory_space<hbm>> -> memref<1x128x128xf32, #tpu.memory_space<hbm>>
    %dma_start3A_33 = tpu.memref_squeeze %dma_start3A_32 : memref<1x128x128xf32, #tpu.memory_space<hbm>> -> memref<128x128xf32, #tpu.memory_space<hbm>>
    %dma_start3A_34 = arith.constant 0 : i32
    %dma_start3A_35 = tpu.memref_slice %arg5[%arg0, %add3A_28, %dma_start3A_34] : memref<2x10240x128xf32, #tpu.memory_space<hbm>> -> memref<1x128x128xf32, #tpu.memory_space<hbm>>
    %dma_start3A_36 = tpu.memref_squeeze %dma_start3A_35 : memref<1x128x128xf32, #tpu.memory_space<hbm>> -> memref<128x128xf32, #tpu.memory_space<hbm>>
    %dma_start3A_37 = arith.constant 0 : i32
    %dma_start3A_38 = arith.constant 0 : i32
    %dma_start3A_39 = tpu.memref_slice %arg8[%dma_start3A_37, %dma_start3A_38] : memref<128x128xf32, #tpu.memory_space<vmem>> -> memref<128x128xf32, #tpu.memory_space<vmem>>
    tpu.enqueue_dma source(%dma_start3A_39 : memref<128x128xf32, #tpu.memory_space<vmem>>) target(%dma_start3A_36 : memref<128x128xf32, #tpu.memory_space<hbm>>) target_semaphore(%arg10 : memref<!tpu.dma_semaphore, #tpu.memory_space<semaphore_mem>>)
    %add3A_40 = arith.constant 128 : i32
    %add3A_41 = arith.addi %mul3A_2, %add3A_40 : i32
    "tpu.region"() ({
      %run_scoped3A = tpu.sem_alloc : memref<!tpu.dma_semaphore, #tpu.memory_space<semaphore_mem>>
      %dma_start3A_173 = arith.constant 0 : i32
      %dma_start3A_174 = arith.constant 0 : i32
      %dma_start3A_175 = tpu.memref_slice %arg7[%dma_start3A_173, %dma_start3A_174] : memref<128x128xf32, #tpu.memory_space<vmem>> -> memref<128x128xf32, #tpu.memory_space<vmem>>
      %dma_start3A_176 = arith.constant 0 : i32
      %dma_start3A_177 = tpu.memref_slice %arg9[%add3A_41, %dma_start3A_176] : memref<10112x128xf32, #tpu.memory_space<vmem_shared>> -> memref<128x128xf32, #tpu.memory_space<vmem_shared>>
      %dma_start3A_178 = arith.constant 0 : i32
      %dma_start3A_179 = arith.constant 0 : i32
      %dma_start3A_180 = tpu.memref_slice %arg7[%dma_start3A_178, %dma_start3A_179] : memref<128x128xf32, #tpu.memory_space<vmem>> -> memref<128x128xf32, #tpu.memory_space<vmem>>
      %dma_start3A_181 = arith.constant 0 : i32
      %dma_start3A_182 = tpu.memref_slice %arg9[%add3A_41, %dma_start3A_181] : memref<10112x128xf32, #tpu.memory_space<vmem_shared>> -> memref<128x128xf32, #tpu.memory_space<vmem_shared>>
      tpu.enqueue_dma source(%dma_start3A_182 : memref<128x128xf32, #tpu.memory_space<vmem_shared>>) target(%dma_start3A_180 : memref<128x128xf32, #tpu.memory_space<vmem>>) target_semaphore(%run_scoped3A : memref<!tpu.dma_semaphore, #tpu.memory_space<semaphore_mem>>)
      %dma_wait3A_183 = arith.constant 0 : i32
      %dma_wait3A_184 = arith.constant 0 : i32
      %dma_wait3A_185 = tpu.memref_slice %arg7[%dma_wait3A_183, %dma_wait3A_184] : memref<128x128xf32, #tpu.memory_space<vmem>> -> memref<128x128xf32, #tpu.memory_space<vmem>>
      %dma_wait3A_186 = arith.constant 0 : i32
      %dma_wait3A_187 = tpu.memref_slice %arg9[%add3A_41, %dma_wait3A_186] : memref<10112x128xf32, #tpu.memory_space<vmem_shared>> -> memref<128x128xf32, #tpu.memory_space<vmem_shared>>
      %dma_wait3A_188 = arith.constant 0 : i32
      %dma_wait3A_189 = arith.constant 0 : i32
      %dma_wait3A_190 = tpu.memref_slice %arg7[%dma_wait3A_188, %dma_wait3A_189] : memref<128x128xf32, #tpu.memory_space<vmem>> -> memref<128x128xf32, #tpu.memory_space<vmem>>
      %dma_wait3A_191 = arith.constant 0 : i32
      %dma_wait3A_192 = tpu.memref_slice %arg9[%add3A_41, %dma_wait3A_191] : memref<10112x128xf32, #tpu.memory_space<vmem_shared>> -> memref<128x128xf32, #tpu.memory_space<vmem_shared>>
      tpu.wait_dma2 semaphore(%run_scoped3A : memref<!tpu.dma_semaphore, #tpu.memory_space<semaphore_mem>>) src(%dma_wait3A_192 : memref<128x128xf32, #tpu.memory_space<vmem_shared>>) dst(%dma_wait3A_190 : memref<128x128xf32, #tpu.memory_space<vmem>>)
      tpu.yield
    }) : () -> ()
    %add3A_42 = arith.constant 128 : i32
    %add3A_43 = arith.addi %mul3A_2, %add3A_42 : i32
    %dma_start3A_44 = arith.constant 0 : i32
    %dma_start3A_45 = arith.constant 0 : i32
    %dma_start3A_46 = tpu.memref_slice %arg7[%dma_start3A_44, %dma_start3A_45] : memref<128x128xf32, #tpu.memory_space<vmem>> -> memref<128x128xf32, #tpu.memory_space<vmem>>
    %dma_start3A_47 = arith.constant 0 : i32
    %dma_start3A_48 = tpu.memref_slice %arg5[%arg0, %add3A_43, %dma_start3A_47] : memref<2x10240x128xf32, #tpu.memory_space<hbm>> -> memref<1x128x128xf32, #tpu.memory_space<hbm>>
    %dma_start3A_49 = tpu.memref_squeeze %dma_start3A_48 : memref<1x128x128xf32, #tpu.memory_space<hbm>> -> memref<128x128xf32, #tpu.memory_space<hbm>>
    %dma_start3A_50 = arith.constant 0 : i32
    %dma_start3A_51 = tpu.memref_slice %arg5[%arg0, %add3A_43, %dma_start3A_50] : memref<2x10240x128xf32, #tpu.memory_space<hbm>> -> memref<1x128x128xf32, #tpu.memory_space<hbm>>
    %dma_start3A_52 = tpu.memref_squeeze %dma_start3A_51 : memref<1x128x128xf32, #tpu.memory_space<hbm>> -> memref<128x128xf32, #tpu.memory_space<hbm>>
    %dma_start3A_53 = arith.constant 0 : i32
    %dma_start3A_54 = arith.constant 0 : i32
    %dma_start3A_55 = tpu.memref_slice %arg7[%dma_start3A_53, %dma_start3A_54] : memref<128x128xf32, #tpu.memory_space<vmem>> -> memref<128x128xf32, #tpu.memory_space<vmem>>
    tpu.enqueue_dma source(%dma_start3A_55 : memref<128x128xf32, #tpu.memory_space<vmem>>) target(%dma_start3A_52 : memref<128x128xf32, #tpu.memory_space<hbm>>) target_semaphore(%arg10 : memref<!tpu.dma_semaphore, #tpu.memory_space<semaphore_mem>>)
    %add3A_56 = arith.constant 0 : i32
    %add3A_57 = arith.addi %mul3A_2, %add3A_56 : i32
    %dma_wait3A = arith.constant 0 : i32
    %dma_wait3A_58 = arith.constant 0 : i32
    %dma_wait3A_59 = tpu.memref_slice %arg8[%dma_wait3A, %dma_wait3A_58] : memref<128x128xf32, #tpu.memory_space<vmem>> -> memref<128x128xf32, #tpu.memory_space<vmem>>
    %dma_wait3A_60 = arith.constant 0 : i32
    %dma_wait3A_61 = tpu.memref_slice %arg5[%arg0, %add3A_57, %dma_wait3A_60] : memref<2x10240x128xf32, #tpu.memory_space<hbm>> -> memref<1x128x128xf32, #tpu.memory_space<hbm>>
    %dma_wait3A_62 = tpu.memref_squeeze %dma_wait3A_61 : memref<1x128x128xf32, #tpu.memory_space<hbm>> -> memref<128x128xf32, #tpu.memory_space<hbm>>
    %dma_wait3A_63 = arith.constant 0 : i32
    %dma_wait3A_64 = tpu.memref_slice %arg5[%arg0, %add3A_57, %dma_wait3A_63] : memref<2x10240x128xf32, #tpu.memory_space<hbm>> -> memref<1x128x128xf32, #tpu.memory_space<hbm>>
    %dma_wait3A_65 = tpu.memref_squeeze %dma_wait3A_64 : memref<1x128x128xf32, #tpu.memory_space<hbm>> -> memref<128x128xf32, #tpu.memory_space<hbm>>
    %dma_wait3A_66 = arith.constant 0 : i32
    %dma_wait3A_67 = arith.constant 0 : i32
    %dma_wait3A_68 = tpu.memref_slice %arg8[%dma_wait3A_66, %dma_wait3A_67] : memref<128x128xf32, #tpu.memory_space<vmem>> -> memref<128x128xf32, #tpu.memory_space<vmem>>
    tpu.wait_dma2 semaphore(%arg10 : memref<!tpu.dma_semaphore, #tpu.memory_space<semaphore_mem>>) src(%dma_wait3A_68 : memref<128x128xf32, #tpu.memory_space<vmem>>) dst(%dma_wait3A_65 : memref<128x128xf32, #tpu.memory_space<hbm>>)
    %add3A_69 = arith.constant 256 : i32
    %add3A_70 = arith.addi %mul3A_2, %add3A_69 : i32
    "tpu.region"() ({
      %run_scoped3A = tpu.sem_alloc : memref<!tpu.dma_semaphore, #tpu.memory_space<semaphore_mem>>
      %dma_start3A_173 = arith.constant 0 : i32
      %dma_start3A_174 = arith.constant 0 : i32
      %dma_start3A_175 = tpu.memref_slice %arg8[%dma_start3A_173, %dma_start3A_174] : memref<128x128xf32, #tpu.memory_space<vmem>> -> memref<128x128xf32, #tpu.memory_space<vmem>>
      %dma_start3A_176 = arith.constant 0 : i32
      %dma_start3A_177 = tpu.memref_slice %arg9[%add3A_70, %dma_start3A_176] : memref<10112x128xf32, #tpu.memory_space<vmem_shared>> -> memref<128x128xf32, #tpu.memory_space<vmem_shared>>
      %dma_start3A_178 = arith.constant 0 : i32
      %dma_start3A_179 = arith.constant 0 : i32
      %dma_start3A_180 = tpu.memref_slice %arg8[%dma_start3A_178, %dma_start3A_179] : memref<128x128xf32, #tpu.memory_space<vmem>> -> memref<128x128xf32, #tpu.memory_space<vmem>>
      %dma_start3A_181 = arith.constant 0 : i32
      %dma_start3A_182 = tpu.memref_slice %arg9[%add3A_70, %dma_start3A_181] : memref<10112x128xf32, #tpu.memory_space<vmem_shared>> -> memref<128x128xf32, #tpu.memory_space<vmem_shared>>
      tpu.enqueue_dma source(%dma_start3A_182 : memref<128x128xf32, #tpu.memory_space<vmem_shared>>) target(%dma_start3A_180 : memref<128x128xf32, #tpu.memory_space<vmem>>) target_semaphore(%run_scoped3A : memref<!tpu.dma_semaphore, #tpu.memory_space<semaphore_mem>>)
      %dma_wait3A_183 = arith.constant 0 : i32
      %dma_wait3A_184 = arith.constant 0 : i32
      %dma_wait3A_185 = tpu.memref_slice %arg8[%dma_wait3A_183, %dma_wait3A_184] : memref<128x128xf32, #tpu.memory_space<vmem>> -> memref<128x128xf32, #tpu.memory_space<vmem>>
      %dma_wait3A_186 = arith.constant 0 : i32
      %dma_wait3A_187 = tpu.memref_slice %arg9[%add3A_70, %dma_wait3A_186] : memref<10112x128xf32, #tpu.memory_space<vmem_shared>> -> memref<128x128xf32, #tpu.memory_space<vmem_shared>>
      %dma_wait3A_188 = arith.constant 0 : i32
      %dma_wait3A_189 = arith.constant 0 : i32
      %dma_wait3A_190 = tpu.memref_slice %arg8[%dma_wait3A_188, %dma_wait3A_189] : memref<128x128xf32, #tpu.memory_space<vmem>> -> memref<128x128xf32, #tpu.memory_space<vmem>>
      %dma_wait3A_191 = arith.constant 0 : i32
      %dma_wait3A_192 = tpu.memref_slice %arg9[%add3A_70, %dma_wait3A_191] : memref<10112x128xf32, #tpu.memory_space<vmem_shared>> -> memref<128x128xf32, #tpu.memory_space<vmem_shared>>
      tpu.wait_dma2 semaphore(%run_scoped3A : memref<!tpu.dma_semaphore, #tpu.memory_space<semaphore_mem>>) src(%dma_wait3A_192 : memref<128x128xf32, #tpu.memory_space<vmem_shared>>) dst(%dma_wait3A_190 : memref<128x128xf32, #tpu.memory_space<vmem>>)
      tpu.yield
    }) : () -> ()
    %add3A_71 = arith.constant 256 : i32
    %add3A_72 = arith.addi %mul3A_2, %add3A_71 : i32
    %dma_start3A_73 = arith.constant 0 : i32
    %dma_start3A_74 = arith.constant 0 : i32
    %dma_start3A_75 = tpu.memref_slice %arg8[%dma_start3A_73, %dma_start3A_74] : memref<128x128xf32, #tpu.memory_space<vmem>> -> memref<128x128xf32, #tpu.memory_space<vmem>>
    %dma_start3A_76 = arith.constant 0 : i32
    %dma_start3A_77 = tpu.memref_slice %arg5[%arg0, %add3A_72, %dma_start3A_76] : memref<2x10240x128xf32, #tpu.memory_space<hbm>> -> memref<1x128x128xf32, #tpu.memory_space<hbm>>
    %dma_start3A_78 = tpu.memref_squeeze %dma_start3A_77 : memref<1x128x128xf32, #tpu.memory_space<hbm>> -> memref<128x128xf32, #tpu.memory_space<hbm>>
    %dma_start3A_79 = arith.constant 0 : i32
    %dma_start3A_80 = tpu.memref_slice %arg5[%arg0, %add3A_72, %dma_start3A_79] : memref<2x10240x128xf32, #tpu.memory_space<hbm>> -> memref<1x128x128xf32, #tpu.memory_space<hbm>>
    %dma_start3A_81 = tpu.memref_squeeze %dma_start3A_80 : memref<1x128x128xf32, #tpu.memory_space<hbm>> -> memref<128x128xf32, #tpu.memory_space<hbm>>
    %dma_start3A_82 = arith.constant 0 : i32
    %dma_start3A_83 = arith.constant 0 : i32
    %dma_start3A_84 = tpu.memref_slice %arg8[%dma_start3A_82, %dma_start3A_83] : memref<128x128xf32, #tpu.memory_space<vmem>> -> memref<128x128xf32, #tpu.memory_space<vmem>>
    tpu.enqueue_dma source(%dma_start3A_84 : memref<128x128xf32, #tpu.memory_space<vmem>>) target(%dma_start3A_81 : memref<128x128xf32, #tpu.memory_space<hbm>>) target_semaphore(%arg10 : memref<!tpu.dma_semaphore, #tpu.memory_space<semaphore_mem>>)
    %add3A_85 = arith.constant 128 : i32
    %add3A_86 = arith.addi %mul3A_2, %add3A_85 : i32
    %dma_wait3A_87 = arith.constant 0 : i32
    %dma_wait3A_88 = arith.constant 0 : i32
    %dma_wait3A_89 = tpu.memref_slice %arg7[%dma_wait3A_87, %dma_wait3A_88] : memref<128x128xf32, #tpu.memory_space<vmem>> -> memref<128x128xf32, #tpu.memory_space<vmem>>
    %dma_wait3A_90 = arith.constant 0 : i32
    %dma_wait3A_91 = tpu.memref_slice %arg5[%arg0, %add3A_86, %dma_wait3A_90] : memref<2x10240x128xf32, #tpu.memory_space<hbm>> -> memref<1x128x128xf32, #tpu.memory_space<hbm>>
    %dma_wait3A_92 = tpu.memref_squeeze %dma_wait3A_91 : memref<1x128x128xf32, #tpu.memory_space<hbm>> -> memref<128x128xf32, #tpu.memory_space<hbm>>
    %dma_wait3A_93 = arith.constant 0 : i32
    %dma_wait3A_94 = tpu.memref_slice %arg5[%arg0, %add3A_86, %dma_wait3A_93] : memref<2x10240x128xf32, #tpu.memory_space<hbm>> -> memref<1x128x128xf32, #tpu.memory_space<hbm>>
    %dma_wait3A_95 = tpu.memref_squeeze %dma_wait3A_94 : memref<1x128x128xf32, #tpu.memory_space<hbm>> -> memref<128x128xf32, #tpu.memory_space<hbm>>
    %dma_wait3A_96 = arith.constant 0 : i32
    %dma_wait3A_97 = arith.constant 0 : i32
    %dma_wait3A_98 = tpu.memref_slice %arg7[%dma_wait3A_96, %dma_wait3A_97] : memref<128x128xf32, #tpu.memory_space<vmem>> -> memref<128x128xf32, #tpu.memory_space<vmem>>
    tpu.wait_dma2 semaphore(%arg10 : memref<!tpu.dma_semaphore, #tpu.memory_space<semaphore_mem>>) src(%dma_wait3A_98 : memref<128x128xf32, #tpu.memory_space<vmem>>) dst(%dma_wait3A_95 : memref<128x128xf32, #tpu.memory_space<hbm>>)
    %add3A_99 = arith.constant 384 : i32
    %add3A_100 = arith.addi %mul3A_2, %add3A_99 : i32
    "tpu.region"() ({
      %run_scoped3A = tpu.sem_alloc : memref<!tpu.dma_semaphore, #tpu.memory_space<semaphore_mem>>
      %dma_start3A_173 = arith.constant 0 : i32
      %dma_start3A_174 = arith.constant 0 : i32
      %dma_start3A_175 = tpu.memref_slice %arg7[%dma_start3A_173, %dma_start3A_174] : memref<128x128xf32, #tpu.memory_space<vmem>> -> memref<128x128xf32, #tpu.memory_space<vmem>>
      %dma_start3A_176 = arith.constant 0 : i32
      %dma_start3A_177 = tpu.memref_slice %arg9[%add3A_100, %dma_start3A_176] : memref<10112x128xf32, #tpu.memory_space<vmem_shared>> -> memref<128x128xf32, #tpu.memory_space<vmem_shared>>
      %dma_start3A_178 = arith.constant 0 : i32
      %dma_start3A_179 = arith.constant 0 : i32
      %dma_start3A_180 = tpu.memref_slice %arg7[%dma_start3A_178, %dma_start3A_179] : memref<128x128xf32, #tpu.memory_space<vmem>> -> memref<128x128xf32, #tpu.memory_space<vmem>>
      %dma_start3A_181 = arith.constant 0 : i32
      %dma_start3A_182 = tpu.memref_slice %arg9[%add3A_100, %dma_start3A_181] : memref<10112x128xf32, #tpu.memory_space<vmem_shared>> -> memref<128x128xf32, #tpu.memory_space<vmem_shared>>
      tpu.enqueue_dma source(%dma_start3A_182 : memref<128x128xf32, #tpu.memory_space<vmem_shared>>) target(%dma_start3A_180 : memref<128x128xf32, #tpu.memory_space<vmem>>) target_semaphore(%run_scoped3A : memref<!tpu.dma_semaphore, #tpu.memory_space<semaphore_mem>>)
      %dma_wait3A_183 = arith.constant 0 : i32
      %dma_wait3A_184 = arith.constant 0 : i32
      %dma_wait3A_185 = tpu.memref_slice %arg7[%dma_wait3A_183, %dma_wait3A_184] : memref<128x128xf32, #tpu.memory_space<vmem>> -> memref<128x128xf32, #tpu.memory_space<vmem>>
      %dma_wait3A_186 = arith.constant 0 : i32
      %dma_wait3A_187 = tpu.memref_slice %arg9[%add3A_100, %dma_wait3A_186] : memref<10112x128xf32, #tpu.memory_space<vmem_shared>> -> memref<128x128xf32, #tpu.memory_space<vmem_shared>>
      %dma_wait3A_188 = arith.constant 0 : i32
      %dma_wait3A_189 = arith.constant 0 : i32
      %dma_wait3A_190 = tpu.memref_slice %arg7[%dma_wait3A_188, %dma_wait3A_189] : memref<128x128xf32, #tpu.memory_space<vmem>> -> memref<128x128xf32, #tpu.memory_space<vmem>>
      %dma_wait3A_191 = arith.constant 0 : i32
      %dma_wait3A_192 = tpu.memref_slice %arg9[%add3A_100, %dma_wait3A_191] : memref<10112x128xf32, #tpu.memory_space<vmem_shared>> -> memref<128x128xf32, #tpu.memory_space<vmem_shared>>
      tpu.wait_dma2 semaphore(%run_scoped3A : memref<!tpu.dma_semaphore, #tpu.memory_space<semaphore_mem>>) src(%dma_wait3A_192 : memref<128x128xf32, #tpu.memory_space<vmem_shared>>) dst(%dma_wait3A_190 : memref<128x128xf32, #tpu.memory_space<vmem>>)
      tpu.yield
    }) : () -> ()
    %add3A_101 = arith.constant 384 : i32
    %add3A_102 = arith.addi %mul3A_2, %add3A_101 : i32
    %dma_start3A_103 = arith.constant 0 : i32
    %dma_start3A_104 = arith.constant 0 : i32
    %dma_start3A_105 = tpu.memref_slice %arg7[%dma_start3A_103, %dma_start3A_104] : memref<128x128xf32, #tpu.memory_space<vmem>> -> memref<128x128xf32, #tpu.memory_space<vmem>>
    %dma_start3A_106 = arith.constant 0 : i32
    %dma_start3A_107 = tpu.memref_slice %arg5[%arg0, %add3A_102, %dma_start3A_106] : memref<2x10240x128xf32, #tpu.memory_space<hbm>> -> memref<1x128x128xf32, #tpu.memory_space<hbm>>
    %dma_start3A_108 = tpu.memref_squeeze %dma_start3A_107 : memref<1x128x128xf32, #tpu.memory_space<hbm>> -> memref<128x128xf32, #tpu.memory_space<hbm>>
    %dma_start3A_109 = arith.constant 0 : i32
    %dma_start3A_110 = tpu.memref_slice %arg5[%arg0, %add3A_102, %dma_start3A_109] : memref<2x10240x128xf32, #tpu.memory_space<hbm>> -> memref<1x128x128xf32, #tpu.memory_space<hbm>>
    %dma_start3A_111 = tpu.memref_squeeze %dma_start3A_110 : memref<1x128x128xf32, #tpu.memory_space<hbm>> -> memref<128x128xf32, #tpu.memory_space<hbm>>
    %dma_start3A_112 = arith.constant 0 : i32
    %dma_start3A_113 = arith.constant 0 : i32
    %dma_start3A_114 = tpu.memref_slice %arg7[%dma_start3A_112, %dma_start3A_113] : memref<128x128xf32, #tpu.memory_space<vmem>> -> memref<128x128xf32, #tpu.memory_space<vmem>>
    tpu.enqueue_dma source(%dma_start3A_114 : memref<128x128xf32, #tpu.memory_space<vmem>>) target(%dma_start3A_111 : memref<128x128xf32, #tpu.memory_space<hbm>>) target_semaphore(%arg10 : memref<!tpu.dma_semaphore, #tpu.memory_space<semaphore_mem>>)
    %add3A_115 = arith.constant 256 : i32
    %add3A_116 = arith.addi %mul3A_2, %add3A_115 : i32
    %dma_wait3A_117 = arith.constant 0 : i32
    %dma_wait3A_118 = arith.constant 0 : i32
    %dma_wait3A_119 = tpu.memref_slice %arg8[%dma_wait3A_117, %dma_wait3A_118] : memref<128x128xf32, #tpu.memory_space<vmem>> -> memref<128x128xf32, #tpu.memory_space<vmem>>
    %dma_wait3A_120 = arith.constant 0 : i32
    %dma_wait3A_121 = tpu.memref_slice %arg5[%arg0, %add3A_116, %dma_wait3A_120] : memref<2x10240x128xf32, #tpu.memory_space<hbm>> -> memref<1x128x128xf32, #tpu.memory_space<hbm>>
    %dma_wait3A_122 = tpu.memref_squeeze %dma_wait3A_121 : memref<1x128x128xf32, #tpu.memory_space<hbm>> -> memref<128x128xf32, #tpu.memory_space<hbm>>
    %dma_wait3A_123 = arith.constant 0 : i32
    %dma_wait3A_124 = tpu.memref_slice %arg5[%arg0, %add3A_116, %dma_wait3A_123] : memref<2x10240x128xf32, #tpu.memory_space<hbm>> -> memref<1x128x128xf32, #tpu.memory_space<hbm>>
    %dma_wait3A_125 = tpu.memref_squeeze %dma_wait3A_124 : memref<1x128x128xf32, #tpu.memory_space<hbm>> -> memref<128x128xf32, #tpu.memory_space<hbm>>
    %dma_wait3A_126 = arith.constant 0 : i32
    %dma_wait3A_127 = arith.constant 0 : i32
    %dma_wait3A_128 = tpu.memref_slice %arg8[%dma_wait3A_126, %dma_wait3A_127] : memref<128x128xf32, #tpu.memory_space<vmem>> -> memref<128x128xf32, #tpu.memory_space<vmem>>
    tpu.wait_dma2 semaphore(%arg10 : memref<!tpu.dma_semaphore, #tpu.memory_space<semaphore_mem>>) src(%dma_wait3A_128 : memref<128x128xf32, #tpu.memory_space<vmem>>) dst(%dma_wait3A_125 : memref<128x128xf32, #tpu.memory_space<hbm>>)
    %add3A_129 = arith.constant 512 : i32
    %add3A_130 = arith.addi %mul3A_2, %add3A_129 : i32
    "tpu.region"() ({
      %run_scoped3A = tpu.sem_alloc : memref<!tpu.dma_semaphore, #tpu.memory_space<semaphore_mem>>
      %dma_start3A_173 = arith.constant 0 : i32
      %dma_start3A_174 = arith.constant 0 : i32
      %dma_start3A_175 = tpu.memref_slice %arg8[%dma_start3A_173, %dma_start3A_174] : memref<128x128xf32, #tpu.memory_space<vmem>> -> memref<120x128xf32, #tpu.memory_space<vmem>>
      %dma_start3A_176 = arith.constant 0 : i32
      %dma_start3A_177 = tpu.memref_slice %arg9[%add3A_130, %dma_start3A_176] : memref<10112x128xf32, #tpu.memory_space<vmem_shared>> -> memref<120x128xf32, #tpu.memory_space<vmem_shared>>
      %dma_start3A_178 = arith.constant 0 : i32
      %dma_start3A_179 = arith.constant 0 : i32
      %dma_start3A_180 = tpu.memref_slice %arg8[%dma_start3A_178, %dma_start3A_179] : memref<128x128xf32, #tpu.memory_space<vmem>> -> memref<120x128xf32, #tpu.memory_space<vmem>>
      %dma_start3A_181 = arith.constant 0 : i32
      %dma_start3A_182 = tpu.memref_slice %arg9[%add3A_130, %dma_start3A_181] : memref<10112x128xf32, #tpu.memory_space<vmem_shared>> -> memref<120x128xf32, #tpu.memory_space<vmem_shared>>
      tpu.enqueue_dma source(%dma_start3A_182 : memref<120x128xf32, #tpu.memory_space<vmem_shared>>) target(%dma_start3A_180 : memref<120x128xf32, #tpu.memory_space<vmem>>) target_semaphore(%run_scoped3A : memref<!tpu.dma_semaphore, #tpu.memory_space<semaphore_mem>>)
      %dma_wait3A_183 = arith.constant 0 : i32
      %dma_wait3A_184 = arith.constant 0 : i32
      %dma_wait3A_185 = tpu.memref_slice %arg8[%dma_wait3A_183, %dma_wait3A_184] : memref<128x128xf32, #tpu.memory_space<vmem>> -> memref<120x128xf32, #tpu.memory_space<vmem>>
      %dma_wait3A_186 = arith.constant 0 : i32
      %dma_wait3A_187 = tpu.memref_slice %arg9[%add3A_130, %dma_wait3A_186] : memref<10112x128xf32, #tpu.memory_space<vmem_shared>> -> memref<120x128xf32, #tpu.memory_space<vmem_shared>>
      %dma_wait3A_188 = arith.constant 0 : i32
      %dma_wait3A_189 = arith.constant 0 : i32
      %dma_wait3A_190 = tpu.memref_slice %arg8[%dma_wait3A_188, %dma_wait3A_189] : memref<128x128xf32, #tpu.memory_space<vmem>> -> memref<120x128xf32, #tpu.memory_space<vmem>>
      %dma_wait3A_191 = arith.constant 0 : i32
      %dma_wait3A_192 = tpu.memref_slice %arg9[%add3A_130, %dma_wait3A_191] : memref<10112x128xf32, #tpu.memory_space<vmem_shared>> -> memref<120x128xf32, #tpu.memory_space<vmem_shared>>
      tpu.wait_dma2 semaphore(%run_scoped3A : memref<!tpu.dma_semaphore, #tpu.memory_space<semaphore_mem>>) src(%dma_wait3A_192 : memref<120x128xf32, #tpu.memory_space<vmem_shared>>) dst(%dma_wait3A_190 : memref<120x128xf32, #tpu.memory_space<vmem>>)
      tpu.yield
    }) : () -> ()
    %add3A_131 = arith.constant 512 : i32
    %add3A_132 = arith.addi %mul3A_2, %add3A_131 : i32
    %dma_start3A_133 = arith.constant 0 : i32
    %dma_start3A_134 = arith.constant 0 : i32
    %dma_start3A_135 = tpu.memref_slice %arg8[%dma_start3A_133, %dma_start3A_134] : memref<128x128xf32, #tpu.memory_space<vmem>> -> memref<120x128xf32, #tpu.memory_space<vmem>>
    %dma_start3A_136 = arith.constant 0 : i32
    %dma_start3A_137 = tpu.memref_slice %arg5[%arg0, %add3A_132, %dma_start3A_136] : memref<2x10240x128xf32, #tpu.memory_space<hbm>> -> memref<1x120x128xf32, #tpu.memory_space<hbm>>
    %dma_start3A_138 = tpu.memref_squeeze %dma_start3A_137 : memref<1x120x128xf32, #tpu.memory_space<hbm>> -> memref<120x128xf32, #tpu.memory_space<hbm>>
    %dma_start3A_139 = arith.constant 0 : i32
    %dma_start3A_140 = tpu.memref_slice %arg5[%arg0, %add3A_132, %dma_start3A_139] : memref<2x10240x128xf32, #tpu.memory_space<hbm>> -> memref<1x120x128xf32, #tpu.memory_space<hbm>>
    %dma_start3A_141 = tpu.memref_squeeze %dma_start3A_140 : memref<1x120x128xf32, #tpu.memory_space<hbm>> -> memref<120x128xf32, #tpu.memory_space<hbm>>
    %dma_start3A_142 = arith.constant 0 : i32
    %dma_start3A_143 = arith.constant 0 : i32
    %dma_start3A_144 = tpu.memref_slice %arg8[%dma_start3A_142, %dma_start3A_143] : memref<128x128xf32, #tpu.memory_space<vmem>> -> memref<120x128xf32, #tpu.memory_space<vmem>>
    tpu.enqueue_dma source(%dma_start3A_144 : memref<120x128xf32, #tpu.memory_space<vmem>>) target(%dma_start3A_141 : memref<120x128xf32, #tpu.memory_space<hbm>>) target_semaphore(%arg10 : memref<!tpu.dma_semaphore, #tpu.memory_space<semaphore_mem>>)
    %add3A_145 = arith.constant 384 : i32
    %add3A_146 = arith.addi %mul3A_2, %add3A_145 : i32
    %dma_wait3A_147 = arith.constant 0 : i32
    %dma_wait3A_148 = arith.constant 0 : i32
    %dma_wait3A_149 = tpu.memref_slice %arg7[%dma_wait3A_147, %dma_wait3A_148] : memref<128x128xf32, #tpu.memory_space<vmem>> -> memref<128x128xf32, #tpu.memory_space<vmem>>
    %dma_wait3A_150 = arith.constant 0 : i32
    %dma_wait3A_151 = tpu.memref_slice %arg5[%arg0, %add3A_146, %dma_wait3A_150] : memref<2x10240x128xf32, #tpu.memory_space<hbm>> -> memref<1x128x128xf32, #tpu.memory_space<hbm>>
    %dma_wait3A_152 = tpu.memref_squeeze %dma_wait3A_151 : memref<1x128x128xf32, #tpu.memory_space<hbm>> -> memref<128x128xf32, #tpu.memory_space<hbm>>
    %dma_wait3A_153 = arith.constant 0 : i32
    %dma_wait3A_154 = tpu.memref_slice %arg5[%arg0, %add3A_146, %dma_wait3A_153] : memref<2x10240x128xf32, #tpu.memory_space<hbm>> -> memref<1x128x128xf32, #tpu.memory_space<hbm>>
    %dma_wait3A_155 = tpu.memref_squeeze %dma_wait3A_154 : memref<1x128x128xf32, #tpu.memory_space<hbm>> -> memref<128x128xf32, #tpu.memory_space<hbm>>
    %dma_wait3A_156 = arith.constant 0 : i32
    %dma_wait3A_157 = arith.constant 0 : i32
    %dma_wait3A_158 = tpu.memref_slice %arg7[%dma_wait3A_156, %dma_wait3A_157] : memref<128x128xf32, #tpu.memory_space<vmem>> -> memref<128x128xf32, #tpu.memory_space<vmem>>
    tpu.wait_dma2 semaphore(%arg10 : memref<!tpu.dma_semaphore, #tpu.memory_space<semaphore_mem>>) src(%dma_wait3A_158 : memref<128x128xf32, #tpu.memory_space<vmem>>) dst(%dma_wait3A_155 : memref<128x128xf32, #tpu.memory_space<hbm>>)
    %add3A_159 = arith.constant 512 : i32
    %add3A_160 = arith.addi %mul3A_2, %add3A_159 : i32
    %dma_wait3A_161 = arith.constant 0 : i32
    %dma_wait3A_162 = arith.constant 0 : i32
    %dma_wait3A_163 = tpu.memref_slice %arg8[%dma_wait3A_161, %dma_wait3A_162] : memref<128x128xf32, #tpu.memory_space<vmem>> -> memref<120x128xf32, #tpu.memory_space<vmem>>
    %dma_wait3A_164 = arith.constant 0 : i32
    %dma_wait3A_165 = tpu.memref_slice %arg5[%arg0, %add3A_160, %dma_wait3A_164] : memref<2x10240x128xf32, #tpu.memory_space<hbm>> -> memref<1x120x128xf32, #tpu.memory_space<hbm>>
    %dma_wait3A_166 = tpu.memref_squeeze %dma_wait3A_165 : memref<1x120x128xf32, #tpu.memory_space<hbm>> -> memref<120x128xf32, #tpu.memory_space<hbm>>
    %dma_wait3A_167 = arith.constant 0 : i32
    %dma_wait3A_168 = tpu.memref_slice %arg5[%arg0, %add3A_160, %dma_wait3A_167] : memref<2x10240x128xf32, #tpu.memory_space<hbm>> -> memref<1x120x128xf32, #tpu.memory_space<hbm>>
    %dma_wait3A_169 = tpu.memref_squeeze %dma_wait3A_168 : memref<1x120x128xf32, #tpu.memory_space<hbm>> -> memref<120x128xf32, #tpu.memory_space<hbm>>
    %dma_wait3A_170 = arith.constant 0 : i32
    %dma_wait3A_171 = arith.constant 0 : i32
    %dma_wait3A_172 = tpu.memref_slice %arg8[%dma_wait3A_170, %dma_wait3A_171] : memref<128x128xf32, #tpu.memory_space<vmem>> -> memref<120x128xf32, #tpu.memory_space<vmem>>
    tpu.wait_dma2 semaphore(%arg10 : memref<!tpu.dma_semaphore, #tpu.memory_space<semaphore_mem>>) src(%dma_wait3A_172 : memref<120x128xf32, #tpu.memory_space<vmem>>) dst(%dma_wait3A_169 : memref<120x128xf32, #tpu.memory_space<hbm>>)
    return
  }
}

#map = affine_map<(d0, d1) -> (0, 0)>
#map1 = affine_map<(d0, d1) -> (0, 0, 0)>
module attributes {stable_mosaic.version = 14 : i64} {
  func.func @_seg(%arg0: i32, %arg1: i32, %arg2: memref<10240x128xf32, #tpu.memory_space<hbm>>, %arg3: memref<10240x128xf32, #tpu.memory_space<hbm>>, %arg4: memref<2560x128xi32, #tpu.memory_space<hbm>>, %arg5: memref<2560x128xi32, #tpu.memory_space<hbm>>, %arg6: memref<128x128xf32, #tpu.memory_space<hbm>>, %arg7: memref<2x10240x128xf32, #tpu.memory_space<hbm>>, %arg8: memref<40x128xi32, #tpu.memory_space<vmem>>, %arg9: memref<40x128xi32, #tpu.memory_space<vmem>>, %arg10: memref<128x128xf32, #tpu.memory_space<vmem>>, %arg11: memref<128x128xf32, #tpu.memory_space<vmem>>, %arg12: memref<10112x128xf32, #tpu.memory_space<vmem_shared>>, %arg13: memref<!tpu.dma_semaphore, #tpu.memory_space<semaphore_mem>>, %arg14: memref<!tpu.dma_semaphore, #tpu.memory_space<semaphore_mem>>, %arg15: memref<!tpu.dma_semaphore, #tpu.memory_space<semaphore_mem>>, %arg16: memref<!tpu.dma_semaphore, #tpu.memory_space<semaphore_mem>>) attributes {dimension_semantics = [#tpu.dimension_semantics<core_parallel>, #tpu.dimension_semantics<subcore_parallel>], iteration_bounds = array<i64: 2, 16>, scalar_prefetch = 0 : i64, scratch_operands = 9 : i64, tpu.core_type = #tpu.core_type<sc_vector_subcore>, window_params = [{transform_indices = #map}, {transform_indices = #map}, {transform_indices = #map}, {transform_indices = #map}, {transform_indices = #map}, {transform_indices = #map1}]} {
    %mul3A = arith.constant 632 : i32
    %mul3A_0 = arith.muli %arg1, %mul3A : i32
    "tpu.region"() ({
      %run_scoped3A = tpu.sem_alloc : memref<!tpu.dma_semaphore, #tpu.memory_space<semaphore_mem>>
      tpu.enqueue_dma source(%arg6 : memref<128x128xf32, #tpu.memory_space<hbm>>) target(%arg10 : memref<128x128xf32, #tpu.memory_space<vmem>>) target_semaphore(%run_scoped3A : memref<!tpu.dma_semaphore, #tpu.memory_space<semaphore_mem>>)
      tpu.wait_dma2 semaphore(%run_scoped3A : memref<!tpu.dma_semaphore, #tpu.memory_space<semaphore_mem>>) src(%arg6 : memref<128x128xf32, #tpu.memory_space<hbm>>) dst(%arg10 : memref<128x128xf32, #tpu.memory_space<vmem>>)
      tpu.yield
    }) : () -> ()
    %add3A = arith.constant 0 : i32
    %add3A_1 = arith.addi %mul3A_0, %add3A : i32
    %dma_start3A = arith.constant 0 : i32
    %dma_start3A_2 = arith.constant 0 : i32
    %dma_start3A_3 = tpu.memref_slice %arg10[%dma_start3A, %dma_start3A_2] : memref<128x128xf32, #tpu.memory_space<vmem>> -> memref<128x128xf32, #tpu.memory_space<vmem>>
    %dma_start3A_4 = arith.constant 0 : i32
    %dma_start3A_5 = tpu.memref_slice %arg12[%add3A_1, %dma_start3A_4] : memref<10112x128xf32, #tpu.memory_space<vmem_shared>> -> memref<128x128xf32, #tpu.memory_space<vmem_shared>>
    %dma_start3A_6 = arith.constant 0 : i32
    %dma_start3A_7 = tpu.memref_slice %arg12[%add3A_1, %dma_start3A_6] : memref<10112x128xf32, #tpu.memory_space<vmem_shared>> -> memref<128x128xf32, #tpu.memory_space<vmem_shared>>
    %dma_start3A_8 = arith.constant 0 : i32
    %dma_start3A_9 = arith.constant 0 : i32
    %dma_start3A_10 = tpu.memref_slice %arg10[%dma_start3A_8, %dma_start3A_9] : memref<128x128xf32, #tpu.memory_space<vmem>> -> memref<128x128xf32, #tpu.memory_space<vmem>>
    tpu.enqueue_dma source(%dma_start3A_10 : memref<128x128xf32, #tpu.memory_space<vmem>>) target(%dma_start3A_7 : memref<128x128xf32, #tpu.memory_space<vmem_shared>>) target_semaphore(%arg15 : memref<!tpu.dma_semaphore, #tpu.memory_space<semaphore_mem>>)
    %add3A_11 = arith.constant 128 : i32
    %add3A_12 = arith.addi %mul3A_0, %add3A_11 : i32
    %dma_start3A_13 = arith.constant 0 : i32
    %dma_start3A_14 = arith.constant 0 : i32
    %dma_start3A_15 = tpu.memref_slice %arg10[%dma_start3A_13, %dma_start3A_14] : memref<128x128xf32, #tpu.memory_space<vmem>> -> memref<128x128xf32, #tpu.memory_space<vmem>>
    %dma_start3A_16 = arith.constant 0 : i32
    %dma_start3A_17 = tpu.memref_slice %arg12[%add3A_12, %dma_start3A_16] : memref<10112x128xf32, #tpu.memory_space<vmem_shared>> -> memref<128x128xf32, #tpu.memory_space<vmem_shared>>
    %dma_start3A_18 = arith.constant 0 : i32
    %dma_start3A_19 = tpu.memref_slice %arg12[%add3A_12, %dma_start3A_18] : memref<10112x128xf32, #tpu.memory_space<vmem_shared>> -> memref<128x128xf32, #tpu.memory_space<vmem_shared>>
    %dma_start3A_20 = arith.constant 0 : i32
    %dma_start3A_21 = arith.constant 0 : i32
    %dma_start3A_22 = tpu.memref_slice %arg10[%dma_start3A_20, %dma_start3A_21] : memref<128x128xf32, #tpu.memory_space<vmem>> -> memref<128x128xf32, #tpu.memory_space<vmem>>
    tpu.enqueue_dma source(%dma_start3A_22 : memref<128x128xf32, #tpu.memory_space<vmem>>) target(%dma_start3A_19 : memref<128x128xf32, #tpu.memory_space<vmem_shared>>) target_semaphore(%arg15 : memref<!tpu.dma_semaphore, #tpu.memory_space<semaphore_mem>>)
    %add3A_23 = arith.constant 256 : i32
    %add3A_24 = arith.addi %mul3A_0, %add3A_23 : i32
    %dma_start3A_25 = arith.constant 0 : i32
    %dma_start3A_26 = arith.constant 0 : i32
    %dma_start3A_27 = tpu.memref_slice %arg10[%dma_start3A_25, %dma_start3A_26] : memref<128x128xf32, #tpu.memory_space<vmem>> -> memref<128x128xf32, #tpu.memory_space<vmem>>
    %dma_start3A_28 = arith.constant 0 : i32
    %dma_start3A_29 = tpu.memref_slice %arg12[%add3A_24, %dma_start3A_28] : memref<10112x128xf32, #tpu.memory_space<vmem_shared>> -> memref<128x128xf32, #tpu.memory_space<vmem_shared>>
    %dma_start3A_30 = arith.constant 0 : i32
    %dma_start3A_31 = tpu.memref_slice %arg12[%add3A_24, %dma_start3A_30] : memref<10112x128xf32, #tpu.memory_space<vmem_shared>> -> memref<128x128xf32, #tpu.memory_space<vmem_shared>>
    %dma_start3A_32 = arith.constant 0 : i32
    %dma_start3A_33 = arith.constant 0 : i32
    %dma_start3A_34 = tpu.memref_slice %arg10[%dma_start3A_32, %dma_start3A_33] : memref<128x128xf32, #tpu.memory_space<vmem>> -> memref<128x128xf32, #tpu.memory_space<vmem>>
    tpu.enqueue_dma source(%dma_start3A_34 : memref<128x128xf32, #tpu.memory_space<vmem>>) target(%dma_start3A_31 : memref<128x128xf32, #tpu.memory_space<vmem_shared>>) target_semaphore(%arg15 : memref<!tpu.dma_semaphore, #tpu.memory_space<semaphore_mem>>)
    %add3A_35 = arith.constant 384 : i32
    %add3A_36 = arith.addi %mul3A_0, %add3A_35 : i32
    %dma_start3A_37 = arith.constant 0 : i32
    %dma_start3A_38 = arith.constant 0 : i32
    %dma_start3A_39 = tpu.memref_slice %arg10[%dma_start3A_37, %dma_start3A_38] : memref<128x128xf32, #tpu.memory_space<vmem>> -> memref<128x128xf32, #tpu.memory_space<vmem>>
    %dma_start3A_40 = arith.constant 0 : i32
    %dma_start3A_41 = tpu.memref_slice %arg12[%add3A_36, %dma_start3A_40] : memref<10112x128xf32, #tpu.memory_space<vmem_shared>> -> memref<128x128xf32, #tpu.memory_space<vmem_shared>>
    %dma_start3A_42 = arith.constant 0 : i32
    %dma_start3A_43 = tpu.memref_slice %arg12[%add3A_36, %dma_start3A_42] : memref<10112x128xf32, #tpu.memory_space<vmem_shared>> -> memref<128x128xf32, #tpu.memory_space<vmem_shared>>
    %dma_start3A_44 = arith.constant 0 : i32
    %dma_start3A_45 = arith.constant 0 : i32
    %dma_start3A_46 = tpu.memref_slice %arg10[%dma_start3A_44, %dma_start3A_45] : memref<128x128xf32, #tpu.memory_space<vmem>> -> memref<128x128xf32, #tpu.memory_space<vmem>>
    tpu.enqueue_dma source(%dma_start3A_46 : memref<128x128xf32, #tpu.memory_space<vmem>>) target(%dma_start3A_43 : memref<128x128xf32, #tpu.memory_space<vmem_shared>>) target_semaphore(%arg15 : memref<!tpu.dma_semaphore, #tpu.memory_space<semaphore_mem>>)
    %add3A_47 = arith.constant 512 : i32
    %add3A_48 = arith.addi %mul3A_0, %add3A_47 : i32
    %dma_start3A_49 = arith.constant 0 : i32
    %dma_start3A_50 = arith.constant 0 : i32
    %dma_start3A_51 = tpu.memref_slice %arg10[%dma_start3A_49, %dma_start3A_50] : memref<128x128xf32, #tpu.memory_space<vmem>> -> memref<120x128xf32, #tpu.memory_space<vmem>>
    %dma_start3A_52 = arith.constant 0 : i32
    %dma_start3A_53 = tpu.memref_slice %arg12[%add3A_48, %dma_start3A_52] : memref<10112x128xf32, #tpu.memory_space<vmem_shared>> -> memref<120x128xf32, #tpu.memory_space<vmem_shared>>
    %dma_start3A_54 = arith.constant 0 : i32
    %dma_start3A_55 = tpu.memref_slice %arg12[%add3A_48, %dma_start3A_54] : memref<10112x128xf32, #tpu.memory_space<vmem_shared>> -> memref<120x128xf32, #tpu.memory_space<vmem_shared>>
    %dma_start3A_56 = arith.constant 0 : i32
    %dma_start3A_57 = arith.constant 0 : i32
    %dma_start3A_58 = tpu.memref_slice %arg10[%dma_start3A_56, %dma_start3A_57] : memref<128x128xf32, #tpu.memory_space<vmem>> -> memref<120x128xf32, #tpu.memory_space<vmem>>
    tpu.enqueue_dma source(%dma_start3A_58 : memref<120x128xf32, #tpu.memory_space<vmem>>) target(%dma_start3A_55 : memref<120x128xf32, #tpu.memory_space<vmem_shared>>) target_semaphore(%arg15 : memref<!tpu.dma_semaphore, #tpu.memory_space<semaphore_mem>>)
    %add3A_59 = arith.constant 0 : i32
    %add3A_60 = arith.addi %mul3A_0, %add3A_59 : i32
    %dma_wait3A = arith.constant 0 : i32
    %dma_wait3A_61 = arith.constant 0 : i32
    %dma_wait3A_62 = tpu.memref_slice %arg10[%dma_wait3A, %dma_wait3A_61] : memref<128x128xf32, #tpu.memory_space<vmem>> -> memref<128x128xf32, #tpu.memory_space<vmem>>
    %dma_wait3A_63 = arith.constant 0 : i32
    %dma_wait3A_64 = tpu.memref_slice %arg12[%add3A_60, %dma_wait3A_63] : memref<10112x128xf32, #tpu.memory_space<vmem_shared>> -> memref<128x128xf32, #tpu.memory_space<vmem_shared>>
    %dma_wait3A_65 = arith.constant 0 : i32
    %dma_wait3A_66 = tpu.memref_slice %arg12[%add3A_60, %dma_wait3A_65] : memref<10112x128xf32, #tpu.memory_space<vmem_shared>> -> memref<128x128xf32, #tpu.memory_space<vmem_shared>>
    %dma_wait3A_67 = arith.constant 0 : i32
    %dma_wait3A_68 = arith.constant 0 : i32
    %dma_wait3A_69 = tpu.memref_slice %arg10[%dma_wait3A_67, %dma_wait3A_68] : memref<128x128xf32, #tpu.memory_space<vmem>> -> memref<128x128xf32, #tpu.memory_space<vmem>>
    tpu.wait_dma2 semaphore(%arg15 : memref<!tpu.dma_semaphore, #tpu.memory_space<semaphore_mem>>) src(%dma_wait3A_69 : memref<128x128xf32, #tpu.memory_space<vmem>>) dst(%dma_wait3A_66 : memref<128x128xf32, #tpu.memory_space<vmem_shared>>)
    %add3A_70 = arith.constant 128 : i32
    %add3A_71 = arith.addi %mul3A_0, %add3A_70 : i32
    %dma_wait3A_72 = arith.constant 0 : i32
    %dma_wait3A_73 = arith.constant 0 : i32
    %dma_wait3A_74 = tpu.memref_slice %arg10[%dma_wait3A_72, %dma_wait3A_73] : memref<128x128xf32, #tpu.memory_space<vmem>> -> memref<128x128xf32, #tpu.memory_space<vmem>>
    %dma_wait3A_75 = arith.constant 0 : i32
    %dma_wait3A_76 = tpu.memref_slice %arg12[%add3A_71, %dma_wait3A_75] : memref<10112x128xf32, #tpu.memory_space<vmem_shared>> -> memref<128x128xf32, #tpu.memory_space<vmem_shared>>
    %dma_wait3A_77 = arith.constant 0 : i32
    %dma_wait3A_78 = tpu.memref_slice %arg12[%add3A_71, %dma_wait3A_77] : memref<10112x128xf32, #tpu.memory_space<vmem_shared>> -> memref<128x128xf32, #tpu.memory_space<vmem_shared>>
    %dma_wait3A_79 = arith.constant 0 : i32
    %dma_wait3A_80 = arith.constant 0 : i32
    %dma_wait3A_81 = tpu.memref_slice %arg10[%dma_wait3A_79, %dma_wait3A_80] : memref<128x128xf32, #tpu.memory_space<vmem>> -> memref<128x128xf32, #tpu.memory_space<vmem>>
    tpu.wait_dma2 semaphore(%arg15 : memref<!tpu.dma_semaphore, #tpu.memory_space<semaphore_mem>>) src(%dma_wait3A_81 : memref<128x128xf32, #tpu.memory_space<vmem>>) dst(%dma_wait3A_78 : memref<128x128xf32, #tpu.memory_space<vmem_shared>>)
    %add3A_82 = arith.constant 256 : i32
    %add3A_83 = arith.addi %mul3A_0, %add3A_82 : i32
    %dma_wait3A_84 = arith.constant 0 : i32
    %dma_wait3A_85 = arith.constant 0 : i32
    %dma_wait3A_86 = tpu.memref_slice %arg10[%dma_wait3A_84, %dma_wait3A_85] : memref<128x128xf32, #tpu.memory_space<vmem>> -> memref<128x128xf32, #tpu.memory_space<vmem>>
    %dma_wait3A_87 = arith.constant 0 : i32
    %dma_wait3A_88 = tpu.memref_slice %arg12[%add3A_83, %dma_wait3A_87] : memref<10112x128xf32, #tpu.memory_space<vmem_shared>> -> memref<128x128xf32, #tpu.memory_space<vmem_shared>>
    %dma_wait3A_89 = arith.constant 0 : i32
    %dma_wait3A_90 = tpu.memref_slice %arg12[%add3A_83, %dma_wait3A_89] : memref<10112x128xf32, #tpu.memory_space<vmem_shared>> -> memref<128x128xf32, #tpu.memory_space<vmem_shared>>
    %dma_wait3A_91 = arith.constant 0 : i32
    %dma_wait3A_92 = arith.constant 0 : i32
    %dma_wait3A_93 = tpu.memref_slice %arg10[%dma_wait3A_91, %dma_wait3A_92] : memref<128x128xf32, #tpu.memory_space<vmem>> -> memref<128x128xf32, #tpu.memory_space<vmem>>
    tpu.wait_dma2 semaphore(%arg15 : memref<!tpu.dma_semaphore, #tpu.memory_space<semaphore_mem>>) src(%dma_wait3A_93 : memref<128x128xf32, #tpu.memory_space<vmem>>) dst(%dma_wait3A_90 : memref<128x128xf32, #tpu.memory_space<vmem_shared>>)
    %add3A_94 = arith.constant 384 : i32
    %add3A_95 = arith.addi %mul3A_0, %add3A_94 : i32
    %dma_wait3A_96 = arith.constant 0 : i32
    %dma_wait3A_97 = arith.constant 0 : i32
    %dma_wait3A_98 = tpu.memref_slice %arg10[%dma_wait3A_96, %dma_wait3A_97] : memref<128x128xf32, #tpu.memory_space<vmem>> -> memref<128x128xf32, #tpu.memory_space<vmem>>
    %dma_wait3A_99 = arith.constant 0 : i32
    %dma_wait3A_100 = tpu.memref_slice %arg12[%add3A_95, %dma_wait3A_99] : memref<10112x128xf32, #tpu.memory_space<vmem_shared>> -> memref<128x128xf32, #tpu.memory_space<vmem_shared>>
    %dma_wait3A_101 = arith.constant 0 : i32
    %dma_wait3A_102 = tpu.memref_slice %arg12[%add3A_95, %dma_wait3A_101] : memref<10112x128xf32, #tpu.memory_space<vmem_shared>> -> memref<128x128xf32, #tpu.memory_space<vmem_shared>>
    %dma_wait3A_103 = arith.constant 0 : i32
    %dma_wait3A_104 = arith.constant 0 : i32
    %dma_wait3A_105 = tpu.memref_slice %arg10[%dma_wait3A_103, %dma_wait3A_104] : memref<128x128xf32, #tpu.memory_space<vmem>> -> memref<128x128xf32, #tpu.memory_space<vmem>>
    tpu.wait_dma2 semaphore(%arg15 : memref<!tpu.dma_semaphore, #tpu.memory_space<semaphore_mem>>) src(%dma_wait3A_105 : memref<128x128xf32, #tpu.memory_space<vmem>>) dst(%dma_wait3A_102 : memref<128x128xf32, #tpu.memory_space<vmem_shared>>)
    %add3A_106 = arith.constant 512 : i32
    %add3A_107 = arith.addi %mul3A_0, %add3A_106 : i32
    %dma_wait3A_108 = arith.constant 0 : i32
    %dma_wait3A_109 = arith.constant 0 : i32
    %dma_wait3A_110 = tpu.memref_slice %arg10[%dma_wait3A_108, %dma_wait3A_109] : memref<128x128xf32, #tpu.memory_space<vmem>> -> memref<120x128xf32, #tpu.memory_space<vmem>>
    %dma_wait3A_111 = arith.constant 0 : i32
    %dma_wait3A_112 = tpu.memref_slice %arg12[%add3A_107, %dma_wait3A_111] : memref<10112x128xf32, #tpu.memory_space<vmem_shared>> -> memref<120x128xf32, #tpu.memory_space<vmem_shared>>
    %dma_wait3A_113 = arith.constant 0 : i32
    %dma_wait3A_114 = tpu.memref_slice %arg12[%add3A_107, %dma_wait3A_113] : memref<10112x128xf32, #tpu.memory_space<vmem_shared>> -> memref<120x128xf32, #tpu.memory_space<vmem_shared>>
    %dma_wait3A_115 = arith.constant 0 : i32
    %dma_wait3A_116 = arith.constant 0 : i32
    %dma_wait3A_117 = tpu.memref_slice %arg10[%dma_wait3A_115, %dma_wait3A_116] : memref<128x128xf32, #tpu.memory_space<vmem>> -> memref<120x128xf32, #tpu.memory_space<vmem>>
    tpu.wait_dma2 semaphore(%arg15 : memref<!tpu.dma_semaphore, #tpu.memory_space<semaphore_mem>>) src(%dma_wait3A_117 : memref<120x128xf32, #tpu.memory_space<vmem>>) dst(%dma_wait3A_114 : memref<120x128xf32, #tpu.memory_space<vmem_shared>>)
    %barrier3A = arith.constant 0 : index
    tpu.barrier barrier_id(%barrier3A)
    %eq3A = arith.constant 0 : i32
    %eq3A_118 = arith.cmpi eq, %arg0, %eq3A : i32
    %convert_element_type3A = arith.extui %eq3A_118 : i1 to i32
    %cond3A = arith.constant 0 : i32
    %cond3A_119 = arith.cmpi ne, %convert_element_type3A, %cond3A : i32
    scf.if %cond3A_119 {
      %mul3A_276 = arith.constant 152 : i32
      %mul3A_277 = arith.muli %arg1, %mul3A_276 : i32
      %add3A_278 = arith.constant 0 : i32
      %add3A_279 = arith.addi %add3A_278, %mul3A_277 : i32
      %add3A_280 = arith.constant 0 : i32
      %add3A_281 = arith.addi %add3A_279, %add3A_280 : i32
      "tpu.region"() ({
        %run_scoped3A = tpu.sem_alloc : memref<!tpu.dma_semaphore, #tpu.memory_space<semaphore_mem>>
        %dma_start3A_367 = arith.constant 0 : i32
        %dma_start3A_368 = arith.constant 0 : i32
        %dma_start3A_369 = tpu.memref_slice %arg8[%dma_start3A_367, %dma_start3A_368] : memref<40x128xi32, #tpu.memory_space<vmem>> -> memref<40x128xi32, #tpu.memory_space<vmem>>
        %dma_start3A_370 = arith.constant 0 : i32
        %dma_start3A_371 = tpu.memref_slice %arg4[%add3A_281, %dma_start3A_370] : memref<2560x128xi32, #tpu.memory_space<hbm>> -> memref<40x128xi32, #tpu.memory_space<hbm>>
        %dma_start3A_372 = arith.constant 0 : i32
        %dma_start3A_373 = arith.constant 0 : i32
        %dma_start3A_374 = tpu.memref_slice %arg8[%dma_start3A_372, %dma_start3A_373] : memref<40x128xi32, #tpu.memory_space<vmem>> -> memref<40x128xi32, #tpu.memory_space<vmem>>
        %dma_start3A_375 = arith.constant 0 : i32
        %dma_start3A_376 = tpu.memref_slice %arg4[%add3A_281, %dma_start3A_375] : memref<2560x128xi32, #tpu.memory_space<hbm>> -> memref<40x128xi32, #tpu.memory_space<hbm>>
        tpu.enqueue_dma source(%dma_start3A_376 : memref<40x128xi32, #tpu.memory_space<hbm>>) target(%dma_start3A_374 : memref<40x128xi32, #tpu.memory_space<vmem>>) target_semaphore(%run_scoped3A : memref<!tpu.dma_semaphore, #tpu.memory_space<semaphore_mem>>)
        %dma_wait3A_377 = arith.constant 0 : i32
        %dma_wait3A_378 = arith.constant 0 : i32
        %dma_wait3A_379 = tpu.memref_slice %arg8[%dma_wait3A_377, %dma_wait3A_378] : memref<40x128xi32, #tpu.memory_space<vmem>> -> memref<40x128xi32, #tpu.memory_space<vmem>>
        %dma_wait3A_380 = arith.constant 0 : i32
        %dma_wait3A_381 = tpu.memref_slice %arg4[%add3A_281, %dma_wait3A_380] : memref<2560x128xi32, #tpu.memory_space<hbm>> -> memref<40x128xi32, #tpu.memory_space<hbm>>
        %dma_wait3A_382 = arith.constant 0 : i32
        %dma_wait3A_383 = arith.constant 0 : i32
        %dma_wait3A_384 = tpu.memref_slice %arg8[%dma_wait3A_382, %dma_wait3A_383] : memref<40x128xi32, #tpu.memory_space<vmem>> -> memref<40x128xi32, #tpu.memory_space<vmem>>
        %dma_wait3A_385 = arith.constant 0 : i32
        %dma_wait3A_386 = tpu.memref_slice %arg4[%add3A_281, %dma_wait3A_385] : memref<2560x128xi32, #tpu.memory_space<hbm>> -> memref<40x128xi32, #tpu.memory_space<hbm>>
        tpu.wait_dma2 semaphore(%run_scoped3A : memref<!tpu.dma_semaphore, #tpu.memory_space<semaphore_mem>>) src(%dma_wait3A_386 : memref<40x128xi32, #tpu.memory_space<hbm>>) dst(%dma_wait3A_384 : memref<40x128xi32, #tpu.memory_space<vmem>>)
        tpu.yield
      }) : () -> ()
      "tpu.region"() ({
        %run_scoped3A = tpu.sem_alloc : memref<!tpu.dma_semaphore, #tpu.memory_space<semaphore_mem>>
        %dma_start3A_367 = arith.constant 0 : i32
        %dma_start3A_368 = arith.constant 0 : i32
        %dma_start3A_369 = tpu.memref_slice %arg9[%dma_start3A_367, %dma_start3A_368] : memref<40x128xi32, #tpu.memory_space<vmem>> -> memref<40x128xi32, #tpu.memory_space<vmem>>
        %dma_start3A_370 = arith.constant 0 : i32
        %dma_start3A_371 = tpu.memref_slice %arg5[%add3A_281, %dma_start3A_370] : memref<2560x128xi32, #tpu.memory_space<hbm>> -> memref<40x128xi32, #tpu.memory_space<hbm>>
        %dma_start3A_372 = arith.constant 0 : i32
        %dma_start3A_373 = arith.constant 0 : i32
        %dma_start3A_374 = tpu.memref_slice %arg9[%dma_start3A_372, %dma_start3A_373] : memref<40x128xi32, #tpu.memory_space<vmem>> -> memref<40x128xi32, #tpu.memory_space<vmem>>
        %dma_start3A_375 = arith.constant 0 : i32
        %dma_start3A_376 = tpu.memref_slice %arg5[%add3A_281, %dma_start3A_375] : memref<2560x128xi32, #tpu.memory_space<hbm>> -> memref<40x128xi32, #tpu.memory_space<hbm>>
        tpu.enqueue_dma source(%dma_start3A_376 : memref<40x128xi32, #tpu.memory_space<hbm>>) target(%dma_start3A_374 : memref<40x128xi32, #tpu.memory_space<vmem>>) target_semaphore(%run_scoped3A : memref<!tpu.dma_semaphore, #tpu.memory_space<semaphore_mem>>)
        %dma_wait3A_377 = arith.constant 0 : i32
        %dma_wait3A_378 = arith.constant 0 : i32
        %dma_wait3A_379 = tpu.memref_slice %arg9[%dma_wait3A_377, %dma_wait3A_378] : memref<40x128xi32, #tpu.memory_space<vmem>> -> memref<40x128xi32, #tpu.memory_space<vmem>>
        %dma_wait3A_380 = arith.constant 0 : i32
        %dma_wait3A_381 = tpu.memref_slice %arg5[%add3A_281, %dma_wait3A_380] : memref<2560x128xi32, #tpu.memory_space<hbm>> -> memref<40x128xi32, #tpu.memory_space<hbm>>
        %dma_wait3A_382 = arith.constant 0 : i32
        %dma_wait3A_383 = arith.constant 0 : i32
        %dma_wait3A_384 = tpu.memref_slice %arg9[%dma_wait3A_382, %dma_wait3A_383] : memref<40x128xi32, #tpu.memory_space<vmem>> -> memref<40x128xi32, #tpu.memory_space<vmem>>
        %dma_wait3A_385 = arith.constant 0 : i32
        %dma_wait3A_386 = tpu.memref_slice %arg5[%add3A_281, %dma_wait3A_385] : memref<2560x128xi32, #tpu.memory_space<hbm>> -> memref<40x128xi32, #tpu.memory_space<hbm>>
        tpu.wait_dma2 semaphore(%run_scoped3A : memref<!tpu.dma_semaphore, #tpu.memory_space<semaphore_mem>>) src(%dma_wait3A_386 : memref<40x128xi32, #tpu.memory_space<hbm>>) dst(%dma_wait3A_384 : memref<40x128xi32, #tpu.memory_space<vmem>>)
        tpu.yield
      }) : () -> ()
      %dma_start3A_282 = arith.constant 0 : i32
      %dma_start3A_283 = arith.constant 0 : i32
      %dma_start3A_284 = tpu.memref_slice %arg8[%dma_start3A_282, %dma_start3A_283] : memref<40x128xi32, #tpu.memory_space<vmem>> -> memref<1x128xi32, #tpu.memory_space<vmem>>
      %dma_start3A_285 = tpu.memref_squeeze %dma_start3A_284 : memref<1x128xi32, #tpu.memory_space<vmem>> -> memref<128xi32, #tpu.memory_space<vmem>>
      %dma_start3A_286 = arith.constant 0 : i32
      %dma_start3A_287 = arith.constant 0 : i32
      %dma_start3A_288 = tpu.memref_slice %arg2[%dma_start3A_286, %dma_start3A_287] : memref<10240x128xf32, #tpu.memory_space<hbm>> -> memref<10240x128xf32, #tpu.memory_space<hbm>>
      tpu.enqueue_indirect_dma source(%dma_start3A_288 : memref<10240x128xf32, #tpu.memory_space<hbm>>) target(%arg10 : memref<128x128xf32, #tpu.memory_space<vmem>>) offsets(%dma_start3A_285 : memref<128xi32, #tpu.memory_space<vmem>>) semaphore(%arg13 : memref<!tpu.dma_semaphore, #tpu.memory_space<semaphore_mem>>)
      %scan3A = arith.constant 0 : i32
      %scan3A_289 = arith.constant 0 : i32
      %scan3A_290 = arith.constant 20 : i32
      %scan3A_291 = arith.addi %scan3A_289, %scan3A_290 : i32
      %scan3A_292 = arith.constant 1 : i32
      scf.for %scan3A_367 = %scan3A_289 to %scan3A_291 step %scan3A_292  : i32 {
        %mul3A_368 = arith.constant 2 : i32
        %mul3A_369 = arith.muli %mul3A_368, %scan3A_367 : i32
        %gt3A = arith.constant 0 : i32
        %gt3A_370 = arith.cmpi sgt, %scan3A_367, %gt3A : i32
        %convert_element_type3A_371 = arith.extui %gt3A_370 : i1 to i32
        %cond3A_372 = arith.constant 0 : i32
        %cond3A_373 = arith.cmpi ne, %convert_element_type3A_371, %cond3A_372 : i32
        scf.if %cond3A_373 {
          %sub3A = arith.constant 1 : i32
          %sub3A_420 = arith.subi %mul3A_369, %sub3A : i32
          %dma_wait3A_421 = arith.constant 0 : i32
          %dma_wait3A_422 = tpu.memref_slice %arg9[%sub3A_420, %dma_wait3A_421] : memref<40x128xi32, #tpu.memory_space<vmem>> -> memref<1x128xi32, #tpu.memory_space<vmem>>
          %dma_wait3A_423 = tpu.memref_squeeze %dma_wait3A_422 : memref<1x128xi32, #tpu.memory_space<vmem>> -> memref<128xi32, #tpu.memory_space<vmem>>
          %dma_wait3A_424 = arith.constant 0 : i32
          %dma_wait3A_425 = arith.constant 0 : i32
          %dma_wait3A_426 = tpu.memref_slice %arg12[%dma_wait3A_424, %dma_wait3A_425] : memref<10112x128xf32, #tpu.memory_space<vmem_shared>> -> memref<10112x128xf32, #tpu.memory_space<vmem_shared>>
          tpu.wait_indirect_dma semaphore(%arg16 : memref<!tpu.dma_semaphore, #tpu.memory_space<semaphore_mem>>) src(%arg11 : memref<128x128xf32, #tpu.memory_space<vmem>>) dst(%dma_wait3A_426 : memref<10112x128xf32, #tpu.memory_space<vmem_shared>>)
        } else {
        }
        %add3A_374 = arith.constant 1 : i32
        %add3A_375 = arith.addi %mul3A_369, %add3A_374 : i32
        %dma_start3A_376 = arith.constant 0 : i32
        %dma_start3A_377 = tpu.memref_slice %arg8[%add3A_375, %dma_start3A_376] : memref<40x128xi32, #tpu.memory_space<vmem>> -> memref<1x128xi32, #tpu.memory_space<vmem>>
        %dma_start3A_378 = tpu.memref_squeeze %dma_start3A_377 : memref<1x128xi32, #tpu.memory_space<vmem>> -> memref<128xi32, #tpu.memory_space<vmem>>
        %dma_start3A_379 = arith.constant 0 : i32
        %dma_start3A_380 = arith.constant 0 : i32
        %dma_start3A_381 = tpu.memref_slice %arg2[%dma_start3A_379, %dma_start3A_380] : memref<10240x128xf32, #tpu.memory_space<hbm>> -> memref<10240x128xf32, #tpu.memory_space<hbm>>
        tpu.enqueue_indirect_dma source(%dma_start3A_381 : memref<10240x128xf32, #tpu.memory_space<hbm>>) target(%arg11 : memref<128x128xf32, #tpu.memory_space<vmem>>) offsets(%dma_start3A_378 : memref<128xi32, #tpu.memory_space<vmem>>) semaphore(%arg14 : memref<!tpu.dma_semaphore, #tpu.memory_space<semaphore_mem>>)
        %dma_wait3A_382 = arith.constant 0 : i32
        %dma_wait3A_383 = tpu.memref_slice %arg8[%mul3A_369, %dma_wait3A_382] : memref<40x128xi32, #tpu.memory_space<vmem>> -> memref<1x128xi32, #tpu.memory_space<vmem>>
        %dma_wait3A_384 = tpu.memref_squeeze %dma_wait3A_383 : memref<1x128xi32, #tpu.memory_space<vmem>> -> memref<128xi32, #tpu.memory_space<vmem>>
        %dma_wait3A_385 = arith.constant 0 : i32
        %dma_wait3A_386 = arith.constant 0 : i32
        %dma_wait3A_387 = tpu.memref_slice %arg2[%dma_wait3A_385, %dma_wait3A_386] : memref<10240x128xf32, #tpu.memory_space<hbm>> -> memref<10240x128xf32, #tpu.memory_space<hbm>>
        tpu.wait_indirect_dma semaphore(%arg13 : memref<!tpu.dma_semaphore, #tpu.memory_space<semaphore_mem>>) src(%dma_wait3A_387 : memref<10240x128xf32, #tpu.memory_space<hbm>>) dst(%arg10 : memref<128x128xf32, #tpu.memory_space<vmem>>)
        %dma_start3A_388 = arith.constant 0 : i32
        %dma_start3A_389 = tpu.memref_slice %arg9[%mul3A_369, %dma_start3A_388] : memref<40x128xi32, #tpu.memory_space<vmem>> -> memref<1x128xi32, #tpu.memory_space<vmem>>
        %dma_start3A_390 = tpu.memref_squeeze %dma_start3A_389 : memref<1x128xi32, #tpu.memory_space<vmem>> -> memref<128xi32, #tpu.memory_space<vmem>>
        %dma_start3A_391 = arith.constant 0 : i32
        %dma_start3A_392 = arith.constant 0 : i32
        %dma_start3A_393 = tpu.memref_slice %arg12[%dma_start3A_391, %dma_start3A_392] : memref<10112x128xf32, #tpu.memory_space<vmem_shared>> -> memref<10112x128xf32, #tpu.memory_space<vmem_shared>>
        tpu.enqueue_indirect_dma source(%arg10 : memref<128x128xf32, #tpu.memory_space<vmem>>) target(%dma_start3A_393 : memref<10112x128xf32, #tpu.memory_space<vmem_shared>>) offsets(%dma_start3A_390 : memref<128xi32, #tpu.memory_space<vmem>>) semaphore(%arg15 : memref<!tpu.dma_semaphore, #tpu.memory_space<semaphore_mem>>) {add = true}
        %dma_wait3A_394 = arith.constant 0 : i32
        %dma_wait3A_395 = tpu.memref_slice %arg9[%mul3A_369, %dma_wait3A_394] : memref<40x128xi32, #tpu.memory_space<vmem>> -> memref<1x128xi32, #tpu.memory_space<vmem>>
        %dma_wait3A_396 = tpu.memref_squeeze %dma_wait3A_395 : memref<1x128xi32, #tpu.memory_space<vmem>> -> memref<128xi32, #tpu.memory_space<vmem>>
        %dma_wait3A_397 = arith.constant 0 : i32
        %dma_wait3A_398 = arith.constant 0 : i32
        %dma_wait3A_399 = tpu.memref_slice %arg12[%dma_wait3A_397, %dma_wait3A_398] : memref<10112x128xf32, #tpu.memory_space<vmem_shared>> -> memref<10112x128xf32, #tpu.memory_space<vmem_shared>>
        tpu.wait_indirect_dma semaphore(%arg15 : memref<!tpu.dma_semaphore, #tpu.memory_space<semaphore_mem>>) src(%arg10 : memref<128x128xf32, #tpu.memory_space<vmem>>) dst(%dma_wait3A_399 : memref<10112x128xf32, #tpu.memory_space<vmem_shared>>)
        %lt3A = arith.constant 19 : i32
        %lt3A_400 = arith.cmpi slt, %scan3A_367, %lt3A : i32
        %convert_element_type3A_401 = arith.extui %lt3A_400 : i1 to i32
        %cond3A_402 = arith.constant 0 : i32
        %cond3A_403 = arith.cmpi ne, %convert_element_type3A_401, %cond3A_402 : i32
        scf.if %cond3A_403 {
          %add3A_420 = arith.constant 2 : i32
          %add3A_421 = arith.addi %mul3A_369, %add3A_420 : i32
          %dma_start3A_422 = arith.constant 0 : i32
          %dma_start3A_423 = tpu.memref_slice %arg8[%add3A_421, %dma_start3A_422] : memref<40x128xi32, #tpu.memory_space<vmem>> -> memref<1x128xi32, #tpu.memory_space<vmem>>
          %dma_start3A_424 = tpu.memref_squeeze %dma_start3A_423 : memref<1x128xi32, #tpu.memory_space<vmem>> -> memref<128xi32, #tpu.memory_space<vmem>>
          %dma_start3A_425 = arith.constant 0 : i32
          %dma_start3A_426 = arith.constant 0 : i32
          %dma_start3A_427 = tpu.memref_slice %arg2[%dma_start3A_425, %dma_start3A_426] : memref<10240x128xf32, #tpu.memory_space<hbm>> -> memref<10240x128xf32, #tpu.memory_space<hbm>>
          tpu.enqueue_indirect_dma source(%dma_start3A_427 : memref<10240x128xf32, #tpu.memory_space<hbm>>) target(%arg10 : memref<128x128xf32, #tpu.memory_space<vmem>>) offsets(%dma_start3A_424 : memref<128xi32, #tpu.memory_space<vmem>>) semaphore(%arg13 : memref<!tpu.dma_semaphore, #tpu.memory_space<semaphore_mem>>)
        } else {
        }
        %add3A_404 = arith.constant 1 : i32
        %add3A_405 = arith.addi %mul3A_369, %add3A_404 : i32
        %dma_wait3A_406 = arith.constant 0 : i32
        %dma_wait3A_407 = tpu.memref_slice %arg8[%add3A_405, %dma_wait3A_406] : memref<40x128xi32, #tpu.memory_space<vmem>> -> memref<1x128xi32, #tpu.memory_space<vmem>>
        %dma_wait3A_408 = tpu.memref_squeeze %dma_wait3A_407 : memref<1x128xi32, #tpu.memory_space<vmem>> -> memref<128xi32, #tpu.memory_space<vmem>>
        %dma_wait3A_409 = arith.constant 0 : i32
        %dma_wait3A_410 = arith.constant 0 : i32
        %dma_wait3A_411 = tpu.memref_slice %arg2[%dma_wait3A_409, %dma_wait3A_410] : memref<10240x128xf32, #tpu.memory_space<hbm>> -> memref<10240x128xf32, #tpu.memory_space<hbm>>
        tpu.wait_indirect_dma semaphore(%arg14 : memref<!tpu.dma_semaphore, #tpu.memory_space<semaphore_mem>>) src(%dma_wait3A_411 : memref<10240x128xf32, #tpu.memory_space<hbm>>) dst(%arg11 : memref<128x128xf32, #tpu.memory_space<vmem>>)
        %add3A_412 = arith.constant 1 : i32
        %add3A_413 = arith.addi %mul3A_369, %add3A_412 : i32
        %dma_start3A_414 = arith.constant 0 : i32
        %dma_start3A_415 = tpu.memref_slice %arg9[%add3A_413, %dma_start3A_414] : memref<40x128xi32, #tpu.memory_space<vmem>> -> memref<1x128xi32, #tpu.memory_space<vmem>>
        %dma_start3A_416 = tpu.memref_squeeze %dma_start3A_415 : memref<1x128xi32, #tpu.memory_space<vmem>> -> memref<128xi32, #tpu.memory_space<vmem>>
        %dma_start3A_417 = arith.constant 0 : i32
        %dma_start3A_418 = arith.constant 0 : i32
        %dma_start3A_419 = tpu.memref_slice %arg12[%dma_start3A_417, %dma_start3A_418] : memref<10112x128xf32, #tpu.memory_space<vmem_shared>> -> memref<10112x128xf32, #tpu.memory_space<vmem_shared>>
        tpu.enqueue_indirect_dma source(%arg11 : memref<128x128xf32, #tpu.memory_space<vmem>>) target(%dma_start3A_419 : memref<10112x128xf32, #tpu.memory_space<vmem_shared>>) offsets(%dma_start3A_416 : memref<128xi32, #tpu.memory_space<vmem>>) semaphore(%arg16 : memref<!tpu.dma_semaphore, #tpu.memory_space<semaphore_mem>>) {add = true}
      }
      %scan3A_293 = arith.constant 20 : i32
      %dma_wait3A_294 = arith.constant 39 : i32
      %dma_wait3A_295 = arith.constant 0 : i32
      %dma_wait3A_296 = tpu.memref_slice %arg9[%dma_wait3A_294, %dma_wait3A_295] : memref<40x128xi32, #tpu.memory_space<vmem>> -> memref<1x128xi32, #tpu.memory_space<vmem>>
      %dma_wait3A_297 = tpu.memref_squeeze %dma_wait3A_296 : memref<1x128xi32, #tpu.memory_space<vmem>> -> memref<128xi32, #tpu.memory_space<vmem>>
      %dma_wait3A_298 = arith.constant 0 : i32
      %dma_wait3A_299 = arith.constant 0 : i32
      %dma_wait3A_300 = tpu.memref_slice %arg12[%dma_wait3A_298, %dma_wait3A_299] : memref<10112x128xf32, #tpu.memory_space<vmem_shared>> -> memref<10112x128xf32, #tpu.memory_space<vmem_shared>>
      tpu.wait_indirect_dma semaphore(%arg16 : memref<!tpu.dma_semaphore, #tpu.memory_space<semaphore_mem>>) src(%arg11 : memref<128x128xf32, #tpu.memory_space<vmem>>) dst(%dma_wait3A_300 : memref<10112x128xf32, #tpu.memory_space<vmem_shared>>)
      %add3A_301 = arith.constant 40 : i32
      %add3A_302 = arith.addi %add3A_279, %add3A_301 : i32
      "tpu.region"() ({
        %run_scoped3A = tpu.sem_alloc : memref<!tpu.dma_semaphore, #tpu.memory_space<semaphore_mem>>
        %dma_start3A_367 = arith.constant 0 : i32
        %dma_start3A_368 = arith.constant 0 : i32
        %dma_start3A_369 = tpu.memref_slice %arg8[%dma_start3A_367, %dma_start3A_368] : memref<40x128xi32, #tpu.memory_space<vmem>> -> memref<40x128xi32, #tpu.memory_space<vmem>>
        %dma_start3A_370 = arith.constant 0 : i32
        %dma_start3A_371 = tpu.memref_slice %arg4[%add3A_302, %dma_start3A_370] : memref<2560x128xi32, #tpu.memory_space<hbm>> -> memref<40x128xi32, #tpu.memory_space<hbm>>
        %dma_start3A_372 = arith.constant 0 : i32
        %dma_start3A_373 = arith.constant 0 : i32
        %dma_start3A_374 = tpu.memref_slice %arg8[%dma_start3A_372, %dma_start3A_373] : memref<40x128xi32, #tpu.memory_space<vmem>> -> memref<40x128xi32, #tpu.memory_space<vmem>>
        %dma_start3A_375 = arith.constant 0 : i32
        %dma_start3A_376 = tpu.memref_slice %arg4[%add3A_302, %dma_start3A_375] : memref<2560x128xi32, #tpu.memory_space<hbm>> -> memref<40x128xi32, #tpu.memory_space<hbm>>
        tpu.enqueue_dma source(%dma_start3A_376 : memref<40x128xi32, #tpu.memory_space<hbm>>) target(%dma_start3A_374 : memref<40x128xi32, #tpu.memory_space<vmem>>) target_semaphore(%run_scoped3A : memref<!tpu.dma_semaphore, #tpu.memory_space<semaphore_mem>>)
        %dma_wait3A_377 = arith.constant 0 : i32
        %dma_wait3A_378 = arith.constant 0 : i32
        %dma_wait3A_379 = tpu.memref_slice %arg8[%dma_wait3A_377, %dma_wait3A_378] : memref<40x128xi32, #tpu.memory_space<vmem>> -> memref<40x128xi32, #tpu.memory_space<vmem>>
        %dma_wait3A_380 = arith.constant 0 : i32
        %dma_wait3A_381 = tpu.memref_slice %arg4[%add3A_302, %dma_wait3A_380] : memref<2560x128xi32, #tpu.memory_space<hbm>> -> memref<40x128xi32, #tpu.memory_space<hbm>>
        %dma_wait3A_382 = arith.constant 0 : i32
        %dma_wait3A_383 = arith.constant 0 : i32
        %dma_wait3A_384 = tpu.memref_slice %arg8[%dma_wait3A_382, %dma_wait3A_383] : memref<40x128xi32, #tpu.memory_space<vmem>> -> memref<40x128xi32, #tpu.memory_space<vmem>>
        %dma_wait3A_385 = arith.constant 0 : i32
        %dma_wait3A_386 = tpu.memref_slice %arg4[%add3A_302, %dma_wait3A_385] : memref<2560x128xi32, #tpu.memory_space<hbm>> -> memref<40x128xi32, #tpu.memory_space<hbm>>
        tpu.wait_dma2 semaphore(%run_scoped3A : memref<!tpu.dma_semaphore, #tpu.memory_space<semaphore_mem>>) src(%dma_wait3A_386 : memref<40x128xi32, #tpu.memory_space<hbm>>) dst(%dma_wait3A_384 : memref<40x128xi32, #tpu.memory_space<vmem>>)
        tpu.yield
      }) : () -> ()
      "tpu.region"() ({
        %run_scoped3A = tpu.sem_alloc : memref<!tpu.dma_semaphore, #tpu.memory_space<semaphore_mem>>
        %dma_start3A_367 = arith.constant 0 : i32
        %dma_start3A_368 = arith.constant 0 : i32
        %dma_start3A_369 = tpu.memref_slice %arg9[%dma_start3A_367, %dma_start3A_368] : memref<40x128xi32, #tpu.memory_space<vmem>> -> memref<40x128xi32, #tpu.memory_space<vmem>>
        %dma_start3A_370 = arith.constant 0 : i32
        %dma_start3A_371 = tpu.memref_slice %arg5[%add3A_302, %dma_start3A_370] : memref<2560x128xi32, #tpu.memory_space<hbm>> -> memref<40x128xi32, #tpu.memory_space<hbm>>
        %dma_start3A_372 = arith.constant 0 : i32
        %dma_start3A_373 = arith.constant 0 : i32
        %dma_start3A_374 = tpu.memref_slice %arg9[%dma_start3A_372, %dma_start3A_373] : memref<40x128xi32, #tpu.memory_space<vmem>> -> memref<40x128xi32, #tpu.memory_space<vmem>>
        %dma_start3A_375 = arith.constant 0 : i32
        %dma_start3A_376 = tpu.memref_slice %arg5[%add3A_302, %dma_start3A_375] : memref<2560x128xi32, #tpu.memory_space<hbm>> -> memref<40x128xi32, #tpu.memory_space<hbm>>
        tpu.enqueue_dma source(%dma_start3A_376 : memref<40x128xi32, #tpu.memory_space<hbm>>) target(%dma_start3A_374 : memref<40x128xi32, #tpu.memory_space<vmem>>) target_semaphore(%run_scoped3A : memref<!tpu.dma_semaphore, #tpu.memory_space<semaphore_mem>>)
        %dma_wait3A_377 = arith.constant 0 : i32
        %dma_wait3A_378 = arith.constant 0 : i32
        %dma_wait3A_379 = tpu.memref_slice %arg9[%dma_wait3A_377, %dma_wait3A_378] : memref<40x128xi32, #tpu.memory_space<vmem>> -> memref<40x128xi32, #tpu.memory_space<vmem>>
        %dma_wait3A_380 = arith.constant 0 : i32
        %dma_wait3A_381 = tpu.memref_slice %arg5[%add3A_302, %dma_wait3A_380] : memref<2560x128xi32, #tpu.memory_space<hbm>> -> memref<40x128xi32, #tpu.memory_space<hbm>>
        %dma_wait3A_382 = arith.constant 0 : i32
        %dma_wait3A_383 = arith.constant 0 : i32
        %dma_wait3A_384 = tpu.memref_slice %arg9[%dma_wait3A_382, %dma_wait3A_383] : memref<40x128xi32, #tpu.memory_space<vmem>> -> memref<40x128xi32, #tpu.memory_space<vmem>>
        %dma_wait3A_385 = arith.constant 0 : i32
        %dma_wait3A_386 = tpu.memref_slice %arg5[%add3A_302, %dma_wait3A_385] : memref<2560x128xi32, #tpu.memory_space<hbm>> -> memref<40x128xi32, #tpu.memory_space<hbm>>
        tpu.wait_dma2 semaphore(%run_scoped3A : memref<!tpu.dma_semaphore, #tpu.memory_space<semaphore_mem>>) src(%dma_wait3A_386 : memref<40x128xi32, #tpu.memory_space<hbm>>) dst(%dma_wait3A_384 : memref<40x128xi32, #tpu.memory_space<vmem>>)
        tpu.yield
      }) : () -> ()
      %dma_start3A_303 = arith.constant 0 : i32
      %dma_start3A_304 = arith.constant 0 : i32
      %dma_start3A_305 = tpu.memref_slice %arg8[%dma_start3A_303, %dma_start3A_304] : memref<40x128xi32, #tpu.memory_space<vmem>> -> memref<1x128xi32, #tpu.memory_space<vmem>>
      %dma_start3A_306 = tpu.memref_squeeze %dma_start3A_305 : memref<1x128xi32, #tpu.memory_space<vmem>> -> memref<128xi32, #tpu.memory_space<vmem>>
      %dma_start3A_307 = arith.constant 0 : i32
      %dma_start3A_308 = arith.constant 0 : i32
      %dma_start3A_309 = tpu.memref_slice %arg2[%dma_start3A_307, %dma_start3A_308] : memref<10240x128xf32, #tpu.memory_space<hbm>> -> memref<10240x128xf32, #tpu.memory_space<hbm>>
      tpu.enqueue_indirect_dma source(%dma_start3A_309 : memref<10240x128xf32, #tpu.memory_space<hbm>>) target(%arg10 : memref<128x128xf32, #tpu.memory_space<vmem>>) offsets(%dma_start3A_306 : memref<128xi32, #tpu.memory_space<vmem>>) semaphore(%arg13 : memref<!tpu.dma_semaphore, #tpu.memory_space<semaphore_mem>>)
      %scan3A_310 = arith.constant 0 : i32
      %scan3A_311 = arith.constant 0 : i32
      %scan3A_312 = arith.constant 20 : i32
      %scan3A_313 = arith.addi %scan3A_311, %scan3A_312 : i32
      %scan3A_314 = arith.constant 1 : i32
      scf.for %scan3A_367 = %scan3A_311 to %scan3A_313 step %scan3A_314  : i32 {
        %mul3A_368 = arith.constant 2 : i32
        %mul3A_369 = arith.muli %mul3A_368, %scan3A_367 : i32
        %gt3A = arith.constant 0 : i32
        %gt3A_370 = arith.cmpi sgt, %scan3A_367, %gt3A : i32
        %convert_element_type3A_371 = arith.extui %gt3A_370 : i1 to i32
        %cond3A_372 = arith.constant 0 : i32
        %cond3A_373 = arith.cmpi ne, %convert_element_type3A_371, %cond3A_372 : i32
        scf.if %cond3A_373 {
          %sub3A = arith.constant 1 : i32
          %sub3A_420 = arith.subi %mul3A_369, %sub3A : i32
          %dma_wait3A_421 = arith.constant 0 : i32
          %dma_wait3A_422 = tpu.memref_slice %arg9[%sub3A_420, %dma_wait3A_421] : memref<40x128xi32, #tpu.memory_space<vmem>> -> memref<1x128xi32, #tpu.memory_space<vmem>>
          %dma_wait3A_423 = tpu.memref_squeeze %dma_wait3A_422 : memref<1x128xi32, #tpu.memory_space<vmem>> -> memref<128xi32, #tpu.memory_space<vmem>>
          %dma_wait3A_424 = arith.constant 0 : i32
          %dma_wait3A_425 = arith.constant 0 : i32
          %dma_wait3A_426 = tpu.memref_slice %arg12[%dma_wait3A_424, %dma_wait3A_425] : memref<10112x128xf32, #tpu.memory_space<vmem_shared>> -> memref<10112x128xf32, #tpu.memory_space<vmem_shared>>
          tpu.wait_indirect_dma semaphore(%arg16 : memref<!tpu.dma_semaphore, #tpu.memory_space<semaphore_mem>>) src(%arg11 : memref<128x128xf32, #tpu.memory_space<vmem>>) dst(%dma_wait3A_426 : memref<10112x128xf32, #tpu.memory_space<vmem_shared>>)
        } else {
        }
        %add3A_374 = arith.constant 1 : i32
        %add3A_375 = arith.addi %mul3A_369, %add3A_374 : i32
        %dma_start3A_376 = arith.constant 0 : i32
        %dma_start3A_377 = tpu.memref_slice %arg8[%add3A_375, %dma_start3A_376] : memref<40x128xi32, #tpu.memory_space<vmem>> -> memref<1x128xi32, #tpu.memory_space<vmem>>
        %dma_start3A_378 = tpu.memref_squeeze %dma_start3A_377 : memref<1x128xi32, #tpu.memory_space<vmem>> -> memref<128xi32, #tpu.memory_space<vmem>>
        %dma_start3A_379 = arith.constant 0 : i32
        %dma_start3A_380 = arith.constant 0 : i32
        %dma_start3A_381 = tpu.memref_slice %arg2[%dma_start3A_379, %dma_start3A_380] : memref<10240x128xf32, #tpu.memory_space<hbm>> -> memref<10240x128xf32, #tpu.memory_space<hbm>>
        tpu.enqueue_indirect_dma source(%dma_start3A_381 : memref<10240x128xf32, #tpu.memory_space<hbm>>) target(%arg11 : memref<128x128xf32, #tpu.memory_space<vmem>>) offsets(%dma_start3A_378 : memref<128xi32, #tpu.memory_space<vmem>>) semaphore(%arg14 : memref<!tpu.dma_semaphore, #tpu.memory_space<semaphore_mem>>)
        %dma_wait3A_382 = arith.constant 0 : i32
        %dma_wait3A_383 = tpu.memref_slice %arg8[%mul3A_369, %dma_wait3A_382] : memref<40x128xi32, #tpu.memory_space<vmem>> -> memref<1x128xi32, #tpu.memory_space<vmem>>
        %dma_wait3A_384 = tpu.memref_squeeze %dma_wait3A_383 : memref<1x128xi32, #tpu.memory_space<vmem>> -> memref<128xi32, #tpu.memory_space<vmem>>
        %dma_wait3A_385 = arith.constant 0 : i32
        %dma_wait3A_386 = arith.constant 0 : i32
        %dma_wait3A_387 = tpu.memref_slice %arg2[%dma_wait3A_385, %dma_wait3A_386] : memref<10240x128xf32, #tpu.memory_space<hbm>> -> memref<10240x128xf32, #tpu.memory_space<hbm>>
        tpu.wait_indirect_dma semaphore(%arg13 : memref<!tpu.dma_semaphore, #tpu.memory_space<semaphore_mem>>) src(%dma_wait3A_387 : memref<10240x128xf32, #tpu.memory_space<hbm>>) dst(%arg10 : memref<128x128xf32, #tpu.memory_space<vmem>>)
        %dma_start3A_388 = arith.constant 0 : i32
        %dma_start3A_389 = tpu.memref_slice %arg9[%mul3A_369, %dma_start3A_388] : memref<40x128xi32, #tpu.memory_space<vmem>> -> memref<1x128xi32, #tpu.memory_space<vmem>>
        %dma_start3A_390 = tpu.memref_squeeze %dma_start3A_389 : memref<1x128xi32, #tpu.memory_space<vmem>> -> memref<128xi32, #tpu.memory_space<vmem>>
        %dma_start3A_391 = arith.constant 0 : i32
        %dma_start3A_392 = arith.constant 0 : i32
        %dma_start3A_393 = tpu.memref_slice %arg12[%dma_start3A_391, %dma_start3A_392] : memref<10112x128xf32, #tpu.memory_space<vmem_shared>> -> memref<10112x128xf32, #tpu.memory_space<vmem_shared>>
        tpu.enqueue_indirect_dma source(%arg10 : memref<128x128xf32, #tpu.memory_space<vmem>>) target(%dma_start3A_393 : memref<10112x128xf32, #tpu.memory_space<vmem_shared>>) offsets(%dma_start3A_390 : memref<128xi32, #tpu.memory_space<vmem>>) semaphore(%arg15 : memref<!tpu.dma_semaphore, #tpu.memory_space<semaphore_mem>>) {add = true}
        %dma_wait3A_394 = arith.constant 0 : i32
        %dma_wait3A_395 = tpu.memref_slice %arg9[%mul3A_369, %dma_wait3A_394] : memref<40x128xi32, #tpu.memory_space<vmem>> -> memref<1x128xi32, #tpu.memory_space<vmem>>
        %dma_wait3A_396 = tpu.memref_squeeze %dma_wait3A_395 : memref<1x128xi32, #tpu.memory_space<vmem>> -> memref<128xi32, #tpu.memory_space<vmem>>
        %dma_wait3A_397 = arith.constant 0 : i32
        %dma_wait3A_398 = arith.constant 0 : i32
        %dma_wait3A_399 = tpu.memref_slice %arg12[%dma_wait3A_397, %dma_wait3A_398] : memref<10112x128xf32, #tpu.memory_space<vmem_shared>> -> memref<10112x128xf32, #tpu.memory_space<vmem_shared>>
        tpu.wait_indirect_dma semaphore(%arg15 : memref<!tpu.dma_semaphore, #tpu.memory_space<semaphore_mem>>) src(%arg10 : memref<128x128xf32, #tpu.memory_space<vmem>>) dst(%dma_wait3A_399 : memref<10112x128xf32, #tpu.memory_space<vmem_shared>>)
        %lt3A = arith.constant 19 : i32
        %lt3A_400 = arith.cmpi slt, %scan3A_367, %lt3A : i32
        %convert_element_type3A_401 = arith.extui %lt3A_400 : i1 to i32
        %cond3A_402 = arith.constant 0 : i32
        %cond3A_403 = arith.cmpi ne, %convert_element_type3A_401, %cond3A_402 : i32
        scf.if %cond3A_403 {
          %add3A_420 = arith.constant 2 : i32
          %add3A_421 = arith.addi %mul3A_369, %add3A_420 : i32
          %dma_start3A_422 = arith.constant 0 : i32
          %dma_start3A_423 = tpu.memref_slice %arg8[%add3A_421, %dma_start3A_422] : memref<40x128xi32, #tpu.memory_space<vmem>> -> memref<1x128xi32, #tpu.memory_space<vmem>>
          %dma_start3A_424 = tpu.memref_squeeze %dma_start3A_423 : memref<1x128xi32, #tpu.memory_space<vmem>> -> memref<128xi32, #tpu.memory_space<vmem>>
          %dma_start3A_425 = arith.constant 0 : i32
          %dma_start3A_426 = arith.constant 0 : i32
          %dma_start3A_427 = tpu.memref_slice %arg2[%dma_start3A_425, %dma_start3A_426] : memref<10240x128xf32, #tpu.memory_space<hbm>> -> memref<10240x128xf32, #tpu.memory_space<hbm>>
          tpu.enqueue_indirect_dma source(%dma_start3A_427 : memref<10240x128xf32, #tpu.memory_space<hbm>>) target(%arg10 : memref<128x128xf32, #tpu.memory_space<vmem>>) offsets(%dma_start3A_424 : memref<128xi32, #tpu.memory_space<vmem>>) semaphore(%arg13 : memref<!tpu.dma_semaphore, #tpu.memory_space<semaphore_mem>>)
        } else {
        }
        %add3A_404 = arith.constant 1 : i32
        %add3A_405 = arith.addi %mul3A_369, %add3A_404 : i32
        %dma_wait3A_406 = arith.constant 0 : i32
        %dma_wait3A_407 = tpu.memref_slice %arg8[%add3A_405, %dma_wait3A_406] : memref<40x128xi32, #tpu.memory_space<vmem>> -> memref<1x128xi32, #tpu.memory_space<vmem>>
        %dma_wait3A_408 = tpu.memref_squeeze %dma_wait3A_407 : memref<1x128xi32, #tpu.memory_space<vmem>> -> memref<128xi32, #tpu.memory_space<vmem>>
        %dma_wait3A_409 = arith.constant 0 : i32
        %dma_wait3A_410 = arith.constant 0 : i32
        %dma_wait3A_411 = tpu.memref_slice %arg2[%dma_wait3A_409, %dma_wait3A_410] : memref<10240x128xf32, #tpu.memory_space<hbm>> -> memref<10240x128xf32, #tpu.memory_space<hbm>>
        tpu.wait_indirect_dma semaphore(%arg14 : memref<!tpu.dma_semaphore, #tpu.memory_space<semaphore_mem>>) src(%dma_wait3A_411 : memref<10240x128xf32, #tpu.memory_space<hbm>>) dst(%arg11 : memref<128x128xf32, #tpu.memory_space<vmem>>)
        %add3A_412 = arith.constant 1 : i32
        %add3A_413 = arith.addi %mul3A_369, %add3A_412 : i32
        %dma_start3A_414 = arith.constant 0 : i32
        %dma_start3A_415 = tpu.memref_slice %arg9[%add3A_413, %dma_start3A_414] : memref<40x128xi32, #tpu.memory_space<vmem>> -> memref<1x128xi32, #tpu.memory_space<vmem>>
        %dma_start3A_416 = tpu.memref_squeeze %dma_start3A_415 : memref<1x128xi32, #tpu.memory_space<vmem>> -> memref<128xi32, #tpu.memory_space<vmem>>
        %dma_start3A_417 = arith.constant 0 : i32
        %dma_start3A_418 = arith.constant 0 : i32
        %dma_start3A_419 = tpu.memref_slice %arg12[%dma_start3A_417, %dma_start3A_418] : memref<10112x128xf32, #tpu.memory_space<vmem_shared>> -> memref<10112x128xf32, #tpu.memory_space<vmem_shared>>
        tpu.enqueue_indirect_dma source(%arg11 : memref<128x128xf32, #tpu.memory_space<vmem>>) target(%dma_start3A_419 : memref<10112x128xf32, #tpu.memory_space<vmem_shared>>) offsets(%dma_start3A_416 : memref<128xi32, #tpu.memory_space<vmem>>) semaphore(%arg16 : memref<!tpu.dma_semaphore, #tpu.memory_space<semaphore_mem>>) {add = true}
      }
      %scan3A_315 = arith.constant 20 : i32
      %dma_wait3A_316 = arith.constant 39 : i32
      %dma_wait3A_317 = arith.constant 0 : i32
      %dma_wait3A_318 = tpu.memref_slice %arg9[%dma_wait3A_316, %dma_wait3A_317] : memref<40x128xi32, #tpu.memory_space<vmem>> -> memref<1x128xi32, #tpu.memory_space<vmem>>
      %dma_wait3A_319 = tpu.memref_squeeze %dma_wait3A_318 : memref<1x128xi32, #tpu.memory_space<vmem>> -> memref<128xi32, #tpu.memory_space<vmem>>
      %dma_wait3A_320 = arith.constant 0 : i32
      %dma_wait3A_321 = arith.constant 0 : i32
      %dma_wait3A_322 = tpu.memref_slice %arg12[%dma_wait3A_320, %dma_wait3A_321] : memref<10112x128xf32, #tpu.memory_space<vmem_shared>> -> memref<10112x128xf32, #tpu.memory_space<vmem_shared>>
      tpu.wait_indirect_dma semaphore(%arg16 : memref<!tpu.dma_semaphore, #tpu.memory_space<semaphore_mem>>) src(%arg11 : memref<128x128xf32, #tpu.memory_space<vmem>>) dst(%dma_wait3A_322 : memref<10112x128xf32, #tpu.memory_space<vmem_shared>>)
      %add3A_323 = arith.constant 80 : i32
      %add3A_324 = arith.addi %add3A_279, %add3A_323 : i32
      "tpu.region"() ({
        %run_scoped3A = tpu.sem_alloc : memref<!tpu.dma_semaphore, #tpu.memory_space<semaphore_mem>>
        %dma_start3A_367 = arith.constant 0 : i32
        %dma_start3A_368 = arith.constant 0 : i32
        %dma_start3A_369 = tpu.memref_slice %arg8[%dma_start3A_367, %dma_start3A_368] : memref<40x128xi32, #tpu.memory_space<vmem>> -> memref<40x128xi32, #tpu.memory_space<vmem>>
        %dma_start3A_370 = arith.constant 0 : i32
        %dma_start3A_371 = tpu.memref_slice %arg4[%add3A_324, %dma_start3A_370] : memref<2560x128xi32, #tpu.memory_space<hbm>> -> memref<40x128xi32, #tpu.memory_space<hbm>>
        %dma_start3A_372 = arith.constant 0 : i32
        %dma_start3A_373 = arith.constant 0 : i32
        %dma_start3A_374 = tpu.memref_slice %arg8[%dma_start3A_372, %dma_start3A_373] : memref<40x128xi32, #tpu.memory_space<vmem>> -> memref<40x128xi32, #tpu.memory_space<vmem>>
        %dma_start3A_375 = arith.constant 0 : i32
        %dma_start3A_376 = tpu.memref_slice %arg4[%add3A_324, %dma_start3A_375] : memref<2560x128xi32, #tpu.memory_space<hbm>> -> memref<40x128xi32, #tpu.memory_space<hbm>>
        tpu.enqueue_dma source(%dma_start3A_376 : memref<40x128xi32, #tpu.memory_space<hbm>>) target(%dma_start3A_374 : memref<40x128xi32, #tpu.memory_space<vmem>>) target_semaphore(%run_scoped3A : memref<!tpu.dma_semaphore, #tpu.memory_space<semaphore_mem>>)
        %dma_wait3A_377 = arith.constant 0 : i32
        %dma_wait3A_378 = arith.constant 0 : i32
        %dma_wait3A_379 = tpu.memref_slice %arg8[%dma_wait3A_377, %dma_wait3A_378] : memref<40x128xi32, #tpu.memory_space<vmem>> -> memref<40x128xi32, #tpu.memory_space<vmem>>
        %dma_wait3A_380 = arith.constant 0 : i32
        %dma_wait3A_381 = tpu.memref_slice %arg4[%add3A_324, %dma_wait3A_380] : memref<2560x128xi32, #tpu.memory_space<hbm>> -> memref<40x128xi32, #tpu.memory_space<hbm>>
        %dma_wait3A_382 = arith.constant 0 : i32
        %dma_wait3A_383 = arith.constant 0 : i32
        %dma_wait3A_384 = tpu.memref_slice %arg8[%dma_wait3A_382, %dma_wait3A_383] : memref<40x128xi32, #tpu.memory_space<vmem>> -> memref<40x128xi32, #tpu.memory_space<vmem>>
        %dma_wait3A_385 = arith.constant 0 : i32
        %dma_wait3A_386 = tpu.memref_slice %arg4[%add3A_324, %dma_wait3A_385] : memref<2560x128xi32, #tpu.memory_space<hbm>> -> memref<40x128xi32, #tpu.memory_space<hbm>>
        tpu.wait_dma2 semaphore(%run_scoped3A : memref<!tpu.dma_semaphore, #tpu.memory_space<semaphore_mem>>) src(%dma_wait3A_386 : memref<40x128xi32, #tpu.memory_space<hbm>>) dst(%dma_wait3A_384 : memref<40x128xi32, #tpu.memory_space<vmem>>)
        tpu.yield
      }) : () -> ()
      "tpu.region"() ({
        %run_scoped3A = tpu.sem_alloc : memref<!tpu.dma_semaphore, #tpu.memory_space<semaphore_mem>>
        %dma_start3A_367 = arith.constant 0 : i32
        %dma_start3A_368 = arith.constant 0 : i32
        %dma_start3A_369 = tpu.memref_slice %arg9[%dma_start3A_367, %dma_start3A_368] : memref<40x128xi32, #tpu.memory_space<vmem>> -> memref<40x128xi32, #tpu.memory_space<vmem>>
        %dma_start3A_370 = arith.constant 0 : i32
        %dma_start3A_371 = tpu.memref_slice %arg5[%add3A_324, %dma_start3A_370] : memref<2560x128xi32, #tpu.memory_space<hbm>> -> memref<40x128xi32, #tpu.memory_space<hbm>>
        %dma_start3A_372 = arith.constant 0 : i32
        %dma_start3A_373 = arith.constant 0 : i32
        %dma_start3A_374 = tpu.memref_slice %arg9[%dma_start3A_372, %dma_start3A_373] : memref<40x128xi32, #tpu.memory_space<vmem>> -> memref<40x128xi32, #tpu.memory_space<vmem>>
        %dma_start3A_375 = arith.constant 0 : i32
        %dma_start3A_376 = tpu.memref_slice %arg5[%add3A_324, %dma_start3A_375] : memref<2560x128xi32, #tpu.memory_space<hbm>> -> memref<40x128xi32, #tpu.memory_space<hbm>>
        tpu.enqueue_dma source(%dma_start3A_376 : memref<40x128xi32, #tpu.memory_space<hbm>>) target(%dma_start3A_374 : memref<40x128xi32, #tpu.memory_space<vmem>>) target_semaphore(%run_scoped3A : memref<!tpu.dma_semaphore, #tpu.memory_space<semaphore_mem>>)
        %dma_wait3A_377 = arith.constant 0 : i32
        %dma_wait3A_378 = arith.constant 0 : i32
        %dma_wait3A_379 = tpu.memref_slice %arg9[%dma_wait3A_377, %dma_wait3A_378] : memref<40x128xi32, #tpu.memory_space<vmem>> -> memref<40x128xi32, #tpu.memory_space<vmem>>
        %dma_wait3A_380 = arith.constant 0 : i32
        %dma_wait3A_381 = tpu.memref_slice %arg5[%add3A_324, %dma_wait3A_380] : memref<2560x128xi32, #tpu.memory_space<hbm>> -> memref<40x128xi32, #tpu.memory_space<hbm>>
        %dma_wait3A_382 = arith.constant 0 : i32
        %dma_wait3A_383 = arith.constant 0 : i32
        %dma_wait3A_384 = tpu.memref_slice %arg9[%dma_wait3A_382, %dma_wait3A_383] : memref<40x128xi32, #tpu.memory_space<vmem>> -> memref<40x128xi32, #tpu.memory_space<vmem>>
        %dma_wait3A_385 = arith.constant 0 : i32
        %dma_wait3A_386 = tpu.memref_slice %arg5[%add3A_324, %dma_wait3A_385] : memref<2560x128xi32, #tpu.memory_space<hbm>> -> memref<40x128xi32, #tpu.memory_space<hbm>>
        tpu.wait_dma2 semaphore(%run_scoped3A : memref<!tpu.dma_semaphore, #tpu.memory_space<semaphore_mem>>) src(%dma_wait3A_386 : memref<40x128xi32, #tpu.memory_space<hbm>>) dst(%dma_wait3A_384 : memref<40x128xi32, #tpu.memory_space<vmem>>)
        tpu.yield
      }) : () -> ()
      %dma_start3A_325 = arith.constant 0 : i32
      %dma_start3A_326 = arith.constant 0 : i32
      %dma_start3A_327 = tpu.memref_slice %arg8[%dma_start3A_325, %dma_start3A_326] : memref<40x128xi32, #tpu.memory_space<vmem>> -> memref<1x128xi32, #tpu.memory_space<vmem>>
      %dma_start3A_328 = tpu.memref_squeeze %dma_start3A_327 : memref<1x128xi32, #tpu.memory_space<vmem>> -> memref<128xi32, #tpu.memory_space<vmem>>
      %dma_start3A_329 = arith.constant 0 : i32
      %dma_start3A_330 = arith.constant 0 : i32
      %dma_start3A_331 = tpu.memref_slice %arg2[%dma_start3A_329, %dma_start3A_330] : memref<10240x128xf32, #tpu.memory_space<hbm>> -> memref<10240x128xf32, #tpu.memory_space<hbm>>
      tpu.enqueue_indirect_dma source(%dma_start3A_331 : memref<10240x128xf32, #tpu.memory_space<hbm>>) target(%arg10 : memref<128x128xf32, #tpu.memory_space<vmem>>) offsets(%dma_start3A_328 : memref<128xi32, #tpu.memory_space<vmem>>) semaphore(%arg13 : memref<!tpu.dma_semaphore, #tpu.memory_space<semaphore_mem>>)
      %scan3A_332 = arith.constant 0 : i32
      %scan3A_333 = arith.constant 0 : i32
      %scan3A_334 = arith.constant 20 : i32
      %scan3A_335 = arith.addi %scan3A_333, %scan3A_334 : i32
      %scan3A_336 = arith.constant 1 : i32
      scf.for %scan3A_367 = %scan3A_333 to %scan3A_335 step %scan3A_336  : i32 {
        %mul3A_368 = arith.constant 2 : i32
        %mul3A_369 = arith.muli %mul3A_368, %scan3A_367 : i32
        %gt3A = arith.constant 0 : i32
        %gt3A_370 = arith.cmpi sgt, %scan3A_367, %gt3A : i32
        %convert_element_type3A_371 = arith.extui %gt3A_370 : i1 to i32
        %cond3A_372 = arith.constant 0 : i32
        %cond3A_373 = arith.cmpi ne, %convert_element_type3A_371, %cond3A_372 : i32
        scf.if %cond3A_373 {
          %sub3A = arith.constant 1 : i32
          %sub3A_420 = arith.subi %mul3A_369, %sub3A : i32
          %dma_wait3A_421 = arith.constant 0 : i32
          %dma_wait3A_422 = tpu.memref_slice %arg9[%sub3A_420, %dma_wait3A_421] : memref<40x128xi32, #tpu.memory_space<vmem>> -> memref<1x128xi32, #tpu.memory_space<vmem>>
          %dma_wait3A_423 = tpu.memref_squeeze %dma_wait3A_422 : memref<1x128xi32, #tpu.memory_space<vmem>> -> memref<128xi32, #tpu.memory_space<vmem>>
          %dma_wait3A_424 = arith.constant 0 : i32
          %dma_wait3A_425 = arith.constant 0 : i32
          %dma_wait3A_426 = tpu.memref_slice %arg12[%dma_wait3A_424, %dma_wait3A_425] : memref<10112x128xf32, #tpu.memory_space<vmem_shared>> -> memref<10112x128xf32, #tpu.memory_space<vmem_shared>>
          tpu.wait_indirect_dma semaphore(%arg16 : memref<!tpu.dma_semaphore, #tpu.memory_space<semaphore_mem>>) src(%arg11 : memref<128x128xf32, #tpu.memory_space<vmem>>) dst(%dma_wait3A_426 : memref<10112x128xf32, #tpu.memory_space<vmem_shared>>)
        } else {
        }
        %add3A_374 = arith.constant 1 : i32
        %add3A_375 = arith.addi %mul3A_369, %add3A_374 : i32
        %dma_start3A_376 = arith.constant 0 : i32
        %dma_start3A_377 = tpu.memref_slice %arg8[%add3A_375, %dma_start3A_376] : memref<40x128xi32, #tpu.memory_space<vmem>> -> memref<1x128xi32, #tpu.memory_space<vmem>>
        %dma_start3A_378 = tpu.memref_squeeze %dma_start3A_377 : memref<1x128xi32, #tpu.memory_space<vmem>> -> memref<128xi32, #tpu.memory_space<vmem>>
        %dma_start3A_379 = arith.constant 0 : i32
        %dma_start3A_380 = arith.constant 0 : i32
        %dma_start3A_381 = tpu.memref_slice %arg2[%dma_start3A_379, %dma_start3A_380] : memref<10240x128xf32, #tpu.memory_space<hbm>> -> memref<10240x128xf32, #tpu.memory_space<hbm>>
        tpu.enqueue_indirect_dma source(%dma_start3A_381 : memref<10240x128xf32, #tpu.memory_space<hbm>>) target(%arg11 : memref<128x128xf32, #tpu.memory_space<vmem>>) offsets(%dma_start3A_378 : memref<128xi32, #tpu.memory_space<vmem>>) semaphore(%arg14 : memref<!tpu.dma_semaphore, #tpu.memory_space<semaphore_mem>>)
        %dma_wait3A_382 = arith.constant 0 : i32
        %dma_wait3A_383 = tpu.memref_slice %arg8[%mul3A_369, %dma_wait3A_382] : memref<40x128xi32, #tpu.memory_space<vmem>> -> memref<1x128xi32, #tpu.memory_space<vmem>>
        %dma_wait3A_384 = tpu.memref_squeeze %dma_wait3A_383 : memref<1x128xi32, #tpu.memory_space<vmem>> -> memref<128xi32, #tpu.memory_space<vmem>>
        %dma_wait3A_385 = arith.constant 0 : i32
        %dma_wait3A_386 = arith.constant 0 : i32
        %dma_wait3A_387 = tpu.memref_slice %arg2[%dma_wait3A_385, %dma_wait3A_386] : memref<10240x128xf32, #tpu.memory_space<hbm>> -> memref<10240x128xf32, #tpu.memory_space<hbm>>
        tpu.wait_indirect_dma semaphore(%arg13 : memref<!tpu.dma_semaphore, #tpu.memory_space<semaphore_mem>>) src(%dma_wait3A_387 : memref<10240x128xf32, #tpu.memory_space<hbm>>) dst(%arg10 : memref<128x128xf32, #tpu.memory_space<vmem>>)
        %dma_start3A_388 = arith.constant 0 : i32
        %dma_start3A_389 = tpu.memref_slice %arg9[%mul3A_369, %dma_start3A_388] : memref<40x128xi32, #tpu.memory_space<vmem>> -> memref<1x128xi32, #tpu.memory_space<vmem>>
        %dma_start3A_390 = tpu.memref_squeeze %dma_start3A_389 : memref<1x128xi32, #tpu.memory_space<vmem>> -> memref<128xi32, #tpu.memory_space<vmem>>
        %dma_start3A_391 = arith.constant 0 : i32
        %dma_start3A_392 = arith.constant 0 : i32
        %dma_start3A_393 = tpu.memref_slice %arg12[%dma_start3A_391, %dma_start3A_392] : memref<10112x128xf32, #tpu.memory_space<vmem_shared>> -> memref<10112x128xf32, #tpu.memory_space<vmem_shared>>
        tpu.enqueue_indirect_dma source(%arg10 : memref<128x128xf32, #tpu.memory_space<vmem>>) target(%dma_start3A_393 : memref<10112x128xf32, #tpu.memory_space<vmem_shared>>) offsets(%dma_start3A_390 : memref<128xi32, #tpu.memory_space<vmem>>) semaphore(%arg15 : memref<!tpu.dma_semaphore, #tpu.memory_space<semaphore_mem>>) {add = true}
        %dma_wait3A_394 = arith.constant 0 : i32
        %dma_wait3A_395 = tpu.memref_slice %arg9[%mul3A_369, %dma_wait3A_394] : memref<40x128xi32, #tpu.memory_space<vmem>> -> memref<1x128xi32, #tpu.memory_space<vmem>>
        %dma_wait3A_396 = tpu.memref_squeeze %dma_wait3A_395 : memref<1x128xi32, #tpu.memory_space<vmem>> -> memref<128xi32, #tpu.memory_space<vmem>>
        %dma_wait3A_397 = arith.constant 0 : i32
        %dma_wait3A_398 = arith.constant 0 : i32
        %dma_wait3A_399 = tpu.memref_slice %arg12[%dma_wait3A_397, %dma_wait3A_398] : memref<10112x128xf32, #tpu.memory_space<vmem_shared>> -> memref<10112x128xf32, #tpu.memory_space<vmem_shared>>
        tpu.wait_indirect_dma semaphore(%arg15 : memref<!tpu.dma_semaphore, #tpu.memory_space<semaphore_mem>>) src(%arg10 : memref<128x128xf32, #tpu.memory_space<vmem>>) dst(%dma_wait3A_399 : memref<10112x128xf32, #tpu.memory_space<vmem_shared>>)
        %lt3A = arith.constant 19 : i32
        %lt3A_400 = arith.cmpi slt, %scan3A_367, %lt3A : i32
        %convert_element_type3A_401 = arith.extui %lt3A_400 : i1 to i32
        %cond3A_402 = arith.constant 0 : i32
        %cond3A_403 = arith.cmpi ne, %convert_element_type3A_401, %cond3A_402 : i32
        scf.if %cond3A_403 {
          %add3A_420 = arith.constant 2 : i32
          %add3A_421 = arith.addi %mul3A_369, %add3A_420 : i32
          %dma_start3A_422 = arith.constant 0 : i32
          %dma_start3A_423 = tpu.memref_slice %arg8[%add3A_421, %dma_start3A_422] : memref<40x128xi32, #tpu.memory_space<vmem>> -> memref<1x128xi32, #tpu.memory_space<vmem>>
          %dma_start3A_424 = tpu.memref_squeeze %dma_start3A_423 : memref<1x128xi32, #tpu.memory_space<vmem>> -> memref<128xi32, #tpu.memory_space<vmem>>
          %dma_start3A_425 = arith.constant 0 : i32
          %dma_start3A_426 = arith.constant 0 : i32
          %dma_start3A_427 = tpu.memref_slice %arg2[%dma_start3A_425, %dma_start3A_426] : memref<10240x128xf32, #tpu.memory_space<hbm>> -> memref<10240x128xf32, #tpu.memory_space<hbm>>
          tpu.enqueue_indirect_dma source(%dma_start3A_427 : memref<10240x128xf32, #tpu.memory_space<hbm>>) target(%arg10 : memref<128x128xf32, #tpu.memory_space<vmem>>) offsets(%dma_start3A_424 : memref<128xi32, #tpu.memory_space<vmem>>) semaphore(%arg13 : memref<!tpu.dma_semaphore, #tpu.memory_space<semaphore_mem>>)
        } else {
        }
        %add3A_404 = arith.constant 1 : i32
        %add3A_405 = arith.addi %mul3A_369, %add3A_404 : i32
        %dma_wait3A_406 = arith.constant 0 : i32
        %dma_wait3A_407 = tpu.memref_slice %arg8[%add3A_405, %dma_wait3A_406] : memref<40x128xi32, #tpu.memory_space<vmem>> -> memref<1x128xi32, #tpu.memory_space<vmem>>
        %dma_wait3A_408 = tpu.memref_squeeze %dma_wait3A_407 : memref<1x128xi32, #tpu.memory_space<vmem>> -> memref<128xi32, #tpu.memory_space<vmem>>
        %dma_wait3A_409 = arith.constant 0 : i32
        %dma_wait3A_410 = arith.constant 0 : i32
        %dma_wait3A_411 = tpu.memref_slice %arg2[%dma_wait3A_409, %dma_wait3A_410] : memref<10240x128xf32, #tpu.memory_space<hbm>> -> memref<10240x128xf32, #tpu.memory_space<hbm>>
        tpu.wait_indirect_dma semaphore(%arg14 : memref<!tpu.dma_semaphore, #tpu.memory_space<semaphore_mem>>) src(%dma_wait3A_411 : memref<10240x128xf32, #tpu.memory_space<hbm>>) dst(%arg11 : memref<128x128xf32, #tpu.memory_space<vmem>>)
        %add3A_412 = arith.constant 1 : i32
        %add3A_413 = arith.addi %mul3A_369, %add3A_412 : i32
        %dma_start3A_414 = arith.constant 0 : i32
        %dma_start3A_415 = tpu.memref_slice %arg9[%add3A_413, %dma_start3A_414] : memref<40x128xi32, #tpu.memory_space<vmem>> -> memref<1x128xi32, #tpu.memory_space<vmem>>
        %dma_start3A_416 = tpu.memref_squeeze %dma_start3A_415 : memref<1x128xi32, #tpu.memory_space<vmem>> -> memref<128xi32, #tpu.memory_space<vmem>>
        %dma_start3A_417 = arith.constant 0 : i32
        %dma_start3A_418 = arith.constant 0 : i32
        %dma_start3A_419 = tpu.memref_slice %arg12[%dma_start3A_417, %dma_start3A_418] : memref<10112x128xf32, #tpu.memory_space<vmem_shared>> -> memref<10112x128xf32, #tpu.memory_space<vmem_shared>>
        tpu.enqueue_indirect_dma source(%arg11 : memref<128x128xf32, #tpu.memory_space<vmem>>) target(%dma_start3A_419 : memref<10112x128xf32, #tpu.memory_space<vmem_shared>>) offsets(%dma_start3A_416 : memref<128xi32, #tpu.memory_space<vmem>>) semaphore(%arg16 : memref<!tpu.dma_semaphore, #tpu.memory_space<semaphore_mem>>) {add = true}
      }
      %scan3A_337 = arith.constant 20 : i32
      %dma_wait3A_338 = arith.constant 39 : i32
      %dma_wait3A_339 = arith.constant 0 : i32
      %dma_wait3A_340 = tpu.memref_slice %arg9[%dma_wait3A_338, %dma_wait3A_339] : memref<40x128xi32, #tpu.memory_space<vmem>> -> memref<1x128xi32, #tpu.memory_space<vmem>>
      %dma_wait3A_341 = tpu.memref_squeeze %dma_wait3A_340 : memref<1x128xi32, #tpu.memory_space<vmem>> -> memref<128xi32, #tpu.memory_space<vmem>>
      %dma_wait3A_342 = arith.constant 0 : i32
      %dma_wait3A_343 = arith.constant 0 : i32
      %dma_wait3A_344 = tpu.memref_slice %arg12[%dma_wait3A_342, %dma_wait3A_343] : memref<10112x128xf32, #tpu.memory_space<vmem_shared>> -> memref<10112x128xf32, #tpu.memory_space<vmem_shared>>
      tpu.wait_indirect_dma semaphore(%arg16 : memref<!tpu.dma_semaphore, #tpu.memory_space<semaphore_mem>>) src(%arg11 : memref<128x128xf32, #tpu.memory_space<vmem>>) dst(%dma_wait3A_344 : memref<10112x128xf32, #tpu.memory_space<vmem_shared>>)
      %add3A_345 = arith.constant 120 : i32
      %add3A_346 = arith.addi %add3A_279, %add3A_345 : i32
      "tpu.region"() ({
        %run_scoped3A = tpu.sem_alloc : memref<!tpu.dma_semaphore, #tpu.memory_space<semaphore_mem>>
        %dma_start3A_367 = arith.constant 0 : i32
        %dma_start3A_368 = arith.constant 0 : i32
        %dma_start3A_369 = tpu.memref_slice %arg8[%dma_start3A_367, %dma_start3A_368] : memref<40x128xi32, #tpu.memory_space<vmem>> -> memref<32x128xi32, #tpu.memory_space<vmem>>
        %dma_start3A_370 = arith.constant 0 : i32
        %dma_start3A_371 = tpu.memref_slice %arg4[%add3A_346, %dma_start3A_370] : memref<2560x128xi32, #tpu.memory_space<hbm>> -> memref<32x128xi32, #tpu.memory_space<hbm>>
        %dma_start3A_372 = arith.constant 0 : i32
        %dma_start3A_373 = arith.constant 0 : i32
        %dma_start3A_374 = tpu.memref_slice %arg8[%dma_start3A_372, %dma_start3A_373] : memref<40x128xi32, #tpu.memory_space<vmem>> -> memref<32x128xi32, #tpu.memory_space<vmem>>
        %dma_start3A_375 = arith.constant 0 : i32
        %dma_start3A_376 = tpu.memref_slice %arg4[%add3A_346, %dma_start3A_375] : memref<2560x128xi32, #tpu.memory_space<hbm>> -> memref<32x128xi32, #tpu.memory_space<hbm>>
        tpu.enqueue_dma source(%dma_start3A_376 : memref<32x128xi32, #tpu.memory_space<hbm>>) target(%dma_start3A_374 : memref<32x128xi32, #tpu.memory_space<vmem>>) target_semaphore(%run_scoped3A : memref<!tpu.dma_semaphore, #tpu.memory_space<semaphore_mem>>)
        %dma_wait3A_377 = arith.constant 0 : i32
        %dma_wait3A_378 = arith.constant 0 : i32
        %dma_wait3A_379 = tpu.memref_slice %arg8[%dma_wait3A_377, %dma_wait3A_378] : memref<40x128xi32, #tpu.memory_space<vmem>> -> memref<32x128xi32, #tpu.memory_space<vmem>>
        %dma_wait3A_380 = arith.constant 0 : i32
        %dma_wait3A_381 = tpu.memref_slice %arg4[%add3A_346, %dma_wait3A_380] : memref<2560x128xi32, #tpu.memory_space<hbm>> -> memref<32x128xi32, #tpu.memory_space<hbm>>
        %dma_wait3A_382 = arith.constant 0 : i32
        %dma_wait3A_383 = arith.constant 0 : i32
        %dma_wait3A_384 = tpu.memref_slice %arg8[%dma_wait3A_382, %dma_wait3A_383] : memref<40x128xi32, #tpu.memory_space<vmem>> -> memref<32x128xi32, #tpu.memory_space<vmem>>
        %dma_wait3A_385 = arith.constant 0 : i32
        %dma_wait3A_386 = tpu.memref_slice %arg4[%add3A_346, %dma_wait3A_385] : memref<2560x128xi32, #tpu.memory_space<hbm>> -> memref<32x128xi32, #tpu.memory_space<hbm>>
        tpu.wait_dma2 semaphore(%run_scoped3A : memref<!tpu.dma_semaphore, #tpu.memory_space<semaphore_mem>>) src(%dma_wait3A_386 : memref<32x128xi32, #tpu.memory_space<hbm>>) dst(%dma_wait3A_384 : memref<32x128xi32, #tpu.memory_space<vmem>>)
        tpu.yield
      }) : () -> ()
      "tpu.region"() ({
        %run_scoped3A = tpu.sem_alloc : memref<!tpu.dma_semaphore, #tpu.memory_space<semaphore_mem>>
        %dma_start3A_367 = arith.constant 0 : i32
        %dma_start3A_368 = arith.constant 0 : i32
        %dma_start3A_369 = tpu.memref_slice %arg9[%dma_start3A_367, %dma_start3A_368] : memref<40x128xi32, #tpu.memory_space<vmem>> -> memref<32x128xi32, #tpu.memory_space<vmem>>
        %dma_start3A_370 = arith.constant 0 : i32
        %dma_start3A_371 = tpu.memref_slice %arg5[%add3A_346, %dma_start3A_370] : memref<2560x128xi32, #tpu.memory_space<hbm>> -> memref<32x128xi32, #tpu.memory_space<hbm>>
        %dma_start3A_372 = arith.constant 0 : i32
        %dma_start3A_373 = arith.constant 0 : i32
        %dma_start3A_374 = tpu.memref_slice %arg9[%dma_start3A_372, %dma_start3A_373] : memref<40x128xi32, #tpu.memory_space<vmem>> -> memref<32x128xi32, #tpu.memory_space<vmem>>
        %dma_start3A_375 = arith.constant 0 : i32
        %dma_start3A_376 = tpu.memref_slice %arg5[%add3A_346, %dma_start3A_375] : memref<2560x128xi32, #tpu.memory_space<hbm>> -> memref<32x128xi32, #tpu.memory_space<hbm>>
        tpu.enqueue_dma source(%dma_start3A_376 : memref<32x128xi32, #tpu.memory_space<hbm>>) target(%dma_start3A_374 : memref<32x128xi32, #tpu.memory_space<vmem>>) target_semaphore(%run_scoped3A : memref<!tpu.dma_semaphore, #tpu.memory_space<semaphore_mem>>)
        %dma_wait3A_377 = arith.constant 0 : i32
        %dma_wait3A_378 = arith.constant 0 : i32
        %dma_wait3A_379 = tpu.memref_slice %arg9[%dma_wait3A_377, %dma_wait3A_378] : memref<40x128xi32, #tpu.memory_space<vmem>> -> memref<32x128xi32, #tpu.memory_space<vmem>>
        %dma_wait3A_380 = arith.constant 0 : i32
        %dma_wait3A_381 = tpu.memref_slice %arg5[%add3A_346, %dma_wait3A_380] : memref<2560x128xi32, #tpu.memory_space<hbm>> -> memref<32x128xi32, #tpu.memory_space<hbm>>
        %dma_wait3A_382 = arith.constant 0 : i32
        %dma_wait3A_383 = arith.constant 0 : i32
        %dma_wait3A_384 = tpu.memref_slice %arg9[%dma_wait3A_382, %dma_wait3A_383] : memref<40x128xi32, #tpu.memory_space<vmem>> -> memref<32x128xi32, #tpu.memory_space<vmem>>
        %dma_wait3A_385 = arith.constant 0 : i32
        %dma_wait3A_386 = tpu.memref_slice %arg5[%add3A_346, %dma_wait3A_385] : memref<2560x128xi32, #tpu.memory_space<hbm>> -> memref<32x128xi32, #tpu.memory_space<hbm>>
        tpu.wait_dma2 semaphore(%run_scoped3A : memref<!tpu.dma_semaphore, #tpu.memory_space<semaphore_mem>>) src(%dma_wait3A_386 : memref<32x128xi32, #tpu.memory_space<hbm>>) dst(%dma_wait3A_384 : memref<32x128xi32, #tpu.memory_space<vmem>>)
        tpu.yield
      }) : () -> ()
      %dma_start3A_347 = arith.constant 0 : i32
      %dma_start3A_348 = arith.constant 0 : i32
      %dma_start3A_349 = tpu.memref_slice %arg8[%dma_start3A_347, %dma_start3A_348] : memref<40x128xi32, #tpu.memory_space<vmem>> -> memref<1x128xi32, #tpu.memory_space<vmem>>
      %dma_start3A_350 = tpu.memref_squeeze %dma_start3A_349 : memref<1x128xi32, #tpu.memory_space<vmem>> -> memref<128xi32, #tpu.memory_space<vmem>>
      %dma_start3A_351 = arith.constant 0 : i32
      %dma_start3A_352 = arith.constant 0 : i32
      %dma_start3A_353 = tpu.memref_slice %arg2[%dma_start3A_351, %dma_start3A_352] : memref<10240x128xf32, #tpu.memory_space<hbm>> -> memref<10240x128xf32, #tpu.memory_space<hbm>>
      tpu.enqueue_indirect_dma source(%dma_start3A_353 : memref<10240x128xf32, #tpu.memory_space<hbm>>) target(%arg10 : memref<128x128xf32, #tpu.memory_space<vmem>>) offsets(%dma_start3A_350 : memref<128xi32, #tpu.memory_space<vmem>>) semaphore(%arg13 : memref<!tpu.dma_semaphore, #tpu.memory_space<semaphore_mem>>)
      %scan3A_354 = arith.constant 0 : i32
      %scan3A_355 = arith.constant 0 : i32
      %scan3A_356 = arith.constant 16 : i32
      %scan3A_357 = arith.addi %scan3A_355, %scan3A_356 : i32
      %scan3A_358 = arith.constant 1 : i32
      scf.for %scan3A_367 = %scan3A_355 to %scan3A_357 step %scan3A_358  : i32 {
        %mul3A_368 = arith.constant 2 : i32
        %mul3A_369 = arith.muli %mul3A_368, %scan3A_367 : i32
        %gt3A = arith.constant 0 : i32
        %gt3A_370 = arith.cmpi sgt, %scan3A_367, %gt3A : i32
        %convert_element_type3A_371 = arith.extui %gt3A_370 : i1 to i32
        %cond3A_372 = arith.constant 0 : i32
        %cond3A_373 = arith.cmpi ne, %convert_element_type3A_371, %cond3A_372 : i32
        scf.if %cond3A_373 {
          %sub3A = arith.constant 1 : i32
          %sub3A_420 = arith.subi %mul3A_369, %sub3A : i32
          %dma_wait3A_421 = arith.constant 0 : i32
          %dma_wait3A_422 = tpu.memref_slice %arg9[%sub3A_420, %dma_wait3A_421] : memref<40x128xi32, #tpu.memory_space<vmem>> -> memref<1x128xi32, #tpu.memory_space<vmem>>
          %dma_wait3A_423 = tpu.memref_squeeze %dma_wait3A_422 : memref<1x128xi32, #tpu.memory_space<vmem>> -> memref<128xi32, #tpu.memory_space<vmem>>
          %dma_wait3A_424 = arith.constant 0 : i32
          %dma_wait3A_425 = arith.constant 0 : i32
          %dma_wait3A_426 = tpu.memref_slice %arg12[%dma_wait3A_424, %dma_wait3A_425] : memref<10112x128xf32, #tpu.memory_space<vmem_shared>> -> memref<10112x128xf32, #tpu.memory_space<vmem_shared>>
          tpu.wait_indirect_dma semaphore(%arg16 : memref<!tpu.dma_semaphore, #tpu.memory_space<semaphore_mem>>) src(%arg11 : memref<128x128xf32, #tpu.memory_space<vmem>>) dst(%dma_wait3A_426 : memref<10112x128xf32, #tpu.memory_space<vmem_shared>>)
        } else {
        }
        %add3A_374 = arith.constant 1 : i32
        %add3A_375 = arith.addi %mul3A_369, %add3A_374 : i32
        %dma_start3A_376 = arith.constant 0 : i32
        %dma_start3A_377 = tpu.memref_slice %arg8[%add3A_375, %dma_start3A_376] : memref<40x128xi32, #tpu.memory_space<vmem>> -> memref<1x128xi32, #tpu.memory_space<vmem>>
        %dma_start3A_378 = tpu.memref_squeeze %dma_start3A_377 : memref<1x128xi32, #tpu.memory_space<vmem>> -> memref<128xi32, #tpu.memory_space<vmem>>
        %dma_start3A_379 = arith.constant 0 : i32
        %dma_start3A_380 = arith.constant 0 : i32
        %dma_start3A_381 = tpu.memref_slice %arg2[%dma_start3A_379, %dma_start3A_380] : memref<10240x128xf32, #tpu.memory_space<hbm>> -> memref<10240x128xf32, #tpu.memory_space<hbm>>
        tpu.enqueue_indirect_dma source(%dma_start3A_381 : memref<10240x128xf32, #tpu.memory_space<hbm>>) target(%arg11 : memref<128x128xf32, #tpu.memory_space<vmem>>) offsets(%dma_start3A_378 : memref<128xi32, #tpu.memory_space<vmem>>) semaphore(%arg14 : memref<!tpu.dma_semaphore, #tpu.memory_space<semaphore_mem>>)
        %dma_wait3A_382 = arith.constant 0 : i32
        %dma_wait3A_383 = tpu.memref_slice %arg8[%mul3A_369, %dma_wait3A_382] : memref<40x128xi32, #tpu.memory_space<vmem>> -> memref<1x128xi32, #tpu.memory_space<vmem>>
        %dma_wait3A_384 = tpu.memref_squeeze %dma_wait3A_383 : memref<1x128xi32, #tpu.memory_space<vmem>> -> memref<128xi32, #tpu.memory_space<vmem>>
        %dma_wait3A_385 = arith.constant 0 : i32
        %dma_wait3A_386 = arith.constant 0 : i32
        %dma_wait3A_387 = tpu.memref_slice %arg2[%dma_wait3A_385, %dma_wait3A_386] : memref<10240x128xf32, #tpu.memory_space<hbm>> -> memref<10240x128xf32, #tpu.memory_space<hbm>>
        tpu.wait_indirect_dma semaphore(%arg13 : memref<!tpu.dma_semaphore, #tpu.memory_space<semaphore_mem>>) src(%dma_wait3A_387 : memref<10240x128xf32, #tpu.memory_space<hbm>>) dst(%arg10 : memref<128x128xf32, #tpu.memory_space<vmem>>)
        %dma_start3A_388 = arith.constant 0 : i32
        %dma_start3A_389 = tpu.memref_slice %arg9[%mul3A_369, %dma_start3A_388] : memref<40x128xi32, #tpu.memory_space<vmem>> -> memref<1x128xi32, #tpu.memory_space<vmem>>
        %dma_start3A_390 = tpu.memref_squeeze %dma_start3A_389 : memref<1x128xi32, #tpu.memory_space<vmem>> -> memref<128xi32, #tpu.memory_space<vmem>>
        %dma_start3A_391 = arith.constant 0 : i32
        %dma_start3A_392 = arith.constant 0 : i32
        %dma_start3A_393 = tpu.memref_slice %arg12[%dma_start3A_391, %dma_start3A_392] : memref<10112x128xf32, #tpu.memory_space<vmem_shared>> -> memref<10112x128xf32, #tpu.memory_space<vmem_shared>>
        tpu.enqueue_indirect_dma source(%arg10 : memref<128x128xf32, #tpu.memory_space<vmem>>) target(%dma_start3A_393 : memref<10112x128xf32, #tpu.memory_space<vmem_shared>>) offsets(%dma_start3A_390 : memref<128xi32, #tpu.memory_space<vmem>>) semaphore(%arg15 : memref<!tpu.dma_semaphore, #tpu.memory_space<semaphore_mem>>) {add = true}
        %dma_wait3A_394 = arith.constant 0 : i32
        %dma_wait3A_395 = tpu.memref_slice %arg9[%mul3A_369, %dma_wait3A_394] : memref<40x128xi32, #tpu.memory_space<vmem>> -> memref<1x128xi32, #tpu.memory_space<vmem>>
        %dma_wait3A_396 = tpu.memref_squeeze %dma_wait3A_395 : memref<1x128xi32, #tpu.memory_space<vmem>> -> memref<128xi32, #tpu.memory_space<vmem>>
        %dma_wait3A_397 = arith.constant 0 : i32
        %dma_wait3A_398 = arith.constant 0 : i32
        %dma_wait3A_399 = tpu.memref_slice %arg12[%dma_wait3A_397, %dma_wait3A_398] : memref<10112x128xf32, #tpu.memory_space<vmem_shared>> -> memref<10112x128xf32, #tpu.memory_space<vmem_shared>>
        tpu.wait_indirect_dma semaphore(%arg15 : memref<!tpu.dma_semaphore, #tpu.memory_space<semaphore_mem>>) src(%arg10 : memref<128x128xf32, #tpu.memory_space<vmem>>) dst(%dma_wait3A_399 : memref<10112x128xf32, #tpu.memory_space<vmem_shared>>)
        %lt3A = arith.constant 15 : i32
        %lt3A_400 = arith.cmpi slt, %scan3A_367, %lt3A : i32
        %convert_element_type3A_401 = arith.extui %lt3A_400 : i1 to i32
        %cond3A_402 = arith.constant 0 : i32
        %cond3A_403 = arith.cmpi ne, %convert_element_type3A_401, %cond3A_402 : i32
        scf.if %cond3A_403 {
          %add3A_420 = arith.constant 2 : i32
          %add3A_421 = arith.addi %mul3A_369, %add3A_420 : i32
          %dma_start3A_422 = arith.constant 0 : i32
          %dma_start3A_423 = tpu.memref_slice %arg8[%add3A_421, %dma_start3A_422] : memref<40x128xi32, #tpu.memory_space<vmem>> -> memref<1x128xi32, #tpu.memory_space<vmem>>
          %dma_start3A_424 = tpu.memref_squeeze %dma_start3A_423 : memref<1x128xi32, #tpu.memory_space<vmem>> -> memref<128xi32, #tpu.memory_space<vmem>>
          %dma_start3A_425 = arith.constant 0 : i32
          %dma_start3A_426 = arith.constant 0 : i32
          %dma_start3A_427 = tpu.memref_slice %arg2[%dma_start3A_425, %dma_start3A_426] : memref<10240x128xf32, #tpu.memory_space<hbm>> -> memref<10240x128xf32, #tpu.memory_space<hbm>>
          tpu.enqueue_indirect_dma source(%dma_start3A_427 : memref<10240x128xf32, #tpu.memory_space<hbm>>) target(%arg10 : memref<128x128xf32, #tpu.memory_space<vmem>>) offsets(%dma_start3A_424 : memref<128xi32, #tpu.memory_space<vmem>>) semaphore(%arg13 : memref<!tpu.dma_semaphore, #tpu.memory_space<semaphore_mem>>)
        } else {
        }
        %add3A_404 = arith.constant 1 : i32
        %add3A_405 = arith.addi %mul3A_369, %add3A_404 : i32
        %dma_wait3A_406 = arith.constant 0 : i32
        %dma_wait3A_407 = tpu.memref_slice %arg8[%add3A_405, %dma_wait3A_406] : memref<40x128xi32, #tpu.memory_space<vmem>> -> memref<1x128xi32, #tpu.memory_space<vmem>>
        %dma_wait3A_408 = tpu.memref_squeeze %dma_wait3A_407 : memref<1x128xi32, #tpu.memory_space<vmem>> -> memref<128xi32, #tpu.memory_space<vmem>>
        %dma_wait3A_409 = arith.constant 0 : i32
        %dma_wait3A_410 = arith.constant 0 : i32
        %dma_wait3A_411 = tpu.memref_slice %arg2[%dma_wait3A_409, %dma_wait3A_410] : memref<10240x128xf32, #tpu.memory_space<hbm>> -> memref<10240x128xf32, #tpu.memory_space<hbm>>
        tpu.wait_indirect_dma semaphore(%arg14 : memref<!tpu.dma_semaphore, #tpu.memory_space<semaphore_mem>>) src(%dma_wait3A_411 : memref<10240x128xf32, #tpu.memory_space<hbm>>) dst(%arg11 : memref<128x128xf32, #tpu.memory_space<vmem>>)
        %add3A_412 = arith.constant 1 : i32
        %add3A_413 = arith.addi %mul3A_369, %add3A_412 : i32
        %dma_start3A_414 = arith.constant 0 : i32
        %dma_start3A_415 = tpu.memref_slice %arg9[%add3A_413, %dma_start3A_414] : memref<40x128xi32, #tpu.memory_space<vmem>> -> memref<1x128xi32, #tpu.memory_space<vmem>>
        %dma_start3A_416 = tpu.memref_squeeze %dma_start3A_415 : memref<1x128xi32, #tpu.memory_space<vmem>> -> memref<128xi32, #tpu.memory_space<vmem>>
        %dma_start3A_417 = arith.constant 0 : i32
        %dma_start3A_418 = arith.constant 0 : i32
        %dma_start3A_419 = tpu.memref_slice %arg12[%dma_start3A_417, %dma_start3A_418] : memref<10112x128xf32, #tpu.memory_space<vmem_shared>> -> memref<10112x128xf32, #tpu.memory_space<vmem_shared>>
        tpu.enqueue_indirect_dma source(%arg11 : memref<128x128xf32, #tpu.memory_space<vmem>>) target(%dma_start3A_419 : memref<10112x128xf32, #tpu.memory_space<vmem_shared>>) offsets(%dma_start3A_416 : memref<128xi32, #tpu.memory_space<vmem>>) semaphore(%arg16 : memref<!tpu.dma_semaphore, #tpu.memory_space<semaphore_mem>>) {add = true}
      }
      %scan3A_359 = arith.constant 16 : i32
      %dma_wait3A_360 = arith.constant 31 : i32
      %dma_wait3A_361 = arith.constant 0 : i32
      %dma_wait3A_362 = tpu.memref_slice %arg9[%dma_wait3A_360, %dma_wait3A_361] : memref<40x128xi32, #tpu.memory_space<vmem>> -> memref<1x128xi32, #tpu.memory_space<vmem>>
      %dma_wait3A_363 = tpu.memref_squeeze %dma_wait3A_362 : memref<1x128xi32, #tpu.memory_space<vmem>> -> memref<128xi32, #tpu.memory_space<vmem>>
      %dma_wait3A_364 = arith.constant 0 : i32
      %dma_wait3A_365 = arith.constant 0 : i32
      %dma_wait3A_366 = tpu.memref_slice %arg12[%dma_wait3A_364, %dma_wait3A_365] : memref<10112x128xf32, #tpu.memory_space<vmem_shared>> -> memref<10112x128xf32, #tpu.memory_space<vmem_shared>>
      tpu.wait_indirect_dma semaphore(%arg16 : memref<!tpu.dma_semaphore, #tpu.memory_space<semaphore_mem>>) src(%arg11 : memref<128x128xf32, #tpu.memory_space<vmem>>) dst(%dma_wait3A_366 : memref<10112x128xf32, #tpu.memory_space<vmem_shared>>)
    } else {
    }
    %eq3A_120 = arith.constant 1 : i32
    %eq3A_121 = arith.cmpi eq, %arg0, %eq3A_120 : i32
    %convert_element_type3A_122 = arith.extui %eq3A_121 : i1 to i32
    %cond3A_123 = arith.constant 0 : i32
    %cond3A_124 = arith.cmpi ne, %convert_element_type3A_122, %cond3A_123 : i32
    scf.if %cond3A_124 {
      %mul3A_276 = arith.constant 8 : i32
      %mul3A_277 = arith.muli %arg1, %mul3A_276 : i32
      %add3A_278 = arith.constant 2432 : i32
      %add3A_279 = arith.addi %add3A_278, %mul3A_277 : i32
      %add3A_280 = arith.constant 0 : i32
      %add3A_281 = arith.addi %add3A_279, %add3A_280 : i32
      "tpu.region"() ({
        %run_scoped3A = tpu.sem_alloc : memref<!tpu.dma_semaphore, #tpu.memory_space<semaphore_mem>>
        %dma_start3A_301 = arith.constant 0 : i32
        %dma_start3A_302 = arith.constant 0 : i32
        %dma_start3A_303 = tpu.memref_slice %arg8[%dma_start3A_301, %dma_start3A_302] : memref<40x128xi32, #tpu.memory_space<vmem>> -> memref<8x128xi32, #tpu.memory_space<vmem>>
        %dma_start3A_304 = arith.constant 0 : i32
        %dma_start3A_305 = tpu.memref_slice %arg4[%add3A_281, %dma_start3A_304] : memref<2560x128xi32, #tpu.memory_space<hbm>> -> memref<8x128xi32, #tpu.memory_space<hbm>>
        %dma_start3A_306 = arith.constant 0 : i32
        %dma_start3A_307 = arith.constant 0 : i32
        %dma_start3A_308 = tpu.memref_slice %arg8[%dma_start3A_306, %dma_start3A_307] : memref<40x128xi32, #tpu.memory_space<vmem>> -> memref<8x128xi32, #tpu.memory_space<vmem>>
        %dma_start3A_309 = arith.constant 0 : i32
        %dma_start3A_310 = tpu.memref_slice %arg4[%add3A_281, %dma_start3A_309] : memref<2560x128xi32, #tpu.memory_space<hbm>> -> memref<8x128xi32, #tpu.memory_space<hbm>>
        tpu.enqueue_dma source(%dma_start3A_310 : memref<8x128xi32, #tpu.memory_space<hbm>>) target(%dma_start3A_308 : memref<8x128xi32, #tpu.memory_space<vmem>>) target_semaphore(%run_scoped3A : memref<!tpu.dma_semaphore, #tpu.memory_space<semaphore_mem>>)
        %dma_wait3A_311 = arith.constant 0 : i32
        %dma_wait3A_312 = arith.constant 0 : i32
        %dma_wait3A_313 = tpu.memref_slice %arg8[%dma_wait3A_311, %dma_wait3A_312] : memref<40x128xi32, #tpu.memory_space<vmem>> -> memref<8x128xi32, #tpu.memory_space<vmem>>
        %dma_wait3A_314 = arith.constant 0 : i32
        %dma_wait3A_315 = tpu.memref_slice %arg4[%add3A_281, %dma_wait3A_314] : memref<2560x128xi32, #tpu.memory_space<hbm>> -> memref<8x128xi32, #tpu.memory_space<hbm>>
        %dma_wait3A_316 = arith.constant 0 : i32
        %dma_wait3A_317 = arith.constant 0 : i32
        %dma_wait3A_318 = tpu.memref_slice %arg8[%dma_wait3A_316, %dma_wait3A_317] : memref<40x128xi32, #tpu.memory_space<vmem>> -> memref<8x128xi32, #tpu.memory_space<vmem>>
        %dma_wait3A_319 = arith.constant 0 : i32
        %dma_wait3A_320 = tpu.memref_slice %arg4[%add3A_281, %dma_wait3A_319] : memref<2560x128xi32, #tpu.memory_space<hbm>> -> memref<8x128xi32, #tpu.memory_space<hbm>>
        tpu.wait_dma2 semaphore(%run_scoped3A : memref<!tpu.dma_semaphore, #tpu.memory_space<semaphore_mem>>) src(%dma_wait3A_320 : memref<8x128xi32, #tpu.memory_space<hbm>>) dst(%dma_wait3A_318 : memref<8x128xi32, #tpu.memory_space<vmem>>)
        tpu.yield
      }) : () -> ()
      "tpu.region"() ({
        %run_scoped3A = tpu.sem_alloc : memref<!tpu.dma_semaphore, #tpu.memory_space<semaphore_mem>>
        %dma_start3A_301 = arith.constant 0 : i32
        %dma_start3A_302 = arith.constant 0 : i32
        %dma_start3A_303 = tpu.memref_slice %arg9[%dma_start3A_301, %dma_start3A_302] : memref<40x128xi32, #tpu.memory_space<vmem>> -> memref<8x128xi32, #tpu.memory_space<vmem>>
        %dma_start3A_304 = arith.constant 0 : i32
        %dma_start3A_305 = tpu.memref_slice %arg5[%add3A_281, %dma_start3A_304] : memref<2560x128xi32, #tpu.memory_space<hbm>> -> memref<8x128xi32, #tpu.memory_space<hbm>>
        %dma_start3A_306 = arith.constant 0 : i32
        %dma_start3A_307 = arith.constant 0 : i32
        %dma_start3A_308 = tpu.memref_slice %arg9[%dma_start3A_306, %dma_start3A_307] : memref<40x128xi32, #tpu.memory_space<vmem>> -> memref<8x128xi32, #tpu.memory_space<vmem>>
        %dma_start3A_309 = arith.constant 0 : i32
        %dma_start3A_310 = tpu.memref_slice %arg5[%add3A_281, %dma_start3A_309] : memref<2560x128xi32, #tpu.memory_space<hbm>> -> memref<8x128xi32, #tpu.memory_space<hbm>>
        tpu.enqueue_dma source(%dma_start3A_310 : memref<8x128xi32, #tpu.memory_space<hbm>>) target(%dma_start3A_308 : memref<8x128xi32, #tpu.memory_space<vmem>>) target_semaphore(%run_scoped3A : memref<!tpu.dma_semaphore, #tpu.memory_space<semaphore_mem>>)
        %dma_wait3A_311 = arith.constant 0 : i32
        %dma_wait3A_312 = arith.constant 0 : i32
        %dma_wait3A_313 = tpu.memref_slice %arg9[%dma_wait3A_311, %dma_wait3A_312] : memref<40x128xi32, #tpu.memory_space<vmem>> -> memref<8x128xi32, #tpu.memory_space<vmem>>
        %dma_wait3A_314 = arith.constant 0 : i32
        %dma_wait3A_315 = tpu.memref_slice %arg5[%add3A_281, %dma_wait3A_314] : memref<2560x128xi32, #tpu.memory_space<hbm>> -> memref<8x128xi32, #tpu.memory_space<hbm>>
        %dma_wait3A_316 = arith.constant 0 : i32
        %dma_wait3A_317 = arith.constant 0 : i32
        %dma_wait3A_318 = tpu.memref_slice %arg9[%dma_wait3A_316, %dma_wait3A_317] : memref<40x128xi32, #tpu.memory_space<vmem>> -> memref<8x128xi32, #tpu.memory_space<vmem>>
        %dma_wait3A_319 = arith.constant 0 : i32
        %dma_wait3A_320 = tpu.memref_slice %arg5[%add3A_281, %dma_wait3A_319] : memref<2560x128xi32, #tpu.memory_space<hbm>> -> memref<8x128xi32, #tpu.memory_space<hbm>>
        tpu.wait_dma2 semaphore(%run_scoped3A : memref<!tpu.dma_semaphore, #tpu.memory_space<semaphore_mem>>) src(%dma_wait3A_320 : memref<8x128xi32, #tpu.memory_space<hbm>>) dst(%dma_wait3A_318 : memref<8x128xi32, #tpu.memory_space<vmem>>)
        tpu.yield
      }) : () -> ()
      %dma_start3A_282 = arith.constant 0 : i32
      %dma_start3A_283 = arith.constant 0 : i32
      %dma_start3A_284 = tpu.memref_slice %arg8[%dma_start3A_282, %dma_start3A_283] : memref<40x128xi32, #tpu.memory_space<vmem>> -> memref<1x128xi32, #tpu.memory_space<vmem>>
      %dma_start3A_285 = tpu.memref_squeeze %dma_start3A_284 : memref<1x128xi32, #tpu.memory_space<vmem>> -> memref<128xi32, #tpu.memory_space<vmem>>
      %dma_start3A_286 = arith.constant 0 : i32
      %dma_start3A_287 = arith.constant 0 : i32
      %dma_start3A_288 = tpu.memref_slice %arg3[%dma_start3A_286, %dma_start3A_287] : memref<10240x128xf32, #tpu.memory_space<hbm>> -> memref<10240x128xf32, #tpu.memory_space<hbm>>
      tpu.enqueue_indirect_dma source(%dma_start3A_288 : memref<10240x128xf32, #tpu.memory_space<hbm>>) target(%arg10 : memref<128x128xf32, #tpu.memory_space<vmem>>) offsets(%dma_start3A_285 : memref<128xi32, #tpu.memory_space<vmem>>) semaphore(%arg13 : memref<!tpu.dma_semaphore, #tpu.memory_space<semaphore_mem>>)
      %scan3A = arith.constant 0 : i32
      %scan3A_289 = arith.constant 0 : i32
      %scan3A_290 = arith.constant 4 : i32
      %scan3A_291 = arith.addi %scan3A_289, %scan3A_290 : i32
      %scan3A_292 = arith.constant 1 : i32
      scf.for %scan3A_301 = %scan3A_289 to %scan3A_291 step %scan3A_292  : i32 {
        %mul3A_302 = arith.constant 2 : i32
        %mul3A_303 = arith.muli %mul3A_302, %scan3A_301 : i32
        %gt3A = arith.constant 0 : i32
        %gt3A_304 = arith.cmpi sgt, %scan3A_301, %gt3A : i32
        %convert_element_type3A_305 = arith.extui %gt3A_304 : i1 to i32
        %cond3A_306 = arith.constant 0 : i32
        %cond3A_307 = arith.cmpi ne, %convert_element_type3A_305, %cond3A_306 : i32
        scf.if %cond3A_307 {
          %sub3A = arith.constant 1 : i32
          %sub3A_354 = arith.subi %mul3A_303, %sub3A : i32
          %dma_wait3A_355 = arith.constant 0 : i32
          %dma_wait3A_356 = tpu.memref_slice %arg9[%sub3A_354, %dma_wait3A_355] : memref<40x128xi32, #tpu.memory_space<vmem>> -> memref<1x128xi32, #tpu.memory_space<vmem>>
          %dma_wait3A_357 = tpu.memref_squeeze %dma_wait3A_356 : memref<1x128xi32, #tpu.memory_space<vmem>> -> memref<128xi32, #tpu.memory_space<vmem>>
          %dma_wait3A_358 = arith.constant 0 : i32
          %dma_wait3A_359 = arith.constant 0 : i32
          %dma_wait3A_360 = tpu.memref_slice %arg12[%dma_wait3A_358, %dma_wait3A_359] : memref<10112x128xf32, #tpu.memory_space<vmem_shared>> -> memref<10112x128xf32, #tpu.memory_space<vmem_shared>>
          tpu.wait_indirect_dma semaphore(%arg16 : memref<!tpu.dma_semaphore, #tpu.memory_space<semaphore_mem>>) src(%arg11 : memref<128x128xf32, #tpu.memory_space<vmem>>) dst(%dma_wait3A_360 : memref<10112x128xf32, #tpu.memory_space<vmem_shared>>)
        } else {
        }
        %add3A_308 = arith.constant 1 : i32
        %add3A_309 = arith.addi %mul3A_303, %add3A_308 : i32
        %dma_start3A_310 = arith.constant 0 : i32
        %dma_start3A_311 = tpu.memref_slice %arg8[%add3A_309, %dma_start3A_310] : memref<40x128xi32, #tpu.memory_space<vmem>> -> memref<1x128xi32, #tpu.memory_space<vmem>>
        %dma_start3A_312 = tpu.memref_squeeze %dma_start3A_311 : memref<1x128xi32, #tpu.memory_space<vmem>> -> memref<128xi32, #tpu.memory_space<vmem>>
        %dma_start3A_313 = arith.constant 0 : i32
        %dma_start3A_314 = arith.constant 0 : i32
        %dma_start3A_315 = tpu.memref_slice %arg3[%dma_start3A_313, %dma_start3A_314] : memref<10240x128xf32, #tpu.memory_space<hbm>> -> memref<10240x128xf32, #tpu.memory_space<hbm>>
        tpu.enqueue_indirect_dma source(%dma_start3A_315 : memref<10240x128xf32, #tpu.memory_space<hbm>>) target(%arg11 : memref<128x128xf32, #tpu.memory_space<vmem>>) offsets(%dma_start3A_312 : memref<128xi32, #tpu.memory_space<vmem>>) semaphore(%arg14 : memref<!tpu.dma_semaphore, #tpu.memory_space<semaphore_mem>>)
        %dma_wait3A_316 = arith.constant 0 : i32
        %dma_wait3A_317 = tpu.memref_slice %arg8[%mul3A_303, %dma_wait3A_316] : memref<40x128xi32, #tpu.memory_space<vmem>> -> memref<1x128xi32, #tpu.memory_space<vmem>>
        %dma_wait3A_318 = tpu.memref_squeeze %dma_wait3A_317 : memref<1x128xi32, #tpu.memory_space<vmem>> -> memref<128xi32, #tpu.memory_space<vmem>>
        %dma_wait3A_319 = arith.constant 0 : i32
        %dma_wait3A_320 = arith.constant 0 : i32
        %dma_wait3A_321 = tpu.memref_slice %arg3[%dma_wait3A_319, %dma_wait3A_320] : memref<10240x128xf32, #tpu.memory_space<hbm>> -> memref<10240x128xf32, #tpu.memory_space<hbm>>
        tpu.wait_indirect_dma semaphore(%arg13 : memref<!tpu.dma_semaphore, #tpu.memory_space<semaphore_mem>>) src(%dma_wait3A_321 : memref<10240x128xf32, #tpu.memory_space<hbm>>) dst(%arg10 : memref<128x128xf32, #tpu.memory_space<vmem>>)
        %dma_start3A_322 = arith.constant 0 : i32
        %dma_start3A_323 = tpu.memref_slice %arg9[%mul3A_303, %dma_start3A_322] : memref<40x128xi32, #tpu.memory_space<vmem>> -> memref<1x128xi32, #tpu.memory_space<vmem>>
        %dma_start3A_324 = tpu.memref_squeeze %dma_start3A_323 : memref<1x128xi32, #tpu.memory_space<vmem>> -> memref<128xi32, #tpu.memory_space<vmem>>
        %dma_start3A_325 = arith.constant 0 : i32
        %dma_start3A_326 = arith.constant 0 : i32
        %dma_start3A_327 = tpu.memref_slice %arg12[%dma_start3A_325, %dma_start3A_326] : memref<10112x128xf32, #tpu.memory_space<vmem_shared>> -> memref<10112x128xf32, #tpu.memory_space<vmem_shared>>
        tpu.enqueue_indirect_dma source(%arg10 : memref<128x128xf32, #tpu.memory_space<vmem>>) target(%dma_start3A_327 : memref<10112x128xf32, #tpu.memory_space<vmem_shared>>) offsets(%dma_start3A_324 : memref<128xi32, #tpu.memory_space<vmem>>) semaphore(%arg15 : memref<!tpu.dma_semaphore, #tpu.memory_space<semaphore_mem>>) {add = true}
        %dma_wait3A_328 = arith.constant 0 : i32
        %dma_wait3A_329 = tpu.memref_slice %arg9[%mul3A_303, %dma_wait3A_328] : memref<40x128xi32, #tpu.memory_space<vmem>> -> memref<1x128xi32, #tpu.memory_space<vmem>>
        %dma_wait3A_330 = tpu.memref_squeeze %dma_wait3A_329 : memref<1x128xi32, #tpu.memory_space<vmem>> -> memref<128xi32, #tpu.memory_space<vmem>>
        %dma_wait3A_331 = arith.constant 0 : i32
        %dma_wait3A_332 = arith.constant 0 : i32
        %dma_wait3A_333 = tpu.memref_slice %arg12[%dma_wait3A_331, %dma_wait3A_332] : memref<10112x128xf32, #tpu.memory_space<vmem_shared>> -> memref<10112x128xf32, #tpu.memory_space<vmem_shared>>
        tpu.wait_indirect_dma semaphore(%arg15 : memref<!tpu.dma_semaphore, #tpu.memory_space<semaphore_mem>>) src(%arg10 : memref<128x128xf32, #tpu.memory_space<vmem>>) dst(%dma_wait3A_333 : memref<10112x128xf32, #tpu.memory_space<vmem_shared>>)
        %lt3A = arith.constant 3 : i32
        %lt3A_334 = arith.cmpi slt, %scan3A_301, %lt3A : i32
        %convert_element_type3A_335 = arith.extui %lt3A_334 : i1 to i32
        %cond3A_336 = arith.constant 0 : i32
        %cond3A_337 = arith.cmpi ne, %convert_element_type3A_335, %cond3A_336 : i32
        scf.if %cond3A_337 {
          %add3A_354 = arith.constant 2 : i32
          %add3A_355 = arith.addi %mul3A_303, %add3A_354 : i32
          %dma_start3A_356 = arith.constant 0 : i32
          %dma_start3A_357 = tpu.memref_slice %arg8[%add3A_355, %dma_start3A_356] : memref<40x128xi32, #tpu.memory_space<vmem>> -> memref<1x128xi32, #tpu.memory_space<vmem>>
          %dma_start3A_358 = tpu.memref_squeeze %dma_start3A_357 : memref<1x128xi32, #tpu.memory_space<vmem>> -> memref<128xi32, #tpu.memory_space<vmem>>
          %dma_start3A_359 = arith.constant 0 : i32
          %dma_start3A_360 = arith.constant 0 : i32
          %dma_start3A_361 = tpu.memref_slice %arg3[%dma_start3A_359, %dma_start3A_360] : memref<10240x128xf32, #tpu.memory_space<hbm>> -> memref<10240x128xf32, #tpu.memory_space<hbm>>
          tpu.enqueue_indirect_dma source(%dma_start3A_361 : memref<10240x128xf32, #tpu.memory_space<hbm>>) target(%arg10 : memref<128x128xf32, #tpu.memory_space<vmem>>) offsets(%dma_start3A_358 : memref<128xi32, #tpu.memory_space<vmem>>) semaphore(%arg13 : memref<!tpu.dma_semaphore, #tpu.memory_space<semaphore_mem>>)
        } else {
        }
        %add3A_338 = arith.constant 1 : i32
        %add3A_339 = arith.addi %mul3A_303, %add3A_338 : i32
        %dma_wait3A_340 = arith.constant 0 : i32
        %dma_wait3A_341 = tpu.memref_slice %arg8[%add3A_339, %dma_wait3A_340] : memref<40x128xi32, #tpu.memory_space<vmem>> -> memref<1x128xi32, #tpu.memory_space<vmem>>
        %dma_wait3A_342 = tpu.memref_squeeze %dma_wait3A_341 : memref<1x128xi32, #tpu.memory_space<vmem>> -> memref<128xi32, #tpu.memory_space<vmem>>
        %dma_wait3A_343 = arith.constant 0 : i32
        %dma_wait3A_344 = arith.constant 0 : i32
        %dma_wait3A_345 = tpu.memref_slice %arg3[%dma_wait3A_343, %dma_wait3A_344] : memref<10240x128xf32, #tpu.memory_space<hbm>> -> memref<10240x128xf32, #tpu.memory_space<hbm>>
        tpu.wait_indirect_dma semaphore(%arg14 : memref<!tpu.dma_semaphore, #tpu.memory_space<semaphore_mem>>) src(%dma_wait3A_345 : memref<10240x128xf32, #tpu.memory_space<hbm>>) dst(%arg11 : memref<128x128xf32, #tpu.memory_space<vmem>>)
        %add3A_346 = arith.constant 1 : i32
        %add3A_347 = arith.addi %mul3A_303, %add3A_346 : i32
        %dma_start3A_348 = arith.constant 0 : i32
        %dma_start3A_349 = tpu.memref_slice %arg9[%add3A_347, %dma_start3A_348] : memref<40x128xi32, #tpu.memory_space<vmem>> -> memref<1x128xi32, #tpu.memory_space<vmem>>
        %dma_start3A_350 = tpu.memref_squeeze %dma_start3A_349 : memref<1x128xi32, #tpu.memory_space<vmem>> -> memref<128xi32, #tpu.memory_space<vmem>>
        %dma_start3A_351 = arith.constant 0 : i32
        %dma_start3A_352 = arith.constant 0 : i32
        %dma_start3A_353 = tpu.memref_slice %arg12[%dma_start3A_351, %dma_start3A_352] : memref<10112x128xf32, #tpu.memory_space<vmem_shared>> -> memref<10112x128xf32, #tpu.memory_space<vmem_shared>>
        tpu.enqueue_indirect_dma source(%arg11 : memref<128x128xf32, #tpu.memory_space<vmem>>) target(%dma_start3A_353 : memref<10112x128xf32, #tpu.memory_space<vmem_shared>>) offsets(%dma_start3A_350 : memref<128xi32, #tpu.memory_space<vmem>>) semaphore(%arg16 : memref<!tpu.dma_semaphore, #tpu.memory_space<semaphore_mem>>) {add = true}
      }
      %scan3A_293 = arith.constant 4 : i32
      %dma_wait3A_294 = arith.constant 7 : i32
      %dma_wait3A_295 = arith.constant 0 : i32
      %dma_wait3A_296 = tpu.memref_slice %arg9[%dma_wait3A_294, %dma_wait3A_295] : memref<40x128xi32, #tpu.memory_space<vmem>> -> memref<1x128xi32, #tpu.memory_space<vmem>>
      %dma_wait3A_297 = tpu.memref_squeeze %dma_wait3A_296 : memref<1x128xi32, #tpu.memory_space<vmem>> -> memref<128xi32, #tpu.memory_space<vmem>>
      %dma_wait3A_298 = arith.constant 0 : i32
      %dma_wait3A_299 = arith.constant 0 : i32
      %dma_wait3A_300 = tpu.memref_slice %arg12[%dma_wait3A_298, %dma_wait3A_299] : memref<10112x128xf32, #tpu.memory_space<vmem_shared>> -> memref<10112x128xf32, #tpu.memory_space<vmem_shared>>
      tpu.wait_indirect_dma semaphore(%arg16 : memref<!tpu.dma_semaphore, #tpu.memory_space<semaphore_mem>>) src(%arg11 : memref<128x128xf32, #tpu.memory_space<vmem>>) dst(%dma_wait3A_300 : memref<10112x128xf32, #tpu.memory_space<vmem_shared>>)
    } else {
    }
    %barrier3A_125 = arith.constant 0 : index
    tpu.barrier barrier_id(%barrier3A_125)
    %add3A_126 = arith.constant 0 : i32
    %add3A_127 = arith.addi %mul3A_0, %add3A_126 : i32
    "tpu.region"() ({
      %run_scoped3A = tpu.sem_alloc : memref<!tpu.dma_semaphore, #tpu.memory_space<semaphore_mem>>
      %dma_start3A_276 = arith.constant 0 : i32
      %dma_start3A_277 = arith.constant 0 : i32
      %dma_start3A_278 = tpu.memref_slice %arg10[%dma_start3A_276, %dma_start3A_277] : memref<128x128xf32, #tpu.memory_space<vmem>> -> memref<128x128xf32, #tpu.memory_space<vmem>>
      %dma_start3A_279 = arith.constant 0 : i32
      %dma_start3A_280 = tpu.memref_slice %arg12[%add3A_127, %dma_start3A_279] : memref<10112x128xf32, #tpu.memory_space<vmem_shared>> -> memref<128x128xf32, #tpu.memory_space<vmem_shared>>
      %dma_start3A_281 = arith.constant 0 : i32
      %dma_start3A_282 = arith.constant 0 : i32
      %dma_start3A_283 = tpu.memref_slice %arg10[%dma_start3A_281, %dma_start3A_282] : memref<128x128xf32, #tpu.memory_space<vmem>> -> memref<128x128xf32, #tpu.memory_space<vmem>>
      %dma_start3A_284 = arith.constant 0 : i32
      %dma_start3A_285 = tpu.memref_slice %arg12[%add3A_127, %dma_start3A_284] : memref<10112x128xf32, #tpu.memory_space<vmem_shared>> -> memref<128x128xf32, #tpu.memory_space<vmem_shared>>
      tpu.enqueue_dma source(%dma_start3A_285 : memref<128x128xf32, #tpu.memory_space<vmem_shared>>) target(%dma_start3A_283 : memref<128x128xf32, #tpu.memory_space<vmem>>) target_semaphore(%run_scoped3A : memref<!tpu.dma_semaphore, #tpu.memory_space<semaphore_mem>>)
      %dma_wait3A_286 = arith.constant 0 : i32
      %dma_wait3A_287 = arith.constant 0 : i32
      %dma_wait3A_288 = tpu.memref_slice %arg10[%dma_wait3A_286, %dma_wait3A_287] : memref<128x128xf32, #tpu.memory_space<vmem>> -> memref<128x128xf32, #tpu.memory_space<vmem>>
      %dma_wait3A_289 = arith.constant 0 : i32
      %dma_wait3A_290 = tpu.memref_slice %arg12[%add3A_127, %dma_wait3A_289] : memref<10112x128xf32, #tpu.memory_space<vmem_shared>> -> memref<128x128xf32, #tpu.memory_space<vmem_shared>>
      %dma_wait3A_291 = arith.constant 0 : i32
      %dma_wait3A_292 = arith.constant 0 : i32
      %dma_wait3A_293 = tpu.memref_slice %arg10[%dma_wait3A_291, %dma_wait3A_292] : memref<128x128xf32, #tpu.memory_space<vmem>> -> memref<128x128xf32, #tpu.memory_space<vmem>>
      %dma_wait3A_294 = arith.constant 0 : i32
      %dma_wait3A_295 = tpu.memref_slice %arg12[%add3A_127, %dma_wait3A_294] : memref<10112x128xf32, #tpu.memory_space<vmem_shared>> -> memref<128x128xf32, #tpu.memory_space<vmem_shared>>
      tpu.wait_dma2 semaphore(%run_scoped3A : memref<!tpu.dma_semaphore, #tpu.memory_space<semaphore_mem>>) src(%dma_wait3A_295 : memref<128x128xf32, #tpu.memory_space<vmem_shared>>) dst(%dma_wait3A_293 : memref<128x128xf32, #tpu.memory_space<vmem>>)
      tpu.yield
    }) : () -> ()
    %add3A_128 = arith.constant 0 : i32
    %add3A_129 = arith.addi %mul3A_0, %add3A_128 : i32
    %dma_start3A_130 = arith.constant 0 : i32
    %dma_start3A_131 = arith.constant 0 : i32
    %dma_start3A_132 = tpu.memref_slice %arg10[%dma_start3A_130, %dma_start3A_131] : memref<128x128xf32, #tpu.memory_space<vmem>> -> memref<128x128xf32, #tpu.memory_space<vmem>>
    %dma_start3A_133 = arith.constant 0 : i32
    %dma_start3A_134 = tpu.memref_slice %arg7[%arg0, %add3A_129, %dma_start3A_133] : memref<2x10240x128xf32, #tpu.memory_space<hbm>> -> memref<1x128x128xf32, #tpu.memory_space<hbm>>
    %dma_start3A_135 = tpu.memref_squeeze %dma_start3A_134 : memref<1x128x128xf32, #tpu.memory_space<hbm>> -> memref<128x128xf32, #tpu.memory_space<hbm>>
    %dma_start3A_136 = arith.constant 0 : i32
    %dma_start3A_137 = tpu.memref_slice %arg7[%arg0, %add3A_129, %dma_start3A_136] : memref<2x10240x128xf32, #tpu.memory_space<hbm>> -> memref<1x128x128xf32, #tpu.memory_space<hbm>>
    %dma_start3A_138 = tpu.memref_squeeze %dma_start3A_137 : memref<1x128x128xf32, #tpu.memory_space<hbm>> -> memref<128x128xf32, #tpu.memory_space<hbm>>
    %dma_start3A_139 = arith.constant 0 : i32
    %dma_start3A_140 = arith.constant 0 : i32
    %dma_start3A_141 = tpu.memref_slice %arg10[%dma_start3A_139, %dma_start3A_140] : memref<128x128xf32, #tpu.memory_space<vmem>> -> memref<128x128xf32, #tpu.memory_space<vmem>>
    tpu.enqueue_dma source(%dma_start3A_141 : memref<128x128xf32, #tpu.memory_space<vmem>>) target(%dma_start3A_138 : memref<128x128xf32, #tpu.memory_space<hbm>>) target_semaphore(%arg13 : memref<!tpu.dma_semaphore, #tpu.memory_space<semaphore_mem>>)
    %add3A_142 = arith.constant 128 : i32
    %add3A_143 = arith.addi %mul3A_0, %add3A_142 : i32
    "tpu.region"() ({
      %run_scoped3A = tpu.sem_alloc : memref<!tpu.dma_semaphore, #tpu.memory_space<semaphore_mem>>
      %dma_start3A_276 = arith.constant 0 : i32
      %dma_start3A_277 = arith.constant 0 : i32
      %dma_start3A_278 = tpu.memref_slice %arg11[%dma_start3A_276, %dma_start3A_277] : memref<128x128xf32, #tpu.memory_space<vmem>> -> memref<128x128xf32, #tpu.memory_space<vmem>>
      %dma_start3A_279 = arith.constant 0 : i32
      %dma_start3A_280 = tpu.memref_slice %arg12[%add3A_143, %dma_start3A_279] : memref<10112x128xf32, #tpu.memory_space<vmem_shared>> -> memref<128x128xf32, #tpu.memory_space<vmem_shared>>
      %dma_start3A_281 = arith.constant 0 : i32
      %dma_start3A_282 = arith.constant 0 : i32
      %dma_start3A_283 = tpu.memref_slice %arg11[%dma_start3A_281, %dma_start3A_282] : memref<128x128xf32, #tpu.memory_space<vmem>> -> memref<128x128xf32, #tpu.memory_space<vmem>>
      %dma_start3A_284 = arith.constant 0 : i32
      %dma_start3A_285 = tpu.memref_slice %arg12[%add3A_143, %dma_start3A_284] : memref<10112x128xf32, #tpu.memory_space<vmem_shared>> -> memref<128x128xf32, #tpu.memory_space<vmem_shared>>
      tpu.enqueue_dma source(%dma_start3A_285 : memref<128x128xf32, #tpu.memory_space<vmem_shared>>) target(%dma_start3A_283 : memref<128x128xf32, #tpu.memory_space<vmem>>) target_semaphore(%run_scoped3A : memref<!tpu.dma_semaphore, #tpu.memory_space<semaphore_mem>>)
      %dma_wait3A_286 = arith.constant 0 : i32
      %dma_wait3A_287 = arith.constant 0 : i32
      %dma_wait3A_288 = tpu.memref_slice %arg11[%dma_wait3A_286, %dma_wait3A_287] : memref<128x128xf32, #tpu.memory_space<vmem>> -> memref<128x128xf32, #tpu.memory_space<vmem>>
      %dma_wait3A_289 = arith.constant 0 : i32
      %dma_wait3A_290 = tpu.memref_slice %arg12[%add3A_143, %dma_wait3A_289] : memref<10112x128xf32, #tpu.memory_space<vmem_shared>> -> memref<128x128xf32, #tpu.memory_space<vmem_shared>>
      %dma_wait3A_291 = arith.constant 0 : i32
      %dma_wait3A_292 = arith.constant 0 : i32
      %dma_wait3A_293 = tpu.memref_slice %arg11[%dma_wait3A_291, %dma_wait3A_292] : memref<128x128xf32, #tpu.memory_space<vmem>> -> memref<128x128xf32, #tpu.memory_space<vmem>>
      %dma_wait3A_294 = arith.constant 0 : i32
      %dma_wait3A_295 = tpu.memref_slice %arg12[%add3A_143, %dma_wait3A_294] : memref<10112x128xf32, #tpu.memory_space<vmem_shared>> -> memref<128x128xf32, #tpu.memory_space<vmem_shared>>
      tpu.wait_dma2 semaphore(%run_scoped3A : memref<!tpu.dma_semaphore, #tpu.memory_space<semaphore_mem>>) src(%dma_wait3A_295 : memref<128x128xf32, #tpu.memory_space<vmem_shared>>) dst(%dma_wait3A_293 : memref<128x128xf32, #tpu.memory_space<vmem>>)
      tpu.yield
    }) : () -> ()
    %add3A_144 = arith.constant 128 : i32
    %add3A_145 = arith.addi %mul3A_0, %add3A_144 : i32
    %dma_start3A_146 = arith.constant 0 : i32
    %dma_start3A_147 = arith.constant 0 : i32
    %dma_start3A_148 = tpu.memref_slice %arg11[%dma_start3A_146, %dma_start3A_147] : memref<128x128xf32, #tpu.memory_space<vmem>> -> memref<128x128xf32, #tpu.memory_space<vmem>>
    %dma_start3A_149 = arith.constant 0 : i32
    %dma_start3A_150 = tpu.memref_slice %arg7[%arg0, %add3A_145, %dma_start3A_149] : memref<2x10240x128xf32, #tpu.memory_space<hbm>> -> memref<1x128x128xf32, #tpu.memory_space<hbm>>
    %dma_start3A_151 = tpu.memref_squeeze %dma_start3A_150 : memref<1x128x128xf32, #tpu.memory_space<hbm>> -> memref<128x128xf32, #tpu.memory_space<hbm>>
    %dma_start3A_152 = arith.constant 0 : i32
    %dma_start3A_153 = tpu.memref_slice %arg7[%arg0, %add3A_145, %dma_start3A_152] : memref<2x10240x128xf32, #tpu.memory_space<hbm>> -> memref<1x128x128xf32, #tpu.memory_space<hbm>>
    %dma_start3A_154 = tpu.memref_squeeze %dma_start3A_153 : memref<1x128x128xf32, #tpu.memory_space<hbm>> -> memref<128x128xf32, #tpu.memory_space<hbm>>
    %dma_start3A_155 = arith.constant 0 : i32
    %dma_start3A_156 = arith.constant 0 : i32
    %dma_start3A_157 = tpu.memref_slice %arg11[%dma_start3A_155, %dma_start3A_156] : memref<128x128xf32, #tpu.memory_space<vmem>> -> memref<128x128xf32, #tpu.memory_space<vmem>>
    tpu.enqueue_dma source(%dma_start3A_157 : memref<128x128xf32, #tpu.memory_space<vmem>>) target(%dma_start3A_154 : memref<128x128xf32, #tpu.memory_space<hbm>>) target_semaphore(%arg14 : memref<!tpu.dma_semaphore, #tpu.memory_space<semaphore_mem>>)
    %add3A_158 = arith.constant 0 : i32
    %add3A_159 = arith.addi %mul3A_0, %add3A_158 : i32
    %dma_wait3A_160 = arith.constant 0 : i32
    %dma_wait3A_161 = arith.constant 0 : i32
    %dma_wait3A_162 = tpu.memref_slice %arg10[%dma_wait3A_160, %dma_wait3A_161] : memref<128x128xf32, #tpu.memory_space<vmem>> -> memref<128x128xf32, #tpu.memory_space<vmem>>
    %dma_wait3A_163 = arith.constant 0 : i32
    %dma_wait3A_164 = tpu.memref_slice %arg7[%arg0, %add3A_159, %dma_wait3A_163] : memref<2x10240x128xf32, #tpu.memory_space<hbm>> -> memref<1x128x128xf32, #tpu.memory_space<hbm>>
    %dma_wait3A_165 = tpu.memref_squeeze %dma_wait3A_164 : memref<1x128x128xf32, #tpu.memory_space<hbm>> -> memref<128x128xf32, #tpu.memory_space<hbm>>
    %dma_wait3A_166 = arith.constant 0 : i32
    %dma_wait3A_167 = tpu.memref_slice %arg7[%arg0, %add3A_159, %dma_wait3A_166] : memref<2x10240x128xf32, #tpu.memory_space<hbm>> -> memref<1x128x128xf32, #tpu.memory_space<hbm>>
    %dma_wait3A_168 = tpu.memref_squeeze %dma_wait3A_167 : memref<1x128x128xf32, #tpu.memory_space<hbm>> -> memref<128x128xf32, #tpu.memory_space<hbm>>
    %dma_wait3A_169 = arith.constant 0 : i32
    %dma_wait3A_170 = arith.constant 0 : i32
    %dma_wait3A_171 = tpu.memref_slice %arg10[%dma_wait3A_169, %dma_wait3A_170] : memref<128x128xf32, #tpu.memory_space<vmem>> -> memref<128x128xf32, #tpu.memory_space<vmem>>
    tpu.wait_dma2 semaphore(%arg13 : memref<!tpu.dma_semaphore, #tpu.memory_space<semaphore_mem>>) src(%dma_wait3A_171 : memref<128x128xf32, #tpu.memory_space<vmem>>) dst(%dma_wait3A_168 : memref<128x128xf32, #tpu.memory_space<hbm>>)
    %add3A_172 = arith.constant 256 : i32
    %add3A_173 = arith.addi %mul3A_0, %add3A_172 : i32
    "tpu.region"() ({
      %run_scoped3A = tpu.sem_alloc : memref<!tpu.dma_semaphore, #tpu.memory_space<semaphore_mem>>
      %dma_start3A_276 = arith.constant 0 : i32
      %dma_start3A_277 = arith.constant 0 : i32
      %dma_start3A_278 = tpu.memref_slice %arg10[%dma_start3A_276, %dma_start3A_277] : memref<128x128xf32, #tpu.memory_space<vmem>> -> memref<128x128xf32, #tpu.memory_space<vmem>>
      %dma_start3A_279 = arith.constant 0 : i32
      %dma_start3A_280 = tpu.memref_slice %arg12[%add3A_173, %dma_start3A_279] : memref<10112x128xf32, #tpu.memory_space<vmem_shared>> -> memref<128x128xf32, #tpu.memory_space<vmem_shared>>
      %dma_start3A_281 = arith.constant 0 : i32
      %dma_start3A_282 = arith.constant 0 : i32
      %dma_start3A_283 = tpu.memref_slice %arg10[%dma_start3A_281, %dma_start3A_282] : memref<128x128xf32, #tpu.memory_space<vmem>> -> memref<128x128xf32, #tpu.memory_space<vmem>>
      %dma_start3A_284 = arith.constant 0 : i32
      %dma_start3A_285 = tpu.memref_slice %arg12[%add3A_173, %dma_start3A_284] : memref<10112x128xf32, #tpu.memory_space<vmem_shared>> -> memref<128x128xf32, #tpu.memory_space<vmem_shared>>
      tpu.enqueue_dma source(%dma_start3A_285 : memref<128x128xf32, #tpu.memory_space<vmem_shared>>) target(%dma_start3A_283 : memref<128x128xf32, #tpu.memory_space<vmem>>) target_semaphore(%run_scoped3A : memref<!tpu.dma_semaphore, #tpu.memory_space<semaphore_mem>>)
      %dma_wait3A_286 = arith.constant 0 : i32
      %dma_wait3A_287 = arith.constant 0 : i32
      %dma_wait3A_288 = tpu.memref_slice %arg10[%dma_wait3A_286, %dma_wait3A_287] : memref<128x128xf32, #tpu.memory_space<vmem>> -> memref<128x128xf32, #tpu.memory_space<vmem>>
      %dma_wait3A_289 = arith.constant 0 : i32
      %dma_wait3A_290 = tpu.memref_slice %arg12[%add3A_173, %dma_wait3A_289] : memref<10112x128xf32, #tpu.memory_space<vmem_shared>> -> memref<128x128xf32, #tpu.memory_space<vmem_shared>>
      %dma_wait3A_291 = arith.constant 0 : i32
      %dma_wait3A_292 = arith.constant 0 : i32
      %dma_wait3A_293 = tpu.memref_slice %arg10[%dma_wait3A_291, %dma_wait3A_292] : memref<128x128xf32, #tpu.memory_space<vmem>> -> memref<128x128xf32, #tpu.memory_space<vmem>>
      %dma_wait3A_294 = arith.constant 0 : i32
      %dma_wait3A_295 = tpu.memref_slice %arg12[%add3A_173, %dma_wait3A_294] : memref<10112x128xf32, #tpu.memory_space<vmem_shared>> -> memref<128x128xf32, #tpu.memory_space<vmem_shared>>
      tpu.wait_dma2 semaphore(%run_scoped3A : memref<!tpu.dma_semaphore, #tpu.memory_space<semaphore_mem>>) src(%dma_wait3A_295 : memref<128x128xf32, #tpu.memory_space<vmem_shared>>) dst(%dma_wait3A_293 : memref<128x128xf32, #tpu.memory_space<vmem>>)
      tpu.yield
    }) : () -> ()
    %add3A_174 = arith.constant 256 : i32
    %add3A_175 = arith.addi %mul3A_0, %add3A_174 : i32
    %dma_start3A_176 = arith.constant 0 : i32
    %dma_start3A_177 = arith.constant 0 : i32
    %dma_start3A_178 = tpu.memref_slice %arg10[%dma_start3A_176, %dma_start3A_177] : memref<128x128xf32, #tpu.memory_space<vmem>> -> memref<128x128xf32, #tpu.memory_space<vmem>>
    %dma_start3A_179 = arith.constant 0 : i32
    %dma_start3A_180 = tpu.memref_slice %arg7[%arg0, %add3A_175, %dma_start3A_179] : memref<2x10240x128xf32, #tpu.memory_space<hbm>> -> memref<1x128x128xf32, #tpu.memory_space<hbm>>
    %dma_start3A_181 = tpu.memref_squeeze %dma_start3A_180 : memref<1x128x128xf32, #tpu.memory_space<hbm>> -> memref<128x128xf32, #tpu.memory_space<hbm>>
    %dma_start3A_182 = arith.constant 0 : i32
    %dma_start3A_183 = tpu.memref_slice %arg7[%arg0, %add3A_175, %dma_start3A_182] : memref<2x10240x128xf32, #tpu.memory_space<hbm>> -> memref<1x128x128xf32, #tpu.memory_space<hbm>>
    %dma_start3A_184 = tpu.memref_squeeze %dma_start3A_183 : memref<1x128x128xf32, #tpu.memory_space<hbm>> -> memref<128x128xf32, #tpu.memory_space<hbm>>
    %dma_start3A_185 = arith.constant 0 : i32
    %dma_start3A_186 = arith.constant 0 : i32
    %dma_start3A_187 = tpu.memref_slice %arg10[%dma_start3A_185, %dma_start3A_186] : memref<128x128xf32, #tpu.memory_space<vmem>> -> memref<128x128xf32, #tpu.memory_space<vmem>>
    tpu.enqueue_dma source(%dma_start3A_187 : memref<128x128xf32, #tpu.memory_space<vmem>>) target(%dma_start3A_184 : memref<128x128xf32, #tpu.memory_space<hbm>>) target_semaphore(%arg13 : memref<!tpu.dma_semaphore, #tpu.memory_space<semaphore_mem>>)
    %add3A_188 = arith.constant 128 : i32
    %add3A_189 = arith.addi %mul3A_0, %add3A_188 : i32
    %dma_wait3A_190 = arith.constant 0 : i32
    %dma_wait3A_191 = arith.constant 0 : i32
    %dma_wait3A_192 = tpu.memref_slice %arg11[%dma_wait3A_190, %dma_wait3A_191] : memref<128x128xf32, #tpu.memory_space<vmem>> -> memref<128x128xf32, #tpu.memory_space<vmem>>
    %dma_wait3A_193 = arith.constant 0 : i32
    %dma_wait3A_194 = tpu.memref_slice %arg7[%arg0, %add3A_189, %dma_wait3A_193] : memref<2x10240x128xf32, #tpu.memory_space<hbm>> -> memref<1x128x128xf32, #tpu.memory_space<hbm>>
    %dma_wait3A_195 = tpu.memref_squeeze %dma_wait3A_194 : memref<1x128x128xf32, #tpu.memory_space<hbm>> -> memref<128x128xf32, #tpu.memory_space<hbm>>
    %dma_wait3A_196 = arith.constant 0 : i32
    %dma_wait3A_197 = tpu.memref_slice %arg7[%arg0, %add3A_189, %dma_wait3A_196] : memref<2x10240x128xf32, #tpu.memory_space<hbm>> -> memref<1x128x128xf32, #tpu.memory_space<hbm>>
    %dma_wait3A_198 = tpu.memref_squeeze %dma_wait3A_197 : memref<1x128x128xf32, #tpu.memory_space<hbm>> -> memref<128x128xf32, #tpu.memory_space<hbm>>
    %dma_wait3A_199 = arith.constant 0 : i32
    %dma_wait3A_200 = arith.constant 0 : i32
    %dma_wait3A_201 = tpu.memref_slice %arg11[%dma_wait3A_199, %dma_wait3A_200] : memref<128x128xf32, #tpu.memory_space<vmem>> -> memref<128x128xf32, #tpu.memory_space<vmem>>
    tpu.wait_dma2 semaphore(%arg14 : memref<!tpu.dma_semaphore, #tpu.memory_space<semaphore_mem>>) src(%dma_wait3A_201 : memref<128x128xf32, #tpu.memory_space<vmem>>) dst(%dma_wait3A_198 : memref<128x128xf32, #tpu.memory_space<hbm>>)
    %add3A_202 = arith.constant 384 : i32
    %add3A_203 = arith.addi %mul3A_0, %add3A_202 : i32
    "tpu.region"() ({
      %run_scoped3A = tpu.sem_alloc : memref<!tpu.dma_semaphore, #tpu.memory_space<semaphore_mem>>
      %dma_start3A_276 = arith.constant 0 : i32
      %dma_start3A_277 = arith.constant 0 : i32
      %dma_start3A_278 = tpu.memref_slice %arg11[%dma_start3A_276, %dma_start3A_277] : memref<128x128xf32, #tpu.memory_space<vmem>> -> memref<128x128xf32, #tpu.memory_space<vmem>>
      %dma_start3A_279 = arith.constant 0 : i32
      %dma_start3A_280 = tpu.memref_slice %arg12[%add3A_203, %dma_start3A_279] : memref<10112x128xf32, #tpu.memory_space<vmem_shared>> -> memref<128x128xf32, #tpu.memory_space<vmem_shared>>
      %dma_start3A_281 = arith.constant 0 : i32
      %dma_start3A_282 = arith.constant 0 : i32
      %dma_start3A_283 = tpu.memref_slice %arg11[%dma_start3A_281, %dma_start3A_282] : memref<128x128xf32, #tpu.memory_space<vmem>> -> memref<128x128xf32, #tpu.memory_space<vmem>>
      %dma_start3A_284 = arith.constant 0 : i32
      %dma_start3A_285 = tpu.memref_slice %arg12[%add3A_203, %dma_start3A_284] : memref<10112x128xf32, #tpu.memory_space<vmem_shared>> -> memref<128x128xf32, #tpu.memory_space<vmem_shared>>
      tpu.enqueue_dma source(%dma_start3A_285 : memref<128x128xf32, #tpu.memory_space<vmem_shared>>) target(%dma_start3A_283 : memref<128x128xf32, #tpu.memory_space<vmem>>) target_semaphore(%run_scoped3A : memref<!tpu.dma_semaphore, #tpu.memory_space<semaphore_mem>>)
      %dma_wait3A_286 = arith.constant 0 : i32
      %dma_wait3A_287 = arith.constant 0 : i32
      %dma_wait3A_288 = tpu.memref_slice %arg11[%dma_wait3A_286, %dma_wait3A_287] : memref<128x128xf32, #tpu.memory_space<vmem>> -> memref<128x128xf32, #tpu.memory_space<vmem>>
      %dma_wait3A_289 = arith.constant 0 : i32
      %dma_wait3A_290 = tpu.memref_slice %arg12[%add3A_203, %dma_wait3A_289] : memref<10112x128xf32, #tpu.memory_space<vmem_shared>> -> memref<128x128xf32, #tpu.memory_space<vmem_shared>>
      %dma_wait3A_291 = arith.constant 0 : i32
      %dma_wait3A_292 = arith.constant 0 : i32
      %dma_wait3A_293 = tpu.memref_slice %arg11[%dma_wait3A_291, %dma_wait3A_292] : memref<128x128xf32, #tpu.memory_space<vmem>> -> memref<128x128xf32, #tpu.memory_space<vmem>>
      %dma_wait3A_294 = arith.constant 0 : i32
      %dma_wait3A_295 = tpu.memref_slice %arg12[%add3A_203, %dma_wait3A_294] : memref<10112x128xf32, #tpu.memory_space<vmem_shared>> -> memref<128x128xf32, #tpu.memory_space<vmem_shared>>
      tpu.wait_dma2 semaphore(%run_scoped3A : memref<!tpu.dma_semaphore, #tpu.memory_space<semaphore_mem>>) src(%dma_wait3A_295 : memref<128x128xf32, #tpu.memory_space<vmem_shared>>) dst(%dma_wait3A_293 : memref<128x128xf32, #tpu.memory_space<vmem>>)
      tpu.yield
    }) : () -> ()
    %add3A_204 = arith.constant 384 : i32
    %add3A_205 = arith.addi %mul3A_0, %add3A_204 : i32
    %dma_start3A_206 = arith.constant 0 : i32
    %dma_start3A_207 = arith.constant 0 : i32
    %dma_start3A_208 = tpu.memref_slice %arg11[%dma_start3A_206, %dma_start3A_207] : memref<128x128xf32, #tpu.memory_space<vmem>> -> memref<128x128xf32, #tpu.memory_space<vmem>>
    %dma_start3A_209 = arith.constant 0 : i32
    %dma_start3A_210 = tpu.memref_slice %arg7[%arg0, %add3A_205, %dma_start3A_209] : memref<2x10240x128xf32, #tpu.memory_space<hbm>> -> memref<1x128x128xf32, #tpu.memory_space<hbm>>
    %dma_start3A_211 = tpu.memref_squeeze %dma_start3A_210 : memref<1x128x128xf32, #tpu.memory_space<hbm>> -> memref<128x128xf32, #tpu.memory_space<hbm>>
    %dma_start3A_212 = arith.constant 0 : i32
    %dma_start3A_213 = tpu.memref_slice %arg7[%arg0, %add3A_205, %dma_start3A_212] : memref<2x10240x128xf32, #tpu.memory_space<hbm>> -> memref<1x128x128xf32, #tpu.memory_space<hbm>>
    %dma_start3A_214 = tpu.memref_squeeze %dma_start3A_213 : memref<1x128x128xf32, #tpu.memory_space<hbm>> -> memref<128x128xf32, #tpu.memory_space<hbm>>
    %dma_start3A_215 = arith.constant 0 : i32
    %dma_start3A_216 = arith.constant 0 : i32
    %dma_start3A_217 = tpu.memref_slice %arg11[%dma_start3A_215, %dma_start3A_216] : memref<128x128xf32, #tpu.memory_space<vmem>> -> memref<128x128xf32, #tpu.memory_space<vmem>>
    tpu.enqueue_dma source(%dma_start3A_217 : memref<128x128xf32, #tpu.memory_space<vmem>>) target(%dma_start3A_214 : memref<128x128xf32, #tpu.memory_space<hbm>>) target_semaphore(%arg14 : memref<!tpu.dma_semaphore, #tpu.memory_space<semaphore_mem>>)
    %add3A_218 = arith.constant 256 : i32
    %add3A_219 = arith.addi %mul3A_0, %add3A_218 : i32
    %dma_wait3A_220 = arith.constant 0 : i32
    %dma_wait3A_221 = arith.constant 0 : i32
    %dma_wait3A_222 = tpu.memref_slice %arg10[%dma_wait3A_220, %dma_wait3A_221] : memref<128x128xf32, #tpu.memory_space<vmem>> -> memref<128x128xf32, #tpu.memory_space<vmem>>
    %dma_wait3A_223 = arith.constant 0 : i32
    %dma_wait3A_224 = tpu.memref_slice %arg7[%arg0, %add3A_219, %dma_wait3A_223] : memref<2x10240x128xf32, #tpu.memory_space<hbm>> -> memref<1x128x128xf32, #tpu.memory_space<hbm>>
    %dma_wait3A_225 = tpu.memref_squeeze %dma_wait3A_224 : memref<1x128x128xf32, #tpu.memory_space<hbm>> -> memref<128x128xf32, #tpu.memory_space<hbm>>
    %dma_wait3A_226 = arith.constant 0 : i32
    %dma_wait3A_227 = tpu.memref_slice %arg7[%arg0, %add3A_219, %dma_wait3A_226] : memref<2x10240x128xf32, #tpu.memory_space<hbm>> -> memref<1x128x128xf32, #tpu.memory_space<hbm>>
    %dma_wait3A_228 = tpu.memref_squeeze %dma_wait3A_227 : memref<1x128x128xf32, #tpu.memory_space<hbm>> -> memref<128x128xf32, #tpu.memory_space<hbm>>
    %dma_wait3A_229 = arith.constant 0 : i32
    %dma_wait3A_230 = arith.constant 0 : i32
    %dma_wait3A_231 = tpu.memref_slice %arg10[%dma_wait3A_229, %dma_wait3A_230] : memref<128x128xf32, #tpu.memory_space<vmem>> -> memref<128x128xf32, #tpu.memory_space<vmem>>
    tpu.wait_dma2 semaphore(%arg13 : memref<!tpu.dma_semaphore, #tpu.memory_space<semaphore_mem>>) src(%dma_wait3A_231 : memref<128x128xf32, #tpu.memory_space<vmem>>) dst(%dma_wait3A_228 : memref<128x128xf32, #tpu.memory_space<hbm>>)
    %add3A_232 = arith.constant 512 : i32
    %add3A_233 = arith.addi %mul3A_0, %add3A_232 : i32
    "tpu.region"() ({
      %run_scoped3A = tpu.sem_alloc : memref<!tpu.dma_semaphore, #tpu.memory_space<semaphore_mem>>
      %dma_start3A_276 = arith.constant 0 : i32
      %dma_start3A_277 = arith.constant 0 : i32
      %dma_start3A_278 = tpu.memref_slice %arg10[%dma_start3A_276, %dma_start3A_277] : memref<128x128xf32, #tpu.memory_space<vmem>> -> memref<120x128xf32, #tpu.memory_space<vmem>>
      %dma_start3A_279 = arith.constant 0 : i32
      %dma_start3A_280 = tpu.memref_slice %arg12[%add3A_233, %dma_start3A_279] : memref<10112x128xf32, #tpu.memory_space<vmem_shared>> -> memref<120x128xf32, #tpu.memory_space<vmem_shared>>
      %dma_start3A_281 = arith.constant 0 : i32
      %dma_start3A_282 = arith.constant 0 : i32
      %dma_start3A_283 = tpu.memref_slice %arg10[%dma_start3A_281, %dma_start3A_282] : memref<128x128xf32, #tpu.memory_space<vmem>> -> memref<120x128xf32, #tpu.memory_space<vmem>>
      %dma_start3A_284 = arith.constant 0 : i32
      %dma_start3A_285 = tpu.memref_slice %arg12[%add3A_233, %dma_start3A_284] : memref<10112x128xf32, #tpu.memory_space<vmem_shared>> -> memref<120x128xf32, #tpu.memory_space<vmem_shared>>
      tpu.enqueue_dma source(%dma_start3A_285 : memref<120x128xf32, #tpu.memory_space<vmem_shared>>) target(%dma_start3A_283 : memref<120x128xf32, #tpu.memory_space<vmem>>) target_semaphore(%run_scoped3A : memref<!tpu.dma_semaphore, #tpu.memory_space<semaphore_mem>>)
      %dma_wait3A_286 = arith.constant 0 : i32
      %dma_wait3A_287 = arith.constant 0 : i32
      %dma_wait3A_288 = tpu.memref_slice %arg10[%dma_wait3A_286, %dma_wait3A_287] : memref<128x128xf32, #tpu.memory_space<vmem>> -> memref<120x128xf32, #tpu.memory_space<vmem>>
      %dma_wait3A_289 = arith.constant 0 : i32
      %dma_wait3A_290 = tpu.memref_slice %arg12[%add3A_233, %dma_wait3A_289] : memref<10112x128xf32, #tpu.memory_space<vmem_shared>> -> memref<120x128xf32, #tpu.memory_space<vmem_shared>>
      %dma_wait3A_291 = arith.constant 0 : i32
      %dma_wait3A_292 = arith.constant 0 : i32
      %dma_wait3A_293 = tpu.memref_slice %arg10[%dma_wait3A_291, %dma_wait3A_292] : memref<128x128xf32, #tpu.memory_space<vmem>> -> memref<120x128xf32, #tpu.memory_space<vmem>>
      %dma_wait3A_294 = arith.constant 0 : i32
      %dma_wait3A_295 = tpu.memref_slice %arg12[%add3A_233, %dma_wait3A_294] : memref<10112x128xf32, #tpu.memory_space<vmem_shared>> -> memref<120x128xf32, #tpu.memory_space<vmem_shared>>
      tpu.wait_dma2 semaphore(%run_scoped3A : memref<!tpu.dma_semaphore, #tpu.memory_space<semaphore_mem>>) src(%dma_wait3A_295 : memref<120x128xf32, #tpu.memory_space<vmem_shared>>) dst(%dma_wait3A_293 : memref<120x128xf32, #tpu.memory_space<vmem>>)
      tpu.yield
    }) : () -> ()
    %add3A_234 = arith.constant 512 : i32
    %add3A_235 = arith.addi %mul3A_0, %add3A_234 : i32
    %dma_start3A_236 = arith.constant 0 : i32
    %dma_start3A_237 = arith.constant 0 : i32
    %dma_start3A_238 = tpu.memref_slice %arg10[%dma_start3A_236, %dma_start3A_237] : memref<128x128xf32, #tpu.memory_space<vmem>> -> memref<120x128xf32, #tpu.memory_space<vmem>>
    %dma_start3A_239 = arith.constant 0 : i32
    %dma_start3A_240 = tpu.memref_slice %arg7[%arg0, %add3A_235, %dma_start3A_239] : memref<2x10240x128xf32, #tpu.memory_space<hbm>> -> memref<1x120x128xf32, #tpu.memory_space<hbm>>
    %dma_start3A_241 = tpu.memref_squeeze %dma_start3A_240 : memref<1x120x128xf32, #tpu.memory_space<hbm>> -> memref<120x128xf32, #tpu.memory_space<hbm>>
    %dma_start3A_242 = arith.constant 0 : i32
    %dma_start3A_243 = tpu.memref_slice %arg7[%arg0, %add3A_235, %dma_start3A_242] : memref<2x10240x128xf32, #tpu.memory_space<hbm>> -> memref<1x120x128xf32, #tpu.memory_space<hbm>>
    %dma_start3A_244 = tpu.memref_squeeze %dma_start3A_243 : memref<1x120x128xf32, #tpu.memory_space<hbm>> -> memref<120x128xf32, #tpu.memory_space<hbm>>
    %dma_start3A_245 = arith.constant 0 : i32
    %dma_start3A_246 = arith.constant 0 : i32
    %dma_start3A_247 = tpu.memref_slice %arg10[%dma_start3A_245, %dma_start3A_246] : memref<128x128xf32, #tpu.memory_space<vmem>> -> memref<120x128xf32, #tpu.memory_space<vmem>>
    tpu.enqueue_dma source(%dma_start3A_247 : memref<120x128xf32, #tpu.memory_space<vmem>>) target(%dma_start3A_244 : memref<120x128xf32, #tpu.memory_space<hbm>>) target_semaphore(%arg13 : memref<!tpu.dma_semaphore, #tpu.memory_space<semaphore_mem>>)
    %add3A_248 = arith.constant 384 : i32
    %add3A_249 = arith.addi %mul3A_0, %add3A_248 : i32
    %dma_wait3A_250 = arith.constant 0 : i32
    %dma_wait3A_251 = arith.constant 0 : i32
    %dma_wait3A_252 = tpu.memref_slice %arg11[%dma_wait3A_250, %dma_wait3A_251] : memref<128x128xf32, #tpu.memory_space<vmem>> -> memref<128x128xf32, #tpu.memory_space<vmem>>
    %dma_wait3A_253 = arith.constant 0 : i32
    %dma_wait3A_254 = tpu.memref_slice %arg7[%arg0, %add3A_249, %dma_wait3A_253] : memref<2x10240x128xf32, #tpu.memory_space<hbm>> -> memref<1x128x128xf32, #tpu.memory_space<hbm>>
    %dma_wait3A_255 = tpu.memref_squeeze %dma_wait3A_254 : memref<1x128x128xf32, #tpu.memory_space<hbm>> -> memref<128x128xf32, #tpu.memory_space<hbm>>
    %dma_wait3A_256 = arith.constant 0 : i32
    %dma_wait3A_257 = tpu.memref_slice %arg7[%arg0, %add3A_249, %dma_wait3A_256] : memref<2x10240x128xf32, #tpu.memory_space<hbm>> -> memref<1x128x128xf32, #tpu.memory_space<hbm>>
    %dma_wait3A_258 = tpu.memref_squeeze %dma_wait3A_257 : memref<1x128x128xf32, #tpu.memory_space<hbm>> -> memref<128x128xf32, #tpu.memory_space<hbm>>
    %dma_wait3A_259 = arith.constant 0 : i32
    %dma_wait3A_260 = arith.constant 0 : i32
    %dma_wait3A_261 = tpu.memref_slice %arg11[%dma_wait3A_259, %dma_wait3A_260] : memref<128x128xf32, #tpu.memory_space<vmem>> -> memref<128x128xf32, #tpu.memory_space<vmem>>
    tpu.wait_dma2 semaphore(%arg14 : memref<!tpu.dma_semaphore, #tpu.memory_space<semaphore_mem>>) src(%dma_wait3A_261 : memref<128x128xf32, #tpu.memory_space<vmem>>) dst(%dma_wait3A_258 : memref<128x128xf32, #tpu.memory_space<hbm>>)
    %add3A_262 = arith.constant 512 : i32
    %add3A_263 = arith.addi %mul3A_0, %add3A_262 : i32
    %dma_wait3A_264 = arith.constant 0 : i32
    %dma_wait3A_265 = arith.constant 0 : i32
    %dma_wait3A_266 = tpu.memref_slice %arg10[%dma_wait3A_264, %dma_wait3A_265] : memref<128x128xf32, #tpu.memory_space<vmem>> -> memref<120x128xf32, #tpu.memory_space<vmem>>
    %dma_wait3A_267 = arith.constant 0 : i32
    %dma_wait3A_268 = tpu.memref_slice %arg7[%arg0, %add3A_263, %dma_wait3A_267] : memref<2x10240x128xf32, #tpu.memory_space<hbm>> -> memref<1x120x128xf32, #tpu.memory_space<hbm>>
    %dma_wait3A_269 = tpu.memref_squeeze %dma_wait3A_268 : memref<1x120x128xf32, #tpu.memory_space<hbm>> -> memref<120x128xf32, #tpu.memory_space<hbm>>
    %dma_wait3A_270 = arith.constant 0 : i32
    %dma_wait3A_271 = tpu.memref_slice %arg7[%arg0, %add3A_263, %dma_wait3A_270] : memref<2x10240x128xf32, #tpu.memory_space<hbm>> -> memref<1x120x128xf32, #tpu.memory_space<hbm>>
    %dma_wait3A_272 = tpu.memref_squeeze %dma_wait3A_271 : memref<1x120x128xf32, #tpu.memory_space<hbm>> -> memref<120x128xf32, #tpu.memory_space<hbm>>
    %dma_wait3A_273 = arith.constant 0 : i32
    %dma_wait3A_274 = arith.constant 0 : i32
    %dma_wait3A_275 = tpu.memref_slice %arg10[%dma_wait3A_273, %dma_wait3A_274] : memref<128x128xf32, #tpu.memory_space<vmem>> -> memref<120x128xf32, #tpu.memory_space<vmem>>
    tpu.wait_dma2 semaphore(%arg13 : memref<!tpu.dma_semaphore, #tpu.memory_space<semaphore_mem>>) src(%dma_wait3A_275 : memref<120x128xf32, #tpu.memory_space<vmem>>) dst(%dma_wait3A_272 : memref<120x128xf32, #tpu.memory_space<hbm>>)
    return
  }
}

#map = affine_map<(d0, d1) -> (0, 0)>
#map1 = affine_map<(d0, d1) -> (0, 0, 0)>
module attributes {stable_mosaic.version = 14 : i64} {
  func.func @_seg(%arg0: i32, %arg1: i32, %arg2: memref<10240x128xf32, #tpu.memory_space<hbm>>, %arg3: memref<10240x128xf32, #tpu.memory_space<hbm>>, %arg4: memref<2560x128xi32, #tpu.memory_space<hbm>>, %arg5: memref<2560x128xi32, #tpu.memory_space<hbm>>, %arg6: memref<128x128xf32, #tpu.memory_space<hbm>>, %arg7: memref<2x10240x128xf32, #tpu.memory_space<hbm>>, %arg8: memref<40x128xi32, #tpu.memory_space<vmem>>, %arg9: memref<40x128xi32, #tpu.memory_space<vmem>>, %arg10: memref<128x128xf32, #tpu.memory_space<vmem>>, %arg11: memref<128x128xf32, #tpu.memory_space<vmem>>, %arg12: memref<10112x128xf32, #tpu.memory_space<vmem_shared>>, %arg13: memref<!tpu.dma_semaphore, #tpu.memory_space<semaphore_mem>>, %arg14: memref<!tpu.dma_semaphore, #tpu.memory_space<semaphore_mem>>, %arg15: memref<!tpu.dma_semaphore, #tpu.memory_space<semaphore_mem>>, %arg16: memref<!tpu.dma_semaphore, #tpu.memory_space<semaphore_mem>>) attributes {dimension_semantics = [#tpu.dimension_semantics<core_parallel>, #tpu.dimension_semantics<subcore_parallel>], iteration_bounds = array<i64: 2, 16>, scalar_prefetch = 0 : i64, scratch_operands = 9 : i64, tpu.core_type = #tpu.core_type<sc_vector_subcore>, window_params = [{transform_indices = #map}, {transform_indices = #map}, {transform_indices = #map}, {transform_indices = #map}, {transform_indices = #map}, {transform_indices = #map1}]} {
    %mul3A = arith.constant 632 : i32
    %mul3A_0 = arith.muli %arg1, %mul3A : i32
    "tpu.region"() ({
      %run_scoped3A = tpu.sem_alloc : memref<!tpu.dma_semaphore, #tpu.memory_space<semaphore_mem>>
      tpu.enqueue_dma source(%arg6 : memref<128x128xf32, #tpu.memory_space<hbm>>) target(%arg10 : memref<128x128xf32, #tpu.memory_space<vmem>>) target_semaphore(%run_scoped3A : memref<!tpu.dma_semaphore, #tpu.memory_space<semaphore_mem>>)
      tpu.wait_dma2 semaphore(%run_scoped3A : memref<!tpu.dma_semaphore, #tpu.memory_space<semaphore_mem>>) src(%arg6 : memref<128x128xf32, #tpu.memory_space<hbm>>) dst(%arg10 : memref<128x128xf32, #tpu.memory_space<vmem>>)
      tpu.yield
    }) : () -> ()
    %add3A = arith.constant 0 : i32
    %add3A_1 = arith.addi %mul3A_0, %add3A : i32
    %dma_start3A = arith.constant 0 : i32
    %dma_start3A_2 = arith.constant 0 : i32
    %dma_start3A_3 = tpu.memref_slice %arg10[%dma_start3A, %dma_start3A_2] : memref<128x128xf32, #tpu.memory_space<vmem>> -> memref<128x128xf32, #tpu.memory_space<vmem>>
    %dma_start3A_4 = arith.constant 0 : i32
    %dma_start3A_5 = tpu.memref_slice %arg12[%add3A_1, %dma_start3A_4] : memref<10112x128xf32, #tpu.memory_space<vmem_shared>> -> memref<128x128xf32, #tpu.memory_space<vmem_shared>>
    %dma_start3A_6 = arith.constant 0 : i32
    %dma_start3A_7 = tpu.memref_slice %arg12[%add3A_1, %dma_start3A_6] : memref<10112x128xf32, #tpu.memory_space<vmem_shared>> -> memref<128x128xf32, #tpu.memory_space<vmem_shared>>
    %dma_start3A_8 = arith.constant 0 : i32
    %dma_start3A_9 = arith.constant 0 : i32
    %dma_start3A_10 = tpu.memref_slice %arg10[%dma_start3A_8, %dma_start3A_9] : memref<128x128xf32, #tpu.memory_space<vmem>> -> memref<128x128xf32, #tpu.memory_space<vmem>>
    tpu.enqueue_dma source(%dma_start3A_10 : memref<128x128xf32, #tpu.memory_space<vmem>>) target(%dma_start3A_7 : memref<128x128xf32, #tpu.memory_space<vmem_shared>>) target_semaphore(%arg15 : memref<!tpu.dma_semaphore, #tpu.memory_space<semaphore_mem>>)
    %add3A_11 = arith.constant 128 : i32
    %add3A_12 = arith.addi %mul3A_0, %add3A_11 : i32
    %dma_start3A_13 = arith.constant 0 : i32
    %dma_start3A_14 = arith.constant 0 : i32
    %dma_start3A_15 = tpu.memref_slice %arg10[%dma_start3A_13, %dma_start3A_14] : memref<128x128xf32, #tpu.memory_space<vmem>> -> memref<128x128xf32, #tpu.memory_space<vmem>>
    %dma_start3A_16 = arith.constant 0 : i32
    %dma_start3A_17 = tpu.memref_slice %arg12[%add3A_12, %dma_start3A_16] : memref<10112x128xf32, #tpu.memory_space<vmem_shared>> -> memref<128x128xf32, #tpu.memory_space<vmem_shared>>
    %dma_start3A_18 = arith.constant 0 : i32
    %dma_start3A_19 = tpu.memref_slice %arg12[%add3A_12, %dma_start3A_18] : memref<10112x128xf32, #tpu.memory_space<vmem_shared>> -> memref<128x128xf32, #tpu.memory_space<vmem_shared>>
    %dma_start3A_20 = arith.constant 0 : i32
    %dma_start3A_21 = arith.constant 0 : i32
    %dma_start3A_22 = tpu.memref_slice %arg10[%dma_start3A_20, %dma_start3A_21] : memref<128x128xf32, #tpu.memory_space<vmem>> -> memref<128x128xf32, #tpu.memory_space<vmem>>
    tpu.enqueue_dma source(%dma_start3A_22 : memref<128x128xf32, #tpu.memory_space<vmem>>) target(%dma_start3A_19 : memref<128x128xf32, #tpu.memory_space<vmem_shared>>) target_semaphore(%arg15 : memref<!tpu.dma_semaphore, #tpu.memory_space<semaphore_mem>>)
    %add3A_23 = arith.constant 256 : i32
    %add3A_24 = arith.addi %mul3A_0, %add3A_23 : i32
    %dma_start3A_25 = arith.constant 0 : i32
    %dma_start3A_26 = arith.constant 0 : i32
    %dma_start3A_27 = tpu.memref_slice %arg10[%dma_start3A_25, %dma_start3A_26] : memref<128x128xf32, #tpu.memory_space<vmem>> -> memref<128x128xf32, #tpu.memory_space<vmem>>
    %dma_start3A_28 = arith.constant 0 : i32
    %dma_start3A_29 = tpu.memref_slice %arg12[%add3A_24, %dma_start3A_28] : memref<10112x128xf32, #tpu.memory_space<vmem_shared>> -> memref<128x128xf32, #tpu.memory_space<vmem_shared>>
    %dma_start3A_30 = arith.constant 0 : i32
    %dma_start3A_31 = tpu.memref_slice %arg12[%add3A_24, %dma_start3A_30] : memref<10112x128xf32, #tpu.memory_space<vmem_shared>> -> memref<128x128xf32, #tpu.memory_space<vmem_shared>>
    %dma_start3A_32 = arith.constant 0 : i32
    %dma_start3A_33 = arith.constant 0 : i32
    %dma_start3A_34 = tpu.memref_slice %arg10[%dma_start3A_32, %dma_start3A_33] : memref<128x128xf32, #tpu.memory_space<vmem>> -> memref<128x128xf32, #tpu.memory_space<vmem>>
    tpu.enqueue_dma source(%dma_start3A_34 : memref<128x128xf32, #tpu.memory_space<vmem>>) target(%dma_start3A_31 : memref<128x128xf32, #tpu.memory_space<vmem_shared>>) target_semaphore(%arg15 : memref<!tpu.dma_semaphore, #tpu.memory_space<semaphore_mem>>)
    %add3A_35 = arith.constant 384 : i32
    %add3A_36 = arith.addi %mul3A_0, %add3A_35 : i32
    %dma_start3A_37 = arith.constant 0 : i32
    %dma_start3A_38 = arith.constant 0 : i32
    %dma_start3A_39 = tpu.memref_slice %arg10[%dma_start3A_37, %dma_start3A_38] : memref<128x128xf32, #tpu.memory_space<vmem>> -> memref<128x128xf32, #tpu.memory_space<vmem>>
    %dma_start3A_40 = arith.constant 0 : i32
    %dma_start3A_41 = tpu.memref_slice %arg12[%add3A_36, %dma_start3A_40] : memref<10112x128xf32, #tpu.memory_space<vmem_shared>> -> memref<128x128xf32, #tpu.memory_space<vmem_shared>>
    %dma_start3A_42 = arith.constant 0 : i32
    %dma_start3A_43 = tpu.memref_slice %arg12[%add3A_36, %dma_start3A_42] : memref<10112x128xf32, #tpu.memory_space<vmem_shared>> -> memref<128x128xf32, #tpu.memory_space<vmem_shared>>
    %dma_start3A_44 = arith.constant 0 : i32
    %dma_start3A_45 = arith.constant 0 : i32
    %dma_start3A_46 = tpu.memref_slice %arg10[%dma_start3A_44, %dma_start3A_45] : memref<128x128xf32, #tpu.memory_space<vmem>> -> memref<128x128xf32, #tpu.memory_space<vmem>>
    tpu.enqueue_dma source(%dma_start3A_46 : memref<128x128xf32, #tpu.memory_space<vmem>>) target(%dma_start3A_43 : memref<128x128xf32, #tpu.memory_space<vmem_shared>>) target_semaphore(%arg15 : memref<!tpu.dma_semaphore, #tpu.memory_space<semaphore_mem>>)
    %add3A_47 = arith.constant 512 : i32
    %add3A_48 = arith.addi %mul3A_0, %add3A_47 : i32
    %dma_start3A_49 = arith.constant 0 : i32
    %dma_start3A_50 = arith.constant 0 : i32
    %dma_start3A_51 = tpu.memref_slice %arg10[%dma_start3A_49, %dma_start3A_50] : memref<128x128xf32, #tpu.memory_space<vmem>> -> memref<120x128xf32, #tpu.memory_space<vmem>>
    %dma_start3A_52 = arith.constant 0 : i32
    %dma_start3A_53 = tpu.memref_slice %arg12[%add3A_48, %dma_start3A_52] : memref<10112x128xf32, #tpu.memory_space<vmem_shared>> -> memref<120x128xf32, #tpu.memory_space<vmem_shared>>
    %dma_start3A_54 = arith.constant 0 : i32
    %dma_start3A_55 = tpu.memref_slice %arg12[%add3A_48, %dma_start3A_54] : memref<10112x128xf32, #tpu.memory_space<vmem_shared>> -> memref<120x128xf32, #tpu.memory_space<vmem_shared>>
    %dma_start3A_56 = arith.constant 0 : i32
    %dma_start3A_57 = arith.constant 0 : i32
    %dma_start3A_58 = tpu.memref_slice %arg10[%dma_start3A_56, %dma_start3A_57] : memref<128x128xf32, #tpu.memory_space<vmem>> -> memref<120x128xf32, #tpu.memory_space<vmem>>
    tpu.enqueue_dma source(%dma_start3A_58 : memref<120x128xf32, #tpu.memory_space<vmem>>) target(%dma_start3A_55 : memref<120x128xf32, #tpu.memory_space<vmem_shared>>) target_semaphore(%arg15 : memref<!tpu.dma_semaphore, #tpu.memory_space<semaphore_mem>>)
    %add3A_59 = arith.constant 0 : i32
    %add3A_60 = arith.addi %mul3A_0, %add3A_59 : i32
    %dma_wait3A = arith.constant 0 : i32
    %dma_wait3A_61 = arith.constant 0 : i32
    %dma_wait3A_62 = tpu.memref_slice %arg10[%dma_wait3A, %dma_wait3A_61] : memref<128x128xf32, #tpu.memory_space<vmem>> -> memref<128x128xf32, #tpu.memory_space<vmem>>
    %dma_wait3A_63 = arith.constant 0 : i32
    %dma_wait3A_64 = tpu.memref_slice %arg12[%add3A_60, %dma_wait3A_63] : memref<10112x128xf32, #tpu.memory_space<vmem_shared>> -> memref<128x128xf32, #tpu.memory_space<vmem_shared>>
    %dma_wait3A_65 = arith.constant 0 : i32
    %dma_wait3A_66 = tpu.memref_slice %arg12[%add3A_60, %dma_wait3A_65] : memref<10112x128xf32, #tpu.memory_space<vmem_shared>> -> memref<128x128xf32, #tpu.memory_space<vmem_shared>>
    %dma_wait3A_67 = arith.constant 0 : i32
    %dma_wait3A_68 = arith.constant 0 : i32
    %dma_wait3A_69 = tpu.memref_slice %arg10[%dma_wait3A_67, %dma_wait3A_68] : memref<128x128xf32, #tpu.memory_space<vmem>> -> memref<128x128xf32, #tpu.memory_space<vmem>>
    tpu.wait_dma2 semaphore(%arg15 : memref<!tpu.dma_semaphore, #tpu.memory_space<semaphore_mem>>) src(%dma_wait3A_69 : memref<128x128xf32, #tpu.memory_space<vmem>>) dst(%dma_wait3A_66 : memref<128x128xf32, #tpu.memory_space<vmem_shared>>)
    %add3A_70 = arith.constant 128 : i32
    %add3A_71 = arith.addi %mul3A_0, %add3A_70 : i32
    %dma_wait3A_72 = arith.constant 0 : i32
    %dma_wait3A_73 = arith.constant 0 : i32
    %dma_wait3A_74 = tpu.memref_slice %arg10[%dma_wait3A_72, %dma_wait3A_73] : memref<128x128xf32, #tpu.memory_space<vmem>> -> memref<128x128xf32, #tpu.memory_space<vmem>>
    %dma_wait3A_75 = arith.constant 0 : i32
    %dma_wait3A_76 = tpu.memref_slice %arg12[%add3A_71, %dma_wait3A_75] : memref<10112x128xf32, #tpu.memory_space<vmem_shared>> -> memref<128x128xf32, #tpu.memory_space<vmem_shared>>
    %dma_wait3A_77 = arith.constant 0 : i32
    %dma_wait3A_78 = tpu.memref_slice %arg12[%add3A_71, %dma_wait3A_77] : memref<10112x128xf32, #tpu.memory_space<vmem_shared>> -> memref<128x128xf32, #tpu.memory_space<vmem_shared>>
    %dma_wait3A_79 = arith.constant 0 : i32
    %dma_wait3A_80 = arith.constant 0 : i32
    %dma_wait3A_81 = tpu.memref_slice %arg10[%dma_wait3A_79, %dma_wait3A_80] : memref<128x128xf32, #tpu.memory_space<vmem>> -> memref<128x128xf32, #tpu.memory_space<vmem>>
    tpu.wait_dma2 semaphore(%arg15 : memref<!tpu.dma_semaphore, #tpu.memory_space<semaphore_mem>>) src(%dma_wait3A_81 : memref<128x128xf32, #tpu.memory_space<vmem>>) dst(%dma_wait3A_78 : memref<128x128xf32, #tpu.memory_space<vmem_shared>>)
    %add3A_82 = arith.constant 256 : i32
    %add3A_83 = arith.addi %mul3A_0, %add3A_82 : i32
    %dma_wait3A_84 = arith.constant 0 : i32
    %dma_wait3A_85 = arith.constant 0 : i32
    %dma_wait3A_86 = tpu.memref_slice %arg10[%dma_wait3A_84, %dma_wait3A_85] : memref<128x128xf32, #tpu.memory_space<vmem>> -> memref<128x128xf32, #tpu.memory_space<vmem>>
    %dma_wait3A_87 = arith.constant 0 : i32
    %dma_wait3A_88 = tpu.memref_slice %arg12[%add3A_83, %dma_wait3A_87] : memref<10112x128xf32, #tpu.memory_space<vmem_shared>> -> memref<128x128xf32, #tpu.memory_space<vmem_shared>>
    %dma_wait3A_89 = arith.constant 0 : i32
    %dma_wait3A_90 = tpu.memref_slice %arg12[%add3A_83, %dma_wait3A_89] : memref<10112x128xf32, #tpu.memory_space<vmem_shared>> -> memref<128x128xf32, #tpu.memory_space<vmem_shared>>
    %dma_wait3A_91 = arith.constant 0 : i32
    %dma_wait3A_92 = arith.constant 0 : i32
    %dma_wait3A_93 = tpu.memref_slice %arg10[%dma_wait3A_91, %dma_wait3A_92] : memref<128x128xf32, #tpu.memory_space<vmem>> -> memref<128x128xf32, #tpu.memory_space<vmem>>
    tpu.wait_dma2 semaphore(%arg15 : memref<!tpu.dma_semaphore, #tpu.memory_space<semaphore_mem>>) src(%dma_wait3A_93 : memref<128x128xf32, #tpu.memory_space<vmem>>) dst(%dma_wait3A_90 : memref<128x128xf32, #tpu.memory_space<vmem_shared>>)
    %add3A_94 = arith.constant 384 : i32
    %add3A_95 = arith.addi %mul3A_0, %add3A_94 : i32
    %dma_wait3A_96 = arith.constant 0 : i32
    %dma_wait3A_97 = arith.constant 0 : i32
    %dma_wait3A_98 = tpu.memref_slice %arg10[%dma_wait3A_96, %dma_wait3A_97] : memref<128x128xf32, #tpu.memory_space<vmem>> -> memref<128x128xf32, #tpu.memory_space<vmem>>
    %dma_wait3A_99 = arith.constant 0 : i32
    %dma_wait3A_100 = tpu.memref_slice %arg12[%add3A_95, %dma_wait3A_99] : memref<10112x128xf32, #tpu.memory_space<vmem_shared>> -> memref<128x128xf32, #tpu.memory_space<vmem_shared>>
    %dma_wait3A_101 = arith.constant 0 : i32
    %dma_wait3A_102 = tpu.memref_slice %arg12[%add3A_95, %dma_wait3A_101] : memref<10112x128xf32, #tpu.memory_space<vmem_shared>> -> memref<128x128xf32, #tpu.memory_space<vmem_shared>>
    %dma_wait3A_103 = arith.constant 0 : i32
    %dma_wait3A_104 = arith.constant 0 : i32
    %dma_wait3A_105 = tpu.memref_slice %arg10[%dma_wait3A_103, %dma_wait3A_104] : memref<128x128xf32, #tpu.memory_space<vmem>> -> memref<128x128xf32, #tpu.memory_space<vmem>>
    tpu.wait_dma2 semaphore(%arg15 : memref<!tpu.dma_semaphore, #tpu.memory_space<semaphore_mem>>) src(%dma_wait3A_105 : memref<128x128xf32, #tpu.memory_space<vmem>>) dst(%dma_wait3A_102 : memref<128x128xf32, #tpu.memory_space<vmem_shared>>)
    %add3A_106 = arith.constant 512 : i32
    %add3A_107 = arith.addi %mul3A_0, %add3A_106 : i32
    %dma_wait3A_108 = arith.constant 0 : i32
    %dma_wait3A_109 = arith.constant 0 : i32
    %dma_wait3A_110 = tpu.memref_slice %arg10[%dma_wait3A_108, %dma_wait3A_109] : memref<128x128xf32, #tpu.memory_space<vmem>> -> memref<120x128xf32, #tpu.memory_space<vmem>>
    %dma_wait3A_111 = arith.constant 0 : i32
    %dma_wait3A_112 = tpu.memref_slice %arg12[%add3A_107, %dma_wait3A_111] : memref<10112x128xf32, #tpu.memory_space<vmem_shared>> -> memref<120x128xf32, #tpu.memory_space<vmem_shared>>
    %dma_wait3A_113 = arith.constant 0 : i32
    %dma_wait3A_114 = tpu.memref_slice %arg12[%add3A_107, %dma_wait3A_113] : memref<10112x128xf32, #tpu.memory_space<vmem_shared>> -> memref<120x128xf32, #tpu.memory_space<vmem_shared>>
    %dma_wait3A_115 = arith.constant 0 : i32
    %dma_wait3A_116 = arith.constant 0 : i32
    %dma_wait3A_117 = tpu.memref_slice %arg10[%dma_wait3A_115, %dma_wait3A_116] : memref<128x128xf32, #tpu.memory_space<vmem>> -> memref<120x128xf32, #tpu.memory_space<vmem>>
    tpu.wait_dma2 semaphore(%arg15 : memref<!tpu.dma_semaphore, #tpu.memory_space<semaphore_mem>>) src(%dma_wait3A_117 : memref<120x128xf32, #tpu.memory_space<vmem>>) dst(%dma_wait3A_114 : memref<120x128xf32, #tpu.memory_space<vmem_shared>>)
    %barrier3A = arith.constant 0 : index
    tpu.barrier barrier_id(%barrier3A)
    %eq3A = arith.constant 0 : i32
    %eq3A_118 = arith.cmpi eq, %arg0, %eq3A : i32
    %convert_element_type3A = arith.extui %eq3A_118 : i1 to i32
    %cond3A = arith.constant 0 : i32
    %cond3A_119 = arith.cmpi ne, %convert_element_type3A, %cond3A : i32
    scf.if %cond3A_119 {
      %mul3A_276 = arith.constant 152 : i32
      %mul3A_277 = arith.muli %arg1, %mul3A_276 : i32
      %add3A_278 = arith.constant 0 : i32
      %add3A_279 = arith.addi %add3A_278, %mul3A_277 : i32
      %add3A_280 = arith.constant 0 : i32
      %add3A_281 = arith.addi %add3A_279, %add3A_280 : i32
      "tpu.region"() ({
        %run_scoped3A = tpu.sem_alloc : memref<!tpu.dma_semaphore, #tpu.memory_space<semaphore_mem>>
        %dma_start3A_367 = arith.constant 0 : i32
        %dma_start3A_368 = arith.constant 0 : i32
        %dma_start3A_369 = tpu.memref_slice %arg8[%dma_start3A_367, %dma_start3A_368] : memref<40x128xi32, #tpu.memory_space<vmem>> -> memref<40x128xi32, #tpu.memory_space<vmem>>
        %dma_start3A_370 = arith.constant 0 : i32
        %dma_start3A_371 = tpu.memref_slice %arg4[%add3A_281, %dma_start3A_370] : memref<2560x128xi32, #tpu.memory_space<hbm>> -> memref<40x128xi32, #tpu.memory_space<hbm>>
        %dma_start3A_372 = arith.constant 0 : i32
        %dma_start3A_373 = arith.constant 0 : i32
        %dma_start3A_374 = tpu.memref_slice %arg8[%dma_start3A_372, %dma_start3A_373] : memref<40x128xi32, #tpu.memory_space<vmem>> -> memref<40x128xi32, #tpu.memory_space<vmem>>
        %dma_start3A_375 = arith.constant 0 : i32
        %dma_start3A_376 = tpu.memref_slice %arg4[%add3A_281, %dma_start3A_375] : memref<2560x128xi32, #tpu.memory_space<hbm>> -> memref<40x128xi32, #tpu.memory_space<hbm>>
        tpu.enqueue_dma source(%dma_start3A_376 : memref<40x128xi32, #tpu.memory_space<hbm>>) target(%dma_start3A_374 : memref<40x128xi32, #tpu.memory_space<vmem>>) target_semaphore(%run_scoped3A : memref<!tpu.dma_semaphore, #tpu.memory_space<semaphore_mem>>)
        %dma_wait3A_377 = arith.constant 0 : i32
        %dma_wait3A_378 = arith.constant 0 : i32
        %dma_wait3A_379 = tpu.memref_slice %arg8[%dma_wait3A_377, %dma_wait3A_378] : memref<40x128xi32, #tpu.memory_space<vmem>> -> memref<40x128xi32, #tpu.memory_space<vmem>>
        %dma_wait3A_380 = arith.constant 0 : i32
        %dma_wait3A_381 = tpu.memref_slice %arg4[%add3A_281, %dma_wait3A_380] : memref<2560x128xi32, #tpu.memory_space<hbm>> -> memref<40x128xi32, #tpu.memory_space<hbm>>
        %dma_wait3A_382 = arith.constant 0 : i32
        %dma_wait3A_383 = arith.constant 0 : i32
        %dma_wait3A_384 = tpu.memref_slice %arg8[%dma_wait3A_382, %dma_wait3A_383] : memref<40x128xi32, #tpu.memory_space<vmem>> -> memref<40x128xi32, #tpu.memory_space<vmem>>
        %dma_wait3A_385 = arith.constant 0 : i32
        %dma_wait3A_386 = tpu.memref_slice %arg4[%add3A_281, %dma_wait3A_385] : memref<2560x128xi32, #tpu.memory_space<hbm>> -> memref<40x128xi32, #tpu.memory_space<hbm>>
        tpu.wait_dma2 semaphore(%run_scoped3A : memref<!tpu.dma_semaphore, #tpu.memory_space<semaphore_mem>>) src(%dma_wait3A_386 : memref<40x128xi32, #tpu.memory_space<hbm>>) dst(%dma_wait3A_384 : memref<40x128xi32, #tpu.memory_space<vmem>>)
        tpu.yield
      }) : () -> ()
      "tpu.region"() ({
        %run_scoped3A = tpu.sem_alloc : memref<!tpu.dma_semaphore, #tpu.memory_space<semaphore_mem>>
        %dma_start3A_367 = arith.constant 0 : i32
        %dma_start3A_368 = arith.constant 0 : i32
        %dma_start3A_369 = tpu.memref_slice %arg9[%dma_start3A_367, %dma_start3A_368] : memref<40x128xi32, #tpu.memory_space<vmem>> -> memref<40x128xi32, #tpu.memory_space<vmem>>
        %dma_start3A_370 = arith.constant 0 : i32
        %dma_start3A_371 = tpu.memref_slice %arg5[%add3A_281, %dma_start3A_370] : memref<2560x128xi32, #tpu.memory_space<hbm>> -> memref<40x128xi32, #tpu.memory_space<hbm>>
        %dma_start3A_372 = arith.constant 0 : i32
        %dma_start3A_373 = arith.constant 0 : i32
        %dma_start3A_374 = tpu.memref_slice %arg9[%dma_start3A_372, %dma_start3A_373] : memref<40x128xi32, #tpu.memory_space<vmem>> -> memref<40x128xi32, #tpu.memory_space<vmem>>
        %dma_start3A_375 = arith.constant 0 : i32
        %dma_start3A_376 = tpu.memref_slice %arg5[%add3A_281, %dma_start3A_375] : memref<2560x128xi32, #tpu.memory_space<hbm>> -> memref<40x128xi32, #tpu.memory_space<hbm>>
        tpu.enqueue_dma source(%dma_start3A_376 : memref<40x128xi32, #tpu.memory_space<hbm>>) target(%dma_start3A_374 : memref<40x128xi32, #tpu.memory_space<vmem>>) target_semaphore(%run_scoped3A : memref<!tpu.dma_semaphore, #tpu.memory_space<semaphore_mem>>)
        %dma_wait3A_377 = arith.constant 0 : i32
        %dma_wait3A_378 = arith.constant 0 : i32
        %dma_wait3A_379 = tpu.memref_slice %arg9[%dma_wait3A_377, %dma_wait3A_378] : memref<40x128xi32, #tpu.memory_space<vmem>> -> memref<40x128xi32, #tpu.memory_space<vmem>>
        %dma_wait3A_380 = arith.constant 0 : i32
        %dma_wait3A_381 = tpu.memref_slice %arg5[%add3A_281, %dma_wait3A_380] : memref<2560x128xi32, #tpu.memory_space<hbm>> -> memref<40x128xi32, #tpu.memory_space<hbm>>
        %dma_wait3A_382 = arith.constant 0 : i32
        %dma_wait3A_383 = arith.constant 0 : i32
        %dma_wait3A_384 = tpu.memref_slice %arg9[%dma_wait3A_382, %dma_wait3A_383] : memref<40x128xi32, #tpu.memory_space<vmem>> -> memref<40x128xi32, #tpu.memory_space<vmem>>
        %dma_wait3A_385 = arith.constant 0 : i32
        %dma_wait3A_386 = tpu.memref_slice %arg5[%add3A_281, %dma_wait3A_385] : memref<2560x128xi32, #tpu.memory_space<hbm>> -> memref<40x128xi32, #tpu.memory_space<hbm>>
        tpu.wait_dma2 semaphore(%run_scoped3A : memref<!tpu.dma_semaphore, #tpu.memory_space<semaphore_mem>>) src(%dma_wait3A_386 : memref<40x128xi32, #tpu.memory_space<hbm>>) dst(%dma_wait3A_384 : memref<40x128xi32, #tpu.memory_space<vmem>>)
        tpu.yield
      }) : () -> ()
      %dma_start3A_282 = arith.constant 0 : i32
      %dma_start3A_283 = arith.constant 0 : i32
      %dma_start3A_284 = tpu.memref_slice %arg8[%dma_start3A_282, %dma_start3A_283] : memref<40x128xi32, #tpu.memory_space<vmem>> -> memref<1x128xi32, #tpu.memory_space<vmem>>
      %dma_start3A_285 = tpu.memref_squeeze %dma_start3A_284 : memref<1x128xi32, #tpu.memory_space<vmem>> -> memref<128xi32, #tpu.memory_space<vmem>>
      %dma_start3A_286 = arith.constant 0 : i32
      %dma_start3A_287 = arith.constant 0 : i32
      %dma_start3A_288 = tpu.memref_slice %arg2[%dma_start3A_286, %dma_start3A_287] : memref<10240x128xf32, #tpu.memory_space<hbm>> -> memref<10240x128xf32, #tpu.memory_space<hbm>>
      tpu.enqueue_indirect_dma source(%dma_start3A_288 : memref<10240x128xf32, #tpu.memory_space<hbm>>) target(%arg10 : memref<128x128xf32, #tpu.memory_space<vmem>>) offsets(%dma_start3A_285 : memref<128xi32, #tpu.memory_space<vmem>>) semaphore(%arg13 : memref<!tpu.dma_semaphore, #tpu.memory_space<semaphore_mem>>)
      %scan3A = arith.constant 0 : i32
      %scan3A_289 = arith.constant 0 : i32
      %scan3A_290 = arith.constant 20 : i32
      %scan3A_291 = arith.addi %scan3A_289, %scan3A_290 : i32
      %scan3A_292 = arith.constant 1 : i32
      scf.for %scan3A_367 = %scan3A_289 to %scan3A_291 step %scan3A_292  : i32 {
        %mul3A_368 = arith.constant 2 : i32
        %mul3A_369 = arith.muli %mul3A_368, %scan3A_367 : i32
        %gt3A = arith.constant 0 : i32
        %gt3A_370 = arith.cmpi sgt, %scan3A_367, %gt3A : i32
        %convert_element_type3A_371 = arith.extui %gt3A_370 : i1 to i32
        %cond3A_372 = arith.constant 0 : i32
        %cond3A_373 = arith.cmpi ne, %convert_element_type3A_371, %cond3A_372 : i32
        scf.if %cond3A_373 {
          %sub3A = arith.constant 1 : i32
          %sub3A_420 = arith.subi %mul3A_369, %sub3A : i32
          %dma_wait3A_421 = arith.constant 0 : i32
          %dma_wait3A_422 = tpu.memref_slice %arg9[%sub3A_420, %dma_wait3A_421] : memref<40x128xi32, #tpu.memory_space<vmem>> -> memref<1x128xi32, #tpu.memory_space<vmem>>
          %dma_wait3A_423 = tpu.memref_squeeze %dma_wait3A_422 : memref<1x128xi32, #tpu.memory_space<vmem>> -> memref<128xi32, #tpu.memory_space<vmem>>
          %dma_wait3A_424 = arith.constant 0 : i32
          %dma_wait3A_425 = arith.constant 0 : i32
          %dma_wait3A_426 = tpu.memref_slice %arg12[%dma_wait3A_424, %dma_wait3A_425] : memref<10112x128xf32, #tpu.memory_space<vmem_shared>> -> memref<10112x128xf32, #tpu.memory_space<vmem_shared>>
          tpu.wait_indirect_dma semaphore(%arg16 : memref<!tpu.dma_semaphore, #tpu.memory_space<semaphore_mem>>) src(%arg11 : memref<128x128xf32, #tpu.memory_space<vmem>>) dst(%dma_wait3A_426 : memref<10112x128xf32, #tpu.memory_space<vmem_shared>>)
        } else {
        }
        %add3A_374 = arith.constant 1 : i32
        %add3A_375 = arith.addi %mul3A_369, %add3A_374 : i32
        %dma_start3A_376 = arith.constant 0 : i32
        %dma_start3A_377 = tpu.memref_slice %arg8[%add3A_375, %dma_start3A_376] : memref<40x128xi32, #tpu.memory_space<vmem>> -> memref<1x128xi32, #tpu.memory_space<vmem>>
        %dma_start3A_378 = tpu.memref_squeeze %dma_start3A_377 : memref<1x128xi32, #tpu.memory_space<vmem>> -> memref<128xi32, #tpu.memory_space<vmem>>
        %dma_start3A_379 = arith.constant 0 : i32
        %dma_start3A_380 = arith.constant 0 : i32
        %dma_start3A_381 = tpu.memref_slice %arg2[%dma_start3A_379, %dma_start3A_380] : memref<10240x128xf32, #tpu.memory_space<hbm>> -> memref<10240x128xf32, #tpu.memory_space<hbm>>
        tpu.enqueue_indirect_dma source(%dma_start3A_381 : memref<10240x128xf32, #tpu.memory_space<hbm>>) target(%arg11 : memref<128x128xf32, #tpu.memory_space<vmem>>) offsets(%dma_start3A_378 : memref<128xi32, #tpu.memory_space<vmem>>) semaphore(%arg14 : memref<!tpu.dma_semaphore, #tpu.memory_space<semaphore_mem>>)
        %dma_wait3A_382 = arith.constant 0 : i32
        %dma_wait3A_383 = tpu.memref_slice %arg8[%mul3A_369, %dma_wait3A_382] : memref<40x128xi32, #tpu.memory_space<vmem>> -> memref<1x128xi32, #tpu.memory_space<vmem>>
        %dma_wait3A_384 = tpu.memref_squeeze %dma_wait3A_383 : memref<1x128xi32, #tpu.memory_space<vmem>> -> memref<128xi32, #tpu.memory_space<vmem>>
        %dma_wait3A_385 = arith.constant 0 : i32
        %dma_wait3A_386 = arith.constant 0 : i32
        %dma_wait3A_387 = tpu.memref_slice %arg2[%dma_wait3A_385, %dma_wait3A_386] : memref<10240x128xf32, #tpu.memory_space<hbm>> -> memref<10240x128xf32, #tpu.memory_space<hbm>>
        tpu.wait_indirect_dma semaphore(%arg13 : memref<!tpu.dma_semaphore, #tpu.memory_space<semaphore_mem>>) src(%dma_wait3A_387 : memref<10240x128xf32, #tpu.memory_space<hbm>>) dst(%arg10 : memref<128x128xf32, #tpu.memory_space<vmem>>)
        %dma_start3A_388 = arith.constant 0 : i32
        %dma_start3A_389 = tpu.memref_slice %arg9[%mul3A_369, %dma_start3A_388] : memref<40x128xi32, #tpu.memory_space<vmem>> -> memref<1x128xi32, #tpu.memory_space<vmem>>
        %dma_start3A_390 = tpu.memref_squeeze %dma_start3A_389 : memref<1x128xi32, #tpu.memory_space<vmem>> -> memref<128xi32, #tpu.memory_space<vmem>>
        %dma_start3A_391 = arith.constant 0 : i32
        %dma_start3A_392 = arith.constant 0 : i32
        %dma_start3A_393 = tpu.memref_slice %arg12[%dma_start3A_391, %dma_start3A_392] : memref<10112x128xf32, #tpu.memory_space<vmem_shared>> -> memref<10112x128xf32, #tpu.memory_space<vmem_shared>>
        tpu.enqueue_indirect_dma source(%arg10 : memref<128x128xf32, #tpu.memory_space<vmem>>) target(%dma_start3A_393 : memref<10112x128xf32, #tpu.memory_space<vmem_shared>>) offsets(%dma_start3A_390 : memref<128xi32, #tpu.memory_space<vmem>>) semaphore(%arg15 : memref<!tpu.dma_semaphore, #tpu.memory_space<semaphore_mem>>) {add = true}
        %dma_wait3A_394 = arith.constant 0 : i32
        %dma_wait3A_395 = tpu.memref_slice %arg9[%mul3A_369, %dma_wait3A_394] : memref<40x128xi32, #tpu.memory_space<vmem>> -> memref<1x128xi32, #tpu.memory_space<vmem>>
        %dma_wait3A_396 = tpu.memref_squeeze %dma_wait3A_395 : memref<1x128xi32, #tpu.memory_space<vmem>> -> memref<128xi32, #tpu.memory_space<vmem>>
        %dma_wait3A_397 = arith.constant 0 : i32
        %dma_wait3A_398 = arith.constant 0 : i32
        %dma_wait3A_399 = tpu.memref_slice %arg12[%dma_wait3A_397, %dma_wait3A_398] : memref<10112x128xf32, #tpu.memory_space<vmem_shared>> -> memref<10112x128xf32, #tpu.memory_space<vmem_shared>>
        tpu.wait_indirect_dma semaphore(%arg15 : memref<!tpu.dma_semaphore, #tpu.memory_space<semaphore_mem>>) src(%arg10 : memref<128x128xf32, #tpu.memory_space<vmem>>) dst(%dma_wait3A_399 : memref<10112x128xf32, #tpu.memory_space<vmem_shared>>)
        %lt3A = arith.constant 19 : i32
        %lt3A_400 = arith.cmpi slt, %scan3A_367, %lt3A : i32
        %convert_element_type3A_401 = arith.extui %lt3A_400 : i1 to i32
        %cond3A_402 = arith.constant 0 : i32
        %cond3A_403 = arith.cmpi ne, %convert_element_type3A_401, %cond3A_402 : i32
        scf.if %cond3A_403 {
          %add3A_420 = arith.constant 2 : i32
          %add3A_421 = arith.addi %mul3A_369, %add3A_420 : i32
          %dma_start3A_422 = arith.constant 0 : i32
          %dma_start3A_423 = tpu.memref_slice %arg8[%add3A_421, %dma_start3A_422] : memref<40x128xi32, #tpu.memory_space<vmem>> -> memref<1x128xi32, #tpu.memory_space<vmem>>
          %dma_start3A_424 = tpu.memref_squeeze %dma_start3A_423 : memref<1x128xi32, #tpu.memory_space<vmem>> -> memref<128xi32, #tpu.memory_space<vmem>>
          %dma_start3A_425 = arith.constant 0 : i32
          %dma_start3A_426 = arith.constant 0 : i32
          %dma_start3A_427 = tpu.memref_slice %arg2[%dma_start3A_425, %dma_start3A_426] : memref<10240x128xf32, #tpu.memory_space<hbm>> -> memref<10240x128xf32, #tpu.memory_space<hbm>>
          tpu.enqueue_indirect_dma source(%dma_start3A_427 : memref<10240x128xf32, #tpu.memory_space<hbm>>) target(%arg10 : memref<128x128xf32, #tpu.memory_space<vmem>>) offsets(%dma_start3A_424 : memref<128xi32, #tpu.memory_space<vmem>>) semaphore(%arg13 : memref<!tpu.dma_semaphore, #tpu.memory_space<semaphore_mem>>)
        } else {
        }
        %add3A_404 = arith.constant 1 : i32
        %add3A_405 = arith.addi %mul3A_369, %add3A_404 : i32
        %dma_wait3A_406 = arith.constant 0 : i32
        %dma_wait3A_407 = tpu.memref_slice %arg8[%add3A_405, %dma_wait3A_406] : memref<40x128xi32, #tpu.memory_space<vmem>> -> memref<1x128xi32, #tpu.memory_space<vmem>>
        %dma_wait3A_408 = tpu.memref_squeeze %dma_wait3A_407 : memref<1x128xi32, #tpu.memory_space<vmem>> -> memref<128xi32, #tpu.memory_space<vmem>>
        %dma_wait3A_409 = arith.constant 0 : i32
        %dma_wait3A_410 = arith.constant 0 : i32
        %dma_wait3A_411 = tpu.memref_slice %arg2[%dma_wait3A_409, %dma_wait3A_410] : memref<10240x128xf32, #tpu.memory_space<hbm>> -> memref<10240x128xf32, #tpu.memory_space<hbm>>
        tpu.wait_indirect_dma semaphore(%arg14 : memref<!tpu.dma_semaphore, #tpu.memory_space<semaphore_mem>>) src(%dma_wait3A_411 : memref<10240x128xf32, #tpu.memory_space<hbm>>) dst(%arg11 : memref<128x128xf32, #tpu.memory_space<vmem>>)
        %add3A_412 = arith.constant 1 : i32
        %add3A_413 = arith.addi %mul3A_369, %add3A_412 : i32
        %dma_start3A_414 = arith.constant 0 : i32
        %dma_start3A_415 = tpu.memref_slice %arg9[%add3A_413, %dma_start3A_414] : memref<40x128xi32, #tpu.memory_space<vmem>> -> memref<1x128xi32, #tpu.memory_space<vmem>>
        %dma_start3A_416 = tpu.memref_squeeze %dma_start3A_415 : memref<1x128xi32, #tpu.memory_space<vmem>> -> memref<128xi32, #tpu.memory_space<vmem>>
        %dma_start3A_417 = arith.constant 0 : i32
        %dma_start3A_418 = arith.constant 0 : i32
        %dma_start3A_419 = tpu.memref_slice %arg12[%dma_start3A_417, %dma_start3A_418] : memref<10112x128xf32, #tpu.memory_space<vmem_shared>> -> memref<10112x128xf32, #tpu.memory_space<vmem_shared>>
        tpu.enqueue_indirect_dma source(%arg11 : memref<128x128xf32, #tpu.memory_space<vmem>>) target(%dma_start3A_419 : memref<10112x128xf32, #tpu.memory_space<vmem_shared>>) offsets(%dma_start3A_416 : memref<128xi32, #tpu.memory_space<vmem>>) semaphore(%arg16 : memref<!tpu.dma_semaphore, #tpu.memory_space<semaphore_mem>>) {add = true}
      }
      %scan3A_293 = arith.constant 20 : i32
      %dma_wait3A_294 = arith.constant 39 : i32
      %dma_wait3A_295 = arith.constant 0 : i32
      %dma_wait3A_296 = tpu.memref_slice %arg9[%dma_wait3A_294, %dma_wait3A_295] : memref<40x128xi32, #tpu.memory_space<vmem>> -> memref<1x128xi32, #tpu.memory_space<vmem>>
      %dma_wait3A_297 = tpu.memref_squeeze %dma_wait3A_296 : memref<1x128xi32, #tpu.memory_space<vmem>> -> memref<128xi32, #tpu.memory_space<vmem>>
      %dma_wait3A_298 = arith.constant 0 : i32
      %dma_wait3A_299 = arith.constant 0 : i32
      %dma_wait3A_300 = tpu.memref_slice %arg12[%dma_wait3A_298, %dma_wait3A_299] : memref<10112x128xf32, #tpu.memory_space<vmem_shared>> -> memref<10112x128xf32, #tpu.memory_space<vmem_shared>>
      tpu.wait_indirect_dma semaphore(%arg16 : memref<!tpu.dma_semaphore, #tpu.memory_space<semaphore_mem>>) src(%arg11 : memref<128x128xf32, #tpu.memory_space<vmem>>) dst(%dma_wait3A_300 : memref<10112x128xf32, #tpu.memory_space<vmem_shared>>)
      %add3A_301 = arith.constant 40 : i32
      %add3A_302 = arith.addi %add3A_279, %add3A_301 : i32
      "tpu.region"() ({
        %run_scoped3A = tpu.sem_alloc : memref<!tpu.dma_semaphore, #tpu.memory_space<semaphore_mem>>
        %dma_start3A_367 = arith.constant 0 : i32
        %dma_start3A_368 = arith.constant 0 : i32
        %dma_start3A_369 = tpu.memref_slice %arg8[%dma_start3A_367, %dma_start3A_368] : memref<40x128xi32, #tpu.memory_space<vmem>> -> memref<40x128xi32, #tpu.memory_space<vmem>>
        %dma_start3A_370 = arith.constant 0 : i32
        %dma_start3A_371 = tpu.memref_slice %arg4[%add3A_302, %dma_start3A_370] : memref<2560x128xi32, #tpu.memory_space<hbm>> -> memref<40x128xi32, #tpu.memory_space<hbm>>
        %dma_start3A_372 = arith.constant 0 : i32
        %dma_start3A_373 = arith.constant 0 : i32
        %dma_start3A_374 = tpu.memref_slice %arg8[%dma_start3A_372, %dma_start3A_373] : memref<40x128xi32, #tpu.memory_space<vmem>> -> memref<40x128xi32, #tpu.memory_space<vmem>>
        %dma_start3A_375 = arith.constant 0 : i32
        %dma_start3A_376 = tpu.memref_slice %arg4[%add3A_302, %dma_start3A_375] : memref<2560x128xi32, #tpu.memory_space<hbm>> -> memref<40x128xi32, #tpu.memory_space<hbm>>
        tpu.enqueue_dma source(%dma_start3A_376 : memref<40x128xi32, #tpu.memory_space<hbm>>) target(%dma_start3A_374 : memref<40x128xi32, #tpu.memory_space<vmem>>) target_semaphore(%run_scoped3A : memref<!tpu.dma_semaphore, #tpu.memory_space<semaphore_mem>>)
        %dma_wait3A_377 = arith.constant 0 : i32
        %dma_wait3A_378 = arith.constant 0 : i32
        %dma_wait3A_379 = tpu.memref_slice %arg8[%dma_wait3A_377, %dma_wait3A_378] : memref<40x128xi32, #tpu.memory_space<vmem>> -> memref<40x128xi32, #tpu.memory_space<vmem>>
        %dma_wait3A_380 = arith.constant 0 : i32
        %dma_wait3A_381 = tpu.memref_slice %arg4[%add3A_302, %dma_wait3A_380] : memref<2560x128xi32, #tpu.memory_space<hbm>> -> memref<40x128xi32, #tpu.memory_space<hbm>>
        %dma_wait3A_382 = arith.constant 0 : i32
        %dma_wait3A_383 = arith.constant 0 : i32
        %dma_wait3A_384 = tpu.memref_slice %arg8[%dma_wait3A_382, %dma_wait3A_383] : memref<40x128xi32, #tpu.memory_space<vmem>> -> memref<40x128xi32, #tpu.memory_space<vmem>>
        %dma_wait3A_385 = arith.constant 0 : i32
        %dma_wait3A_386 = tpu.memref_slice %arg4[%add3A_302, %dma_wait3A_385] : memref<2560x128xi32, #tpu.memory_space<hbm>> -> memref<40x128xi32, #tpu.memory_space<hbm>>
        tpu.wait_dma2 semaphore(%run_scoped3A : memref<!tpu.dma_semaphore, #tpu.memory_space<semaphore_mem>>) src(%dma_wait3A_386 : memref<40x128xi32, #tpu.memory_space<hbm>>) dst(%dma_wait3A_384 : memref<40x128xi32, #tpu.memory_space<vmem>>)
        tpu.yield
      }) : () -> ()
      "tpu.region"() ({
        %run_scoped3A = tpu.sem_alloc : memref<!tpu.dma_semaphore, #tpu.memory_space<semaphore_mem>>
        %dma_start3A_367 = arith.constant 0 : i32
        %dma_start3A_368 = arith.constant 0 : i32
        %dma_start3A_369 = tpu.memref_slice %arg9[%dma_start3A_367, %dma_start3A_368] : memref<40x128xi32, #tpu.memory_space<vmem>> -> memref<40x128xi32, #tpu.memory_space<vmem>>
        %dma_start3A_370 = arith.constant 0 : i32
        %dma_start3A_371 = tpu.memref_slice %arg5[%add3A_302, %dma_start3A_370] : memref<2560x128xi32, #tpu.memory_space<hbm>> -> memref<40x128xi32, #tpu.memory_space<hbm>>
        %dma_start3A_372 = arith.constant 0 : i32
        %dma_start3A_373 = arith.constant 0 : i32
        %dma_start3A_374 = tpu.memref_slice %arg9[%dma_start3A_372, %dma_start3A_373] : memref<40x128xi32, #tpu.memory_space<vmem>> -> memref<40x128xi32, #tpu.memory_space<vmem>>
        %dma_start3A_375 = arith.constant 0 : i32
        %dma_start3A_376 = tpu.memref_slice %arg5[%add3A_302, %dma_start3A_375] : memref<2560x128xi32, #tpu.memory_space<hbm>> -> memref<40x128xi32, #tpu.memory_space<hbm>>
        tpu.enqueue_dma source(%dma_start3A_376 : memref<40x128xi32, #tpu.memory_space<hbm>>) target(%dma_start3A_374 : memref<40x128xi32, #tpu.memory_space<vmem>>) target_semaphore(%run_scoped3A : memref<!tpu.dma_semaphore, #tpu.memory_space<semaphore_mem>>)
        %dma_wait3A_377 = arith.constant 0 : i32
        %dma_wait3A_378 = arith.constant 0 : i32
        %dma_wait3A_379 = tpu.memref_slice %arg9[%dma_wait3A_377, %dma_wait3A_378] : memref<40x128xi32, #tpu.memory_space<vmem>> -> memref<40x128xi32, #tpu.memory_space<vmem>>
        %dma_wait3A_380 = arith.constant 0 : i32
        %dma_wait3A_381 = tpu.memref_slice %arg5[%add3A_302, %dma_wait3A_380] : memref<2560x128xi32, #tpu.memory_space<hbm>> -> memref<40x128xi32, #tpu.memory_space<hbm>>
        %dma_wait3A_382 = arith.constant 0 : i32
        %dma_wait3A_383 = arith.constant 0 : i32
        %dma_wait3A_384 = tpu.memref_slice %arg9[%dma_wait3A_382, %dma_wait3A_383] : memref<40x128xi32, #tpu.memory_space<vmem>> -> memref<40x128xi32, #tpu.memory_space<vmem>>
        %dma_wait3A_385 = arith.constant 0 : i32
        %dma_wait3A_386 = tpu.memref_slice %arg5[%add3A_302, %dma_wait3A_385] : memref<2560x128xi32, #tpu.memory_space<hbm>> -> memref<40x128xi32, #tpu.memory_space<hbm>>
        tpu.wait_dma2 semaphore(%run_scoped3A : memref<!tpu.dma_semaphore, #tpu.memory_space<semaphore_mem>>) src(%dma_wait3A_386 : memref<40x128xi32, #tpu.memory_space<hbm>>) dst(%dma_wait3A_384 : memref<40x128xi32, #tpu.memory_space<vmem>>)
        tpu.yield
      }) : () -> ()
      %dma_start3A_303 = arith.constant 0 : i32
      %dma_start3A_304 = arith.constant 0 : i32
      %dma_start3A_305 = tpu.memref_slice %arg8[%dma_start3A_303, %dma_start3A_304] : memref<40x128xi32, #tpu.memory_space<vmem>> -> memref<1x128xi32, #tpu.memory_space<vmem>>
      %dma_start3A_306 = tpu.memref_squeeze %dma_start3A_305 : memref<1x128xi32, #tpu.memory_space<vmem>> -> memref<128xi32, #tpu.memory_space<vmem>>
      %dma_start3A_307 = arith.constant 0 : i32
      %dma_start3A_308 = arith.constant 0 : i32
      %dma_start3A_309 = tpu.memref_slice %arg2[%dma_start3A_307, %dma_start3A_308] : memref<10240x128xf32, #tpu.memory_space<hbm>> -> memref<10240x128xf32, #tpu.memory_space<hbm>>
      tpu.enqueue_indirect_dma source(%dma_start3A_309 : memref<10240x128xf32, #tpu.memory_space<hbm>>) target(%arg10 : memref<128x128xf32, #tpu.memory_space<vmem>>) offsets(%dma_start3A_306 : memref<128xi32, #tpu.memory_space<vmem>>) semaphore(%arg13 : memref<!tpu.dma_semaphore, #tpu.memory_space<semaphore_mem>>)
      %scan3A_310 = arith.constant 0 : i32
      %scan3A_311 = arith.constant 0 : i32
      %scan3A_312 = arith.constant 20 : i32
      %scan3A_313 = arith.addi %scan3A_311, %scan3A_312 : i32
      %scan3A_314 = arith.constant 1 : i32
      scf.for %scan3A_367 = %scan3A_311 to %scan3A_313 step %scan3A_314  : i32 {
        %mul3A_368 = arith.constant 2 : i32
        %mul3A_369 = arith.muli %mul3A_368, %scan3A_367 : i32
        %gt3A = arith.constant 0 : i32
        %gt3A_370 = arith.cmpi sgt, %scan3A_367, %gt3A : i32
        %convert_element_type3A_371 = arith.extui %gt3A_370 : i1 to i32
        %cond3A_372 = arith.constant 0 : i32
        %cond3A_373 = arith.cmpi ne, %convert_element_type3A_371, %cond3A_372 : i32
        scf.if %cond3A_373 {
          %sub3A = arith.constant 1 : i32
          %sub3A_420 = arith.subi %mul3A_369, %sub3A : i32
          %dma_wait3A_421 = arith.constant 0 : i32
          %dma_wait3A_422 = tpu.memref_slice %arg9[%sub3A_420, %dma_wait3A_421] : memref<40x128xi32, #tpu.memory_space<vmem>> -> memref<1x128xi32, #tpu.memory_space<vmem>>
          %dma_wait3A_423 = tpu.memref_squeeze %dma_wait3A_422 : memref<1x128xi32, #tpu.memory_space<vmem>> -> memref<128xi32, #tpu.memory_space<vmem>>
          %dma_wait3A_424 = arith.constant 0 : i32
          %dma_wait3A_425 = arith.constant 0 : i32
          %dma_wait3A_426 = tpu.memref_slice %arg12[%dma_wait3A_424, %dma_wait3A_425] : memref<10112x128xf32, #tpu.memory_space<vmem_shared>> -> memref<10112x128xf32, #tpu.memory_space<vmem_shared>>
          tpu.wait_indirect_dma semaphore(%arg16 : memref<!tpu.dma_semaphore, #tpu.memory_space<semaphore_mem>>) src(%arg11 : memref<128x128xf32, #tpu.memory_space<vmem>>) dst(%dma_wait3A_426 : memref<10112x128xf32, #tpu.memory_space<vmem_shared>>)
        } else {
        }
        %add3A_374 = arith.constant 1 : i32
        %add3A_375 = arith.addi %mul3A_369, %add3A_374 : i32
        %dma_start3A_376 = arith.constant 0 : i32
        %dma_start3A_377 = tpu.memref_slice %arg8[%add3A_375, %dma_start3A_376] : memref<40x128xi32, #tpu.memory_space<vmem>> -> memref<1x128xi32, #tpu.memory_space<vmem>>
        %dma_start3A_378 = tpu.memref_squeeze %dma_start3A_377 : memref<1x128xi32, #tpu.memory_space<vmem>> -> memref<128xi32, #tpu.memory_space<vmem>>
        %dma_start3A_379 = arith.constant 0 : i32
        %dma_start3A_380 = arith.constant 0 : i32
        %dma_start3A_381 = tpu.memref_slice %arg2[%dma_start3A_379, %dma_start3A_380] : memref<10240x128xf32, #tpu.memory_space<hbm>> -> memref<10240x128xf32, #tpu.memory_space<hbm>>
        tpu.enqueue_indirect_dma source(%dma_start3A_381 : memref<10240x128xf32, #tpu.memory_space<hbm>>) target(%arg11 : memref<128x128xf32, #tpu.memory_space<vmem>>) offsets(%dma_start3A_378 : memref<128xi32, #tpu.memory_space<vmem>>) semaphore(%arg14 : memref<!tpu.dma_semaphore, #tpu.memory_space<semaphore_mem>>)
        %dma_wait3A_382 = arith.constant 0 : i32
        %dma_wait3A_383 = tpu.memref_slice %arg8[%mul3A_369, %dma_wait3A_382] : memref<40x128xi32, #tpu.memory_space<vmem>> -> memref<1x128xi32, #tpu.memory_space<vmem>>
        %dma_wait3A_384 = tpu.memref_squeeze %dma_wait3A_383 : memref<1x128xi32, #tpu.memory_space<vmem>> -> memref<128xi32, #tpu.memory_space<vmem>>
        %dma_wait3A_385 = arith.constant 0 : i32
        %dma_wait3A_386 = arith.constant 0 : i32
        %dma_wait3A_387 = tpu.memref_slice %arg2[%dma_wait3A_385, %dma_wait3A_386] : memref<10240x128xf32, #tpu.memory_space<hbm>> -> memref<10240x128xf32, #tpu.memory_space<hbm>>
        tpu.wait_indirect_dma semaphore(%arg13 : memref<!tpu.dma_semaphore, #tpu.memory_space<semaphore_mem>>) src(%dma_wait3A_387 : memref<10240x128xf32, #tpu.memory_space<hbm>>) dst(%arg10 : memref<128x128xf32, #tpu.memory_space<vmem>>)
        %dma_start3A_388 = arith.constant 0 : i32
        %dma_start3A_389 = tpu.memref_slice %arg9[%mul3A_369, %dma_start3A_388] : memref<40x128xi32, #tpu.memory_space<vmem>> -> memref<1x128xi32, #tpu.memory_space<vmem>>
        %dma_start3A_390 = tpu.memref_squeeze %dma_start3A_389 : memref<1x128xi32, #tpu.memory_space<vmem>> -> memref<128xi32, #tpu.memory_space<vmem>>
        %dma_start3A_391 = arith.constant 0 : i32
        %dma_start3A_392 = arith.constant 0 : i32
        %dma_start3A_393 = tpu.memref_slice %arg12[%dma_start3A_391, %dma_start3A_392] : memref<10112x128xf32, #tpu.memory_space<vmem_shared>> -> memref<10112x128xf32, #tpu.memory_space<vmem_shared>>
        tpu.enqueue_indirect_dma source(%arg10 : memref<128x128xf32, #tpu.memory_space<vmem>>) target(%dma_start3A_393 : memref<10112x128xf32, #tpu.memory_space<vmem_shared>>) offsets(%dma_start3A_390 : memref<128xi32, #tpu.memory_space<vmem>>) semaphore(%arg15 : memref<!tpu.dma_semaphore, #tpu.memory_space<semaphore_mem>>) {add = true}
        %dma_wait3A_394 = arith.constant 0 : i32
        %dma_wait3A_395 = tpu.memref_slice %arg9[%mul3A_369, %dma_wait3A_394] : memref<40x128xi32, #tpu.memory_space<vmem>> -> memref<1x128xi32, #tpu.memory_space<vmem>>
        %dma_wait3A_396 = tpu.memref_squeeze %dma_wait3A_395 : memref<1x128xi32, #tpu.memory_space<vmem>> -> memref<128xi32, #tpu.memory_space<vmem>>
        %dma_wait3A_397 = arith.constant 0 : i32
        %dma_wait3A_398 = arith.constant 0 : i32
        %dma_wait3A_399 = tpu.memref_slice %arg12[%dma_wait3A_397, %dma_wait3A_398] : memref<10112x128xf32, #tpu.memory_space<vmem_shared>> -> memref<10112x128xf32, #tpu.memory_space<vmem_shared>>
        tpu.wait_indirect_dma semaphore(%arg15 : memref<!tpu.dma_semaphore, #tpu.memory_space<semaphore_mem>>) src(%arg10 : memref<128x128xf32, #tpu.memory_space<vmem>>) dst(%dma_wait3A_399 : memref<10112x128xf32, #tpu.memory_space<vmem_shared>>)
        %lt3A = arith.constant 19 : i32
        %lt3A_400 = arith.cmpi slt, %scan3A_367, %lt3A : i32
        %convert_element_type3A_401 = arith.extui %lt3A_400 : i1 to i32
        %cond3A_402 = arith.constant 0 : i32
        %cond3A_403 = arith.cmpi ne, %convert_element_type3A_401, %cond3A_402 : i32
        scf.if %cond3A_403 {
          %add3A_420 = arith.constant 2 : i32
          %add3A_421 = arith.addi %mul3A_369, %add3A_420 : i32
          %dma_start3A_422 = arith.constant 0 : i32
          %dma_start3A_423 = tpu.memref_slice %arg8[%add3A_421, %dma_start3A_422] : memref<40x128xi32, #tpu.memory_space<vmem>> -> memref<1x128xi32, #tpu.memory_space<vmem>>
          %dma_start3A_424 = tpu.memref_squeeze %dma_start3A_423 : memref<1x128xi32, #tpu.memory_space<vmem>> -> memref<128xi32, #tpu.memory_space<vmem>>
          %dma_start3A_425 = arith.constant 0 : i32
          %dma_start3A_426 = arith.constant 0 : i32
          %dma_start3A_427 = tpu.memref_slice %arg2[%dma_start3A_425, %dma_start3A_426] : memref<10240x128xf32, #tpu.memory_space<hbm>> -> memref<10240x128xf32, #tpu.memory_space<hbm>>
          tpu.enqueue_indirect_dma source(%dma_start3A_427 : memref<10240x128xf32, #tpu.memory_space<hbm>>) target(%arg10 : memref<128x128xf32, #tpu.memory_space<vmem>>) offsets(%dma_start3A_424 : memref<128xi32, #tpu.memory_space<vmem>>) semaphore(%arg13 : memref<!tpu.dma_semaphore, #tpu.memory_space<semaphore_mem>>)
        } else {
        }
        %add3A_404 = arith.constant 1 : i32
        %add3A_405 = arith.addi %mul3A_369, %add3A_404 : i32
        %dma_wait3A_406 = arith.constant 0 : i32
        %dma_wait3A_407 = tpu.memref_slice %arg8[%add3A_405, %dma_wait3A_406] : memref<40x128xi32, #tpu.memory_space<vmem>> -> memref<1x128xi32, #tpu.memory_space<vmem>>
        %dma_wait3A_408 = tpu.memref_squeeze %dma_wait3A_407 : memref<1x128xi32, #tpu.memory_space<vmem>> -> memref<128xi32, #tpu.memory_space<vmem>>
        %dma_wait3A_409 = arith.constant 0 : i32
        %dma_wait3A_410 = arith.constant 0 : i32
        %dma_wait3A_411 = tpu.memref_slice %arg2[%dma_wait3A_409, %dma_wait3A_410] : memref<10240x128xf32, #tpu.memory_space<hbm>> -> memref<10240x128xf32, #tpu.memory_space<hbm>>
        tpu.wait_indirect_dma semaphore(%arg14 : memref<!tpu.dma_semaphore, #tpu.memory_space<semaphore_mem>>) src(%dma_wait3A_411 : memref<10240x128xf32, #tpu.memory_space<hbm>>) dst(%arg11 : memref<128x128xf32, #tpu.memory_space<vmem>>)
        %add3A_412 = arith.constant 1 : i32
        %add3A_413 = arith.addi %mul3A_369, %add3A_412 : i32
        %dma_start3A_414 = arith.constant 0 : i32
        %dma_start3A_415 = tpu.memref_slice %arg9[%add3A_413, %dma_start3A_414] : memref<40x128xi32, #tpu.memory_space<vmem>> -> memref<1x128xi32, #tpu.memory_space<vmem>>
        %dma_start3A_416 = tpu.memref_squeeze %dma_start3A_415 : memref<1x128xi32, #tpu.memory_space<vmem>> -> memref<128xi32, #tpu.memory_space<vmem>>
        %dma_start3A_417 = arith.constant 0 : i32
        %dma_start3A_418 = arith.constant 0 : i32
        %dma_start3A_419 = tpu.memref_slice %arg12[%dma_start3A_417, %dma_start3A_418] : memref<10112x128xf32, #tpu.memory_space<vmem_shared>> -> memref<10112x128xf32, #tpu.memory_space<vmem_shared>>
        tpu.enqueue_indirect_dma source(%arg11 : memref<128x128xf32, #tpu.memory_space<vmem>>) target(%dma_start3A_419 : memref<10112x128xf32, #tpu.memory_space<vmem_shared>>) offsets(%dma_start3A_416 : memref<128xi32, #tpu.memory_space<vmem>>) semaphore(%arg16 : memref<!tpu.dma_semaphore, #tpu.memory_space<semaphore_mem>>) {add = true}
      }
      %scan3A_315 = arith.constant 20 : i32
      %dma_wait3A_316 = arith.constant 39 : i32
      %dma_wait3A_317 = arith.constant 0 : i32
      %dma_wait3A_318 = tpu.memref_slice %arg9[%dma_wait3A_316, %dma_wait3A_317] : memref<40x128xi32, #tpu.memory_space<vmem>> -> memref<1x128xi32, #tpu.memory_space<vmem>>
      %dma_wait3A_319 = tpu.memref_squeeze %dma_wait3A_318 : memref<1x128xi32, #tpu.memory_space<vmem>> -> memref<128xi32, #tpu.memory_space<vmem>>
      %dma_wait3A_320 = arith.constant 0 : i32
      %dma_wait3A_321 = arith.constant 0 : i32
      %dma_wait3A_322 = tpu.memref_slice %arg12[%dma_wait3A_320, %dma_wait3A_321] : memref<10112x128xf32, #tpu.memory_space<vmem_shared>> -> memref<10112x128xf32, #tpu.memory_space<vmem_shared>>
      tpu.wait_indirect_dma semaphore(%arg16 : memref<!tpu.dma_semaphore, #tpu.memory_space<semaphore_mem>>) src(%arg11 : memref<128x128xf32, #tpu.memory_space<vmem>>) dst(%dma_wait3A_322 : memref<10112x128xf32, #tpu.memory_space<vmem_shared>>)
      %add3A_323 = arith.constant 80 : i32
      %add3A_324 = arith.addi %add3A_279, %add3A_323 : i32
      "tpu.region"() ({
        %run_scoped3A = tpu.sem_alloc : memref<!tpu.dma_semaphore, #tpu.memory_space<semaphore_mem>>
        %dma_start3A_367 = arith.constant 0 : i32
        %dma_start3A_368 = arith.constant 0 : i32
        %dma_start3A_369 = tpu.memref_slice %arg8[%dma_start3A_367, %dma_start3A_368] : memref<40x128xi32, #tpu.memory_space<vmem>> -> memref<40x128xi32, #tpu.memory_space<vmem>>
        %dma_start3A_370 = arith.constant 0 : i32
        %dma_start3A_371 = tpu.memref_slice %arg4[%add3A_324, %dma_start3A_370] : memref<2560x128xi32, #tpu.memory_space<hbm>> -> memref<40x128xi32, #tpu.memory_space<hbm>>
        %dma_start3A_372 = arith.constant 0 : i32
        %dma_start3A_373 = arith.constant 0 : i32
        %dma_start3A_374 = tpu.memref_slice %arg8[%dma_start3A_372, %dma_start3A_373] : memref<40x128xi32, #tpu.memory_space<vmem>> -> memref<40x128xi32, #tpu.memory_space<vmem>>
        %dma_start3A_375 = arith.constant 0 : i32
        %dma_start3A_376 = tpu.memref_slice %arg4[%add3A_324, %dma_start3A_375] : memref<2560x128xi32, #tpu.memory_space<hbm>> -> memref<40x128xi32, #tpu.memory_space<hbm>>
        tpu.enqueue_dma source(%dma_start3A_376 : memref<40x128xi32, #tpu.memory_space<hbm>>) target(%dma_start3A_374 : memref<40x128xi32, #tpu.memory_space<vmem>>) target_semaphore(%run_scoped3A : memref<!tpu.dma_semaphore, #tpu.memory_space<semaphore_mem>>)
        %dma_wait3A_377 = arith.constant 0 : i32
        %dma_wait3A_378 = arith.constant 0 : i32
        %dma_wait3A_379 = tpu.memref_slice %arg8[%dma_wait3A_377, %dma_wait3A_378] : memref<40x128xi32, #tpu.memory_space<vmem>> -> memref<40x128xi32, #tpu.memory_space<vmem>>
        %dma_wait3A_380 = arith.constant 0 : i32
        %dma_wait3A_381 = tpu.memref_slice %arg4[%add3A_324, %dma_wait3A_380] : memref<2560x128xi32, #tpu.memory_space<hbm>> -> memref<40x128xi32, #tpu.memory_space<hbm>>
        %dma_wait3A_382 = arith.constant 0 : i32
        %dma_wait3A_383 = arith.constant 0 : i32
        %dma_wait3A_384 = tpu.memref_slice %arg8[%dma_wait3A_382, %dma_wait3A_383] : memref<40x128xi32, #tpu.memory_space<vmem>> -> memref<40x128xi32, #tpu.memory_space<vmem>>
        %dma_wait3A_385 = arith.constant 0 : i32
        %dma_wait3A_386 = tpu.memref_slice %arg4[%add3A_324, %dma_wait3A_385] : memref<2560x128xi32, #tpu.memory_space<hbm>> -> memref<40x128xi32, #tpu.memory_space<hbm>>
        tpu.wait_dma2 semaphore(%run_scoped3A : memref<!tpu.dma_semaphore, #tpu.memory_space<semaphore_mem>>) src(%dma_wait3A_386 : memref<40x128xi32, #tpu.memory_space<hbm>>) dst(%dma_wait3A_384 : memref<40x128xi32, #tpu.memory_space<vmem>>)
        tpu.yield
      }) : () -> ()
      "tpu.region"() ({
        %run_scoped3A = tpu.sem_alloc : memref<!tpu.dma_semaphore, #tpu.memory_space<semaphore_mem>>
        %dma_start3A_367 = arith.constant 0 : i32
        %dma_start3A_368 = arith.constant 0 : i32
        %dma_start3A_369 = tpu.memref_slice %arg9[%dma_start3A_367, %dma_start3A_368] : memref<40x128xi32, #tpu.memory_space<vmem>> -> memref<40x128xi32, #tpu.memory_space<vmem>>
        %dma_start3A_370 = arith.constant 0 : i32
        %dma_start3A_371 = tpu.memref_slice %arg5[%add3A_324, %dma_start3A_370] : memref<2560x128xi32, #tpu.memory_space<hbm>> -> memref<40x128xi32, #tpu.memory_space<hbm>>
        %dma_start3A_372 = arith.constant 0 : i32
        %dma_start3A_373 = arith.constant 0 : i32
        %dma_start3A_374 = tpu.memref_slice %arg9[%dma_start3A_372, %dma_start3A_373] : memref<40x128xi32, #tpu.memory_space<vmem>> -> memref<40x128xi32, #tpu.memory_space<vmem>>
        %dma_start3A_375 = arith.constant 0 : i32
        %dma_start3A_376 = tpu.memref_slice %arg5[%add3A_324, %dma_start3A_375] : memref<2560x128xi32, #tpu.memory_space<hbm>> -> memref<40x128xi32, #tpu.memory_space<hbm>>
        tpu.enqueue_dma source(%dma_start3A_376 : memref<40x128xi32, #tpu.memory_space<hbm>>) target(%dma_start3A_374 : memref<40x128xi32, #tpu.memory_space<vmem>>) target_semaphore(%run_scoped3A : memref<!tpu.dma_semaphore, #tpu.memory_space<semaphore_mem>>)
        %dma_wait3A_377 = arith.constant 0 : i32
        %dma_wait3A_378 = arith.constant 0 : i32
        %dma_wait3A_379 = tpu.memref_slice %arg9[%dma_wait3A_377, %dma_wait3A_378] : memref<40x128xi32, #tpu.memory_space<vmem>> -> memref<40x128xi32, #tpu.memory_space<vmem>>
        %dma_wait3A_380 = arith.constant 0 : i32
        %dma_wait3A_381 = tpu.memref_slice %arg5[%add3A_324, %dma_wait3A_380] : memref<2560x128xi32, #tpu.memory_space<hbm>> -> memref<40x128xi32, #tpu.memory_space<hbm>>
        %dma_wait3A_382 = arith.constant 0 : i32
        %dma_wait3A_383 = arith.constant 0 : i32
        %dma_wait3A_384 = tpu.memref_slice %arg9[%dma_wait3A_382, %dma_wait3A_383] : memref<40x128xi32, #tpu.memory_space<vmem>> -> memref<40x128xi32, #tpu.memory_space<vmem>>
        %dma_wait3A_385 = arith.constant 0 : i32
        %dma_wait3A_386 = tpu.memref_slice %arg5[%add3A_324, %dma_wait3A_385] : memref<2560x128xi32, #tpu.memory_space<hbm>> -> memref<40x128xi32, #tpu.memory_space<hbm>>
        tpu.wait_dma2 semaphore(%run_scoped3A : memref<!tpu.dma_semaphore, #tpu.memory_space<semaphore_mem>>) src(%dma_wait3A_386 : memref<40x128xi32, #tpu.memory_space<hbm>>) dst(%dma_wait3A_384 : memref<40x128xi32, #tpu.memory_space<vmem>>)
        tpu.yield
      }) : () -> ()
      %dma_start3A_325 = arith.constant 0 : i32
      %dma_start3A_326 = arith.constant 0 : i32
      %dma_start3A_327 = tpu.memref_slice %arg8[%dma_start3A_325, %dma_start3A_326] : memref<40x128xi32, #tpu.memory_space<vmem>> -> memref<1x128xi32, #tpu.memory_space<vmem>>
      %dma_start3A_328 = tpu.memref_squeeze %dma_start3A_327 : memref<1x128xi32, #tpu.memory_space<vmem>> -> memref<128xi32, #tpu.memory_space<vmem>>
      %dma_start3A_329 = arith.constant 0 : i32
      %dma_start3A_330 = arith.constant 0 : i32
      %dma_start3A_331 = tpu.memref_slice %arg2[%dma_start3A_329, %dma_start3A_330] : memref<10240x128xf32, #tpu.memory_space<hbm>> -> memref<10240x128xf32, #tpu.memory_space<hbm>>
      tpu.enqueue_indirect_dma source(%dma_start3A_331 : memref<10240x128xf32, #tpu.memory_space<hbm>>) target(%arg10 : memref<128x128xf32, #tpu.memory_space<vmem>>) offsets(%dma_start3A_328 : memref<128xi32, #tpu.memory_space<vmem>>) semaphore(%arg13 : memref<!tpu.dma_semaphore, #tpu.memory_space<semaphore_mem>>)
      %scan3A_332 = arith.constant 0 : i32
      %scan3A_333 = arith.constant 0 : i32
      %scan3A_334 = arith.constant 20 : i32
      %scan3A_335 = arith.addi %scan3A_333, %scan3A_334 : i32
      %scan3A_336 = arith.constant 1 : i32
      scf.for %scan3A_367 = %scan3A_333 to %scan3A_335 step %scan3A_336  : i32 {
        %mul3A_368 = arith.constant 2 : i32
        %mul3A_369 = arith.muli %mul3A_368, %scan3A_367 : i32
        %gt3A = arith.constant 0 : i32
        %gt3A_370 = arith.cmpi sgt, %scan3A_367, %gt3A : i32
        %convert_element_type3A_371 = arith.extui %gt3A_370 : i1 to i32
        %cond3A_372 = arith.constant 0 : i32
        %cond3A_373 = arith.cmpi ne, %convert_element_type3A_371, %cond3A_372 : i32
        scf.if %cond3A_373 {
          %sub3A = arith.constant 1 : i32
          %sub3A_420 = arith.subi %mul3A_369, %sub3A : i32
          %dma_wait3A_421 = arith.constant 0 : i32
          %dma_wait3A_422 = tpu.memref_slice %arg9[%sub3A_420, %dma_wait3A_421] : memref<40x128xi32, #tpu.memory_space<vmem>> -> memref<1x128xi32, #tpu.memory_space<vmem>>
          %dma_wait3A_423 = tpu.memref_squeeze %dma_wait3A_422 : memref<1x128xi32, #tpu.memory_space<vmem>> -> memref<128xi32, #tpu.memory_space<vmem>>
          %dma_wait3A_424 = arith.constant 0 : i32
          %dma_wait3A_425 = arith.constant 0 : i32
          %dma_wait3A_426 = tpu.memref_slice %arg12[%dma_wait3A_424, %dma_wait3A_425] : memref<10112x128xf32, #tpu.memory_space<vmem_shared>> -> memref<10112x128xf32, #tpu.memory_space<vmem_shared>>
          tpu.wait_indirect_dma semaphore(%arg16 : memref<!tpu.dma_semaphore, #tpu.memory_space<semaphore_mem>>) src(%arg11 : memref<128x128xf32, #tpu.memory_space<vmem>>) dst(%dma_wait3A_426 : memref<10112x128xf32, #tpu.memory_space<vmem_shared>>)
        } else {
        }
        %add3A_374 = arith.constant 1 : i32
        %add3A_375 = arith.addi %mul3A_369, %add3A_374 : i32
        %dma_start3A_376 = arith.constant 0 : i32
        %dma_start3A_377 = tpu.memref_slice %arg8[%add3A_375, %dma_start3A_376] : memref<40x128xi32, #tpu.memory_space<vmem>> -> memref<1x128xi32, #tpu.memory_space<vmem>>
        %dma_start3A_378 = tpu.memref_squeeze %dma_start3A_377 : memref<1x128xi32, #tpu.memory_space<vmem>> -> memref<128xi32, #tpu.memory_space<vmem>>
        %dma_start3A_379 = arith.constant 0 : i32
        %dma_start3A_380 = arith.constant 0 : i32
        %dma_start3A_381 = tpu.memref_slice %arg2[%dma_start3A_379, %dma_start3A_380] : memref<10240x128xf32, #tpu.memory_space<hbm>> -> memref<10240x128xf32, #tpu.memory_space<hbm>>
        tpu.enqueue_indirect_dma source(%dma_start3A_381 : memref<10240x128xf32, #tpu.memory_space<hbm>>) target(%arg11 : memref<128x128xf32, #tpu.memory_space<vmem>>) offsets(%dma_start3A_378 : memref<128xi32, #tpu.memory_space<vmem>>) semaphore(%arg14 : memref<!tpu.dma_semaphore, #tpu.memory_space<semaphore_mem>>)
        %dma_wait3A_382 = arith.constant 0 : i32
        %dma_wait3A_383 = tpu.memref_slice %arg8[%mul3A_369, %dma_wait3A_382] : memref<40x128xi32, #tpu.memory_space<vmem>> -> memref<1x128xi32, #tpu.memory_space<vmem>>
        %dma_wait3A_384 = tpu.memref_squeeze %dma_wait3A_383 : memref<1x128xi32, #tpu.memory_space<vmem>> -> memref<128xi32, #tpu.memory_space<vmem>>
        %dma_wait3A_385 = arith.constant 0 : i32
        %dma_wait3A_386 = arith.constant 0 : i32
        %dma_wait3A_387 = tpu.memref_slice %arg2[%dma_wait3A_385, %dma_wait3A_386] : memref<10240x128xf32, #tpu.memory_space<hbm>> -> memref<10240x128xf32, #tpu.memory_space<hbm>>
        tpu.wait_indirect_dma semaphore(%arg13 : memref<!tpu.dma_semaphore, #tpu.memory_space<semaphore_mem>>) src(%dma_wait3A_387 : memref<10240x128xf32, #tpu.memory_space<hbm>>) dst(%arg10 : memref<128x128xf32, #tpu.memory_space<vmem>>)
        %dma_start3A_388 = arith.constant 0 : i32
        %dma_start3A_389 = tpu.memref_slice %arg9[%mul3A_369, %dma_start3A_388] : memref<40x128xi32, #tpu.memory_space<vmem>> -> memref<1x128xi32, #tpu.memory_space<vmem>>
        %dma_start3A_390 = tpu.memref_squeeze %dma_start3A_389 : memref<1x128xi32, #tpu.memory_space<vmem>> -> memref<128xi32, #tpu.memory_space<vmem>>
        %dma_start3A_391 = arith.constant 0 : i32
        %dma_start3A_392 = arith.constant 0 : i32
        %dma_start3A_393 = tpu.memref_slice %arg12[%dma_start3A_391, %dma_start3A_392] : memref<10112x128xf32, #tpu.memory_space<vmem_shared>> -> memref<10112x128xf32, #tpu.memory_space<vmem_shared>>
        tpu.enqueue_indirect_dma source(%arg10 : memref<128x128xf32, #tpu.memory_space<vmem>>) target(%dma_start3A_393 : memref<10112x128xf32, #tpu.memory_space<vmem_shared>>) offsets(%dma_start3A_390 : memref<128xi32, #tpu.memory_space<vmem>>) semaphore(%arg15 : memref<!tpu.dma_semaphore, #tpu.memory_space<semaphore_mem>>) {add = true}
        %dma_wait3A_394 = arith.constant 0 : i32
        %dma_wait3A_395 = tpu.memref_slice %arg9[%mul3A_369, %dma_wait3A_394] : memref<40x128xi32, #tpu.memory_space<vmem>> -> memref<1x128xi32, #tpu.memory_space<vmem>>
        %dma_wait3A_396 = tpu.memref_squeeze %dma_wait3A_395 : memref<1x128xi32, #tpu.memory_space<vmem>> -> memref<128xi32, #tpu.memory_space<vmem>>
        %dma_wait3A_397 = arith.constant 0 : i32
        %dma_wait3A_398 = arith.constant 0 : i32
        %dma_wait3A_399 = tpu.memref_slice %arg12[%dma_wait3A_397, %dma_wait3A_398] : memref<10112x128xf32, #tpu.memory_space<vmem_shared>> -> memref<10112x128xf32, #tpu.memory_space<vmem_shared>>
        tpu.wait_indirect_dma semaphore(%arg15 : memref<!tpu.dma_semaphore, #tpu.memory_space<semaphore_mem>>) src(%arg10 : memref<128x128xf32, #tpu.memory_space<vmem>>) dst(%dma_wait3A_399 : memref<10112x128xf32, #tpu.memory_space<vmem_shared>>)
        %lt3A = arith.constant 19 : i32
        %lt3A_400 = arith.cmpi slt, %scan3A_367, %lt3A : i32
        %convert_element_type3A_401 = arith.extui %lt3A_400 : i1 to i32
        %cond3A_402 = arith.constant 0 : i32
        %cond3A_403 = arith.cmpi ne, %convert_element_type3A_401, %cond3A_402 : i32
        scf.if %cond3A_403 {
          %add3A_420 = arith.constant 2 : i32
          %add3A_421 = arith.addi %mul3A_369, %add3A_420 : i32
          %dma_start3A_422 = arith.constant 0 : i32
          %dma_start3A_423 = tpu.memref_slice %arg8[%add3A_421, %dma_start3A_422] : memref<40x128xi32, #tpu.memory_space<vmem>> -> memref<1x128xi32, #tpu.memory_space<vmem>>
          %dma_start3A_424 = tpu.memref_squeeze %dma_start3A_423 : memref<1x128xi32, #tpu.memory_space<vmem>> -> memref<128xi32, #tpu.memory_space<vmem>>
          %dma_start3A_425 = arith.constant 0 : i32
          %dma_start3A_426 = arith.constant 0 : i32
          %dma_start3A_427 = tpu.memref_slice %arg2[%dma_start3A_425, %dma_start3A_426] : memref<10240x128xf32, #tpu.memory_space<hbm>> -> memref<10240x128xf32, #tpu.memory_space<hbm>>
          tpu.enqueue_indirect_dma source(%dma_start3A_427 : memref<10240x128xf32, #tpu.memory_space<hbm>>) target(%arg10 : memref<128x128xf32, #tpu.memory_space<vmem>>) offsets(%dma_start3A_424 : memref<128xi32, #tpu.memory_space<vmem>>) semaphore(%arg13 : memref<!tpu.dma_semaphore, #tpu.memory_space<semaphore_mem>>)
        } else {
        }
        %add3A_404 = arith.constant 1 : i32
        %add3A_405 = arith.addi %mul3A_369, %add3A_404 : i32
        %dma_wait3A_406 = arith.constant 0 : i32
        %dma_wait3A_407 = tpu.memref_slice %arg8[%add3A_405, %dma_wait3A_406] : memref<40x128xi32, #tpu.memory_space<vmem>> -> memref<1x128xi32, #tpu.memory_space<vmem>>
        %dma_wait3A_408 = tpu.memref_squeeze %dma_wait3A_407 : memref<1x128xi32, #tpu.memory_space<vmem>> -> memref<128xi32, #tpu.memory_space<vmem>>
        %dma_wait3A_409 = arith.constant 0 : i32
        %dma_wait3A_410 = arith.constant 0 : i32
        %dma_wait3A_411 = tpu.memref_slice %arg2[%dma_wait3A_409, %dma_wait3A_410] : memref<10240x128xf32, #tpu.memory_space<hbm>> -> memref<10240x128xf32, #tpu.memory_space<hbm>>
        tpu.wait_indirect_dma semaphore(%arg14 : memref<!tpu.dma_semaphore, #tpu.memory_space<semaphore_mem>>) src(%dma_wait3A_411 : memref<10240x128xf32, #tpu.memory_space<hbm>>) dst(%arg11 : memref<128x128xf32, #tpu.memory_space<vmem>>)
        %add3A_412 = arith.constant 1 : i32
        %add3A_413 = arith.addi %mul3A_369, %add3A_412 : i32
        %dma_start3A_414 = arith.constant 0 : i32
        %dma_start3A_415 = tpu.memref_slice %arg9[%add3A_413, %dma_start3A_414] : memref<40x128xi32, #tpu.memory_space<vmem>> -> memref<1x128xi32, #tpu.memory_space<vmem>>
        %dma_start3A_416 = tpu.memref_squeeze %dma_start3A_415 : memref<1x128xi32, #tpu.memory_space<vmem>> -> memref<128xi32, #tpu.memory_space<vmem>>
        %dma_start3A_417 = arith.constant 0 : i32
        %dma_start3A_418 = arith.constant 0 : i32
        %dma_start3A_419 = tpu.memref_slice %arg12[%dma_start3A_417, %dma_start3A_418] : memref<10112x128xf32, #tpu.memory_space<vmem_shared>> -> memref<10112x128xf32, #tpu.memory_space<vmem_shared>>
        tpu.enqueue_indirect_dma source(%arg11 : memref<128x128xf32, #tpu.memory_space<vmem>>) target(%dma_start3A_419 : memref<10112x128xf32, #tpu.memory_space<vmem_shared>>) offsets(%dma_start3A_416 : memref<128xi32, #tpu.memory_space<vmem>>) semaphore(%arg16 : memref<!tpu.dma_semaphore, #tpu.memory_space<semaphore_mem>>) {add = true}
      }
      %scan3A_337 = arith.constant 20 : i32
      %dma_wait3A_338 = arith.constant 39 : i32
      %dma_wait3A_339 = arith.constant 0 : i32
      %dma_wait3A_340 = tpu.memref_slice %arg9[%dma_wait3A_338, %dma_wait3A_339] : memref<40x128xi32, #tpu.memory_space<vmem>> -> memref<1x128xi32, #tpu.memory_space<vmem>>
      %dma_wait3A_341 = tpu.memref_squeeze %dma_wait3A_340 : memref<1x128xi32, #tpu.memory_space<vmem>> -> memref<128xi32, #tpu.memory_space<vmem>>
      %dma_wait3A_342 = arith.constant 0 : i32
      %dma_wait3A_343 = arith.constant 0 : i32
      %dma_wait3A_344 = tpu.memref_slice %arg12[%dma_wait3A_342, %dma_wait3A_343] : memref<10112x128xf32, #tpu.memory_space<vmem_shared>> -> memref<10112x128xf32, #tpu.memory_space<vmem_shared>>
      tpu.wait_indirect_dma semaphore(%arg16 : memref<!tpu.dma_semaphore, #tpu.memory_space<semaphore_mem>>) src(%arg11 : memref<128x128xf32, #tpu.memory_space<vmem>>) dst(%dma_wait3A_344 : memref<10112x128xf32, #tpu.memory_space<vmem_shared>>)
      %add3A_345 = arith.constant 120 : i32
      %add3A_346 = arith.addi %add3A_279, %add3A_345 : i32
      "tpu.region"() ({
        %run_scoped3A = tpu.sem_alloc : memref<!tpu.dma_semaphore, #tpu.memory_space<semaphore_mem>>
        %dma_start3A_367 = arith.constant 0 : i32
        %dma_start3A_368 = arith.constant 0 : i32
        %dma_start3A_369 = tpu.memref_slice %arg8[%dma_start3A_367, %dma_start3A_368] : memref<40x128xi32, #tpu.memory_space<vmem>> -> memref<32x128xi32, #tpu.memory_space<vmem>>
        %dma_start3A_370 = arith.constant 0 : i32
        %dma_start3A_371 = tpu.memref_slice %arg4[%add3A_346, %dma_start3A_370] : memref<2560x128xi32, #tpu.memory_space<hbm>> -> memref<32x128xi32, #tpu.memory_space<hbm>>
        %dma_start3A_372 = arith.constant 0 : i32
        %dma_start3A_373 = arith.constant 0 : i32
        %dma_start3A_374 = tpu.memref_slice %arg8[%dma_start3A_372, %dma_start3A_373] : memref<40x128xi32, #tpu.memory_space<vmem>> -> memref<32x128xi32, #tpu.memory_space<vmem>>
        %dma_start3A_375 = arith.constant 0 : i32
        %dma_start3A_376 = tpu.memref_slice %arg4[%add3A_346, %dma_start3A_375] : memref<2560x128xi32, #tpu.memory_space<hbm>> -> memref<32x128xi32, #tpu.memory_space<hbm>>
        tpu.enqueue_dma source(%dma_start3A_376 : memref<32x128xi32, #tpu.memory_space<hbm>>) target(%dma_start3A_374 : memref<32x128xi32, #tpu.memory_space<vmem>>) target_semaphore(%run_scoped3A : memref<!tpu.dma_semaphore, #tpu.memory_space<semaphore_mem>>)
        %dma_wait3A_377 = arith.constant 0 : i32
        %dma_wait3A_378 = arith.constant 0 : i32
        %dma_wait3A_379 = tpu.memref_slice %arg8[%dma_wait3A_377, %dma_wait3A_378] : memref<40x128xi32, #tpu.memory_space<vmem>> -> memref<32x128xi32, #tpu.memory_space<vmem>>
        %dma_wait3A_380 = arith.constant 0 : i32
        %dma_wait3A_381 = tpu.memref_slice %arg4[%add3A_346, %dma_wait3A_380] : memref<2560x128xi32, #tpu.memory_space<hbm>> -> memref<32x128xi32, #tpu.memory_space<hbm>>
        %dma_wait3A_382 = arith.constant 0 : i32
        %dma_wait3A_383 = arith.constant 0 : i32
        %dma_wait3A_384 = tpu.memref_slice %arg8[%dma_wait3A_382, %dma_wait3A_383] : memref<40x128xi32, #tpu.memory_space<vmem>> -> memref<32x128xi32, #tpu.memory_space<vmem>>
        %dma_wait3A_385 = arith.constant 0 : i32
        %dma_wait3A_386 = tpu.memref_slice %arg4[%add3A_346, %dma_wait3A_385] : memref<2560x128xi32, #tpu.memory_space<hbm>> -> memref<32x128xi32, #tpu.memory_space<hbm>>
        tpu.wait_dma2 semaphore(%run_scoped3A : memref<!tpu.dma_semaphore, #tpu.memory_space<semaphore_mem>>) src(%dma_wait3A_386 : memref<32x128xi32, #tpu.memory_space<hbm>>) dst(%dma_wait3A_384 : memref<32x128xi32, #tpu.memory_space<vmem>>)
        tpu.yield
      }) : () -> ()
      "tpu.region"() ({
        %run_scoped3A = tpu.sem_alloc : memref<!tpu.dma_semaphore, #tpu.memory_space<semaphore_mem>>
        %dma_start3A_367 = arith.constant 0 : i32
        %dma_start3A_368 = arith.constant 0 : i32
        %dma_start3A_369 = tpu.memref_slice %arg9[%dma_start3A_367, %dma_start3A_368] : memref<40x128xi32, #tpu.memory_space<vmem>> -> memref<32x128xi32, #tpu.memory_space<vmem>>
        %dma_start3A_370 = arith.constant 0 : i32
        %dma_start3A_371 = tpu.memref_slice %arg5[%add3A_346, %dma_start3A_370] : memref<2560x128xi32, #tpu.memory_space<hbm>> -> memref<32x128xi32, #tpu.memory_space<hbm>>
        %dma_start3A_372 = arith.constant 0 : i32
        %dma_start3A_373 = arith.constant 0 : i32
        %dma_start3A_374 = tpu.memref_slice %arg9[%dma_start3A_372, %dma_start3A_373] : memref<40x128xi32, #tpu.memory_space<vmem>> -> memref<32x128xi32, #tpu.memory_space<vmem>>
        %dma_start3A_375 = arith.constant 0 : i32
        %dma_start3A_376 = tpu.memref_slice %arg5[%add3A_346, %dma_start3A_375] : memref<2560x128xi32, #tpu.memory_space<hbm>> -> memref<32x128xi32, #tpu.memory_space<hbm>>
        tpu.enqueue_dma source(%dma_start3A_376 : memref<32x128xi32, #tpu.memory_space<hbm>>) target(%dma_start3A_374 : memref<32x128xi32, #tpu.memory_space<vmem>>) target_semaphore(%run_scoped3A : memref<!tpu.dma_semaphore, #tpu.memory_space<semaphore_mem>>)
        %dma_wait3A_377 = arith.constant 0 : i32
        %dma_wait3A_378 = arith.constant 0 : i32
        %dma_wait3A_379 = tpu.memref_slice %arg9[%dma_wait3A_377, %dma_wait3A_378] : memref<40x128xi32, #tpu.memory_space<vmem>> -> memref<32x128xi32, #tpu.memory_space<vmem>>
        %dma_wait3A_380 = arith.constant 0 : i32
        %dma_wait3A_381 = tpu.memref_slice %arg5[%add3A_346, %dma_wait3A_380] : memref<2560x128xi32, #tpu.memory_space<hbm>> -> memref<32x128xi32, #tpu.memory_space<hbm>>
        %dma_wait3A_382 = arith.constant 0 : i32
        %dma_wait3A_383 = arith.constant 0 : i32
        %dma_wait3A_384 = tpu.memref_slice %arg9[%dma_wait3A_382, %dma_wait3A_383] : memref<40x128xi32, #tpu.memory_space<vmem>> -> memref<32x128xi32, #tpu.memory_space<vmem>>
        %dma_wait3A_385 = arith.constant 0 : i32
        %dma_wait3A_386 = tpu.memref_slice %arg5[%add3A_346, %dma_wait3A_385] : memref<2560x128xi32, #tpu.memory_space<hbm>> -> memref<32x128xi32, #tpu.memory_space<hbm>>
        tpu.wait_dma2 semaphore(%run_scoped3A : memref<!tpu.dma_semaphore, #tpu.memory_space<semaphore_mem>>) src(%dma_wait3A_386 : memref<32x128xi32, #tpu.memory_space<hbm>>) dst(%dma_wait3A_384 : memref<32x128xi32, #tpu.memory_space<vmem>>)
        tpu.yield
      }) : () -> ()
      %dma_start3A_347 = arith.constant 0 : i32
      %dma_start3A_348 = arith.constant 0 : i32
      %dma_start3A_349 = tpu.memref_slice %arg8[%dma_start3A_347, %dma_start3A_348] : memref<40x128xi32, #tpu.memory_space<vmem>> -> memref<1x128xi32, #tpu.memory_space<vmem>>
      %dma_start3A_350 = tpu.memref_squeeze %dma_start3A_349 : memref<1x128xi32, #tpu.memory_space<vmem>> -> memref<128xi32, #tpu.memory_space<vmem>>
      %dma_start3A_351 = arith.constant 0 : i32
      %dma_start3A_352 = arith.constant 0 : i32
      %dma_start3A_353 = tpu.memref_slice %arg2[%dma_start3A_351, %dma_start3A_352] : memref<10240x128xf32, #tpu.memory_space<hbm>> -> memref<10240x128xf32, #tpu.memory_space<hbm>>
      tpu.enqueue_indirect_dma source(%dma_start3A_353 : memref<10240x128xf32, #tpu.memory_space<hbm>>) target(%arg10 : memref<128x128xf32, #tpu.memory_space<vmem>>) offsets(%dma_start3A_350 : memref<128xi32, #tpu.memory_space<vmem>>) semaphore(%arg13 : memref<!tpu.dma_semaphore, #tpu.memory_space<semaphore_mem>>)
      %scan3A_354 = arith.constant 0 : i32
      %scan3A_355 = arith.constant 0 : i32
      %scan3A_356 = arith.constant 16 : i32
      %scan3A_357 = arith.addi %scan3A_355, %scan3A_356 : i32
      %scan3A_358 = arith.constant 1 : i32
      scf.for %scan3A_367 = %scan3A_355 to %scan3A_357 step %scan3A_358  : i32 {
        %mul3A_368 = arith.constant 2 : i32
        %mul3A_369 = arith.muli %mul3A_368, %scan3A_367 : i32
        %gt3A = arith.constant 0 : i32
        %gt3A_370 = arith.cmpi sgt, %scan3A_367, %gt3A : i32
        %convert_element_type3A_371 = arith.extui %gt3A_370 : i1 to i32
        %cond3A_372 = arith.constant 0 : i32
        %cond3A_373 = arith.cmpi ne, %convert_element_type3A_371, %cond3A_372 : i32
        scf.if %cond3A_373 {
          %sub3A = arith.constant 1 : i32
          %sub3A_420 = arith.subi %mul3A_369, %sub3A : i32
          %dma_wait3A_421 = arith.constant 0 : i32
          %dma_wait3A_422 = tpu.memref_slice %arg9[%sub3A_420, %dma_wait3A_421] : memref<40x128xi32, #tpu.memory_space<vmem>> -> memref<1x128xi32, #tpu.memory_space<vmem>>
          %dma_wait3A_423 = tpu.memref_squeeze %dma_wait3A_422 : memref<1x128xi32, #tpu.memory_space<vmem>> -> memref<128xi32, #tpu.memory_space<vmem>>
          %dma_wait3A_424 = arith.constant 0 : i32
          %dma_wait3A_425 = arith.constant 0 : i32
          %dma_wait3A_426 = tpu.memref_slice %arg12[%dma_wait3A_424, %dma_wait3A_425] : memref<10112x128xf32, #tpu.memory_space<vmem_shared>> -> memref<10112x128xf32, #tpu.memory_space<vmem_shared>>
          tpu.wait_indirect_dma semaphore(%arg16 : memref<!tpu.dma_semaphore, #tpu.memory_space<semaphore_mem>>) src(%arg11 : memref<128x128xf32, #tpu.memory_space<vmem>>) dst(%dma_wait3A_426 : memref<10112x128xf32, #tpu.memory_space<vmem_shared>>)
        } else {
        }
        %add3A_374 = arith.constant 1 : i32
        %add3A_375 = arith.addi %mul3A_369, %add3A_374 : i32
        %dma_start3A_376 = arith.constant 0 : i32
        %dma_start3A_377 = tpu.memref_slice %arg8[%add3A_375, %dma_start3A_376] : memref<40x128xi32, #tpu.memory_space<vmem>> -> memref<1x128xi32, #tpu.memory_space<vmem>>
        %dma_start3A_378 = tpu.memref_squeeze %dma_start3A_377 : memref<1x128xi32, #tpu.memory_space<vmem>> -> memref<128xi32, #tpu.memory_space<vmem>>
        %dma_start3A_379 = arith.constant 0 : i32
        %dma_start3A_380 = arith.constant 0 : i32
        %dma_start3A_381 = tpu.memref_slice %arg2[%dma_start3A_379, %dma_start3A_380] : memref<10240x128xf32, #tpu.memory_space<hbm>> -> memref<10240x128xf32, #tpu.memory_space<hbm>>
        tpu.enqueue_indirect_dma source(%dma_start3A_381 : memref<10240x128xf32, #tpu.memory_space<hbm>>) target(%arg11 : memref<128x128xf32, #tpu.memory_space<vmem>>) offsets(%dma_start3A_378 : memref<128xi32, #tpu.memory_space<vmem>>) semaphore(%arg14 : memref<!tpu.dma_semaphore, #tpu.memory_space<semaphore_mem>>)
        %dma_wait3A_382 = arith.constant 0 : i32
        %dma_wait3A_383 = tpu.memref_slice %arg8[%mul3A_369, %dma_wait3A_382] : memref<40x128xi32, #tpu.memory_space<vmem>> -> memref<1x128xi32, #tpu.memory_space<vmem>>
        %dma_wait3A_384 = tpu.memref_squeeze %dma_wait3A_383 : memref<1x128xi32, #tpu.memory_space<vmem>> -> memref<128xi32, #tpu.memory_space<vmem>>
        %dma_wait3A_385 = arith.constant 0 : i32
        %dma_wait3A_386 = arith.constant 0 : i32
        %dma_wait3A_387 = tpu.memref_slice %arg2[%dma_wait3A_385, %dma_wait3A_386] : memref<10240x128xf32, #tpu.memory_space<hbm>> -> memref<10240x128xf32, #tpu.memory_space<hbm>>
        tpu.wait_indirect_dma semaphore(%arg13 : memref<!tpu.dma_semaphore, #tpu.memory_space<semaphore_mem>>) src(%dma_wait3A_387 : memref<10240x128xf32, #tpu.memory_space<hbm>>) dst(%arg10 : memref<128x128xf32, #tpu.memory_space<vmem>>)
        %dma_start3A_388 = arith.constant 0 : i32
        %dma_start3A_389 = tpu.memref_slice %arg9[%mul3A_369, %dma_start3A_388] : memref<40x128xi32, #tpu.memory_space<vmem>> -> memref<1x128xi32, #tpu.memory_space<vmem>>
        %dma_start3A_390 = tpu.memref_squeeze %dma_start3A_389 : memref<1x128xi32, #tpu.memory_space<vmem>> -> memref<128xi32, #tpu.memory_space<vmem>>
        %dma_start3A_391 = arith.constant 0 : i32
        %dma_start3A_392 = arith.constant 0 : i32
        %dma_start3A_393 = tpu.memref_slice %arg12[%dma_start3A_391, %dma_start3A_392] : memref<10112x128xf32, #tpu.memory_space<vmem_shared>> -> memref<10112x128xf32, #tpu.memory_space<vmem_shared>>
        tpu.enqueue_indirect_dma source(%arg10 : memref<128x128xf32, #tpu.memory_space<vmem>>) target(%dma_start3A_393 : memref<10112x128xf32, #tpu.memory_space<vmem_shared>>) offsets(%dma_start3A_390 : memref<128xi32, #tpu.memory_space<vmem>>) semaphore(%arg15 : memref<!tpu.dma_semaphore, #tpu.memory_space<semaphore_mem>>) {add = true}
        %dma_wait3A_394 = arith.constant 0 : i32
        %dma_wait3A_395 = tpu.memref_slice %arg9[%mul3A_369, %dma_wait3A_394] : memref<40x128xi32, #tpu.memory_space<vmem>> -> memref<1x128xi32, #tpu.memory_space<vmem>>
        %dma_wait3A_396 = tpu.memref_squeeze %dma_wait3A_395 : memref<1x128xi32, #tpu.memory_space<vmem>> -> memref<128xi32, #tpu.memory_space<vmem>>
        %dma_wait3A_397 = arith.constant 0 : i32
        %dma_wait3A_398 = arith.constant 0 : i32
        %dma_wait3A_399 = tpu.memref_slice %arg12[%dma_wait3A_397, %dma_wait3A_398] : memref<10112x128xf32, #tpu.memory_space<vmem_shared>> -> memref<10112x128xf32, #tpu.memory_space<vmem_shared>>
        tpu.wait_indirect_dma semaphore(%arg15 : memref<!tpu.dma_semaphore, #tpu.memory_space<semaphore_mem>>) src(%arg10 : memref<128x128xf32, #tpu.memory_space<vmem>>) dst(%dma_wait3A_399 : memref<10112x128xf32, #tpu.memory_space<vmem_shared>>)
        %lt3A = arith.constant 15 : i32
        %lt3A_400 = arith.cmpi slt, %scan3A_367, %lt3A : i32
        %convert_element_type3A_401 = arith.extui %lt3A_400 : i1 to i32
        %cond3A_402 = arith.constant 0 : i32
        %cond3A_403 = arith.cmpi ne, %convert_element_type3A_401, %cond3A_402 : i32
        scf.if %cond3A_403 {
          %add3A_420 = arith.constant 2 : i32
          %add3A_421 = arith.addi %mul3A_369, %add3A_420 : i32
          %dma_start3A_422 = arith.constant 0 : i32
          %dma_start3A_423 = tpu.memref_slice %arg8[%add3A_421, %dma_start3A_422] : memref<40x128xi32, #tpu.memory_space<vmem>> -> memref<1x128xi32, #tpu.memory_space<vmem>>
          %dma_start3A_424 = tpu.memref_squeeze %dma_start3A_423 : memref<1x128xi32, #tpu.memory_space<vmem>> -> memref<128xi32, #tpu.memory_space<vmem>>
          %dma_start3A_425 = arith.constant 0 : i32
          %dma_start3A_426 = arith.constant 0 : i32
          %dma_start3A_427 = tpu.memref_slice %arg2[%dma_start3A_425, %dma_start3A_426] : memref<10240x128xf32, #tpu.memory_space<hbm>> -> memref<10240x128xf32, #tpu.memory_space<hbm>>
          tpu.enqueue_indirect_dma source(%dma_start3A_427 : memref<10240x128xf32, #tpu.memory_space<hbm>>) target(%arg10 : memref<128x128xf32, #tpu.memory_space<vmem>>) offsets(%dma_start3A_424 : memref<128xi32, #tpu.memory_space<vmem>>) semaphore(%arg13 : memref<!tpu.dma_semaphore, #tpu.memory_space<semaphore_mem>>)
        } else {
        }
        %add3A_404 = arith.constant 1 : i32
        %add3A_405 = arith.addi %mul3A_369, %add3A_404 : i32
        %dma_wait3A_406 = arith.constant 0 : i32
        %dma_wait3A_407 = tpu.memref_slice %arg8[%add3A_405, %dma_wait3A_406] : memref<40x128xi32, #tpu.memory_space<vmem>> -> memref<1x128xi32, #tpu.memory_space<vmem>>
        %dma_wait3A_408 = tpu.memref_squeeze %dma_wait3A_407 : memref<1x128xi32, #tpu.memory_space<vmem>> -> memref<128xi32, #tpu.memory_space<vmem>>
        %dma_wait3A_409 = arith.constant 0 : i32
        %dma_wait3A_410 = arith.constant 0 : i32
        %dma_wait3A_411 = tpu.memref_slice %arg2[%dma_wait3A_409, %dma_wait3A_410] : memref<10240x128xf32, #tpu.memory_space<hbm>> -> memref<10240x128xf32, #tpu.memory_space<hbm>>
        tpu.wait_indirect_dma semaphore(%arg14 : memref<!tpu.dma_semaphore, #tpu.memory_space<semaphore_mem>>) src(%dma_wait3A_411 : memref<10240x128xf32, #tpu.memory_space<hbm>>) dst(%arg11 : memref<128x128xf32, #tpu.memory_space<vmem>>)
        %add3A_412 = arith.constant 1 : i32
        %add3A_413 = arith.addi %mul3A_369, %add3A_412 : i32
        %dma_start3A_414 = arith.constant 0 : i32
        %dma_start3A_415 = tpu.memref_slice %arg9[%add3A_413, %dma_start3A_414] : memref<40x128xi32, #tpu.memory_space<vmem>> -> memref<1x128xi32, #tpu.memory_space<vmem>>
        %dma_start3A_416 = tpu.memref_squeeze %dma_start3A_415 : memref<1x128xi32, #tpu.memory_space<vmem>> -> memref<128xi32, #tpu.memory_space<vmem>>
        %dma_start3A_417 = arith.constant 0 : i32
        %dma_start3A_418 = arith.constant 0 : i32
        %dma_start3A_419 = tpu.memref_slice %arg12[%dma_start3A_417, %dma_start3A_418] : memref<10112x128xf32, #tpu.memory_space<vmem_shared>> -> memref<10112x128xf32, #tpu.memory_space<vmem_shared>>
        tpu.enqueue_indirect_dma source(%arg11 : memref<128x128xf32, #tpu.memory_space<vmem>>) target(%dma_start3A_419 : memref<10112x128xf32, #tpu.memory_space<vmem_shared>>) offsets(%dma_start3A_416 : memref<128xi32, #tpu.memory_space<vmem>>) semaphore(%arg16 : memref<!tpu.dma_semaphore, #tpu.memory_space<semaphore_mem>>) {add = true}
      }
      %scan3A_359 = arith.constant 16 : i32
      %dma_wait3A_360 = arith.constant 31 : i32
      %dma_wait3A_361 = arith.constant 0 : i32
      %dma_wait3A_362 = tpu.memref_slice %arg9[%dma_wait3A_360, %dma_wait3A_361] : memref<40x128xi32, #tpu.memory_space<vmem>> -> memref<1x128xi32, #tpu.memory_space<vmem>>
      %dma_wait3A_363 = tpu.memref_squeeze %dma_wait3A_362 : memref<1x128xi32, #tpu.memory_space<vmem>> -> memref<128xi32, #tpu.memory_space<vmem>>
      %dma_wait3A_364 = arith.constant 0 : i32
      %dma_wait3A_365 = arith.constant 0 : i32
      %dma_wait3A_366 = tpu.memref_slice %arg12[%dma_wait3A_364, %dma_wait3A_365] : memref<10112x128xf32, #tpu.memory_space<vmem_shared>> -> memref<10112x128xf32, #tpu.memory_space<vmem_shared>>
      tpu.wait_indirect_dma semaphore(%arg16 : memref<!tpu.dma_semaphore, #tpu.memory_space<semaphore_mem>>) src(%arg11 : memref<128x128xf32, #tpu.memory_space<vmem>>) dst(%dma_wait3A_366 : memref<10112x128xf32, #tpu.memory_space<vmem_shared>>)
    } else {
    }
    %eq3A_120 = arith.constant 1 : i32
    %eq3A_121 = arith.cmpi eq, %arg0, %eq3A_120 : i32
    %convert_element_type3A_122 = arith.extui %eq3A_121 : i1 to i32
    %cond3A_123 = arith.constant 0 : i32
    %cond3A_124 = arith.cmpi ne, %convert_element_type3A_122, %cond3A_123 : i32
    scf.if %cond3A_124 {
      %mul3A_276 = arith.constant 8 : i32
      %mul3A_277 = arith.muli %arg1, %mul3A_276 : i32
      %add3A_278 = arith.constant 2432 : i32
      %add3A_279 = arith.addi %add3A_278, %mul3A_277 : i32
      %add3A_280 = arith.constant 0 : i32
      %add3A_281 = arith.addi %add3A_279, %add3A_280 : i32
      "tpu.region"() ({
        %run_scoped3A = tpu.sem_alloc : memref<!tpu.dma_semaphore, #tpu.memory_space<semaphore_mem>>
        %dma_start3A_301 = arith.constant 0 : i32
        %dma_start3A_302 = arith.constant 0 : i32
        %dma_start3A_303 = tpu.memref_slice %arg8[%dma_start3A_301, %dma_start3A_302] : memref<40x128xi32, #tpu.memory_space<vmem>> -> memref<8x128xi32, #tpu.memory_space<vmem>>
        %dma_start3A_304 = arith.constant 0 : i32
        %dma_start3A_305 = tpu.memref_slice %arg4[%add3A_281, %dma_start3A_304] : memref<2560x128xi32, #tpu.memory_space<hbm>> -> memref<8x128xi32, #tpu.memory_space<hbm>>
        %dma_start3A_306 = arith.constant 0 : i32
        %dma_start3A_307 = arith.constant 0 : i32
        %dma_start3A_308 = tpu.memref_slice %arg8[%dma_start3A_306, %dma_start3A_307] : memref<40x128xi32, #tpu.memory_space<vmem>> -> memref<8x128xi32, #tpu.memory_space<vmem>>
        %dma_start3A_309 = arith.constant 0 : i32
        %dma_start3A_310 = tpu.memref_slice %arg4[%add3A_281, %dma_start3A_309] : memref<2560x128xi32, #tpu.memory_space<hbm>> -> memref<8x128xi32, #tpu.memory_space<hbm>>
        tpu.enqueue_dma source(%dma_start3A_310 : memref<8x128xi32, #tpu.memory_space<hbm>>) target(%dma_start3A_308 : memref<8x128xi32, #tpu.memory_space<vmem>>) target_semaphore(%run_scoped3A : memref<!tpu.dma_semaphore, #tpu.memory_space<semaphore_mem>>)
        %dma_wait3A_311 = arith.constant 0 : i32
        %dma_wait3A_312 = arith.constant 0 : i32
        %dma_wait3A_313 = tpu.memref_slice %arg8[%dma_wait3A_311, %dma_wait3A_312] : memref<40x128xi32, #tpu.memory_space<vmem>> -> memref<8x128xi32, #tpu.memory_space<vmem>>
        %dma_wait3A_314 = arith.constant 0 : i32
        %dma_wait3A_315 = tpu.memref_slice %arg4[%add3A_281, %dma_wait3A_314] : memref<2560x128xi32, #tpu.memory_space<hbm>> -> memref<8x128xi32, #tpu.memory_space<hbm>>
        %dma_wait3A_316 = arith.constant 0 : i32
        %dma_wait3A_317 = arith.constant 0 : i32
        %dma_wait3A_318 = tpu.memref_slice %arg8[%dma_wait3A_316, %dma_wait3A_317] : memref<40x128xi32, #tpu.memory_space<vmem>> -> memref<8x128xi32, #tpu.memory_space<vmem>>
        %dma_wait3A_319 = arith.constant 0 : i32
        %dma_wait3A_320 = tpu.memref_slice %arg4[%add3A_281, %dma_wait3A_319] : memref<2560x128xi32, #tpu.memory_space<hbm>> -> memref<8x128xi32, #tpu.memory_space<hbm>>
        tpu.wait_dma2 semaphore(%run_scoped3A : memref<!tpu.dma_semaphore, #tpu.memory_space<semaphore_mem>>) src(%dma_wait3A_320 : memref<8x128xi32, #tpu.memory_space<hbm>>) dst(%dma_wait3A_318 : memref<8x128xi32, #tpu.memory_space<vmem>>)
        tpu.yield
      }) : () -> ()
      "tpu.region"() ({
        %run_scoped3A = tpu.sem_alloc : memref<!tpu.dma_semaphore, #tpu.memory_space<semaphore_mem>>
        %dma_start3A_301 = arith.constant 0 : i32
        %dma_start3A_302 = arith.constant 0 : i32
        %dma_start3A_303 = tpu.memref_slice %arg9[%dma_start3A_301, %dma_start3A_302] : memref<40x128xi32, #tpu.memory_space<vmem>> -> memref<8x128xi32, #tpu.memory_space<vmem>>
        %dma_start3A_304 = arith.constant 0 : i32
        %dma_start3A_305 = tpu.memref_slice %arg5[%add3A_281, %dma_start3A_304] : memref<2560x128xi32, #tpu.memory_space<hbm>> -> memref<8x128xi32, #tpu.memory_space<hbm>>
        %dma_start3A_306 = arith.constant 0 : i32
        %dma_start3A_307 = arith.constant 0 : i32
        %dma_start3A_308 = tpu.memref_slice %arg9[%dma_start3A_306, %dma_start3A_307] : memref<40x128xi32, #tpu.memory_space<vmem>> -> memref<8x128xi32, #tpu.memory_space<vmem>>
        %dma_start3A_309 = arith.constant 0 : i32
        %dma_start3A_310 = tpu.memref_slice %arg5[%add3A_281, %dma_start3A_309] : memref<2560x128xi32, #tpu.memory_space<hbm>> -> memref<8x128xi32, #tpu.memory_space<hbm>>
        tpu.enqueue_dma source(%dma_start3A_310 : memref<8x128xi32, #tpu.memory_space<hbm>>) target(%dma_start3A_308 : memref<8x128xi32, #tpu.memory_space<vmem>>) target_semaphore(%run_scoped3A : memref<!tpu.dma_semaphore, #tpu.memory_space<semaphore_mem>>)
        %dma_wait3A_311 = arith.constant 0 : i32
        %dma_wait3A_312 = arith.constant 0 : i32
        %dma_wait3A_313 = tpu.memref_slice %arg9[%dma_wait3A_311, %dma_wait3A_312] : memref<40x128xi32, #tpu.memory_space<vmem>> -> memref<8x128xi32, #tpu.memory_space<vmem>>
        %dma_wait3A_314 = arith.constant 0 : i32
        %dma_wait3A_315 = tpu.memref_slice %arg5[%add3A_281, %dma_wait3A_314] : memref<2560x128xi32, #tpu.memory_space<hbm>> -> memref<8x128xi32, #tpu.memory_space<hbm>>
        %dma_wait3A_316 = arith.constant 0 : i32
        %dma_wait3A_317 = arith.constant 0 : i32
        %dma_wait3A_318 = tpu.memref_slice %arg9[%dma_wait3A_316, %dma_wait3A_317] : memref<40x128xi32, #tpu.memory_space<vmem>> -> memref<8x128xi32, #tpu.memory_space<vmem>>
        %dma_wait3A_319 = arith.constant 0 : i32
        %dma_wait3A_320 = tpu.memref_slice %arg5[%add3A_281, %dma_wait3A_319] : memref<2560x128xi32, #tpu.memory_space<hbm>> -> memref<8x128xi32, #tpu.memory_space<hbm>>
        tpu.wait_dma2 semaphore(%run_scoped3A : memref<!tpu.dma_semaphore, #tpu.memory_space<semaphore_mem>>) src(%dma_wait3A_320 : memref<8x128xi32, #tpu.memory_space<hbm>>) dst(%dma_wait3A_318 : memref<8x128xi32, #tpu.memory_space<vmem>>)
        tpu.yield
      }) : () -> ()
      %dma_start3A_282 = arith.constant 0 : i32
      %dma_start3A_283 = arith.constant 0 : i32
      %dma_start3A_284 = tpu.memref_slice %arg8[%dma_start3A_282, %dma_start3A_283] : memref<40x128xi32, #tpu.memory_space<vmem>> -> memref<1x128xi32, #tpu.memory_space<vmem>>
      %dma_start3A_285 = tpu.memref_squeeze %dma_start3A_284 : memref<1x128xi32, #tpu.memory_space<vmem>> -> memref<128xi32, #tpu.memory_space<vmem>>
      %dma_start3A_286 = arith.constant 0 : i32
      %dma_start3A_287 = arith.constant 0 : i32
      %dma_start3A_288 = tpu.memref_slice %arg3[%dma_start3A_286, %dma_start3A_287] : memref<10240x128xf32, #tpu.memory_space<hbm>> -> memref<10240x128xf32, #tpu.memory_space<hbm>>
      tpu.enqueue_indirect_dma source(%dma_start3A_288 : memref<10240x128xf32, #tpu.memory_space<hbm>>) target(%arg10 : memref<128x128xf32, #tpu.memory_space<vmem>>) offsets(%dma_start3A_285 : memref<128xi32, #tpu.memory_space<vmem>>) semaphore(%arg13 : memref<!tpu.dma_semaphore, #tpu.memory_space<semaphore_mem>>)
      %scan3A = arith.constant 0 : i32
      %scan3A_289 = arith.constant 0 : i32
      %scan3A_290 = arith.constant 4 : i32
      %scan3A_291 = arith.addi %scan3A_289, %scan3A_290 : i32
      %scan3A_292 = arith.constant 1 : i32
      scf.for %scan3A_301 = %scan3A_289 to %scan3A_291 step %scan3A_292  : i32 {
        %mul3A_302 = arith.constant 2 : i32
        %mul3A_303 = arith.muli %mul3A_302, %scan3A_301 : i32
        %gt3A = arith.constant 0 : i32
        %gt3A_304 = arith.cmpi sgt, %scan3A_301, %gt3A : i32
        %convert_element_type3A_305 = arith.extui %gt3A_304 : i1 to i32
        %cond3A_306 = arith.constant 0 : i32
        %cond3A_307 = arith.cmpi ne, %convert_element_type3A_305, %cond3A_306 : i32
        scf.if %cond3A_307 {
          %sub3A = arith.constant 1 : i32
          %sub3A_354 = arith.subi %mul3A_303, %sub3A : i32
          %dma_wait3A_355 = arith.constant 0 : i32
          %dma_wait3A_356 = tpu.memref_slice %arg9[%sub3A_354, %dma_wait3A_355] : memref<40x128xi32, #tpu.memory_space<vmem>> -> memref<1x128xi32, #tpu.memory_space<vmem>>
          %dma_wait3A_357 = tpu.memref_squeeze %dma_wait3A_356 : memref<1x128xi32, #tpu.memory_space<vmem>> -> memref<128xi32, #tpu.memory_space<vmem>>
          %dma_wait3A_358 = arith.constant 0 : i32
          %dma_wait3A_359 = arith.constant 0 : i32
          %dma_wait3A_360 = tpu.memref_slice %arg12[%dma_wait3A_358, %dma_wait3A_359] : memref<10112x128xf32, #tpu.memory_space<vmem_shared>> -> memref<10112x128xf32, #tpu.memory_space<vmem_shared>>
          tpu.wait_indirect_dma semaphore(%arg16 : memref<!tpu.dma_semaphore, #tpu.memory_space<semaphore_mem>>) src(%arg11 : memref<128x128xf32, #tpu.memory_space<vmem>>) dst(%dma_wait3A_360 : memref<10112x128xf32, #tpu.memory_space<vmem_shared>>)
        } else {
        }
        %add3A_308 = arith.constant 1 : i32
        %add3A_309 = arith.addi %mul3A_303, %add3A_308 : i32
        %dma_start3A_310 = arith.constant 0 : i32
        %dma_start3A_311 = tpu.memref_slice %arg8[%add3A_309, %dma_start3A_310] : memref<40x128xi32, #tpu.memory_space<vmem>> -> memref<1x128xi32, #tpu.memory_space<vmem>>
        %dma_start3A_312 = tpu.memref_squeeze %dma_start3A_311 : memref<1x128xi32, #tpu.memory_space<vmem>> -> memref<128xi32, #tpu.memory_space<vmem>>
        %dma_start3A_313 = arith.constant 0 : i32
        %dma_start3A_314 = arith.constant 0 : i32
        %dma_start3A_315 = tpu.memref_slice %arg3[%dma_start3A_313, %dma_start3A_314] : memref<10240x128xf32, #tpu.memory_space<hbm>> -> memref<10240x128xf32, #tpu.memory_space<hbm>>
        tpu.enqueue_indirect_dma source(%dma_start3A_315 : memref<10240x128xf32, #tpu.memory_space<hbm>>) target(%arg11 : memref<128x128xf32, #tpu.memory_space<vmem>>) offsets(%dma_start3A_312 : memref<128xi32, #tpu.memory_space<vmem>>) semaphore(%arg14 : memref<!tpu.dma_semaphore, #tpu.memory_space<semaphore_mem>>)
        %dma_wait3A_316 = arith.constant 0 : i32
        %dma_wait3A_317 = tpu.memref_slice %arg8[%mul3A_303, %dma_wait3A_316] : memref<40x128xi32, #tpu.memory_space<vmem>> -> memref<1x128xi32, #tpu.memory_space<vmem>>
        %dma_wait3A_318 = tpu.memref_squeeze %dma_wait3A_317 : memref<1x128xi32, #tpu.memory_space<vmem>> -> memref<128xi32, #tpu.memory_space<vmem>>
        %dma_wait3A_319 = arith.constant 0 : i32
        %dma_wait3A_320 = arith.constant 0 : i32
        %dma_wait3A_321 = tpu.memref_slice %arg3[%dma_wait3A_319, %dma_wait3A_320] : memref<10240x128xf32, #tpu.memory_space<hbm>> -> memref<10240x128xf32, #tpu.memory_space<hbm>>
        tpu.wait_indirect_dma semaphore(%arg13 : memref<!tpu.dma_semaphore, #tpu.memory_space<semaphore_mem>>) src(%dma_wait3A_321 : memref<10240x128xf32, #tpu.memory_space<hbm>>) dst(%arg10 : memref<128x128xf32, #tpu.memory_space<vmem>>)
        %dma_start3A_322 = arith.constant 0 : i32
        %dma_start3A_323 = tpu.memref_slice %arg9[%mul3A_303, %dma_start3A_322] : memref<40x128xi32, #tpu.memory_space<vmem>> -> memref<1x128xi32, #tpu.memory_space<vmem>>
        %dma_start3A_324 = tpu.memref_squeeze %dma_start3A_323 : memref<1x128xi32, #tpu.memory_space<vmem>> -> memref<128xi32, #tpu.memory_space<vmem>>
        %dma_start3A_325 = arith.constant 0 : i32
        %dma_start3A_326 = arith.constant 0 : i32
        %dma_start3A_327 = tpu.memref_slice %arg12[%dma_start3A_325, %dma_start3A_326] : memref<10112x128xf32, #tpu.memory_space<vmem_shared>> -> memref<10112x128xf32, #tpu.memory_space<vmem_shared>>
        tpu.enqueue_indirect_dma source(%arg10 : memref<128x128xf32, #tpu.memory_space<vmem>>) target(%dma_start3A_327 : memref<10112x128xf32, #tpu.memory_space<vmem_shared>>) offsets(%dma_start3A_324 : memref<128xi32, #tpu.memory_space<vmem>>) semaphore(%arg15 : memref<!tpu.dma_semaphore, #tpu.memory_space<semaphore_mem>>) {add = true}
        %dma_wait3A_328 = arith.constant 0 : i32
        %dma_wait3A_329 = tpu.memref_slice %arg9[%mul3A_303, %dma_wait3A_328] : memref<40x128xi32, #tpu.memory_space<vmem>> -> memref<1x128xi32, #tpu.memory_space<vmem>>
        %dma_wait3A_330 = tpu.memref_squeeze %dma_wait3A_329 : memref<1x128xi32, #tpu.memory_space<vmem>> -> memref<128xi32, #tpu.memory_space<vmem>>
        %dma_wait3A_331 = arith.constant 0 : i32
        %dma_wait3A_332 = arith.constant 0 : i32
        %dma_wait3A_333 = tpu.memref_slice %arg12[%dma_wait3A_331, %dma_wait3A_332] : memref<10112x128xf32, #tpu.memory_space<vmem_shared>> -> memref<10112x128xf32, #tpu.memory_space<vmem_shared>>
        tpu.wait_indirect_dma semaphore(%arg15 : memref<!tpu.dma_semaphore, #tpu.memory_space<semaphore_mem>>) src(%arg10 : memref<128x128xf32, #tpu.memory_space<vmem>>) dst(%dma_wait3A_333 : memref<10112x128xf32, #tpu.memory_space<vmem_shared>>)
        %lt3A = arith.constant 3 : i32
        %lt3A_334 = arith.cmpi slt, %scan3A_301, %lt3A : i32
        %convert_element_type3A_335 = arith.extui %lt3A_334 : i1 to i32
        %cond3A_336 = arith.constant 0 : i32
        %cond3A_337 = arith.cmpi ne, %convert_element_type3A_335, %cond3A_336 : i32
        scf.if %cond3A_337 {
          %add3A_354 = arith.constant 2 : i32
          %add3A_355 = arith.addi %mul3A_303, %add3A_354 : i32
          %dma_start3A_356 = arith.constant 0 : i32
          %dma_start3A_357 = tpu.memref_slice %arg8[%add3A_355, %dma_start3A_356] : memref<40x128xi32, #tpu.memory_space<vmem>> -> memref<1x128xi32, #tpu.memory_space<vmem>>
          %dma_start3A_358 = tpu.memref_squeeze %dma_start3A_357 : memref<1x128xi32, #tpu.memory_space<vmem>> -> memref<128xi32, #tpu.memory_space<vmem>>
          %dma_start3A_359 = arith.constant 0 : i32
          %dma_start3A_360 = arith.constant 0 : i32
          %dma_start3A_361 = tpu.memref_slice %arg3[%dma_start3A_359, %dma_start3A_360] : memref<10240x128xf32, #tpu.memory_space<hbm>> -> memref<10240x128xf32, #tpu.memory_space<hbm>>
          tpu.enqueue_indirect_dma source(%dma_start3A_361 : memref<10240x128xf32, #tpu.memory_space<hbm>>) target(%arg10 : memref<128x128xf32, #tpu.memory_space<vmem>>) offsets(%dma_start3A_358 : memref<128xi32, #tpu.memory_space<vmem>>) semaphore(%arg13 : memref<!tpu.dma_semaphore, #tpu.memory_space<semaphore_mem>>)
        } else {
        }
        %add3A_338 = arith.constant 1 : i32
        %add3A_339 = arith.addi %mul3A_303, %add3A_338 : i32
        %dma_wait3A_340 = arith.constant 0 : i32
        %dma_wait3A_341 = tpu.memref_slice %arg8[%add3A_339, %dma_wait3A_340] : memref<40x128xi32, #tpu.memory_space<vmem>> -> memref<1x128xi32, #tpu.memory_space<vmem>>
        %dma_wait3A_342 = tpu.memref_squeeze %dma_wait3A_341 : memref<1x128xi32, #tpu.memory_space<vmem>> -> memref<128xi32, #tpu.memory_space<vmem>>
        %dma_wait3A_343 = arith.constant 0 : i32
        %dma_wait3A_344 = arith.constant 0 : i32
        %dma_wait3A_345 = tpu.memref_slice %arg3[%dma_wait3A_343, %dma_wait3A_344] : memref<10240x128xf32, #tpu.memory_space<hbm>> -> memref<10240x128xf32, #tpu.memory_space<hbm>>
        tpu.wait_indirect_dma semaphore(%arg14 : memref<!tpu.dma_semaphore, #tpu.memory_space<semaphore_mem>>) src(%dma_wait3A_345 : memref<10240x128xf32, #tpu.memory_space<hbm>>) dst(%arg11 : memref<128x128xf32, #tpu.memory_space<vmem>>)
        %add3A_346 = arith.constant 1 : i32
        %add3A_347 = arith.addi %mul3A_303, %add3A_346 : i32
        %dma_start3A_348 = arith.constant 0 : i32
        %dma_start3A_349 = tpu.memref_slice %arg9[%add3A_347, %dma_start3A_348] : memref<40x128xi32, #tpu.memory_space<vmem>> -> memref<1x128xi32, #tpu.memory_space<vmem>>
        %dma_start3A_350 = tpu.memref_squeeze %dma_start3A_349 : memref<1x128xi32, #tpu.memory_space<vmem>> -> memref<128xi32, #tpu.memory_space<vmem>>
        %dma_start3A_351 = arith.constant 0 : i32
        %dma_start3A_352 = arith.constant 0 : i32
        %dma_start3A_353 = tpu.memref_slice %arg12[%dma_start3A_351, %dma_start3A_352] : memref<10112x128xf32, #tpu.memory_space<vmem_shared>> -> memref<10112x128xf32, #tpu.memory_space<vmem_shared>>
        tpu.enqueue_indirect_dma source(%arg11 : memref<128x128xf32, #tpu.memory_space<vmem>>) target(%dma_start3A_353 : memref<10112x128xf32, #tpu.memory_space<vmem_shared>>) offsets(%dma_start3A_350 : memref<128xi32, #tpu.memory_space<vmem>>) semaphore(%arg16 : memref<!tpu.dma_semaphore, #tpu.memory_space<semaphore_mem>>) {add = true}
      }
      %scan3A_293 = arith.constant 4 : i32
      %dma_wait3A_294 = arith.constant 7 : i32
      %dma_wait3A_295 = arith.constant 0 : i32
      %dma_wait3A_296 = tpu.memref_slice %arg9[%dma_wait3A_294, %dma_wait3A_295] : memref<40x128xi32, #tpu.memory_space<vmem>> -> memref<1x128xi32, #tpu.memory_space<vmem>>
      %dma_wait3A_297 = tpu.memref_squeeze %dma_wait3A_296 : memref<1x128xi32, #tpu.memory_space<vmem>> -> memref<128xi32, #tpu.memory_space<vmem>>
      %dma_wait3A_298 = arith.constant 0 : i32
      %dma_wait3A_299 = arith.constant 0 : i32
      %dma_wait3A_300 = tpu.memref_slice %arg12[%dma_wait3A_298, %dma_wait3A_299] : memref<10112x128xf32, #tpu.memory_space<vmem_shared>> -> memref<10112x128xf32, #tpu.memory_space<vmem_shared>>
      tpu.wait_indirect_dma semaphore(%arg16 : memref<!tpu.dma_semaphore, #tpu.memory_space<semaphore_mem>>) src(%arg11 : memref<128x128xf32, #tpu.memory_space<vmem>>) dst(%dma_wait3A_300 : memref<10112x128xf32, #tpu.memory_space<vmem_shared>>)
    } else {
    }
    %barrier3A_125 = arith.constant 0 : index
    tpu.barrier barrier_id(%barrier3A_125)
    %add3A_126 = arith.constant 0 : i32
    %add3A_127 = arith.addi %mul3A_0, %add3A_126 : i32
    "tpu.region"() ({
      %run_scoped3A = tpu.sem_alloc : memref<!tpu.dma_semaphore, #tpu.memory_space<semaphore_mem>>
      %dma_start3A_276 = arith.constant 0 : i32
      %dma_start3A_277 = arith.constant 0 : i32
      %dma_start3A_278 = tpu.memref_slice %arg10[%dma_start3A_276, %dma_start3A_277] : memref<128x128xf32, #tpu.memory_space<vmem>> -> memref<128x128xf32, #tpu.memory_space<vmem>>
      %dma_start3A_279 = arith.constant 0 : i32
      %dma_start3A_280 = tpu.memref_slice %arg12[%add3A_127, %dma_start3A_279] : memref<10112x128xf32, #tpu.memory_space<vmem_shared>> -> memref<128x128xf32, #tpu.memory_space<vmem_shared>>
      %dma_start3A_281 = arith.constant 0 : i32
      %dma_start3A_282 = arith.constant 0 : i32
      %dma_start3A_283 = tpu.memref_slice %arg10[%dma_start3A_281, %dma_start3A_282] : memref<128x128xf32, #tpu.memory_space<vmem>> -> memref<128x128xf32, #tpu.memory_space<vmem>>
      %dma_start3A_284 = arith.constant 0 : i32
      %dma_start3A_285 = tpu.memref_slice %arg12[%add3A_127, %dma_start3A_284] : memref<10112x128xf32, #tpu.memory_space<vmem_shared>> -> memref<128x128xf32, #tpu.memory_space<vmem_shared>>
      tpu.enqueue_dma source(%dma_start3A_285 : memref<128x128xf32, #tpu.memory_space<vmem_shared>>) target(%dma_start3A_283 : memref<128x128xf32, #tpu.memory_space<vmem>>) target_semaphore(%run_scoped3A : memref<!tpu.dma_semaphore, #tpu.memory_space<semaphore_mem>>)
      %dma_wait3A_286 = arith.constant 0 : i32
      %dma_wait3A_287 = arith.constant 0 : i32
      %dma_wait3A_288 = tpu.memref_slice %arg10[%dma_wait3A_286, %dma_wait3A_287] : memref<128x128xf32, #tpu.memory_space<vmem>> -> memref<128x128xf32, #tpu.memory_space<vmem>>
      %dma_wait3A_289 = arith.constant 0 : i32
      %dma_wait3A_290 = tpu.memref_slice %arg12[%add3A_127, %dma_wait3A_289] : memref<10112x128xf32, #tpu.memory_space<vmem_shared>> -> memref<128x128xf32, #tpu.memory_space<vmem_shared>>
      %dma_wait3A_291 = arith.constant 0 : i32
      %dma_wait3A_292 = arith.constant 0 : i32
      %dma_wait3A_293 = tpu.memref_slice %arg10[%dma_wait3A_291, %dma_wait3A_292] : memref<128x128xf32, #tpu.memory_space<vmem>> -> memref<128x128xf32, #tpu.memory_space<vmem>>
      %dma_wait3A_294 = arith.constant 0 : i32
      %dma_wait3A_295 = tpu.memref_slice %arg12[%add3A_127, %dma_wait3A_294] : memref<10112x128xf32, #tpu.memory_space<vmem_shared>> -> memref<128x128xf32, #tpu.memory_space<vmem_shared>>
      tpu.wait_dma2 semaphore(%run_scoped3A : memref<!tpu.dma_semaphore, #tpu.memory_space<semaphore_mem>>) src(%dma_wait3A_295 : memref<128x128xf32, #tpu.memory_space<vmem_shared>>) dst(%dma_wait3A_293 : memref<128x128xf32, #tpu.memory_space<vmem>>)
      tpu.yield
    }) : () -> ()
    %add3A_128 = arith.constant 0 : i32
    %add3A_129 = arith.addi %mul3A_0, %add3A_128 : i32
    %dma_start3A_130 = arith.constant 0 : i32
    %dma_start3A_131 = arith.constant 0 : i32
    %dma_start3A_132 = tpu.memref_slice %arg10[%dma_start3A_130, %dma_start3A_131] : memref<128x128xf32, #tpu.memory_space<vmem>> -> memref<128x128xf32, #tpu.memory_space<vmem>>
    %dma_start3A_133 = arith.constant 0 : i32
    %dma_start3A_134 = tpu.memref_slice %arg7[%arg0, %add3A_129, %dma_start3A_133] : memref<2x10240x128xf32, #tpu.memory_space<hbm>> -> memref<1x128x128xf32, #tpu.memory_space<hbm>>
    %dma_start3A_135 = tpu.memref_squeeze %dma_start3A_134 : memref<1x128x128xf32, #tpu.memory_space<hbm>> -> memref<128x128xf32, #tpu.memory_space<hbm>>
    %dma_start3A_136 = arith.constant 0 : i32
    %dma_start3A_137 = tpu.memref_slice %arg7[%arg0, %add3A_129, %dma_start3A_136] : memref<2x10240x128xf32, #tpu.memory_space<hbm>> -> memref<1x128x128xf32, #tpu.memory_space<hbm>>
    %dma_start3A_138 = tpu.memref_squeeze %dma_start3A_137 : memref<1x128x128xf32, #tpu.memory_space<hbm>> -> memref<128x128xf32, #tpu.memory_space<hbm>>
    %dma_start3A_139 = arith.constant 0 : i32
    %dma_start3A_140 = arith.constant 0 : i32
    %dma_start3A_141 = tpu.memref_slice %arg10[%dma_start3A_139, %dma_start3A_140] : memref<128x128xf32, #tpu.memory_space<vmem>> -> memref<128x128xf32, #tpu.memory_space<vmem>>
    tpu.enqueue_dma source(%dma_start3A_141 : memref<128x128xf32, #tpu.memory_space<vmem>>) target(%dma_start3A_138 : memref<128x128xf32, #tpu.memory_space<hbm>>) target_semaphore(%arg13 : memref<!tpu.dma_semaphore, #tpu.memory_space<semaphore_mem>>)
    %add3A_142 = arith.constant 128 : i32
    %add3A_143 = arith.addi %mul3A_0, %add3A_142 : i32
    "tpu.region"() ({
      %run_scoped3A = tpu.sem_alloc : memref<!tpu.dma_semaphore, #tpu.memory_space<semaphore_mem>>
      %dma_start3A_276 = arith.constant 0 : i32
      %dma_start3A_277 = arith.constant 0 : i32
      %dma_start3A_278 = tpu.memref_slice %arg11[%dma_start3A_276, %dma_start3A_277] : memref<128x128xf32, #tpu.memory_space<vmem>> -> memref<128x128xf32, #tpu.memory_space<vmem>>
      %dma_start3A_279 = arith.constant 0 : i32
      %dma_start3A_280 = tpu.memref_slice %arg12[%add3A_143, %dma_start3A_279] : memref<10112x128xf32, #tpu.memory_space<vmem_shared>> -> memref<128x128xf32, #tpu.memory_space<vmem_shared>>
      %dma_start3A_281 = arith.constant 0 : i32
      %dma_start3A_282 = arith.constant 0 : i32
      %dma_start3A_283 = tpu.memref_slice %arg11[%dma_start3A_281, %dma_start3A_282] : memref<128x128xf32, #tpu.memory_space<vmem>> -> memref<128x128xf32, #tpu.memory_space<vmem>>
      %dma_start3A_284 = arith.constant 0 : i32
      %dma_start3A_285 = tpu.memref_slice %arg12[%add3A_143, %dma_start3A_284] : memref<10112x128xf32, #tpu.memory_space<vmem_shared>> -> memref<128x128xf32, #tpu.memory_space<vmem_shared>>
      tpu.enqueue_dma source(%dma_start3A_285 : memref<128x128xf32, #tpu.memory_space<vmem_shared>>) target(%dma_start3A_283 : memref<128x128xf32, #tpu.memory_space<vmem>>) target_semaphore(%run_scoped3A : memref<!tpu.dma_semaphore, #tpu.memory_space<semaphore_mem>>)
      %dma_wait3A_286 = arith.constant 0 : i32
      %dma_wait3A_287 = arith.constant 0 : i32
      %dma_wait3A_288 = tpu.memref_slice %arg11[%dma_wait3A_286, %dma_wait3A_287] : memref<128x128xf32, #tpu.memory_space<vmem>> -> memref<128x128xf32, #tpu.memory_space<vmem>>
      %dma_wait3A_289 = arith.constant 0 : i32
      %dma_wait3A_290 = tpu.memref_slice %arg12[%add3A_143, %dma_wait3A_289] : memref<10112x128xf32, #tpu.memory_space<vmem_shared>> -> memref<128x128xf32, #tpu.memory_space<vmem_shared>>
      %dma_wait3A_291 = arith.constant 0 : i32
      %dma_wait3A_292 = arith.constant 0 : i32
      %dma_wait3A_293 = tpu.memref_slice %arg11[%dma_wait3A_291, %dma_wait3A_292] : memref<128x128xf32, #tpu.memory_space<vmem>> -> memref<128x128xf32, #tpu.memory_space<vmem>>
      %dma_wait3A_294 = arith.constant 0 : i32
      %dma_wait3A_295 = tpu.memref_slice %arg12[%add3A_143, %dma_wait3A_294] : memref<10112x128xf32, #tpu.memory_space<vmem_shared>> -> memref<128x128xf32, #tpu.memory_space<vmem_shared>>
      tpu.wait_dma2 semaphore(%run_scoped3A : memref<!tpu.dma_semaphore, #tpu.memory_space<semaphore_mem>>) src(%dma_wait3A_295 : memref<128x128xf32, #tpu.memory_space<vmem_shared>>) dst(%dma_wait3A_293 : memref<128x128xf32, #tpu.memory_space<vmem>>)
      tpu.yield
    }) : () -> ()
    %add3A_144 = arith.constant 128 : i32
    %add3A_145 = arith.addi %mul3A_0, %add3A_144 : i32
    %dma_start3A_146 = arith.constant 0 : i32
    %dma_start3A_147 = arith.constant 0 : i32
    %dma_start3A_148 = tpu.memref_slice %arg11[%dma_start3A_146, %dma_start3A_147] : memref<128x128xf32, #tpu.memory_space<vmem>> -> memref<128x128xf32, #tpu.memory_space<vmem>>
    %dma_start3A_149 = arith.constant 0 : i32
    %dma_start3A_150 = tpu.memref_slice %arg7[%arg0, %add3A_145, %dma_start3A_149] : memref<2x10240x128xf32, #tpu.memory_space<hbm>> -> memref<1x128x128xf32, #tpu.memory_space<hbm>>
    %dma_start3A_151 = tpu.memref_squeeze %dma_start3A_150 : memref<1x128x128xf32, #tpu.memory_space<hbm>> -> memref<128x128xf32, #tpu.memory_space<hbm>>
    %dma_start3A_152 = arith.constant 0 : i32
    %dma_start3A_153 = tpu.memref_slice %arg7[%arg0, %add3A_145, %dma_start3A_152] : memref<2x10240x128xf32, #tpu.memory_space<hbm>> -> memref<1x128x128xf32, #tpu.memory_space<hbm>>
    %dma_start3A_154 = tpu.memref_squeeze %dma_start3A_153 : memref<1x128x128xf32, #tpu.memory_space<hbm>> -> memref<128x128xf32, #tpu.memory_space<hbm>>
    %dma_start3A_155 = arith.constant 0 : i32
    %dma_start3A_156 = arith.constant 0 : i32
    %dma_start3A_157 = tpu.memref_slice %arg11[%dma_start3A_155, %dma_start3A_156] : memref<128x128xf32, #tpu.memory_space<vmem>> -> memref<128x128xf32, #tpu.memory_space<vmem>>
    tpu.enqueue_dma source(%dma_start3A_157 : memref<128x128xf32, #tpu.memory_space<vmem>>) target(%dma_start3A_154 : memref<128x128xf32, #tpu.memory_space<hbm>>) target_semaphore(%arg14 : memref<!tpu.dma_semaphore, #tpu.memory_space<semaphore_mem>>)
    %add3A_158 = arith.constant 0 : i32
    %add3A_159 = arith.addi %mul3A_0, %add3A_158 : i32
    %dma_wait3A_160 = arith.constant 0 : i32
    %dma_wait3A_161 = arith.constant 0 : i32
    %dma_wait3A_162 = tpu.memref_slice %arg10[%dma_wait3A_160, %dma_wait3A_161] : memref<128x128xf32, #tpu.memory_space<vmem>> -> memref<128x128xf32, #tpu.memory_space<vmem>>
    %dma_wait3A_163 = arith.constant 0 : i32
    %dma_wait3A_164 = tpu.memref_slice %arg7[%arg0, %add3A_159, %dma_wait3A_163] : memref<2x10240x128xf32, #tpu.memory_space<hbm>> -> memref<1x128x128xf32, #tpu.memory_space<hbm>>
    %dma_wait3A_165 = tpu.memref_squeeze %dma_wait3A_164 : memref<1x128x128xf32, #tpu.memory_space<hbm>> -> memref<128x128xf32, #tpu.memory_space<hbm>>
    %dma_wait3A_166 = arith.constant 0 : i32
    %dma_wait3A_167 = tpu.memref_slice %arg7[%arg0, %add3A_159, %dma_wait3A_166] : memref<2x10240x128xf32, #tpu.memory_space<hbm>> -> memref<1x128x128xf32, #tpu.memory_space<hbm>>
    %dma_wait3A_168 = tpu.memref_squeeze %dma_wait3A_167 : memref<1x128x128xf32, #tpu.memory_space<hbm>> -> memref<128x128xf32, #tpu.memory_space<hbm>>
    %dma_wait3A_169 = arith.constant 0 : i32
    %dma_wait3A_170 = arith.constant 0 : i32
    %dma_wait3A_171 = tpu.memref_slice %arg10[%dma_wait3A_169, %dma_wait3A_170] : memref<128x128xf32, #tpu.memory_space<vmem>> -> memref<128x128xf32, #tpu.memory_space<vmem>>
    tpu.wait_dma2 semaphore(%arg13 : memref<!tpu.dma_semaphore, #tpu.memory_space<semaphore_mem>>) src(%dma_wait3A_171 : memref<128x128xf32, #tpu.memory_space<vmem>>) dst(%dma_wait3A_168 : memref<128x128xf32, #tpu.memory_space<hbm>>)
    %add3A_172 = arith.constant 256 : i32
    %add3A_173 = arith.addi %mul3A_0, %add3A_172 : i32
    "tpu.region"() ({
      %run_scoped3A = tpu.sem_alloc : memref<!tpu.dma_semaphore, #tpu.memory_space<semaphore_mem>>
      %dma_start3A_276 = arith.constant 0 : i32
      %dma_start3A_277 = arith.constant 0 : i32
      %dma_start3A_278 = tpu.memref_slice %arg10[%dma_start3A_276, %dma_start3A_277] : memref<128x128xf32, #tpu.memory_space<vmem>> -> memref<128x128xf32, #tpu.memory_space<vmem>>
      %dma_start3A_279 = arith.constant 0 : i32
      %dma_start3A_280 = tpu.memref_slice %arg12[%add3A_173, %dma_start3A_279] : memref<10112x128xf32, #tpu.memory_space<vmem_shared>> -> memref<128x128xf32, #tpu.memory_space<vmem_shared>>
      %dma_start3A_281 = arith.constant 0 : i32
      %dma_start3A_282 = arith.constant 0 : i32
      %dma_start3A_283 = tpu.memref_slice %arg10[%dma_start3A_281, %dma_start3A_282] : memref<128x128xf32, #tpu.memory_space<vmem>> -> memref<128x128xf32, #tpu.memory_space<vmem>>
      %dma_start3A_284 = arith.constant 0 : i32
      %dma_start3A_285 = tpu.memref_slice %arg12[%add3A_173, %dma_start3A_284] : memref<10112x128xf32, #tpu.memory_space<vmem_shared>> -> memref<128x128xf32, #tpu.memory_space<vmem_shared>>
      tpu.enqueue_dma source(%dma_start3A_285 : memref<128x128xf32, #tpu.memory_space<vmem_shared>>) target(%dma_start3A_283 : memref<128x128xf32, #tpu.memory_space<vmem>>) target_semaphore(%run_scoped3A : memref<!tpu.dma_semaphore, #tpu.memory_space<semaphore_mem>>)
      %dma_wait3A_286 = arith.constant 0 : i32
      %dma_wait3A_287 = arith.constant 0 : i32
      %dma_wait3A_288 = tpu.memref_slice %arg10[%dma_wait3A_286, %dma_wait3A_287] : memref<128x128xf32, #tpu.memory_space<vmem>> -> memref<128x128xf32, #tpu.memory_space<vmem>>
      %dma_wait3A_289 = arith.constant 0 : i32
      %dma_wait3A_290 = tpu.memref_slice %arg12[%add3A_173, %dma_wait3A_289] : memref<10112x128xf32, #tpu.memory_space<vmem_shared>> -> memref<128x128xf32, #tpu.memory_space<vmem_shared>>
      %dma_wait3A_291 = arith.constant 0 : i32
      %dma_wait3A_292 = arith.constant 0 : i32
      %dma_wait3A_293 = tpu.memref_slice %arg10[%dma_wait3A_291, %dma_wait3A_292] : memref<128x128xf32, #tpu.memory_space<vmem>> -> memref<128x128xf32, #tpu.memory_space<vmem>>
      %dma_wait3A_294 = arith.constant 0 : i32
      %dma_wait3A_295 = tpu.memref_slice %arg12[%add3A_173, %dma_wait3A_294] : memref<10112x128xf32, #tpu.memory_space<vmem_shared>> -> memref<128x128xf32, #tpu.memory_space<vmem_shared>>
      tpu.wait_dma2 semaphore(%run_scoped3A : memref<!tpu.dma_semaphore, #tpu.memory_space<semaphore_mem>>) src(%dma_wait3A_295 : memref<128x128xf32, #tpu.memory_space<vmem_shared>>) dst(%dma_wait3A_293 : memref<128x128xf32, #tpu.memory_space<vmem>>)
      tpu.yield
    }) : () -> ()
    %add3A_174 = arith.constant 256 : i32
    %add3A_175 = arith.addi %mul3A_0, %add3A_174 : i32
    %dma_start3A_176 = arith.constant 0 : i32
    %dma_start3A_177 = arith.constant 0 : i32
    %dma_start3A_178 = tpu.memref_slice %arg10[%dma_start3A_176, %dma_start3A_177] : memref<128x128xf32, #tpu.memory_space<vmem>> -> memref<128x128xf32, #tpu.memory_space<vmem>>
    %dma_start3A_179 = arith.constant 0 : i32
    %dma_start3A_180 = tpu.memref_slice %arg7[%arg0, %add3A_175, %dma_start3A_179] : memref<2x10240x128xf32, #tpu.memory_space<hbm>> -> memref<1x128x128xf32, #tpu.memory_space<hbm>>
    %dma_start3A_181 = tpu.memref_squeeze %dma_start3A_180 : memref<1x128x128xf32, #tpu.memory_space<hbm>> -> memref<128x128xf32, #tpu.memory_space<hbm>>
    %dma_start3A_182 = arith.constant 0 : i32
    %dma_start3A_183 = tpu.memref_slice %arg7[%arg0, %add3A_175, %dma_start3A_182] : memref<2x10240x128xf32, #tpu.memory_space<hbm>> -> memref<1x128x128xf32, #tpu.memory_space<hbm>>
    %dma_start3A_184 = tpu.memref_squeeze %dma_start3A_183 : memref<1x128x128xf32, #tpu.memory_space<hbm>> -> memref<128x128xf32, #tpu.memory_space<hbm>>
    %dma_start3A_185 = arith.constant 0 : i32
    %dma_start3A_186 = arith.constant 0 : i32
    %dma_start3A_187 = tpu.memref_slice %arg10[%dma_start3A_185, %dma_start3A_186] : memref<128x128xf32, #tpu.memory_space<vmem>> -> memref<128x128xf32, #tpu.memory_space<vmem>>
    tpu.enqueue_dma source(%dma_start3A_187 : memref<128x128xf32, #tpu.memory_space<vmem>>) target(%dma_start3A_184 : memref<128x128xf32, #tpu.memory_space<hbm>>) target_semaphore(%arg13 : memref<!tpu.dma_semaphore, #tpu.memory_space<semaphore_mem>>)
    %add3A_188 = arith.constant 128 : i32
    %add3A_189 = arith.addi %mul3A_0, %add3A_188 : i32
    %dma_wait3A_190 = arith.constant 0 : i32
    %dma_wait3A_191 = arith.constant 0 : i32
    %dma_wait3A_192 = tpu.memref_slice %arg11[%dma_wait3A_190, %dma_wait3A_191] : memref<128x128xf32, #tpu.memory_space<vmem>> -> memref<128x128xf32, #tpu.memory_space<vmem>>
    %dma_wait3A_193 = arith.constant 0 : i32
    %dma_wait3A_194 = tpu.memref_slice %arg7[%arg0, %add3A_189, %dma_wait3A_193] : memref<2x10240x128xf32, #tpu.memory_space<hbm>> -> memref<1x128x128xf32, #tpu.memory_space<hbm>>
    %dma_wait3A_195 = tpu.memref_squeeze %dma_wait3A_194 : memref<1x128x128xf32, #tpu.memory_space<hbm>> -> memref<128x128xf32, #tpu.memory_space<hbm>>
    %dma_wait3A_196 = arith.constant 0 : i32
    %dma_wait3A_197 = tpu.memref_slice %arg7[%arg0, %add3A_189, %dma_wait3A_196] : memref<2x10240x128xf32, #tpu.memory_space<hbm>> -> memref<1x128x128xf32, #tpu.memory_space<hbm>>
    %dma_wait3A_198 = tpu.memref_squeeze %dma_wait3A_197 : memref<1x128x128xf32, #tpu.memory_space<hbm>> -> memref<128x128xf32, #tpu.memory_space<hbm>>
    %dma_wait3A_199 = arith.constant 0 : i32
    %dma_wait3A_200 = arith.constant 0 : i32
    %dma_wait3A_201 = tpu.memref_slice %arg11[%dma_wait3A_199, %dma_wait3A_200] : memref<128x128xf32, #tpu.memory_space<vmem>> -> memref<128x128xf32, #tpu.memory_space<vmem>>
    tpu.wait_dma2 semaphore(%arg14 : memref<!tpu.dma_semaphore, #tpu.memory_space<semaphore_mem>>) src(%dma_wait3A_201 : memref<128x128xf32, #tpu.memory_space<vmem>>) dst(%dma_wait3A_198 : memref<128x128xf32, #tpu.memory_space<hbm>>)
    %add3A_202 = arith.constant 384 : i32
    %add3A_203 = arith.addi %mul3A_0, %add3A_202 : i32
    "tpu.region"() ({
      %run_scoped3A = tpu.sem_alloc : memref<!tpu.dma_semaphore, #tpu.memory_space<semaphore_mem>>
      %dma_start3A_276 = arith.constant 0 : i32
      %dma_start3A_277 = arith.constant 0 : i32
      %dma_start3A_278 = tpu.memref_slice %arg11[%dma_start3A_276, %dma_start3A_277] : memref<128x128xf32, #tpu.memory_space<vmem>> -> memref<128x128xf32, #tpu.memory_space<vmem>>
      %dma_start3A_279 = arith.constant 0 : i32
      %dma_start3A_280 = tpu.memref_slice %arg12[%add3A_203, %dma_start3A_279] : memref<10112x128xf32, #tpu.memory_space<vmem_shared>> -> memref<128x128xf32, #tpu.memory_space<vmem_shared>>
      %dma_start3A_281 = arith.constant 0 : i32
      %dma_start3A_282 = arith.constant 0 : i32
      %dma_start3A_283 = tpu.memref_slice %arg11[%dma_start3A_281, %dma_start3A_282] : memref<128x128xf32, #tpu.memory_space<vmem>> -> memref<128x128xf32, #tpu.memory_space<vmem>>
      %dma_start3A_284 = arith.constant 0 : i32
      %dma_start3A_285 = tpu.memref_slice %arg12[%add3A_203, %dma_start3A_284] : memref<10112x128xf32, #tpu.memory_space<vmem_shared>> -> memref<128x128xf32, #tpu.memory_space<vmem_shared>>
      tpu.enqueue_dma source(%dma_start3A_285 : memref<128x128xf32, #tpu.memory_space<vmem_shared>>) target(%dma_start3A_283 : memref<128x128xf32, #tpu.memory_space<vmem>>) target_semaphore(%run_scoped3A : memref<!tpu.dma_semaphore, #tpu.memory_space<semaphore_mem>>)
      %dma_wait3A_286 = arith.constant 0 : i32
      %dma_wait3A_287 = arith.constant 0 : i32
      %dma_wait3A_288 = tpu.memref_slice %arg11[%dma_wait3A_286, %dma_wait3A_287] : memref<128x128xf32, #tpu.memory_space<vmem>> -> memref<128x128xf32, #tpu.memory_space<vmem>>
      %dma_wait3A_289 = arith.constant 0 : i32
      %dma_wait3A_290 = tpu.memref_slice %arg12[%add3A_203, %dma_wait3A_289] : memref<10112x128xf32, #tpu.memory_space<vmem_shared>> -> memref<128x128xf32, #tpu.memory_space<vmem_shared>>
      %dma_wait3A_291 = arith.constant 0 : i32
      %dma_wait3A_292 = arith.constant 0 : i32
      %dma_wait3A_293 = tpu.memref_slice %arg11[%dma_wait3A_291, %dma_wait3A_292] : memref<128x128xf32, #tpu.memory_space<vmem>> -> memref<128x128xf32, #tpu.memory_space<vmem>>
      %dma_wait3A_294 = arith.constant 0 : i32
      %dma_wait3A_295 = tpu.memref_slice %arg12[%add3A_203, %dma_wait3A_294] : memref<10112x128xf32, #tpu.memory_space<vmem_shared>> -> memref<128x128xf32, #tpu.memory_space<vmem_shared>>
      tpu.wait_dma2 semaphore(%run_scoped3A : memref<!tpu.dma_semaphore, #tpu.memory_space<semaphore_mem>>) src(%dma_wait3A_295 : memref<128x128xf32, #tpu.memory_space<vmem_shared>>) dst(%dma_wait3A_293 : memref<128x128xf32, #tpu.memory_space<vmem>>)
      tpu.yield
    }) : () -> ()
    %add3A_204 = arith.constant 384 : i32
    %add3A_205 = arith.addi %mul3A_0, %add3A_204 : i32
    %dma_start3A_206 = arith.constant 0 : i32
    %dma_start3A_207 = arith.constant 0 : i32
    %dma_start3A_208 = tpu.memref_slice %arg11[%dma_start3A_206, %dma_start3A_207] : memref<128x128xf32, #tpu.memory_space<vmem>> -> memref<128x128xf32, #tpu.memory_space<vmem>>
    %dma_start3A_209 = arith.constant 0 : i32
    %dma_start3A_210 = tpu.memref_slice %arg7[%arg0, %add3A_205, %dma_start3A_209] : memref<2x10240x128xf32, #tpu.memory_space<hbm>> -> memref<1x128x128xf32, #tpu.memory_space<hbm>>
    %dma_start3A_211 = tpu.memref_squeeze %dma_start3A_210 : memref<1x128x128xf32, #tpu.memory_space<hbm>> -> memref<128x128xf32, #tpu.memory_space<hbm>>
    %dma_start3A_212 = arith.constant 0 : i32
    %dma_start3A_213 = tpu.memref_slice %arg7[%arg0, %add3A_205, %dma_start3A_212] : memref<2x10240x128xf32, #tpu.memory_space<hbm>> -> memref<1x128x128xf32, #tpu.memory_space<hbm>>
    %dma_start3A_214 = tpu.memref_squeeze %dma_start3A_213 : memref<1x128x128xf32, #tpu.memory_space<hbm>> -> memref<128x128xf32, #tpu.memory_space<hbm>>
    %dma_start3A_215 = arith.constant 0 : i32
    %dma_start3A_216 = arith.constant 0 : i32
    %dma_start3A_217 = tpu.memref_slice %arg11[%dma_start3A_215, %dma_start3A_216] : memref<128x128xf32, #tpu.memory_space<vmem>> -> memref<128x128xf32, #tpu.memory_space<vmem>>
    tpu.enqueue_dma source(%dma_start3A_217 : memref<128x128xf32, #tpu.memory_space<vmem>>) target(%dma_start3A_214 : memref<128x128xf32, #tpu.memory_space<hbm>>) target_semaphore(%arg14 : memref<!tpu.dma_semaphore, #tpu.memory_space<semaphore_mem>>)
    %add3A_218 = arith.constant 256 : i32
    %add3A_219 = arith.addi %mul3A_0, %add3A_218 : i32
    %dma_wait3A_220 = arith.constant 0 : i32
    %dma_wait3A_221 = arith.constant 0 : i32
    %dma_wait3A_222 = tpu.memref_slice %arg10[%dma_wait3A_220, %dma_wait3A_221] : memref<128x128xf32, #tpu.memory_space<vmem>> -> memref<128x128xf32, #tpu.memory_space<vmem>>
    %dma_wait3A_223 = arith.constant 0 : i32
    %dma_wait3A_224 = tpu.memref_slice %arg7[%arg0, %add3A_219, %dma_wait3A_223] : memref<2x10240x128xf32, #tpu.memory_space<hbm>> -> memref<1x128x128xf32, #tpu.memory_space<hbm>>
    %dma_wait3A_225 = tpu.memref_squeeze %dma_wait3A_224 : memref<1x128x128xf32, #tpu.memory_space<hbm>> -> memref<128x128xf32, #tpu.memory_space<hbm>>
    %dma_wait3A_226 = arith.constant 0 : i32
    %dma_wait3A_227 = tpu.memref_slice %arg7[%arg0, %add3A_219, %dma_wait3A_226] : memref<2x10240x128xf32, #tpu.memory_space<hbm>> -> memref<1x128x128xf32, #tpu.memory_space<hbm>>
    %dma_wait3A_228 = tpu.memref_squeeze %dma_wait3A_227 : memref<1x128x128xf32, #tpu.memory_space<hbm>> -> memref<128x128xf32, #tpu.memory_space<hbm>>
    %dma_wait3A_229 = arith.constant 0 : i32
    %dma_wait3A_230 = arith.constant 0 : i32
    %dma_wait3A_231 = tpu.memref_slice %arg10[%dma_wait3A_229, %dma_wait3A_230] : memref<128x128xf32, #tpu.memory_space<vmem>> -> memref<128x128xf32, #tpu.memory_space<vmem>>
    tpu.wait_dma2 semaphore(%arg13 : memref<!tpu.dma_semaphore, #tpu.memory_space<semaphore_mem>>) src(%dma_wait3A_231 : memref<128x128xf32, #tpu.memory_space<vmem>>) dst(%dma_wait3A_228 : memref<128x128xf32, #tpu.memory_space<hbm>>)
    %add3A_232 = arith.constant 512 : i32
    %add3A_233 = arith.addi %mul3A_0, %add3A_232 : i32
    "tpu.region"() ({
      %run_scoped3A = tpu.sem_alloc : memref<!tpu.dma_semaphore, #tpu.memory_space<semaphore_mem>>
      %dma_start3A_276 = arith.constant 0 : i32
      %dma_start3A_277 = arith.constant 0 : i32
      %dma_start3A_278 = tpu.memref_slice %arg10[%dma_start3A_276, %dma_start3A_277] : memref<128x128xf32, #tpu.memory_space<vmem>> -> memref<120x128xf32, #tpu.memory_space<vmem>>
      %dma_start3A_279 = arith.constant 0 : i32
      %dma_start3A_280 = tpu.memref_slice %arg12[%add3A_233, %dma_start3A_279] : memref<10112x128xf32, #tpu.memory_space<vmem_shared>> -> memref<120x128xf32, #tpu.memory_space<vmem_shared>>
      %dma_start3A_281 = arith.constant 0 : i32
      %dma_start3A_282 = arith.constant 0 : i32
      %dma_start3A_283 = tpu.memref_slice %arg10[%dma_start3A_281, %dma_start3A_282] : memref<128x128xf32, #tpu.memory_space<vmem>> -> memref<120x128xf32, #tpu.memory_space<vmem>>
      %dma_start3A_284 = arith.constant 0 : i32
      %dma_start3A_285 = tpu.memref_slice %arg12[%add3A_233, %dma_start3A_284] : memref<10112x128xf32, #tpu.memory_space<vmem_shared>> -> memref<120x128xf32, #tpu.memory_space<vmem_shared>>
      tpu.enqueue_dma source(%dma_start3A_285 : memref<120x128xf32, #tpu.memory_space<vmem_shared>>) target(%dma_start3A_283 : memref<120x128xf32, #tpu.memory_space<vmem>>) target_semaphore(%run_scoped3A : memref<!tpu.dma_semaphore, #tpu.memory_space<semaphore_mem>>)
      %dma_wait3A_286 = arith.constant 0 : i32
      %dma_wait3A_287 = arith.constant 0 : i32
      %dma_wait3A_288 = tpu.memref_slice %arg10[%dma_wait3A_286, %dma_wait3A_287] : memref<128x128xf32, #tpu.memory_space<vmem>> -> memref<120x128xf32, #tpu.memory_space<vmem>>
      %dma_wait3A_289 = arith.constant 0 : i32
      %dma_wait3A_290 = tpu.memref_slice %arg12[%add3A_233, %dma_wait3A_289] : memref<10112x128xf32, #tpu.memory_space<vmem_shared>> -> memref<120x128xf32, #tpu.memory_space<vmem_shared>>
      %dma_wait3A_291 = arith.constant 0 : i32
      %dma_wait3A_292 = arith.constant 0 : i32
      %dma_wait3A_293 = tpu.memref_slice %arg10[%dma_wait3A_291, %dma_wait3A_292] : memref<128x128xf32, #tpu.memory_space<vmem>> -> memref<120x128xf32, #tpu.memory_space<vmem>>
      %dma_wait3A_294 = arith.constant 0 : i32
      %dma_wait3A_295 = tpu.memref_slice %arg12[%add3A_233, %dma_wait3A_294] : memref<10112x128xf32, #tpu.memory_space<vmem_shared>> -> memref<120x128xf32, #tpu.memory_space<vmem_shared>>
      tpu.wait_dma2 semaphore(%run_scoped3A : memref<!tpu.dma_semaphore, #tpu.memory_space<semaphore_mem>>) src(%dma_wait3A_295 : memref<120x128xf32, #tpu.memory_space<vmem_shared>>) dst(%dma_wait3A_293 : memref<120x128xf32, #tpu.memory_space<vmem>>)
      tpu.yield
    }) : () -> ()
    %add3A_234 = arith.constant 512 : i32
    %add3A_235 = arith.addi %mul3A_0, %add3A_234 : i32
    %dma_start3A_236 = arith.constant 0 : i32
    %dma_start3A_237 = arith.constant 0 : i32
    %dma_start3A_238 = tpu.memref_slice %arg10[%dma_start3A_236, %dma_start3A_237] : memref<128x128xf32, #tpu.memory_space<vmem>> -> memref<120x128xf32, #tpu.memory_space<vmem>>
    %dma_start3A_239 = arith.constant 0 : i32
    %dma_start3A_240 = tpu.memref_slice %arg7[%arg0, %add3A_235, %dma_start3A_239] : memref<2x10240x128xf32, #tpu.memory_space<hbm>> -> memref<1x120x128xf32, #tpu.memory_space<hbm>>
    %dma_start3A_241 = tpu.memref_squeeze %dma_start3A_240 : memref<1x120x128xf32, #tpu.memory_space<hbm>> -> memref<120x128xf32, #tpu.memory_space<hbm>>
    %dma_start3A_242 = arith.constant 0 : i32
    %dma_start3A_243 = tpu.memref_slice %arg7[%arg0, %add3A_235, %dma_start3A_242] : memref<2x10240x128xf32, #tpu.memory_space<hbm>> -> memref<1x120x128xf32, #tpu.memory_space<hbm>>
    %dma_start3A_244 = tpu.memref_squeeze %dma_start3A_243 : memref<1x120x128xf32, #tpu.memory_space<hbm>> -> memref<120x128xf32, #tpu.memory_space<hbm>>
    %dma_start3A_245 = arith.constant 0 : i32
    %dma_start3A_246 = arith.constant 0 : i32
    %dma_start3A_247 = tpu.memref_slice %arg10[%dma_start3A_245, %dma_start3A_246] : memref<128x128xf32, #tpu.memory_space<vmem>> -> memref<120x128xf32, #tpu.memory_space<vmem>>
    tpu.enqueue_dma source(%dma_start3A_247 : memref<120x128xf32, #tpu.memory_space<vmem>>) target(%dma_start3A_244 : memref<120x128xf32, #tpu.memory_space<hbm>>) target_semaphore(%arg13 : memref<!tpu.dma_semaphore, #tpu.memory_space<semaphore_mem>>)
    %add3A_248 = arith.constant 384 : i32
    %add3A_249 = arith.addi %mul3A_0, %add3A_248 : i32
    %dma_wait3A_250 = arith.constant 0 : i32
    %dma_wait3A_251 = arith.constant 0 : i32
    %dma_wait3A_252 = tpu.memref_slice %arg11[%dma_wait3A_250, %dma_wait3A_251] : memref<128x128xf32, #tpu.memory_space<vmem>> -> memref<128x128xf32, #tpu.memory_space<vmem>>
    %dma_wait3A_253 = arith.constant 0 : i32
    %dma_wait3A_254 = tpu.memref_slice %arg7[%arg0, %add3A_249, %dma_wait3A_253] : memref<2x10240x128xf32, #tpu.memory_space<hbm>> -> memref<1x128x128xf32, #tpu.memory_space<hbm>>
    %dma_wait3A_255 = tpu.memref_squeeze %dma_wait3A_254 : memref<1x128x128xf32, #tpu.memory_space<hbm>> -> memref<128x128xf32, #tpu.memory_space<hbm>>
    %dma_wait3A_256 = arith.constant 0 : i32
    %dma_wait3A_257 = tpu.memref_slice %arg7[%arg0, %add3A_249, %dma_wait3A_256] : memref<2x10240x128xf32, #tpu.memory_space<hbm>> -> memref<1x128x128xf32, #tpu.memory_space<hbm>>
    %dma_wait3A_258 = tpu.memref_squeeze %dma_wait3A_257 : memref<1x128x128xf32, #tpu.memory_space<hbm>> -> memref<128x128xf32, #tpu.memory_space<hbm>>
    %dma_wait3A_259 = arith.constant 0 : i32
    %dma_wait3A_260 = arith.constant 0 : i32
    %dma_wait3A_261 = tpu.memref_slice %arg11[%dma_wait3A_259, %dma_wait3A_260] : memref<128x128xf32, #tpu.memory_space<vmem>> -> memref<128x128xf32, #tpu.memory_space<vmem>>
    tpu.wait_dma2 semaphore(%arg14 : memref<!tpu.dma_semaphore, #tpu.memory_space<semaphore_mem>>) src(%dma_wait3A_261 : memref<128x128xf32, #tpu.memory_space<vmem>>) dst(%dma_wait3A_258 : memref<128x128xf32, #tpu.memory_space<hbm>>)
    %add3A_262 = arith.constant 512 : i32
    %add3A_263 = arith.addi %mul3A_0, %add3A_262 : i32
    %dma_wait3A_264 = arith.constant 0 : i32
    %dma_wait3A_265 = arith.constant 0 : i32
    %dma_wait3A_266 = tpu.memref_slice %arg10[%dma_wait3A_264, %dma_wait3A_265] : memref<128x128xf32, #tpu.memory_space<vmem>> -> memref<120x128xf32, #tpu.memory_space<vmem>>
    %dma_wait3A_267 = arith.constant 0 : i32
    %dma_wait3A_268 = tpu.memref_slice %arg7[%arg0, %add3A_263, %dma_wait3A_267] : memref<2x10240x128xf32, #tpu.memory_space<hbm>> -> memref<1x120x128xf32, #tpu.memory_space<hbm>>
    %dma_wait3A_269 = tpu.memref_squeeze %dma_wait3A_268 : memref<1x120x128xf32, #tpu.memory_space<hbm>> -> memref<120x128xf32, #tpu.memory_space<hbm>>
    %dma_wait3A_270 = arith.constant 0 : i32
    %dma_wait3A_271 = tpu.memref_slice %arg7[%arg0, %add3A_263, %dma_wait3A_270] : memref<2x10240x128xf32, #tpu.memory_space<hbm>> -> memref<1x120x128xf32, #tpu.memory_space<hbm>>
    %dma_wait3A_272 = tpu.memref_squeeze %dma_wait3A_271 : memref<1x120x128xf32, #tpu.memory_space<hbm>> -> memref<120x128xf32, #tpu.memory_space<hbm>>
    %dma_wait3A_273 = arith.constant 0 : i32
    %dma_wait3A_274 = arith.constant 0 : i32
    %dma_wait3A_275 = tpu.memref_slice %arg10[%dma_wait3A_273, %dma_wait3A_274] : memref<128x128xf32, #tpu.memory_space<vmem>> -> memref<120x128xf32, #tpu.memory_space<vmem>>
    tpu.wait_dma2 semaphore(%arg13 : memref<!tpu.dma_semaphore, #tpu.memory_space<semaphore_mem>>) src(%dma_wait3A_275 : memref<120x128xf32, #tpu.memory_space<vmem>>) dst(%dma_wait3A_272 : memref<120x128xf32, #tpu.memory_space<hbm>>)
    return
  }
}

module attributes {stable_mosaic.version = 14 : i64} {
  func.func @_tc0_body(%arg0: i32, %arg1: memref<1024x128xf32, #tpu.memory_space<vmem>>, %arg2: memref<128x64xf32, #tpu.memory_space<vmem>>, %arg3: memref<1024x64xf32, #tpu.memory_space<vmem>>) attributes {dimension_semantics = [#tpu.dimension_semantics<arbitrary>], iteration_bounds = array<i64: 10>, scalar_prefetch = 0 : i64, scratch_operands = 0 : i64, tpu.core_type = #tpu.core_type<tc>, window_params = [{transform_indices = @transform_0, window_bounds = array<i64: 1024, 128>}, {pipeline_mode = #tpu.pipeline_mode<synchronous>, transform_indices = @transform_1, window_bounds = array<i64: 128, 64>}, {transform_indices = @transform_2, window_bounds = array<i64: 1024, 64>}]} {
    %get3A = arith.constant 0 : index
    %get3A_0 = arith.constant 0 : index
    %get3A_1 = vector.load %arg1[%get3A, %get3A_0] : memref<1024x128xf32, #tpu.memory_space<vmem>>, vector<1024x128xf32>
    %get3A_2 = arith.constant 0 : index
    %get3A_3 = arith.constant 0 : index
    %get3A_4 = vector.load %arg2[%get3A_2, %get3A_3] : memref<128x64xf32, #tpu.memory_space<vmem>>, vector<128x64xf32>
    %dot_general3A = arith.constant dense<0.000000e+00> : vector<1024x64xf32>
    %dot_general3A_5 = tpu.matmul %get3A_1, %get3A_4, %dot_general3A {dimension_numbers = #tpu.dot_dimension_numbers<[1], [0], [0], [1], [0, 0, 1, 1], [], []>, transpose_lhs_hint = false} : vector<1024x128xf32>, vector<128x64xf32>, vector<1024x64xf32> -> vector<1024x64xf32>
    %swap3A = arith.constant 0 : index
    %swap3A_6 = arith.constant 0 : index
    %swap3A_7 = vector.load %arg3[%swap3A, %swap3A_6] : memref<1024x64xf32, #tpu.memory_space<vmem>>, vector<1024x64xf32>
    tpu.vector_store %arg3[%swap3A, %swap3A_6], %dot_general3A_5 {strides = array<i32>} : memref<1024x64xf32, #tpu.memory_space<vmem>>, vector<1024x64xf32>,
    return
  }
  func.func @transform_0(%arg0: i32) -> (i32, i32) {
    %c0_i32 = arith.constant 0 : i32
    %c0_i32_0 = arith.constant 0 : i32
    return %arg0, %c0_i32 : i32, i32
  }
  func.func @transform_1(%arg0: i32) -> (i32, i32) {
    %c0_i32 = arith.constant 0 : i32
    %c0_i32_0 = arith.constant 0 : i32
    %c0_i32_1 = arith.constant 0 : i32
    return %c0_i32, %c0_i32_0 : i32, i32
  }
  func.func @transform_2(%arg0: i32) -> (i32, i32) {
    %c0_i32 = arith.constant 0 : i32
    %c0_i32_0 = arith.constant 0 : i32
    return %arg0, %c0_i32 : i32, i32
  }
}

module attributes {stable_mosaic.version = 14 : i64} {
  func.func @_tc1_body(%arg0: i32, %arg1: memref<1024x64xf32, #tpu.memory_space<vmem>>, %arg2: memref<2x1024x128xf32, #tpu.memory_space<vmem>>, %arg3: memref<1024x128xf32, #tpu.memory_space<vmem>>, %arg4: memref<1024x1xf32, #tpu.memory_space<vmem>>) attributes {dimension_semantics = [#tpu.dimension_semantics<arbitrary>], iteration_bounds = array<i64: 10>, scalar_prefetch = 0 : i64, scratch_operands = 0 : i64, tpu.core_type = #tpu.core_type<tc>, window_params = [{transform_indices = @transform_0, window_bounds = array<i64: 1024, 64>}, {transform_indices = @transform_1, window_bounds = array<i64: 2, 1024, 128>}, {transform_indices = @transform_2, window_bounds = array<i64: 1024, 128>}, {transform_indices = @transform_3, window_bounds = array<i64: 1024, 1>}]} {
    %get3A = arith.constant 0 : index
    %get3A_0 = arith.constant 0 : index
    %get3A_1 = arith.constant 0 : index
    %get3A_2 = vector.load %arg2[%get3A, %get3A_0, %get3A_1] : memref<2x1024x128xf32, #tpu.memory_space<vmem>>, vector<1x1024x1xf32>
    %get3A_3 = vector.shape_cast %get3A_2 : vector<1x1024x1xf32> to vector<1024x1xf32>
    %get3A_4 = arith.constant 1 : index
    %get3A_5 = arith.constant 0 : index
    %get3A_6 = arith.constant 0 : index
    %get3A_7 = vector.load %arg2[%get3A_4, %get3A_5, %get3A_6] : memref<2x1024x128xf32, #tpu.memory_space<vmem>>, vector<1x1024x1xf32>
    %get3A_8 = vector.shape_cast %get3A_7 : vector<1x1024x1xf32> to vector<1024x1xf32>
    %add3A = arith.addf %get3A_3, %get3A_8 : vector<1024x1xf32>
    %add3A_9 = arith.constant 1.000000e+00 : f32
    %add3A_10 = vector.broadcast %add3A_9 : f32 to vector<1024x1xf32>
    %add3A_11 = arith.addf %add3A, %add3A_10 : vector<1024x1xf32>
    %rsqrt3A = math.rsqrt %add3A_11 : vector<1024x1xf32>
    %get3A_12 = arith.constant 0 : index
    %get3A_13 = arith.constant 0 : index
    %get3A_14 = vector.load %arg1[%get3A_12, %get3A_13] : memref<1024x64xf32, #tpu.memory_space<vmem>>, vector<1024x64xf32>
    %mul3A = vector.broadcast %rsqrt3A : vector<1024x1xf32> to vector<1024x64xf32>
    %mul3A_15 = arith.mulf %get3A_14, %mul3A : vector<1024x64xf32>
    %broadcast_in_dim3A = arith.constant 0.000000e+00 : f32
    %broadcast_in_dim3A_16 = vector.broadcast %broadcast_in_dim3A : f32 to vector<1024x64xf32>
    %concatenate3A = tpu.concatenate %mul3A_15, %broadcast_in_dim3A_16 in 1 : vector<1024x64xf32>, vector<1024x64xf32> -> vector<1024x128xf32>
    %swap3A = arith.constant 0 : index
    %swap3A_17 = arith.constant 0 : index
    %swap3A_18 = vector.load %arg3[%swap3A, %swap3A_17] : memref<1024x128xf32, #tpu.memory_space<vmem>>, vector<1024x128xf32>
    tpu.vector_store %arg3[%swap3A, %swap3A_17], %concatenate3A {strides = array<i32>} : memref<1024x128xf32, #tpu.memory_space<vmem>>, vector<1024x128xf32>,
    %swap3A_19 = arith.constant 0 : index
    %swap3A_20 = arith.constant 0 : index
    %swap3A_21 = vector.load %arg4[%swap3A_19, %swap3A_20] : memref<1024x1xf32, #tpu.memory_space<vmem>>, vector<1024x1xf32>
    tpu.vector_store %arg4[%swap3A_19, %swap3A_20], %rsqrt3A {strides = array<i32>} : memref<1024x1xf32, #tpu.memory_space<vmem>>, vector<1024x1xf32>,
    return
  }
  func.func @transform_0(%arg0: i32) -> (i32, i32) {
    %c0_i32 = arith.constant 0 : i32
    %c0_i32_0 = arith.constant 0 : i32
    return %arg0, %c0_i32 : i32, i32
  }
  func.func @transform_1(%arg0: i32) -> (i32, i32, i32) {
    %c0_i32 = arith.constant 0 : i32
    %c0_i32_0 = arith.constant 0 : i32
    %c0_i32_1 = arith.constant 0 : i32
    return %c0_i32, %arg0, %c0_i32_0 : i32, i32, i32
  }
  func.func @transform_2(%arg0: i32) -> (i32, i32) {
    %c0_i32 = arith.constant 0 : i32
    %c0_i32_0 = arith.constant 0 : i32
    return %arg0, %c0_i32 : i32, i32
  }
  func.func @transform_3(%arg0: i32) -> (i32, i32) {
    %c0_i32 = arith.constant 0 : i32
    %c0_i32_0 = arith.constant 0 : i32
    return %arg0, %c0_i32 : i32, i32
  }
}

module attributes {stable_mosaic.version = 14 : i64} {
  func.func @_tc2_body(%arg0: i32, %arg1: memref<2x1024x128xf32, #tpu.memory_space<vmem>>, %arg2: memref<1024x128xf32, #tpu.memory_space<vmem>>, %arg3: memref<1024x1xf32, #tpu.memory_space<vmem>>, %arg4: memref<1x64xf32, #tpu.memory_space<vmem>>, %arg5: memref<64x128xf32, #tpu.memory_space<vmem>>, %arg6: memref<1024x128xf32, #tpu.memory_space<vmem>>) attributes {dimension_semantics = [#tpu.dimension_semantics<arbitrary>], iteration_bounds = array<i64: 10>, scalar_prefetch = 0 : i64, scratch_operands = 0 : i64, tpu.core_type = #tpu.core_type<tc>, window_params = [{transform_indices = @transform_0, window_bounds = array<i64: 2, 1024, 128>}, {transform_indices = @transform_1, window_bounds = array<i64: 1024, 128>}, {transform_indices = @transform_2, window_bounds = array<i64: 1024, 1>}, {pipeline_mode = #tpu.pipeline_mode<synchronous>, transform_indices = @transform_3, window_bounds = array<i64: 1, 64>}, {pipeline_mode = #tpu.pipeline_mode<synchronous>, transform_indices = @transform_4, window_bounds = array<i64: 64, 128>}, {transform_indices = @transform_5, window_bounds = array<i64: 1024, 128>}]} {
    %get3A = arith.constant 0 : index
    %get3A_0 = arith.constant 0 : index
    %get3A_1 = vector.load %arg3[%get3A, %get3A_0] : memref<1024x1xf32, #tpu.memory_space<vmem>>, vector<1024x1xf32>
    %get3A_2 = arith.constant 0 : index
    %get3A_3 = arith.constant 0 : index
    %get3A_4 = arith.constant 0 : index
    %get3A_5 = vector.load %arg1[%get3A_2, %get3A_3, %get3A_4] : memref<2x1024x128xf32, #tpu.memory_space<vmem>>, vector<1x1024x128xf32>
    %get3A_6 = vector.shape_cast %get3A_5 : vector<1x1024x128xf32> to vector<1024x128xf32>
    %get3A_7 = arith.constant 1 : index
    %get3A_8 = arith.constant 0 : index
    %get3A_9 = arith.constant 0 : index
    %get3A_10 = vector.load %arg1[%get3A_7, %get3A_8, %get3A_9] : memref<2x1024x128xf32, #tpu.memory_space<vmem>>, vector<1x1024x128xf32>
    %get3A_11 = vector.shape_cast %get3A_10 : vector<1x1024x128xf32> to vector<1024x128xf32>
    %add3A = arith.addf %get3A_6, %get3A_11 : vector<1024x128xf32>
    %get3A_12 = arith.constant 0 : index
    %get3A_13 = arith.constant 0 : index
    %get3A_14 = vector.load %arg2[%get3A_12, %get3A_13] : memref<1024x128xf32, #tpu.memory_space<vmem>>, vector<1024x128xf32>
    %add3A_15 = arith.addf %add3A, %get3A_14 : vector<1024x128xf32>
    %slice3A = vector.extract_strided_slice %add3A_15 {offsets = [0, 0], sizes = [1024, 64], strides = [1, 1]} : vector<1024x128xf32> to vector<1024x64xf32>
    %mul3A = vector.broadcast %get3A_1 : vector<1024x1xf32> to vector<1024x64xf32>
    %mul3A_16 = arith.mulf %mul3A, %slice3A : vector<1024x64xf32>
    %get3A_17 = arith.constant 0 : index
    %get3A_18 = arith.constant 0 : index
    %get3A_19 = vector.load %arg4[%get3A_17, %get3A_18] : memref<1x64xf32, #tpu.memory_space<vmem>>, vector<1x64xf32>
    %add3A_20 = vector.broadcast %get3A_19 : vector<1x64xf32> to vector<1024x64xf32>
    %add3A_21 = arith.addf %mul3A_16, %add3A_20 : vector<1024x64xf32>
    %gt3A = arith.constant 0.000000e+00 : f32
    %gt3A_22 = vector.broadcast %gt3A : f32 to vector<1024x64xf32>
    %gt3A_23 = arith.cmpf ogt, %add3A_21, %gt3A_22 : vector<1024x64xf32>
    %exp3A = math.exp %add3A_21 : vector<1024x64xf32>
    %sub3A = arith.constant 1.000000e+00 : f32
    %sub3A_24 = vector.broadcast %sub3A : f32 to vector<1024x64xf32>
    %sub3A_25 = arith.subf %exp3A, %sub3A_24 : vector<1024x64xf32>
    %select_n3A = arith.select %gt3A_23, %add3A_21, %sub3A_25 : vector<1024x64xi1>, vector<1024x64xf32>
    %get3A_26 = arith.constant 0 : index
    %get3A_27 = arith.constant 0 : index
    %get3A_28 = vector.load %arg5[%get3A_26, %get3A_27] : memref<64x128xf32, #tpu.memory_space<vmem>>, vector<64x128xf32>
    %dot_general3A = arith.constant dense<0.000000e+00> : vector<1024x128xf32>
    %dot_general3A_29 = tpu.matmul %select_n3A, %get3A_28, %dot_general3A {dimension_numbers = #tpu.dot_dimension_numbers<[1], [0], [0], [1], [0, 0, 1, 1], [], []>, transpose_lhs_hint = false} : vector<1024x64xf32>, vector<64x128xf32>, vector<1024x128xf32> -> vector<1024x128xf32>
    %mul3A_30 = vector.broadcast %get3A_1 : vector<1024x1xf32> to vector<1024x128xf32>
    %mul3A_31 = arith.mulf %dot_general3A_29, %mul3A_30 : vector<1024x128xf32>
    %swap3A = arith.constant 0 : index
    %swap3A_32 = arith.constant 0 : index
    %swap3A_33 = vector.load %arg6[%swap3A, %swap3A_32] : memref<1024x128xf32, #tpu.memory_space<vmem>>, vector<1024x128xf32>
    tpu.vector_store %arg6[%swap3A, %swap3A_32], %mul3A_31 {strides = array<i32>} : memref<1024x128xf32, #tpu.memory_space<vmem>>, vector<1024x128xf32>,
    return
  }
  func.func @transform_0(%arg0: i32) -> (i32, i32, i32) {
    %c0_i32 = arith.constant 0 : i32
    %c0_i32_0 = arith.constant 0 : i32
    %c0_i32_1 = arith.constant 0 : i32
    return %c0_i32, %arg0, %c0_i32_0 : i32, i32, i32
  }
  func.func @transform_1(%arg0: i32) -> (i32, i32) {
    %c0_i32 = arith.constant 0 : i32
    %c0_i32_0 = arith.constant 0 : i32
    return %arg0, %c0_i32 : i32, i32
  }
  func.func @transform_2(%arg0: i32) -> (i32, i32) {
    %c0_i32 = arith.constant 0 : i32
    %c0_i32_0 = arith.constant 0 : i32
    return %arg0, %c0_i32 : i32, i32
  }
  func.func @transform_3(%arg0: i32) -> (i32, i32) {
    %c0_i32 = arith.constant 0 : i32
    %c0_i32_0 = arith.constant 0 : i32
    %c0_i32_1 = arith.constant 0 : i32
    return %c0_i32, %c0_i32_0 : i32, i32
  }
  func.func @transform_4(%arg0: i32) -> (i32, i32) {
    %c0_i32 = arith.constant 0 : i32
    %c0_i32_0 = arith.constant 0 : i32
    %c0_i32_1 = arith.constant 0 : i32
    return %c0_i32, %c0_i32_0 : i32, i32
  }
  func.func @transform_5(%arg0: i32) -> (i32, i32) {
    %c0_i32 = arith.constant 0 : i32
    %c0_i32_0 = arith.constant 0 : i32
    return %arg0, %c0_i32 : i32, i32
  }
}

module attributes {stable_mosaic.version = 14 : i64} {
  func.func @_tc3_body(%arg0: i32, %arg1: memref<2x1024x128xf32, #tpu.memory_space<vmem>>, %arg2: memref<1024x128xf32, #tpu.memory_space<vmem>>, %arg3: memref<1024x1xf32, #tpu.memory_space<vmem>>, %arg4: memref<1x128xf32, #tpu.memory_space<vmem>>, %arg5: memref<1024x128xf32, #tpu.memory_space<vmem>>) attributes {dimension_semantics = [#tpu.dimension_semantics<arbitrary>], iteration_bounds = array<i64: 10>, scalar_prefetch = 0 : i64, scratch_operands = 0 : i64, tpu.core_type = #tpu.core_type<tc>, window_params = [{transform_indices = @transform_0, window_bounds = array<i64: 2, 1024, 128>}, {transform_indices = @transform_1, window_bounds = array<i64: 1024, 128>}, {transform_indices = @transform_2, window_bounds = array<i64: 1024, 1>}, {pipeline_mode = #tpu.pipeline_mode<synchronous>, transform_indices = @transform_3, window_bounds = array<i64: 1, 128>}, {transform_indices = @transform_4, window_bounds = array<i64: 1024, 128>}]} {
    %get3A = arith.constant 0 : index
    %get3A_0 = arith.constant 0 : index
    %get3A_1 = vector.load %arg3[%get3A, %get3A_0] : memref<1024x1xf32, #tpu.memory_space<vmem>>, vector<1024x1xf32>
    %get3A_2 = arith.constant 0 : index
    %get3A_3 = arith.constant 0 : index
    %get3A_4 = arith.constant 0 : index
    %get3A_5 = vector.load %arg1[%get3A_2, %get3A_3, %get3A_4] : memref<2x1024x128xf32, #tpu.memory_space<vmem>>, vector<1x1024x128xf32>
    %get3A_6 = vector.shape_cast %get3A_5 : vector<1x1024x128xf32> to vector<1024x128xf32>
    %get3A_7 = arith.constant 1 : index
    %get3A_8 = arith.constant 0 : index
    %get3A_9 = arith.constant 0 : index
    %get3A_10 = vector.load %arg1[%get3A_7, %get3A_8, %get3A_9] : memref<2x1024x128xf32, #tpu.memory_space<vmem>>, vector<1x1024x128xf32>
    %get3A_11 = vector.shape_cast %get3A_10 : vector<1x1024x128xf32> to vector<1024x128xf32>
    %add3A = arith.addf %get3A_6, %get3A_11 : vector<1024x128xf32>
    %get3A_12 = arith.constant 0 : index
    %get3A_13 = arith.constant 0 : index
    %get3A_14 = vector.load %arg2[%get3A_12, %get3A_13] : memref<1024x128xf32, #tpu.memory_space<vmem>>, vector<1024x128xf32>
    %add3A_15 = arith.addf %add3A, %get3A_14 : vector<1024x128xf32>
    %mul3A = vector.broadcast %get3A_1 : vector<1024x1xf32> to vector<1024x128xf32>
    %mul3A_16 = arith.mulf %mul3A, %add3A_15 : vector<1024x128xf32>
    %get3A_17 = arith.constant 0 : index
    %get3A_18 = arith.constant 0 : index
    %get3A_19 = vector.load %arg4[%get3A_17, %get3A_18] : memref<1x128xf32, #tpu.memory_space<vmem>>, vector<1x128xf32>
    %add3A_20 = vector.broadcast %get3A_19 : vector<1x128xf32> to vector<1024x128xf32>
    %add3A_21 = arith.addf %mul3A_16, %add3A_20 : vector<1024x128xf32>
    %reduce_max3A = arith.constant dense<0xFF800000> : vector<1024xf32>
    %reduce_max3A_22 = vector.multi_reduction <maximumf>, %add3A_21, %reduce_max3A [1] : vector<1024x128xf32> to vector<1024xf32>
    %broadcast_in_dim3A = vector.shape_cast %reduce_max3A_22 : vector<1024xf32> to vector<1024x1xf32>
    %sub3A = vector.broadcast %broadcast_in_dim3A : vector<1024x1xf32> to vector<1024x128xf32>
    %sub3A_23 = arith.subf %add3A_21, %sub3A : vector<1024x128xf32>
    %exp3A = math.exp %sub3A_23 : vector<1024x128xf32>
    %sub3A_24 = vector.broadcast %broadcast_in_dim3A : vector<1024x1xf32> to vector<1024x128xf32>
    %sub3A_25 = arith.subf %add3A_21, %sub3A_24 : vector<1024x128xf32>
    %reduce_sum3A = arith.constant dense<0.000000e+00> : vector<1024xf32>
    %reduce_sum3A_26 = vector.multi_reduction <add>, %exp3A, %reduce_sum3A [1] : vector<1024x128xf32> to vector<1024xf32>
    %broadcast_in_dim3A_27 = vector.shape_cast %reduce_sum3A_26 : vector<1024xf32> to vector<1024x1xf32>
    %log3A = math.log %broadcast_in_dim3A_27 : vector<1024x1xf32>
    %sub3A_28 = vector.broadcast %log3A : vector<1024x1xf32> to vector<1024x128xf32>
    %sub3A_29 = arith.subf %sub3A_25, %sub3A_28 : vector<1024x128xf32>
    %swap3A = arith.constant 0 : index
    %swap3A_30 = arith.constant 0 : index
    %swap3A_31 = vector.load %arg5[%swap3A, %swap3A_30] : memref<1024x128xf32, #tpu.memory_space<vmem>>, vector<1024x128xf32>
    tpu.vector_store %arg5[%swap3A, %swap3A_30], %sub3A_29 {strides = array<i32>} : memref<1024x128xf32, #tpu.memory_space<vmem>>, vector<1024x128xf32>,
    return
  }
  func.func @transform_0(%arg0: i32) -> (i32, i32, i32) {
    %c0_i32 = arith.constant 0 : i32
    %c0_i32_0 = arith.constant 0 : i32
    %c0_i32_1 = arith.constant 0 : i32
    return %c0_i32, %arg0, %c0_i32_0 : i32, i32, i32
  }
  func.func @transform_1(%arg0: i32) -> (i32, i32) {
    %c0_i32 = arith.constant 0 : i32
    %c0_i32_0 = arith.constant 0 : i32
    return %arg0, %c0_i32 : i32, i32
  }
  func.func @transform_2(%arg0: i32) -> (i32, i32) {
    %c0_i32 = arith.constant 0 : i32
    %c0_i32_0 = arith.constant 0 : i32
    return %arg0, %c0_i32 : i32, i32
  }
  func.func @transform_3(%arg0: i32) -> (i32, i32) {
    %c0_i32 = arith.constant 0 : i32
    %c0_i32_0 = arith.constant 0 : i32
    %c0_i32_1 = arith.constant 0 : i32
    return %c0_i32, %c0_i32_0 : i32, i32
  }
  func.func @transform_4(%arg0: i32) -> (i32, i32) {
    %c0_i32 = arith.constant 0 : i32
    %c0_i32_0 = arith.constant 0 : i32
    return %arg0, %c0_i32 : i32, i32
  }
}

</mosaic_0001>

<sc_bundles>
// kernel: kernel.12.cloned.1.call-start
scs
__scs_entry_jumppad:
0x0: {  	(pc) =	sbr.rel $0x88, $3  }
0x1: {  	(tag) =	ssettag $0x0;
	lr =	simm.s32 $0x1  }
0x2: {  	[smem:$0x3F9B] =	sst lr;
	_ =	strace $0xD0000000  }
0x3: {  	_ = 	snop  }
0x4: {  	_ = 	snop  }
0x5: {  	_ = 	snop  }
0x6: {  	_ = 	snop  }
0x7: {  	_ = 	snop  }
__scs_overlays_trampoline_lowered:
0x8: {  	[smem:$0x3FAA] =	sst s0  }
0x9: {  	[smem:$0x3FAB] =	sst s1  }
0xa: {  	[smem:$0x3FAC] =	sst s2  }
0xb: {  	[smem:$0x3FAD] =	sst s3  }
0xc: {  	[smem:$0x3FAE] =	sst s4  }
0xd: {  	[smem:$0x3FAF] =	sst s5  }
0xe: {  	[smem:$0x3FB0] =	sst s6  }
0xf: {  	[smem:$0x3FB1] =	sst s7  }
0x10: {  	[smem:$0x3FB2] =	sst s8  }
0x11: {  	[smem:$0x3FB3] =	sst s9;
	s0 =	simm.s32 @!p0 $0x0  }
0x12: {  	s1 =	sld [smem:$0x3F99];
	s0 =	simm.s32 @p0 $0x1  }
0x13: {  	[smem:$0x3FB4] =	sst s0;
	s0 =	simm.s32 @!p1 $0x0  }
0x14: {  	s2 =	sld [smem:$0x3F98];
	s0 =	simm.s32 @p1 $0x1  }
0x15: {  	[smem:$0x3FB5] =	sst s0;
	s0 =	simm.s32 @!p2 $0x0  }
0x16: {  	s3 =	sld [smem:$0x3FDB];
	s0 =	simm.s32 @p2 $0x1  }
0x17: {  	s4 =	simm.s32 $0x1BF5;
	[smem:$0x3FB7] =	sst s0  }
0x18: {  	s0 =	sld [smem:$0x3F9A];
	_ =	swait.ge [sflag:s4], $0x0  }
0x19: {  	s7 =	sld [smem:$0x3F9B]  }
0x1a: {  	s8 =	sadd.s32 $0xFFFFE003, lr  }
0x1b: {  	s9 =	sadd.s32 $0xFFFFFEF7, lr;
	s5 =	simm.s32 $0xFFFFFFFF;
	p2 =	slt.u32 s8, $0xFFFFF086  }
0x1c: {  	p1 =	slt.u32 s9, $0xF7A;
	s5 =	simm.s32 @!p2 $0x0  }
0x1d: {  	s5 =	simm.s32 @p1 $0x1;
	p0 =	seq.s32 s7, s2  }
0x1e: {  	s7 =	smul.u32 @!p0 $0xF7A, s2;
	p2 =	seq.s32 @!p0 s5, $0x0  }
0x1f: {  	s9 =	smul.u32 $0xF7A, s1;
	s8 =	simm.s32 @!p0 $0x1BF5;
	p2 =	por !p2, p0  }
0x20: {  	[sflag:s8] =	ssyncset.s32 @!p0 $0xFFFFF086;
	s6 =	sadd.s32 @!p0 s3, s7;
	s7 =	simm.s32 @!p0 $0x108  }
0x21: {  	s3 =	sadd.s32 s3, s9;
	s6 =	sadd.s32 @!p0 $0x88, s6;
	s7 =	simm.s32 @p2 $0x1082  }
0x22: {  	[simem:s7], [sflag:s8] =	dma.local @!p0 [hbm:s6], $0xF7A  }
0x23: {  	s9 =	sor.u32 $0xD0000000, s2;
	s6 =	simm.s32 $0x108;
	_ =	swait.ge @!p0 [sflag:s8], $0x0  }
0x24: {  	s3 =	sadd.s32 $0x88, s3;
	s6 =	simm.s32 @!p1 $0x1082;
	[sflag:s4] =	ssyncset.s32 $0xFFFFF086  }
0x25: {  	[simem:s6], [sflag:s4] =	dma.local [hbm:s3], $0xF7A  }
0x26: {  	[smem:$0x3F9B] =	sst s1;
	(tag) =	ssettag s2;
	_ =	strace s9  }
0x27: {  	s1 =	sld [smem:$0x3FAB]  }
0x28: {  	s2 =	sld [smem:$0x3FAC]  }
0x29: {  	s4 =	sld [smem:$0x3FAE]  }
0x2a: {  	p0 =	seq.s32 s5, $0x0;
	s5 =	sld [smem:$0x3FAF]  }
0x2b: {  	s6 =	sld [smem:$0x3FB0]  }
0x2c: {  	s7 =	sld [smem:$0x3FB1]  }
0x2d: {  	s3 =	simm.s32 $0x108;
	s8 =	sld [smem:$0x3FB2]  }
0x2e: {  	s3 =	simm.s32 @!p0 $0x1082;
	s9 =	sld [smem:$0x3FB3]  }
0x2f: {  	lr =	sadd.s32 s0, s3;
	s0 =	sld [smem:$0x3FAA]  }
0x30: {  	s3 =	sld [smem:$0x3FAD]  }
0x31: {  	[smem:$0x3FB6] =	sst s10  }
0x32: {  	s10 =	sld [smem:$0x3FB4];
	_ =	sdelay $0x3  }
0x33: {  	p0 =	seq.s32 s10, $0x1;
	s10 =	sld [smem:$0x3FB6];
	_ =	sdelay $0x3  }
0x34: {  	[smem:$0x3FB6] =	sst s10  }
0x35: {  	s10 =	sld [smem:$0x3FB5];
	_ =	sdelay $0x3  }
0x36: {  	p1 =	seq.s32 s10, $0x1;
	s10 =	sld [smem:$0x3FB6];
	_ =	sdelay $0x3  }
0x37: {  	[smem:$0x3FB6] =	sst s10  }
0x38: {  	s10 =	sld [smem:$0x3FB7]  }
0x39: {  	_ = 	snop;
	(pc) =	sbr.ind lr, $3  }
0x3a: {  	_ = 	snop  }
0x3b: {  	_ = 	snop  }
0x3c: {  	p2 =	seq.s32 s10, $0x1;
	s10 =	sld [smem:$0x3FB6]  }
0x3d: {  	_ =	shalt  }
0x3e: {  	_ =	shalt  }
0x3f: {  	_ =	shalt  }
0x40: {  	_ =	shalt  }
0x41: {  	_ =	shalt  }
0x42: {  	_ =	shalt  }
0x43: {  	_ =	shalt  }
0x44: {  	_ =	shalt  }
0x45: {  	_ =	shalt  }
0x46: {  	_ =	shalt  }
0x47: {  	_ =	shalt  }
0x48: {  	_ =	shalt  }
0x49: {  	_ =	shalt  }
0x4a: {  	_ =	shalt  }
0x4b: {  	_ =	shalt  }
0x4c: {  	_ =	shalt  }
0x4d: {  	_ =	shalt  }
0x4e: {  	_ =	shalt  }
0x4f: {  	_ =	shalt  }
0x50: {  	_ =	shalt  }
0x51: {  	_ =	shalt  }
0x52: {  	_ =	shalt  }
0x53: {  	_ =	shalt  }
0x54: {  	_ =	shalt  }
0x55: {  	_ =	shalt  }
0x56: {  	_ =	shalt  }
0x57: {  	_ =	shalt  }
0x58: {  	_ =	shalt  }
0x59: {  	_ =	shalt  }
0x5a: {  	_ =	shalt  }
0x5b: {  	_ =	shalt  }
0x5c: {  	_ =	shalt  }
0x5d: {  	_ =	shalt  }
0x5e: {  	_ =	shalt  }
0x5f: {  	_ =	shalt  }
0x60: {  	_ =	shalt  }
0x61: {  	_ =	shalt  }
0x62: {  	_ =	shalt  }
0x63: {  	_ =	shalt  }
0x64: {  	_ =	shalt  }
0x65: {  	_ =	shalt  }
0x66: {  	_ =	shalt  }
0x67: {  	_ =	shalt  }
0x68: {  	_ =	shalt  }
0x69: {  	_ =	shalt  }
0x6a: {  	_ =	shalt  }
0x6b: {  	_ =	shalt  }
0x6c: {  	_ =	shalt  }
0x6d: {  	_ =	shalt  }
0x6e: {  	_ =	shalt  }
0x6f: {  	_ =	shalt  }
0x70: {  	_ =	shalt  }
0x71: {  	_ =	shalt  }
0x72: {  	_ =	shalt  }
0x73: {  	_ =	shalt  }
0x74: {  	_ =	shalt  }
0x75: {  	_ =	shalt  }
0x76: {  	_ =	shalt  }
0x77: {  	_ =	shalt  }
0x78: {  	_ =	shalt  }
0x79: {  	_ =	shalt  }
0x7a: {  	_ =	shalt  }
0x7b: {  	_ =	shalt  }
0x7c: {  	_ =	shalt  }
0x7d: {  	_ =	shalt  }
0x7e: {  	_ =	shalt  }
0x7f: {  	_ =	shalt  }
0x80: {  	_ =	shalt  }
0x81: {  	_ =	shalt  }
0x82: {  	_ =	shalt  }
0x83: {  	_ =	shalt  }
0x84: {  	_ =	shalt  }
0x85: {  	_ =	shalt  }
0x86: {  	_ =	shalt  }
0x87: {  	_ =	shalt  }
.Lfunc_end0:
.L_simem_size_0:
called_computation.1_lowered:
.L_overlay_start_0:
0x88: {  	s2 =	sld [smem:$0x3FD9]  }
0x89: {  	s3 =	sld [smem:$0x3FFE];
	_ =	sdelay $0x1  }
0x8a: {  	s1 =	srdreg.scid  }
0x8b: {  	s0 =	sand.u32 $0x1, s1  }
0x8c: {  	s17 =	sshll.u32 s0, $0xA;
	s2 =	sadd.s32 s3, s2  }
0x8d: {  	s2 =	sadd.s32 s2, s17  }
0x8e: {  	[smem:$0x3FC2] =	sst s2  }
0x8f: {  	_ = 	snop  }
0x90: {  	s2 =	sld [smem:$0x3FD0];
	(tm) =	ssettm $0x1  }
0x91: {  	s18 =	sld [smem:$0x3FFB];
	_ =	sdelay $0x3  }
0x92: {  	_ =	strace s18  }
0x93: {  	s3 =	sld [smem:$0x3FFC];
	_ =	sdelay $0x3  }
0x94: {  	_ =	strace s3  }
0x95: {  	s3 =	sld [smem:$0x3FFD];
	_ =	sdelay $0x3  }
0x96: {  	_ =	strace s3  }
0x97: {  	_ =	strace $0x8FFFFFFF  }
0x98: {  	s19 =	sld [smem:$0x3FDB];
	_ =	sdelay $0x1  }
0x99: {  	s4 =	simm.s32 $_scs_section_size  }
0x9a: {  	s5 =	simm.s32 $_size__tile_overlayer_lowered;
	s6 =	simm.s32 $_tile_overlayer_lowered  }
0x9b: {  	s22 =	simm.s32 $0x1BFF;
	s21 =	sshll.u32 s6, $0x1;
	s3 =	sadd.s32 s4, s19  }
0x9c: {  	s7 =	simm.s32 $0x0;
	s20 =	sshll.u32 s5, $0x1;
	s5 =	sadd.s32 s21, s3  }
0x9d: {  	[timem:s7], [sflag:s22] =	dma.local [hbm:s5], s20  }
0x9e: {  	_ =	swait.ge [sflag:s22], s20  }
0x9f: {  	s4 =	ssub.s32 $0x0, s20;
	[sflag:s22] =	ssyncset.done $0x0  }
0xa0: {  	[sflag:s22] =	ssyncadd.s32 s4;
	_ =	sdelay $0x1  }
0xa1: {  	s23 =	simm.s32 $0x1B8B  }
0xa2: {  	_ =	swait.ge [sflag:s23], $0x1  }
0xa3: {  	[sflag:s23] =	ssyncset.done $0x0  }
0xa4: {  	s25 =	simm.s32 $0x1B8E;
	s24 =	sld [smem:$0x3FFE];
	[sflag:s23] =	ssyncadd.s32 $0xFFFFFFFF  }
0xa5: {  	s26 =	simm.s32 $execute0_lowered;
	[smem:$0x3FD2] =	sst s25  }
0xa6: {  	s5 =	sshll.u32 s26, $0x1;
	_ =	strace $0x80000049;
	[dreg:$0x1] =	wrdreg $0xFFFFFFFF  }
0xa7: {  	s28 =	simm.s32 $_size_execute0_lowered;
	s3 =	sadd.s32 s3, s5;
	[dreg:$0x0] =	wrdreg $0x0  }
0xa8: {  	s5 =	sshll.u32 s28, $0x1;
	[dreg:$0x2] =	wrdreg s3  }
0xa9: {  	[dreg:$0x3] =	wrdreg s5  }
0xaa: {  	[dreg:$0x4] =	wrdreg $0xC0  }
0xab: {  	_ =	task [dreg:s7], $0x5FFFF  }
0xac: {  	[dreg:$0x1] =	wrdreg $0xFFFFFFFF  }
0xad: {  	[dreg:$0x0] =	wrdreg $0x60  }
0xae: {  	[dreg:$0x2] =	wrdreg s24  }
0xaf: {  	[dreg:$0x3] =	wrdreg s2  }
0xb0: {  	[dreg:$0x4] =	wrdreg $0xA8000  }
0xb1: {  	[dreg:$0x5] =	wrdreg $0x9  }
0xb2: {  	_ =	task.clear_ibuf [dreg:s7], $0x6FFFF;
	_ =	strace $0x90000049  }
0xb3: {  	s29 =	simm.s32 $0x9;
	_ =	strace $0x8000004B  }
0xb4: {  	_ =	swait.ge [sflag:s29], $0x1  }
0xb5: {  	[sflag:s29] =	ssyncadd.s32 $0xFFFFFFFF  }
0xb6: {  	_ =	strace $0x9000004B  }
0xb7: {  	_ =	sfence  }
0xb8: {  	s30 =	sld [smem:$0x0];
	_ =	sdelay $0x2  }
0xb9: {  	s31 =	sshll.u32 s1, $0xD;
	s1 =	sshrl.u32 s1, $0x2  }
0xba: {  	s3 =	sand.u32 $0x4000, s31;
	s1 =	sadd.s32 s1, s30  }
0xbb: {  	s0 =	sor.u32 s3, s0;
	s1 =	sshll.u32 s1, $0x11  }
0xbc: {  	s0 =	sor.u32 s1, s0  }
0xbd: {  	s0 =	sadd.s32 $0x8F2B, s0  }
0xbe: {  	[sflag:s0] =	ssyncadd.remote.s32 $0x1  }
0xbf: {  	_ =	sfence.sel $0xFFFF  }
0xc0: {  	[dreg:$0x0] =	wrdreg $0xFFFFFFFF;
	(pc) =	sbr.abs _section_cstart, $3  }
0xc1: {  	[dreg:$0x1] =	wrdreg $0xFFFFFFFF  }
0xc2: {  	_ =	task.clear_ibuf [dreg:s7], $0x2FFFF;
	_ =	strace $0x9FFFFFFF  }
0xc3: {  	(tm) =	ssettm $0x7FFFFFFF  }
tec
execute0_lowered:
.L_overlay_start_1:
0x0: {  	(tag) =	ssettag $0x1  }
0x1: {  	s0 =	rddreg [dreg:$0x0]  }
0x2: {  	s1 =	rddreg [dreg:$0x1]  }
0x3: {  	s2 =	rddreg [dreg:$0x2];
	s3 =	srdreg.scid  }
0x4: {  	s17 =	stileid.u32;
	s28 =	simm.s32 $0x2800;
	s29 =	simm.s32 $0x5  }
0x5: {  	s30 =	simm.s32 $0x3;
	s31 =	simm.s32 $0x1400;
	s6 =	smul.u32 $0x13C00, s17  }
0x6: {  	s4 =	sand.u32 $0x1, s3;
	s3 =	simm.s32 $0x0;
	s10 =	smul.u32 $0x4C00, s17  }
0x7: {  	s7 =	sadd.s32 $0x5D800, s0;
	s8 =	sadd.s32 $0x67800, s0;
	s13 =	smul.u32 $0x980, s17  }
0x8: {  	s16 =	sshll.u32 s17, $0x7;
	s5 =	ssub.s32 $0x2, s4;
	p0 =	seq.s32 s4, $0x1  }
0x9: {  	s4 =	smul.u32 $0x140000, s4;
	[smem:$0x7FF] =	sst s3;
	s9 =	sshrl.u32 s5, $0x1  }
0xa: {  	s11 =	sadd.s32 $0x8000, s6;
	s12 =	sadd.s32 $0xC000, s6;
	s25 =	sadd.s32 $0x10000, s6  }
0xb: {  	s10 =	sshrl.u32 s10, $0x3;
	s14 =	sadd.s32 s7, s13;
	s13 =	sadd.s32 s1, s13  }
0xc: {  	s5 =	ssub.s32 s5, s9;
	s9 =	sadd.s32 $0x4000, s6;
	[dreg:$0x4] =	wrdreg s14  }
0xd: {  	[dreg:$0x5] =	wrdreg s13;
	s23 =	sadd.s32 $0x280, s10;
	s26 =	sadd.s32 $0x500, s10  }
0xe: {  	s10 =	sadd.s32 $0x780, s10;
	s19 =	sadd.s32 s6, s4;
	s21 =	sadd.s32 s4, s11  }
0xf: {  	s24 =	sadd.s32 s7, s23;
	s13 =	sadd.s32 s1, s23;
	s15 =	sadd.s32 s7, s26  }
0x10: {  	s18 =	sadd.s32 s7, s10;
	s10 =	sadd.s32 s1, s10;
	[dreg:$0x6] =	wrdreg s24  }
0x11: {  	s20 =	sadd.s32 s4, s9;
	s22 =	sshrl.u32 s21, $0x3;
	[dreg:$0x7] =	wrdreg s13  }
0x12: {  	s23 =	sadd.s32 s4, s12;
	s4 =	sadd.s32 s4, s25;
	[dreg:$0x8] =	wrdreg s15  }
0x13: {  	s25 =	sadd.s32 s25, s2;
	s13 =	sadd.s32 s1, s26;
	[dreg:$0xa] =	wrdreg s18  }
0x14: {  	[dreg:$0xb] =	wrdreg s10;
	s6 =	sshrl.u32 s20, $0x3;
	s4 =	sshrl.u32 s4, $0x3  }
0x15: {  	s24 =	smul.u32 $0x4F000, s17;
	s20 =	sadd.s32 $0xC800, s0;
	[dreg:$0x9] =	wrdreg s13  }
0x16: {  	s13 =	sor.u32 $0x9800, s16;
	s15 =	sadd.s32 s8, s6;
	s16 =	sadd.s32 s8, s22  }
0x17: {  	s18 =	sadd.s32 s8, s4;
	s22 =	sadd.s32 s9, s2;
	s4 =	simm.s32 $0x1  }
0x18: {  	s6 =	simm.s32 $0x2;
	s7 =	sadd.s32 s7, s13;
	s1 =	sadd.s32 s1, s13  }
0x19: {  	s26 =	sshrl.u32 s24, $0x2;
	s24 =	sadd.s32 s12, s2;
	[dreg:$0xc] =	wrdreg s7  }
0x1a: {  	s12 =	simm.s32 $0x0;
	[dreg:$0xd] =	wrdreg s1;
	s1 =	sshrl.u32 s19, $0x3  }
.Ltmp0:
0x1b: {  	s19 =	sadd.s32 $0xD000, s0;
	s21 =	sadd.s32 s26, s2;
	(pc) =	sbr.rel .LBB2_1-.Ltmp0, $4  }
0x1c: {  	s26 =	smax.u32 s5, $0x1;
	s0 =	simm.s32 $0x80;
	s5 =	simm.s32 $0x100  }
0x1d: {  	s7 =	simm.s32 $0x1480;
	s14 =	sadd.s32 s8, s1;
	s1 =	sshrl.u32 s23, $0x3  }
0x1e: {  	_ =	strace $0x8000004A;
	s23 =	sadd.s32 s11, s2;
	s11 =	simm.s32 $0x2780  }
0x1f: {  	s17 =	sadd.s32 s8, s1;
	s1 =	simm.s32 $0x6800;
	s8 =	simm.s32 $0x4  }
.LBB2_13:
0x20: {  	s9 =	rddreg [dreg:$0xc]  }
0x21: {  	[tilespmem:s3], [sflag:$0x5] =	stream.linear.gather [hbm4b:s9+s3], $0x400, $0x38;
	[tilespmem:$0x1E400] =	vst v63  }
0x22: {  	_ =	swait.ge [sflag:s29], $0x400  }
0x23: {  	[sflag:s29] =	ssyncset.done $0x0  }
0x24: {  	s10 =	rddreg [dreg:$0xd];
	[sflag:s29] =	ssyncadd.s32 $0xFFFFFC00  }
0x25: {  	[tilespmem:s31], [sflag:$0x5] =	stream.linear.gather [hbm4b:s10+s3], $0x400, $0x38;
	[tilespmem:$0x1E400] =	vst v63  }
0x26: {  	_ =	swait.ge [sflag:s29], $0x400  }
0x27: {  	[sflag:s29] =	ssyncset.done $0x0  }
0x28: {  	[sflag:s29] =	ssyncadd.s32 $0xFFFFFC00  }
0x29: {  	[tilespmem:s28], [sflag:$0x1] =	stream.indirect.gather [hbm4b:s19+s0], $0x80, s3, s0, $0xb8;
	[tilespmem:$0x1E400] =	vst v63  }
0x2a: {  	_ = 	snop  }
0x2b: {  	[tilespmem:s1], [sflag:$0x2] =	stream.indirect.gather [hbm4b:s19+s0], $0x80, s0, s0, $0xb8;
	[tilespmem:$0x1E400] =	vst v63  }
0x2c: {  	_ =	swait.ge [sflag:s4], $0x4000  }
0x2d: {  	[sflag:s4] =	ssyncset.done $0x0  }
0x2e: {  	[sflag:s4] =	ssyncadd.s32 $0xFFFFC000  }
0x2f: {  	[spmem:s2] =	stream.indirect.scatter.add.f32 [tilespmem:s28], [sflag:$0x3], $0x80, s31, s0, $0xb8;
	[tilespmem:$0x1E400] =	vst v63  }
0x30: {  	_ =	swait.ge [sflag:s30], $0x4000  }
0x31: {  	[sflag:s30] =	ssyncset.done $0x0  }
0x32: {  	[sflag:s30] =	ssyncadd.s32 $0xFFFFC000  }
0x33: {  	[tilespmem:s28], [sflag:$0x1] =	stream.indirect.gather [hbm4b:s19+s0], $0x80, s5, s0, $0xb8;
	[tilespmem:$0x1E400] =	vst v63  }
0x34: {  	_ =	swait.ge [sflag:s6], $0x4000  }
0x35: {  	[sflag:s6] =	ssyncset.done $0x0  }
0x36: {  	[sflag:s6] =	ssyncadd.s32 $0xFFFFC000  }
0x37: {  	[spmem:s2] =	stream.indirect.scatter.add.f32 [tilespmem:s1], [sflag:$0x4], $0x80, s7, s0, $0xb8;
	[tilespmem:$0x1E400] =	vst v63  }
0x38: {  	_ =	swait.ge [sflag:s8], $0x4000  }
0x39: {  	[sflag:s8] =	ssyncset.done $0x0  }
0x3a: {  	s13 =	simm.s32 $0x180;
	[sflag:s8] =	ssyncadd.s32 $0xFFFFC000  }
0x3b: {  	[tilespmem:s1], [sflag:$0x2] =	stream.indirect.gather [hbm4b:s19+s0], $0x80, s13, s0, $0xb8;
	[tilespmem:$0x1E400] =	vst v63  }
0x3c: {  	_ =	swait.ge [sflag:s4], $0x4000  }
0x3d: {  	[sflag:s4] =	ssyncset.done $0x0  }
0x3e: {  	s10 =	simm.s32 $0x1500;
	[sflag:s4] =	ssyncadd.s32 $0xFFFFC000  }
0x3f: {  	[spmem:s2] =	stream.indirect.scatter.add.f32 [tilespmem:s28], [sflag:$0x3], $0x80, s10, s0, $0xb8;
	[tilespmem:$0x1E400] =	vst v63  }
0x40: {  	_ =	swait.ge [sflag:s30], $0x4000  }
0x41: {  	[sflag:s30] =	ssyncset.done $0x0  }
0x42: {  	s13 =	simm.s32 $0x200;
	[sflag:s30] =	ssyncadd.s32 $0xFFFFC000  }
0x43: {  	[tilespmem:s28], [sflag:$0x1] =	stream.indirect.gather [hbm4b:s19+s0], $0x80, s13, s0, $0xb8;
	[tilespmem:$0x1E400] =	vst v63  }
0x44: {  	_ =	swait.ge [sflag:s6], $0x4000  }
0x45: {  	[sflag:s6] =	ssyncset.done $0x0  }
0x46: {  	s10 =	simm.s32 $0x1580;
	[sflag:s6] =	ssyncadd.s32 $0xFFFFC000  }
0x47: {  	[spmem:s2] =	stream.indirect.scatter.add.f32 [tilespmem:s1], [sflag:$0x4], $0x80, s10, s0, $0xb8;
	[tilespmem:$0x1E400] =	vst v63  }
0x48: {  	_ =	swait.ge [sflag:s8], $0x4000  }
0x49: {  	[sflag:s8] =	ssyncset.done $0x0  }
0x4a: {  	s13 =	simm.s32 $0x280;
	[sflag:s8] =	ssyncadd.s32 $0xFFFFC000  }
0x4b: {  	[tilespmem:s1], [sflag:$0x2] =	stream.indirect.gather [hbm4b:s19+s0], $0x80, s13, s0, $0xb8;
	[tilespmem:$0x1E400] =	vst v63  }
0x4c: {  	_ =	swait.ge [sflag:s4], $0x4000  }
0x4d: {  	[sflag:s4] =	ssyncset.done $0x0  }
0x4e: {  	s10 =	simm.s32 $0x1600;
	[sflag:s4] =	ssyncadd.s32 $0xFFFFC000  }
0x4f: {  	[spmem:s2] =	stream.indirect.scatter.add.f32 [tilespmem:s28], [sflag:$0x3], $0x80, s10, s0, $0xb8;
	[tilespmem:$0x1E400] =	vst v63  }
0x50: {  	_ =	swait.ge [sflag:s30], $0x4000  }
0x51: {  	[sflag:s30] =	ssyncset.done $0x0  }
0x52: {  	s13 =	simm.s32 $0x300;
	[sflag:s30] =	ssyncadd.s32 $0xFFFFC000  }
0x53: {  	[tilespmem:s28], [sflag:$0x1] =	stream.indirect.gather [hbm4b:s19+s0], $0x80, s13, s0, $0xb8;
	[tilespmem:$0x1E400] =	vst v63  }
0x54: {  	_ =	swait.ge [sflag:s6], $0x4000  }
0x55: {  	[sflag:s6] =	ssyncset.done $0x0  }
0x56: {  	s10 =	simm.s32 $0x1680;
	[sflag:s6] =	ssyncadd.s32 $0xFFFFC000  }
0x57: {  	[spmem:s2] =	stream.indirect.scatter.add.f32 [tilespmem:s1], [sflag:$0x4], $0x80, s10, s0, $0xb8;
	[tilespmem:$0x1E400] =	vst v63  }
0x58: {  	_ =	swait.ge [sflag:s8], $0x4000  }
0x59: {  	[sflag:s8] =	ssyncset.done $0x0  }
0x5a: {  	s13 =	simm.s32 $0x380;
	[sflag:s8] =	ssyncadd.s32 $0xFFFFC000  }
0x5b: {  	[tilespmem:s1], [sflag:$0x2] =	stream.indirect.gather [hbm4b:s19+s0], $0x80, s13, s0, $0xb8;
	[tilespmem:$0x1E400] =	vst v63  }
0x5c: {  	_ =	swait.ge [sflag:s4], $0x4000  }
0x5d: {  	[sflag:s4] =	ssyncset.done $0x0  }
0x5e: {  	s10 =	simm.s32 $0x1700;
	[sflag:s4] =	ssyncadd.s32 $0xFFFFC000  }
0x5f: {  	[spmem:s2] =	stream.indirect.scatter.add.f32 [tilespmem:s28], [sflag:$0x3], $0x80, s10, s0, $0xb8;
	[tilespmem:$0x1E400] =	vst v63  }
0x60: {  	_ =	swait.ge [sflag:s30], $0x4000  }
0x61: {  	[sflag:s30] =	ssyncset.done $0x0  }
0x62: {  	[sflag:s30] =	ssyncadd.s32 $0xFFFFC000  }
0x63: {  	_ =	swait.ge [sflag:s6], $0x4000  }
0x64: {  	[sflag:s6] =	ssyncset.done $0x0  }
0x65: {  	s13 =	simm.s32 $0x1780;
	[sflag:s6] =	ssyncadd.s32 $0xFFFFC000  }
0x66: {  	[spmem:s2] =	stream.indirect.scatter.add.f32 [tilespmem:s1], [sflag:$0x4], $0x80, s13, s0, $0xb8;
	[tilespmem:$0x1E400] =	vst v63  }
.LBB2_11:
0x67: {  	_ =	swait.ge [sflag:s8], $0x4000  }
0x68: {  	[sflag:s8] =	ssyncset.done $0x0  }
0x69: {  	[sflag:s8] =	ssyncadd.s32 $0xFFFFC000  }
0x6a: {  	[bflag:$0x0] =	sbarrier.arrive $0xFFFF  }
0x6b: {  	[tilespmem:s28], [sflag:$0x5] =	stream.linear.gather [spmem:s21], $0x4000, $0x38;
	[tilespmem:$0x1E400] =	vst v63  }
0x6c: {  	_ =	swait.ge [sflag:s29], $0x4000  }
0x6d: {  	[sflag:s29] =	ssyncset.done $0x0  }
0x6e: {  	[sflag:s29] =	ssyncadd.s32 $0xFFFFC000  }
0x6f: {  	[hbm4b:s14+s3] =	stream.linear.scatter [tilespmem:s28], [sflag:$0x1], $0x4000, $0x38;
	[tilespmem:$0x1E400] =	vst v63  }
0x70: {  	_ = 	snop  }
0x71: {  	[tilespmem:s1], [sflag:$0x5] =	stream.linear.gather [spmem:s22], $0x4000, $0x38;
	[tilespmem:$0x1E400] =	vst v63  }
0x72: {  	_ =	swait.ge [sflag:s29], $0x4000  }
0x73: {  	[sflag:s29] =	ssyncset.done $0x0  }
0x74: {  	[sflag:s29] =	ssyncadd.s32 $0xFFFFC000  }
0x75: {  	[hbm4b:s15+s3] =	stream.linear.scatter [tilespmem:s1], [sflag:$0x2], $0x4000, $0x38;
	[tilespmem:$0x1E400] =	vst v63  }
0x76: {  	_ =	swait.ge [sflag:s4], $0x4000  }
0x77: {  	[sflag:s4] =	ssyncset.done $0x0  }
0x78: {  	[sflag:s4] =	ssyncadd.s32 $0xFFFFC000  }
0x79: {  	[tilespmem:s28], [sflag:$0x5] =	stream.linear.gather [spmem:s23], $0x4000, $0x38;
	[tilespmem:$0x1E400] =	vst v63  }
0x7a: {  	_ =	swait.ge [sflag:s29], $0x4000  }
0x7b: {  	[sflag:s29] =	ssyncset.done $0x0  }
0x7c: {  	[sflag:s29] =	ssyncadd.s32 $0xFFFFC000  }
0x7d: {  	[hbm4b:s16+s3] =	stream.linear.scatter [tilespmem:s28], [sflag:$0x1], $0x4000, $0x38;
	[tilespmem:$0x1E400] =	vst v63  }
0x7e: {  	_ =	swait.ge [sflag:s6], $0x4000  }
0x7f: {  	[sflag:s6] =	ssyncset.done $0x0  }
0x80: {  	[sflag:s6] =	ssyncadd.s32 $0xFFFFC000  }
0x81: {  	[tilespmem:s1], [sflag:$0x5] =	stream.linear.gather [spmem:s24], $0x4000, $0x38;
	[tilespmem:$0x1E400] =	vst v63  }
0x82: {  	_ =	swait.ge [sflag:s29], $0x4000  }
0x83: {  	[sflag:s29] =	ssyncset.done $0x0  }
0x84: {  	[sflag:s29] =	ssyncadd.s32 $0xFFFFC000  }
0x85: {  	[hbm4b:s17+s3] =	stream.linear.scatter [tilespmem:s1], [sflag:$0x2], $0x4000, $0x38;
	[tilespmem:$0x1E400] =	vst v63  }
0x86: {  	_ =	swait.ge [sflag:s4], $0x4000  }
0x87: {  	[sflag:s4] =	ssyncset.done $0x0  }
0x88: {  	[sflag:s4] =	ssyncadd.s32 $0xFFFFC000  }
0x89: {  	[tilespmem:s28], [sflag:$0x5] =	stream.linear.gather [spmem:s25], $0x3C00, $0x38;
	[tilespmem:$0x1E400] =	vst v63  }
0x8a: {  	_ =	swait.ge [sflag:s29], $0x3C00  }
0x8b: {  	[sflag:s29] =	ssyncset.done $0x0  }
0x8c: {  	s12 =	sadd.s32 $0x1, s12;
	[sflag:s29] =	ssyncadd.s32 $0xFFFFC400  }
0x8d: {  	[hbm4b:s18+s3] =	stream.linear.scatter [tilespmem:s28], [sflag:$0x1], $0x3C00, $0x38;
	[tilespmem:$0x1E400] =	vst v63  }
0x8e: {  	p1 =	sne.s32 s12, s26;
	_ =	swait.ge [sflag:s6], $0x4000  }
.Ltmp1:
0x8f: {  	[sflag:s6] =	ssyncset.done $0x0;
	(pc) =	sbr.rel @!p1 .LBB2_12-.Ltmp1, $4  }
0x90: {  	[sflag:s6] =	ssyncadd.s32 $0xFFFFC000  }
0x91: {  	_ =	swait.ge [sflag:s4], $0x3C00  }
0x92: {  	[sflag:s4] =	ssyncset.done $0x0  }
0x93: {  	[sflag:s4] =	ssyncadd.s32 $0xFFFFC400  }
.LBB2_1:
0x94: {  	[tilespmem:s28], [sflag:$0x5] =	stream.linear.gather [hbm4b:s20+s3], $0x4000, $0x38;
	[tilespmem:$0x1E400] =	vst v63  }
0x95: {  	_ =	swait.ge [sflag:s29], $0x4000  }
0x96: {  	[sflag:s29] =	ssyncset.done $0x0  }
0x97: {  	[sflag:s29] =	ssyncadd.s32 $0xFFFFC000  }
0x98: {  	[spmem:s21] =	stream.linear.scatter [tilespmem:s28], [sflag:$0x3], $0x4000, $0x38;
	[tilespmem:$0x1E400] =	vst v63  }
0x99: {  	_ = 	snop  }
0x9a: {  	[spmem:s22] =	stream.linear.scatter [tilespmem:s28], [sflag:$0x3], $0x4000, $0x38;
	[tilespmem:$0x1E400] =	vst v63  }
0x9b: {  	_ = 	snop  }
0x9c: {  	[spmem:s23] =	stream.linear.scatter [tilespmem:s28], [sflag:$0x3], $0x4000, $0x38;
	[tilespmem:$0x1E400] =	vst v63  }
0x9d: {  	_ = 	snop  }
0x9e: {  	[spmem:s24] =	stream.linear.scatter [tilespmem:s28], [sflag:$0x3], $0x4000, $0x38;
	[tilespmem:$0x1E400] =	vst v63  }
0x9f: {  	_ = 	snop  }
0xa0: {  	[spmem:s25] =	stream.linear.scatter [tilespmem:s28], [sflag:$0x3], $0x3C00, $0x38;
	[tilespmem:$0x1E400] =	vst v63  }
0xa1: {  	_ =	swait.ge [sflag:s30], $0x4000  }
0xa2: {  	[sflag:s30] =	ssyncset.done $0x0  }
0xa3: {  	[sflag:s30] =	ssyncadd.s32 $0xFFFFC000  }
0xa4: {  	_ =	swait.ge [sflag:s30], $0x4000  }
0xa5: {  	[sflag:s30] =	ssyncset.done $0x0  }
0xa6: {  	[sflag:s30] =	ssyncadd.s32 $0xFFFFC000  }
0xa7: {  	_ =	swait.ge [sflag:s30], $0x4000  }
0xa8: {  	[sflag:s30] =	ssyncset.done $0x0  }
0xa9: {  	[sflag:s30] =	ssyncadd.s32 $0xFFFFC000  }
0xaa: {  	_ =	swait.ge [sflag:s30], $0x4000  }
0xab: {  	[sflag:s30] =	ssyncset.done $0x0  }
0xac: {  	[sflag:s30] =	ssyncadd.s32 $0xFFFFC000  }
.Ltmp2:
0xad: {  	_ =	swait.ge [sflag:s30], $0x3C00;
	(pc) =	sbr.rel @p0 .LBB2_13-.Ltmp2, $3  }
0xae: {  	[sflag:s30] =	ssyncset.done $0x0  }
0xaf: {  	[sflag:s30] =	ssyncadd.s32 $0xFFFFC400  }
0xb0: {  	[bflag:$0x0] =	sbarrier.arrive $0xFFFF;
	_ =	sdelay $0x1  }
0xb1: {  	s9 =	rddreg [dreg:$0x4]  }
0xb2: {  	[tilespmem:s3], [sflag:$0x5] =	stream.linear.gather [hbm4b:s9+s3], $0x1400, $0x38;
	[tilespmem:$0x1E400] =	vst v63  }
0xb3: {  	_ =	swait.ge [sflag:s29], $0x1400  }
0xb4: {  	[sflag:s29] =	ssyncset.done $0x0  }
0xb5: {  	s10 =	rddreg [dreg:$0x5];
	[sflag:s29] =	ssyncadd.s32 $0xFFFFEC00  }
0xb6: {  	[tilespmem:s31], [sflag:$0x5] =	stream.linear.gather [hbm4b:s10+s3], $0x1400, $0x38;
	[tilespmem:$0x1E400] =	vst v63  }
0xb7: {  	_ =	swait.ge [sflag:s29], $0x1400  }
0xb8: {  	[sflag:s29] =	ssyncset.done $0x0  }
0xb9: {  	[sflag:s29] =	ssyncadd.s32 $0xFFFFEC00  }
0xba: {  	[tilespmem:s28], [sflag:$0x1] =	stream.indirect.gather [hbm4b:s19+s0], $0x80, s3, s0, $0xb8;
	[tilespmem:$0x1E400] =	vst v63  }
0xbb: {  	_ = 	snop  }
0xbc: {  	[tilespmem:s1], [sflag:$0x2] =	stream.indirect.gather [hbm4b:s19+s0], $0x80, s0, s0, $0xb8;
	[tilespmem:$0x1E400] =	vst v63  }
0xbd: {  	_ =	swait.ge [sflag:s4], $0x4000  }
0xbe: {  	[sflag:s4] =	ssyncset.done $0x0  }
0xbf: {  	[sflag:s4] =	ssyncadd.s32 $0xFFFFC000  }
0xc0: {  	[spmem:s2] =	stream.indirect.scatter.add.f32 [tilespmem:s28], [sflag:$0x3], $0x80, s31, s0, $0xb8;
	[tilespmem:$0x1E400] =	vst v63  }
0xc1: {  	_ =	swait.ge [sflag:s30], $0x4000  }
0xc2: {  	[sflag:s30] =	ssyncset.done $0x0  }
0xc3: {  	[sflag:s30] =	ssyncadd.s32 $0xFFFFC000  }
0xc4: {  	[tilespmem:s28], [sflag:$0x1] =	stream.indirect.gather [hbm4b:s19+s0], $0x80, s5, s0, $0xb8;
	[tilespmem:$0x1E400] =	vst v63  }
0xc5: {  	_ =	swait.ge [sflag:s6], $0x4000  }
0xc6: {  	[sflag:s6] =	ssyncset.done $0x0  }
0xc7: {  	[sflag:s6] =	ssyncadd.s32 $0xFFFFC000  }
0xc8: {  	[spmem:s2] =	stream.indirect.scatter.add.f32 [tilespmem:s1], [sflag:$0x4], $0x80, s7, s0, $0xb8;
	[tilespmem:$0x1E400] =	vst v63  }
0xc9: {  	_ =	swait.ge [sflag:s8], $0x4000  }
0xca: {  	[sflag:s8] =	ssyncset.done $0x0  }
0xcb: {  	s13 =	simm.s32 $0x180;
	[sflag:s8] =	ssyncadd.s32 $0xFFFFC000  }
0xcc: {  	[tilespmem:s1], [sflag:$0x2] =	stream.indirect.gather [hbm4b:s19+s0], $0x80, s13, s0, $0xb8;
	[tilespmem:$0x1E400] =	vst v63  }
0xcd: {  	_ =	swait.ge [sflag:s4], $0x4000  }
0xce: {  	[sflag:s4] =	ssyncset.done $0x0  }
0xcf: {  	s10 =	simm.s32 $0x1500;
	[sflag:s4] =	ssyncadd.s32 $0xFFFFC000  }
0xd0: {  	[spmem:s2] =	stream.indirect.scatter.add.f32 [tilespmem:s28], [sflag:$0x3], $0x80, s10, s0, $0xb8;
	[tilespmem:$0x1E400] =	vst v63  }
0xd1: {  	_ =	swait.ge [sflag:s30], $0x4000  }
0xd2: {  	[sflag:s30] =	ssyncset.done $0x0  }
0xd3: {  	s13 =	simm.s32 $0x200;
	[sflag:s30] =	ssyncadd.s32 $0xFFFFC000  }
0xd4: {  	[tilespmem:s28], [sflag:$0x1] =	stream.indirect.gather [hbm4b:s19+s0], $0x80, s13, s0, $0xb8;
	[tilespmem:$0x1E400] =	vst v63  }
0xd5: {  	_ =	swait.ge [sflag:s6], $0x4000  }
0xd6: {  	[sflag:s6] =	ssyncset.done $0x0  }
0xd7: {  	s9 =	simm.s32 $0x1580;
	s13 =	simm.s32 $0xFFFFBC00;
	[sflag:s6] =	ssyncadd.s32 $0xFFFFC000  }
.LBB2_3:
0xd8: {  	[spmem:s2] =	stream.indirect.scatter.add.f32 [tilespmem:s1], [sflag:$0x4], $0x80, s9, s0, $0xb8;
	[tilespmem:$0x1E400] =	vst v63  }
0xd9: {  	s9 =	smov.u32 s13  }
0xda: {  	p1 =	sne.s32 s13, $0xFFFFFC00;
	s13 =	sadd.s32 $0x400, s13;
	_ =	swait.ge [sflag:s8], $0x4000  }
0xdb: {  	s9 =	sshra.s32 s9, $0x2;
	[sflag:s8] =	ssyncset.done $0x0  }
0xdc: {  	s10 =	sadd.s32 $0x1380, s9;
	[sflag:s8] =	ssyncadd.s32 $0xFFFFC000  }
0xdd: {  	[tilespmem:s1], [sflag:$0x2] =	stream.indirect.gather [hbm4b:s19+s0], $0x80, s10, s0, $0xb8;
	[tilespmem:$0x1E400] =	vst v63  }
0xde: {  	_ =	swait.ge [sflag:s4], $0x4000  }
0xdf: {  	[sflag:s4] =	ssyncset.done $0x0  }
0xe0: {  	s10 =	sadd.s32 $0x2700, s9;
	[sflag:s4] =	ssyncadd.s32 $0xFFFFC000  }
0xe1: {  	[spmem:s2] =	stream.indirect.scatter.add.f32 [tilespmem:s28], [sflag:$0x3], $0x80, s10, s0, $0xb8;
	[tilespmem:$0x1E400] =	vst v63  }
0xe2: {  	_ =	swait.ge [sflag:s30], $0x4000  }
0xe3: {  	[sflag:s30] =	ssyncset.done $0x0  }
.Ltmp3:
0xe4: {  	s10 =	sadd.s32 $0x1400, s9;
	[sflag:s30] =	ssyncadd.s32 $0xFFFFC000;
	(pc) =	sbr.rel @p1 .LBB2_3-.Ltmp3, $4  }
0xe5: {  	[tilespmem:s28], [sflag:$0x1] =	stream.indirect.gather [hbm4b:s19+s0], $0x80, s10, s0, $0xb8;
	[tilespmem:$0x1E400] =	vst v63  }
0xe6: {  	_ =	swait.ge [sflag:s6], $0x4000  }
0xe7: {  	[sflag:s6] =	ssyncset.done $0x0  }
0xe8: {  	s9 =	sadd.s32 $0x2780, s9;
	[sflag:s6] =	ssyncadd.s32 $0xFFFFC000  }
0xe9: {  	[spmem:s2] =	stream.indirect.scatter.add.f32 [tilespmem:s1], [sflag:$0x4], $0x80, s9, s0, $0xb8;
	[tilespmem:$0x1E400] =	vst v63  }
0xea: {  	_ =	swait.ge [sflag:s8], $0x4000  }
0xeb: {  	[sflag:s8] =	ssyncset.done $0x0  }
0xec: {  	s13 =	simm.s32 $0x1380;
	[sflag:s8] =	ssyncadd.s32 $0xFFFFC000  }
0xed: {  	[tilespmem:s1], [sflag:$0x2] =	stream.indirect.gather [hbm4b:s19+s0], $0x80, s13, s0, $0xb8;
	[tilespmem:$0x1E400] =	vst v63  }
0xee: {  	_ =	swait.ge [sflag:s4], $0x4000  }
0xef: {  	[sflag:s4] =	ssyncset.done $0x0  }
0xf0: {  	s10 =	simm.s32 $0x2700;
	[sflag:s4] =	ssyncadd.s32 $0xFFFFC000  }
0xf1: {  	[spmem:s2] =	stream.indirect.scatter.add.f32 [tilespmem:s28], [sflag:$0x3], $0x80, s10, s0, $0xb8;
	[tilespmem:$0x1E400] =	vst v63  }
0xf2: {  	_ =	swait.ge [sflag:s30], $0x4000  }
0xf3: {  	[sflag:s30] =	ssyncset.done $0x0  }
0xf4: {  	[sflag:s30] =	ssyncadd.s32 $0xFFFFC000  }
0xf5: {  	_ =	swait.ge [sflag:s6], $0x4000  }
0xf6: {  	[sflag:s6] =	ssyncset.done $0x0  }
0xf7: {  	[sflag:s6] =	ssyncadd.s32 $0xFFFFC000  }
0xf8: {  	[spmem:s2] =	stream.indirect.scatter.add.f32 [tilespmem:s1], [sflag:$0x4], $0x80, s11, s0, $0xb8;
	[tilespmem:$0x1E400] =	vst v63  }
0xf9: {  	_ =	swait.ge [sflag:s8], $0x4000  }
0xfa: {  	[sflag:s8] =	ssyncset.done $0x0  }
0xfb: {  	s13 =	rddreg [dreg:$0x6];
	[sflag:s8] =	ssyncadd.s32 $0xFFFFC000  }
0xfc: {  	[tilespmem:s3], [sflag:$0x5] =	stream.linear.gather [hbm4b:s13+s3], $0x1400, $0x38;
	[tilespmem:$0x1E400] =	vst v63  }
0xfd: {  	_ =	swait.ge [sflag:s29], $0x1400  }
0xfe: {  	[sflag:s29] =	ssyncset.done $0x0  }
0xff: {  	s10 =	rddreg [dreg:$0x7];
	[sflag:s29] =	ssyncadd.s32 $0xFFFFEC00  }
0x100: {  	[tilespmem:s31], [sflag:$0x5] =	stream.linear.gather [hbm4b:s10+s3], $0x1400, $0x38;
	[tilespmem:$0x1E400] =	vst v63  }
0x101: {  	_ =	swait.ge [sflag:s29], $0x1400  }
0x102: {  	[sflag:s29] =	ssyncset.done $0x0  }
0x103: {  	[sflag:s29] =	ssyncadd.s32 $0xFFFFEC00  }
0x104: {  	[tilespmem:s28], [sflag:$0x1] =	stream.indirect.gather [hbm4b:s19+s0], $0x80, s3, s0, $0xb8;
	[tilespmem:$0x1E400] =	vst v63  }
0x105: {  	_ = 	snop  }
0x106: {  	[tilespmem:s1], [sflag:$0x2] =	stream.indirect.gather [hbm4b:s19+s0], $0x80, s0, s0, $0xb8;
	[tilespmem:$0x1E400] =	vst v63  }
0x107: {  	_ =	swait.ge [sflag:s4], $0x4000  }
0x108: {  	[sflag:s4] =	ssyncset.done $0x0  }
0x109: {  	[sflag:s4] =	ssyncadd.s32 $0xFFFFC000  }
0x10a: {  	[spmem:s2] =	stream.indirect.scatter.add.f32 [tilespmem:s28], [sflag:$0x3], $0x80, s31, s0, $0xb8;
	[tilespmem:$0x1E400] =	vst v63  }
0x10b: {  	_ =	swait.ge [sflag:s30], $0x4000  }
0x10c: {  	[sflag:s30] =	ssyncset.done $0x0  }
0x10d: {  	[sflag:s30] =	ssyncadd.s32 $0xFFFFC000  }
0x10e: {  	[tilespmem:s28], [sflag:$0x1] =	stream.indirect.gather [hbm4b:s19+s0], $0x80, s5, s0, $0xb8;
	[tilespmem:$0x1E400] =	vst v63  }
0x10f: {  	_ =	swait.ge [sflag:s6], $0x4000  }
0x110: {  	[sflag:s6] =	ssyncset.done $0x0  }
0x111: {  	[sflag:s6] =	ssyncadd.s32 $0xFFFFC000  }
0x112: {  	[spmem:s2] =	stream.indirect.scatter.add.f32 [tilespmem:s1], [sflag:$0x4], $0x80, s7, s0, $0xb8;
	[tilespmem:$0x1E400] =	vst v63  }
0x113: {  	_ =	swait.ge [sflag:s8], $0x4000  }
0x114: {  	[sflag:s8] =	ssyncset.done $0x0  }
0x115: {  	s13 =	simm.s32 $0x180;
	[sflag:s8] =	ssyncadd.s32 $0xFFFFC000  }
0x116: {  	[tilespmem:s1], [sflag:$0x2] =	stream.indirect.gather [hbm4b:s19+s0], $0x80, s13, s0, $0xb8;
	[tilespmem:$0x1E400] =	vst v63  }
0x117: {  	_ =	swait.ge [sflag:s4], $0x4000  }
0x118: {  	[sflag:s4] =	ssyncset.done $0x0  }
0x119: {  	s10 =	simm.s32 $0x1500;
	[sflag:s4] =	ssyncadd.s32 $0xFFFFC000  }
0x11a: {  	[spmem:s2] =	stream.indirect.scatter.add.f32 [tilespmem:s28], [sflag:$0x3], $0x80, s10, s0, $0xb8;
	[tilespmem:$0x1E400] =	vst v63  }
0x11b: {  	_ =	swait.ge [sflag:s30], $0x4000  }
0x11c: {  	[sflag:s30] =	ssyncset.done $0x0  }
0x11d: {  	s13 =	simm.s32 $0x200;
	[sflag:s30] =	ssyncadd.s32 $0xFFFFC000  }
0x11e: {  	[tilespmem:s28], [sflag:$0x1] =	stream.indirect.gather [hbm4b:s19+s0], $0x80, s13, s0, $0xb8;
	[tilespmem:$0x1E400] =	vst v63  }
0x11f: {  	_ =	swait.ge [sflag:s6], $0x4000  }
0x120: {  	[sflag:s6] =	ssyncset.done $0x0  }
0x121: {  	s9 =	simm.s32 $0x1580;
	s13 =	simm.s32 $0xFFFFBC00;
	[sflag:s6] =	ssyncadd.s32 $0xFFFFC000  }
.LBB2_5:
0x122: {  	[spmem:s2] =	stream.indirect.scatter.add.f32 [tilespmem:s1], [sflag:$0x4], $0x80, s9, s0, $0xb8;
	[tilespmem:$0x1E400] =	vst v63  }
0x123: {  	s9 =	smov.u32 s13  }
0x124: {  	p1 =	sne.s32 s13, $0xFFFFFC00;
	s13 =	sadd.s32 $0x400, s13;
	_ =	swait.ge [sflag:s8], $0x4000  }
0x125: {  	s9 =	sshra.s32 s9, $0x2;
	[sflag:s8] =	ssyncset.done $0x0  }
0x126: {  	s10 =	sadd.s32 $0x1380, s9;
	[sflag:s8] =	ssyncadd.s32 $0xFFFFC000  }
0x127: {  	[tilespmem:s1], [sflag:$0x2] =	stream.indirect.gather [hbm4b:s19+s0], $0x80, s10, s0, $0xb8;
	[tilespmem:$0x1E400] =	vst v63  }
0x128: {  	_ =	swait.ge [sflag:s4], $0x4000  }
0x129: {  	[sflag:s4] =	ssyncset.done $0x0  }
0x12a: {  	s10 =	sadd.s32 $0x2700, s9;
	[sflag:s4] =	ssyncadd.s32 $0xFFFFC000  }
0x12b: {  	[spmem:s2] =	stream.indirect.scatter.add.f32 [tilespmem:s28], [sflag:$0x3], $0x80, s10, s0, $0xb8;
	[tilespmem:$0x1E400] =	vst v63  }
0x12c: {  	_ =	swait.ge [sflag:s30], $0x4000  }
0x12d: {  	[sflag:s30] =	ssyncset.done $0x0  }
.Ltmp4:
0x12e: {  	s10 =	sadd.s32 $0x1400, s9;
	[sflag:s30] =	ssyncadd.s32 $0xFFFFC000;
	(pc) =	sbr.rel @p1 .LBB2_5-.Ltmp4, $4  }
0x12f: {  	[tilespmem:s28], [sflag:$0x1] =	stream.indirect.gather [hbm4b:s19+s0], $0x80, s10, s0, $0xb8;
	[tilespmem:$0x1E400] =	vst v63  }
0x130: {  	_ =	swait.ge [sflag:s6], $0x4000  }
0x131: {  	[sflag:s6] =	ssyncset.done $0x0  }
0x132: {  	s9 =	sadd.s32 $0x2780, s9;
	[sflag:s6] =	ssyncadd.s32 $0xFFFFC000  }
0x133: {  	[spmem:s2] =	stream.indirect.scatter.add.f32 [tilespmem:s1], [sflag:$0x4], $0x80, s9, s0, $0xb8;
	[tilespmem:$0x1E400] =	vst v63  }
0x134: {  	_ =	swait.ge [sflag:s8], $0x4000  }
0x135: {  	[sflag:s8] =	ssyncset.done $0x0  }
0x136: {  	s13 =	simm.s32 $0x1380;
	[sflag:s8] =	ssyncadd.s32 $0xFFFFC000  }
0x137: {  	[tilespmem:s1], [sflag:$0x2] =	stream.indirect.gather [hbm4b:s19+s0], $0x80, s13, s0, $0xb8;
	[tilespmem:$0x1E400] =	vst v63  }
0x138: {  	_ =	swait.ge [sflag:s4], $0x4000  }
0x139: {  	[sflag:s4] =	ssyncset.done $0x0  }
0x13a: {  	s10 =	simm.s32 $0x2700;
	[sflag:s4] =	ssyncadd.s32 $0xFFFFC000  }
0x13b: {  	[spmem:s2] =	stream.indirect.scatter.add.f32 [tilespmem:s28], [sflag:$0x3], $0x80, s10, s0, $0xb8;
	[tilespmem:$0x1E400] =	vst v63  }
0x13c: {  	_ =	swait.ge [sflag:s30], $0x4000  }
0x13d: {  	[sflag:s30] =	ssyncset.done $0x0  }
0x13e: {  	[sflag:s30] =	ssyncadd.s32 $0xFFFFC000  }
0x13f: {  	_ =	swait.ge [sflag:s6], $0x4000  }
0x140: {  	[sflag:s6] =	ssyncset.done $0x0  }
0x141: {  	[sflag:s6] =	ssyncadd.s32 $0xFFFFC000  }
0x142: {  	[spmem:s2] =	stream.indirect.scatter.add.f32 [tilespmem:s1], [sflag:$0x4], $0x80, s11, s0, $0xb8;
	[tilespmem:$0x1E400] =	vst v63  }
0x143: {  	_ =	swait.ge [sflag:s8], $0x4000  }
0x144: {  	[sflag:s8] =	ssyncset.done $0x0  }
0x145: {  	s13 =	rddreg [dreg:$0x8];
	[sflag:s8] =	ssyncadd.s32 $0xFFFFC000  }
0x146: {  	[tilespmem:s3], [sflag:$0x5] =	stream.linear.gather [hbm4b:s13+s3], $0x1400, $0x38;
	[tilespmem:$0x1E400] =	vst v63  }
0x147: {  	_ =	swait.ge [sflag:s29], $0x1400  }
0x148: {  	[sflag:s29] =	ssyncset.done $0x0  }
0x149: {  	s10 =	rddreg [dreg:$0x9];
	[sflag:s29] =	ssyncadd.s32 $0xFFFFEC00  }
0x14a: {  	[tilespmem:s31], [sflag:$0x5] =	stream.linear.gather [hbm4b:s10+s3], $0x1400, $0x38;
	[tilespmem:$0x1E400] =	vst v63  }
0x14b: {  	_ =	swait.ge [sflag:s29], $0x1400  }
0x14c: {  	[sflag:s29] =	ssyncset.done $0x0  }
0x14d: {  	[sflag:s29] =	ssyncadd.s32 $0xFFFFEC00  }
0x14e: {  	[tilespmem:s28], [sflag:$0x1] =	stream.indirect.gather [hbm4b:s19+s0], $0x80, s3, s0, $0xb8;
	[tilespmem:$0x1E400] =	vst v63  }
0x14f: {  	_ = 	snop  }
0x150: {  	[tilespmem:s1], [sflag:$0x2] =	stream.indirect.gather [hbm4b:s19+s0], $0x80, s0, s0, $0xb8;
	[tilespmem:$0x1E400] =	vst v63  }
0x151: {  	_ =	swait.ge [sflag:s4], $0x4000  }
0x152: {  	[sflag:s4] =	ssyncset.done $0x0  }
0x153: {  	[sflag:s4] =	ssyncadd.s32 $0xFFFFC000  }
0x154: {  	[spmem:s2] =	stream.indirect.scatter.add.f32 [tilespmem:s28], [sflag:$0x3], $0x80, s31, s0, $0xb8;
	[tilespmem:$0x1E400] =	vst v63  }
0x155: {  	_ =	swait.ge [sflag:s30], $0x4000  }
0x156: {  	[sflag:s30] =	ssyncset.done $0x0  }
0x157: {  	[sflag:s30] =	ssyncadd.s32 $0xFFFFC000  }
0x158: {  	[tilespmem:s28], [sflag:$0x1] =	stream.indirect.gather [hbm4b:s19+s0], $0x80, s5, s0, $0xb8;
	[tilespmem:$0x1E400] =	vst v63  }
0x159: {  	_ =	swait.ge [sflag:s6], $0x4000  }
0x15a: {  	[sflag:s6] =	ssyncset.done $0x0  }
0x15b: {  	[sflag:s6] =	ssyncadd.s32 $0xFFFFC000  }
0x15c: {  	[spmem:s2] =	stream.indirect.scatter.add.f32 [tilespmem:s1], [sflag:$0x4], $0x80, s7, s0, $0xb8;
	[tilespmem:$0x1E400] =	vst v63  }
0x15d: {  	_ =	swait.ge [sflag:s8], $0x4000  }
0x15e: {  	[sflag:s8] =	ssyncset.done $0x0  }
0x15f: {  	s13 =	simm.s32 $0x180;
	[sflag:s8] =	ssyncadd.s32 $0xFFFFC000  }
0x160: {  	[tilespmem:s1], [sflag:$0x2] =	stream.indirect.gather [hbm4b:s19+s0], $0x80, s13, s0, $0xb8;
	[tilespmem:$0x1E400] =	vst v63  }
0x161: {  	_ =	swait.ge [sflag:s4], $0x4000  }
0x162: {  	[sflag:s4] =	ssyncset.done $0x0  }
0x163: {  	s10 =	simm.s32 $0x1500;
	[sflag:s4] =	ssyncadd.s32 $0xFFFFC000  }
0x164: {  	[spmem:s2] =	stream.indirect.scatter.add.f32 [tilespmem:s28], [sflag:$0x3], $0x80, s10, s0, $0xb8;
	[tilespmem:$0x1E400] =	vst v63  }
0x165: {  	_ =	swait.ge [sflag:s30], $0x4000  }
0x166: {  	[sflag:s30] =	ssyncset.done $0x0  }
0x167: {  	s13 =	simm.s32 $0x200;
	[sflag:s30] =	ssyncadd.s32 $0xFFFFC000  }
0x168: {  	[tilespmem:s28], [sflag:$0x1] =	stream.indirect.gather [hbm4b:s19+s0], $0x80, s13, s0, $0xb8;
	[tilespmem:$0x1E400] =	vst v63  }
0x169: {  	_ =	swait.ge [sflag:s6], $0x4000  }
0x16a: {  	[sflag:s6] =	ssyncset.done $0x0  }
0x16b: {  	s9 =	simm.s32 $0x1580;
	s13 =	simm.s32 $0xFFFFBC00;
	[sflag:s6] =	ssyncadd.s32 $0xFFFFC000  }
.LBB2_7:
0x16c: {  	[spmem:s2] =	stream.indirect.scatter.add.f32 [tilespmem:s1], [sflag:$0x4], $0x80, s9, s0, $0xb8;
	[tilespmem:$0x1E400] =	vst v63  }
0x16d: {  	s9 =	smov.u32 s13  }
0x16e: {  	p1 =	sne.s32 s13, $0xFFFFFC00;
	s13 =	sadd.s32 $0x400, s13;
	_ =	swait.ge [sflag:s8], $0x4000  }
0x16f: {  	s9 =	sshra.s32 s9, $0x2;
	[sflag:s8] =	ssyncset.done $0x0  }
0x170: {  	s10 =	sadd.s32 $0x1380, s9;
	[sflag:s8] =	ssyncadd.s32 $0xFFFFC000  }
0x171: {  	[tilespmem:s1], [sflag:$0x2] =	stream.indirect.gather [hbm4b:s19+s0], $0x80, s10, s0, $0xb8;
	[tilespmem:$0x1E400] =	vst v63  }
0x172: {  	_ =	swait.ge [sflag:s4], $0x4000  }
0x173: {  	[sflag:s4] =	ssyncset.done $0x0  }
0x174: {  	s10 =	sadd.s32 $0x2700, s9;
	[sflag:s4] =	ssyncadd.s32 $0xFFFFC000  }
0x175: {  	[spmem:s2] =	stream.indirect.scatter.add.f32 [tilespmem:s28], [sflag:$0x3], $0x80, s10, s0, $0xb8;
	[tilespmem:$0x1E400] =	vst v63  }
0x176: {  	_ =	swait.ge [sflag:s30], $0x4000  }
0x177: {  	[sflag:s30] =	ssyncset.done $0x0  }
.Ltmp5:
0x178: {  	s10 =	sadd.s32 $0x1400, s9;
	[sflag:s30] =	ssyncadd.s32 $0xFFFFC000;
	(pc) =	sbr.rel @p1 .LBB2_7-.Ltmp5, $4  }
0x179: {  	[tilespmem:s28], [sflag:$0x1] =	stream.indirect.gather [hbm4b:s19+s0], $0x80, s10, s0, $0xb8;
	[tilespmem:$0x1E400] =	vst v63  }
0x17a: {  	_ =	swait.ge [sflag:s6], $0x4000  }
0x17b: {  	[sflag:s6] =	ssyncset.done $0x0  }
0x17c: {  	s9 =	sadd.s32 $0x2780, s9;
	[sflag:s6] =	ssyncadd.s32 $0xFFFFC000  }
0x17d: {  	[spmem:s2] =	stream.indirect.scatter.add.f32 [tilespmem:s1], [sflag:$0x4], $0x80, s9, s0, $0xb8;
	[tilespmem:$0x1E400] =	vst v63  }
0x17e: {  	_ =	swait.ge [sflag:s8], $0x4000  }
0x17f: {  	[sflag:s8] =	ssyncset.done $0x0  }
0x180: {  	s13 =	simm.s32 $0x1380;
	[sflag:s8] =	ssyncadd.s32 $0xFFFFC000  }
0x181: {  	[tilespmem:s1], [sflag:$0x2] =	stream.indirect.gather [hbm4b:s19+s0], $0x80, s13, s0, $0xb8;
	[tilespmem:$0x1E400] =	vst v63  }
0x182: {  	_ =	swait.ge [sflag:s4], $0x4000  }
0x183: {  	[sflag:s4] =	ssyncset.done $0x0  }
0x184: {  	s10 =	simm.s32 $0x2700;
	[sflag:s4] =	ssyncadd.s32 $0xFFFFC000  }
0x185: {  	[spmem:s2] =	stream.indirect.scatter.add.f32 [tilespmem:s28], [sflag:$0x3], $0x80, s10, s0, $0xb8;
	[tilespmem:$0x1E400] =	vst v63  }
0x186: {  	_ =	swait.ge [sflag:s30], $0x4000  }
0x187: {  	[sflag:s30] =	ssyncset.done $0x0  }
0x188: {  	[sflag:s30] =	ssyncadd.s32 $0xFFFFC000  }
0x189: {  	_ =	swait.ge [sflag:s6], $0x4000  }
0x18a: {  	[sflag:s6] =	ssyncset.done $0x0  }
0x18b: {  	[sflag:s6] =	ssyncadd.s32 $0xFFFFC000  }
0x18c: {  	[spmem:s2] =	stream.indirect.scatter.add.f32 [tilespmem:s1], [sflag:$0x4], $0x80, s11, s0, $0xb8;
	[tilespmem:$0x1E400] =	vst v63  }
0x18d: {  	_ =	swait.ge [sflag:s8], $0x4000  }
0x18e: {  	[sflag:s8] =	ssyncset.done $0x0  }
0x18f: {  	s13 =	rddreg [dreg:$0xa];
	[sflag:s8] =	ssyncadd.s32 $0xFFFFC000  }
0x190: {  	[tilespmem:s3], [sflag:$0x5] =	stream.linear.gather [hbm4b:s13+s3], $0x1000, $0x38;
	[tilespmem:$0x1E400] =	vst v63  }
0x191: {  	_ =	swait.ge [sflag:s29], $0x1000  }
0x192: {  	[sflag:s29] =	ssyncset.done $0x0  }
0x193: {  	s10 =	rddreg [dreg:$0xb];
	[sflag:s29] =	ssyncadd.s32 $0xFFFFF000  }
0x194: {  	[tilespmem:s31], [sflag:$0x5] =	stream.linear.gather [hbm4b:s10+s3], $0x1000, $0x38;
	[tilespmem:$0x1E400] =	vst v63  }
0x195: {  	_ =	swait.ge [sflag:s29], $0x1000  }
0x196: {  	[sflag:s29] =	ssyncset.done $0x0  }
0x197: {  	[sflag:s29] =	ssyncadd.s32 $0xFFFFF000  }
0x198: {  	[tilespmem:s28], [sflag:$0x1] =	stream.indirect.gather [hbm4b:s19+s0], $0x80, s3, s0, $0xb8;
	[tilespmem:$0x1E400] =	vst v63  }
0x199: {  	_ = 	snop  }
0x19a: {  	[tilespmem:s1], [sflag:$0x2] =	stream.indirect.gather [hbm4b:s19+s0], $0x80, s0, s0, $0xb8;
	[tilespmem:$0x1E400] =	vst v63  }
0x19b: {  	_ =	swait.ge [sflag:s4], $0x4000  }
0x19c: {  	[sflag:s4] =	ssyncset.done $0x0  }
0x19d: {  	[sflag:s4] =	ssyncadd.s32 $0xFFFFC000  }
0x19e: {  	[spmem:s2] =	stream.indirect.scatter.add.f32 [tilespmem:s28], [sflag:$0x3], $0x80, s31, s0, $0xb8;
	[tilespmem:$0x1E400] =	vst v63  }
0x19f: {  	_ =	swait.ge [sflag:s30], $0x4000  }
0x1a0: {  	[sflag:s30] =	ssyncset.done $0x0  }
0x1a1: {  	[sflag:s30] =	ssyncadd.s32 $0xFFFFC000  }
0x1a2: {  	[tilespmem:s28], [sflag:$0x1] =	stream.indirect.gather [hbm4b:s19+s0], $0x80, s5, s0, $0xb8;
	[tilespmem:$0x1E400] =	vst v63  }
0x1a3: {  	_ =	swait.ge [sflag:s6], $0x4000  }
0x1a4: {  	[sflag:s6] =	ssyncset.done $0x0  }
0x1a5: {  	[sflag:s6] =	ssyncadd.s32 $0xFFFFC000  }
0x1a6: {  	[spmem:s2] =	stream.indirect.scatter.add.f32 [tilespmem:s1], [sflag:$0x4], $0x80, s7, s0, $0xb8;
	[tilespmem:$0x1E400] =	vst v63  }
0x1a7: {  	_ =	swait.ge [sflag:s8], $0x4000  }
0x1a8: {  	[sflag:s8] =	ssyncset.done $0x0  }
0x1a9: {  	s13 =	simm.s32 $0x180;
	[sflag:s8] =	ssyncadd.s32 $0xFFFFC000  }
0x1aa: {  	[tilespmem:s1], [sflag:$0x2] =	stream.indirect.gather [hbm4b:s19+s0], $0x80, s13, s0, $0xb8;
	[tilespmem:$0x1E400] =	vst v63  }
0x1ab: {  	_ =	swait.ge [sflag:s4], $0x4000  }
0x1ac: {  	[sflag:s4] =	ssyncset.done $0x0  }
0x1ad: {  	s10 =	simm.s32 $0x1500;
	[sflag:s4] =	ssyncadd.s32 $0xFFFFC000  }
0x1ae: {  	[spmem:s2] =	stream.indirect.scatter.add.f32 [tilespmem:s28], [sflag:$0x3], $0x80, s10, s0, $0xb8;
	[tilespmem:$0x1E400] =	vst v63  }
0x1af: {  	_ =	swait.ge [sflag:s30], $0x4000  }
0x1b0: {  	[sflag:s30] =	ssyncset.done $0x0  }
0x1b1: {  	s13 =	simm.s32 $0x200;
	[sflag:s30] =	ssyncadd.s32 $0xFFFFC000  }
0x1b2: {  	[tilespmem:s28], [sflag:$0x1] =	stream.indirect.gather [hbm4b:s19+s0], $0x80, s13, s0, $0xb8;
	[tilespmem:$0x1E400] =	vst v63  }
0x1b3: {  	_ =	swait.ge [sflag:s6], $0x4000  }
0x1b4: {  	[sflag:s6] =	ssyncset.done $0x0  }
0x1b5: {  	s9 =	simm.s32 $0x1580;
	s13 =	simm.s32 $0xFFFFCC00;
	[sflag:s6] =	ssyncadd.s32 $0xFFFFC000  }
.LBB2_9:
0x1b6: {  	[spmem:s2] =	stream.indirect.scatter.add.f32 [tilespmem:s1], [sflag:$0x4], $0x80, s9, s0, $0xb8;
	[tilespmem:$0x1E400] =	vst v63  }
0x1b7: {  	s9 =	smov.u32 s13  }
0x1b8: {  	p1 =	seq.s32 s13, $0xFFFFFC00;
	s13 =	sadd.s32 $0x400, s13;
	_ =	swait.ge [sflag:s8], $0x4000  }
0x1b9: {  	s9 =	sshra.s32 s9, $0x2;
	[sflag:s8] =	ssyncset.done $0x0  }
0x1ba: {  	s10 =	sadd.s32 $0xF80, s9;
	[sflag:s8] =	ssyncadd.s32 $0xFFFFC000  }
0x1bb: {  	[tilespmem:s1], [sflag:$0x2] =	stream.indirect.gather [hbm4b:s19+s0], $0x80, s10, s0, $0xb8;
	[tilespmem:$0x1E400] =	vst v63  }
0x1bc: {  	_ =	swait.ge [sflag:s4], $0x4000  }
0x1bd: {  	[sflag:s4] =	ssyncset.done $0x0  }
0x1be: {  	s10 =	sadd.s32 $0x2300, s9;
	[sflag:s4] =	ssyncadd.s32 $0xFFFFC000  }
0x1bf: {  	[spmem:s2] =	stream.indirect.scatter.add.f32 [tilespmem:s28], [sflag:$0x3], $0x80, s10, s0, $0xb8;
	[tilespmem:$0x1E400] =	vst v63  }
0x1c0: {  	_ =	swait.ge [sflag:s30], $0x4000  }
0x1c1: {  	[sflag:s30] =	ssyncset.done $0x0  }
.Ltmp6:
0x1c2: {  	s10 =	sadd.s32 $0x1000, s9;
	[sflag:s30] =	ssyncadd.s32 $0xFFFFC000;
	(pc) =	sbr.rel @!p1 .LBB2_9-.Ltmp6, $4  }
0x1c3: {  	[tilespmem:s28], [sflag:$0x1] =	stream.indirect.gather [hbm4b:s19+s0], $0x80, s10, s0, $0xb8;
	[tilespmem:$0x1E400] =	vst v63  }
0x1c4: {  	_ =	swait.ge [sflag:s6], $0x4000  }
0x1c5: {  	[sflag:s6] =	ssyncset.done $0x0  }
0x1c6: {  	s9 =	sadd.s32 $0x2380, s9;
	[sflag:s6] =	ssyncadd.s32 $0xFFFFC000  }
0x1c7: {  	[spmem:s2] =	stream.indirect.scatter.add.f32 [tilespmem:s1], [sflag:$0x4], $0x80, s9, s0, $0xb8;
	[tilespmem:$0x1E400] =	vst v63  }
0x1c8: {  	_ =	swait.ge [sflag:s8], $0x4000  }
0x1c9: {  	[sflag:s8] =	ssyncset.done $0x0  }
0x1ca: {  	s13 =	simm.s32 $0xF80;
	[sflag:s8] =	ssyncadd.s32 $0xFFFFC000  }
0x1cb: {  	[tilespmem:s1], [sflag:$0x2] =	stream.indirect.gather [hbm4b:s19+s0], $0x80, s13, s0, $0xb8;
	[tilespmem:$0x1E400] =	vst v63  }
0x1cc: {  	_ =	swait.ge [sflag:s4], $0x4000  }
0x1cd: {  	[sflag:s4] =	ssyncset.done $0x0  }
0x1ce: {  	s10 =	simm.s32 $0x2300;
	[sflag:s4] =	ssyncadd.s32 $0xFFFFC000  }
0x1cf: {  	[spmem:s2] =	stream.indirect.scatter.add.f32 [tilespmem:s28], [sflag:$0x3], $0x80, s10, s0, $0xb8;
	[tilespmem:$0x1E400] =	vst v63  }
0x1d0: {  	_ =	swait.ge [sflag:s30], $0x4000  }
0x1d1: {  	[sflag:s30] =	ssyncset.done $0x0  }
.Ltmp7:
0x1d2: {  	[sflag:s30] =	ssyncadd.s32 $0xFFFFC000;
	(pc) =	sbr.rel .LBB2_11-.Ltmp7, $4  }
0x1d3: {  	_ =	swait.ge [sflag:s6], $0x4000  }
0x1d4: {  	[sflag:s6] =	ssyncset.done $0x0  }
0x1d5: {  	s13 =	simm.s32 $0x2380;
	[sflag:s6] =	ssyncadd.s32 $0xFFFFC000  }
0x1d6: {  	[spmem:s2] =	stream.indirect.scatter.add.f32 [tilespmem:s1], [sflag:$0x4], $0x80, s13, s0, $0xb8;
	[tilespmem:$0x1E400] =	vst v63  }
.LBB2_12:
0x1d7: {  	_ =	sfence.sel $0x180000  }
0x1d8: {  	[bflag:$0x0] =	sbarrier.arrive $0xFFFF  }
0x1d9: {  	_ =	strace $0x9000004A  }
0x1da: {  	s0 =	stileid.u32;
	[bflag:$0x2] =	sbarrier.arrive $0xFFFF  }
0x1db: {  	p0 =	sne.s32 s0, $0x0;
	s0 =	rddreg [dreg:$0x3]  }
0x1dc: {  	s0 =	sadd.s32 @!p0 $0x100000, s0  }
0x1dd: {  	[sflag:s0] =	ssyncadd.tile.s32 @!p0 $0x1;
	_ =	shalt  }
.Lfunc_end2:
_tile_overlayer_lowered:
.L_overlay_start_2:
0x1de: {  	(tag) =	ssettag $0x2  }
0x1df: {  	s0 =	rddreg [dreg:$0x0];
	s2 =	stileid.u32  }
0x1e0: {  	s1 =	rddreg [dreg:$0x1];
	p0 =	sne.s32 s2, $0x0  }
0x1e1: {  	s3 =	rddreg [dreg:$0x2];
	[bflag:$0x3] =	sbarrier.arrive $0xFFFF;
	s2 =	simm.s32 @!p0 $0x1C05  }
0x1e2: {  	[timem:s3], [sflag:s2] =	dma.local @!p0 [hbm:s0], s1  }
0x1e3: {  	s0 =	simm.s32 @!p0 $0x5  }
0x1e4: {  	_ =	swait.ge @!p0 [sflag:s0], s1  }
0x1e5: {  	s1 =	ssub.s32 @!p0 $0x0, s1;
	[sflag:s0] =	ssyncset.done @!p0 $0x0  }
0x1e6: {  	[sflag:s0] =	ssyncadd.s32 @!p0 s1  }
0x1e7: {  	[bflag:$0x3] =	sbarrier.arrive $0xFFFF  }
0x1e8: {  	_ =	shalt  }

// kernel: kernel.15.cloned.1.call-start
scs
__scs_entry_jumppad:
0x0: {  	(pc) =	sbr.rel $0x88, $3  }
0x1: {  	(tag) =	ssettag $0x0;
	lr =	simm.s32 $0x1  }
0x2: {  	[smem:$0x3F9B] =	sst lr;
	_ =	strace $0xD0000000  }
0x3: {  	_ = 	snop  }
0x4: {  	_ = 	snop  }
0x5: {  	_ = 	snop  }
0x6: {  	_ = 	snop  }
0x7: {  	_ = 	snop  }
__scs_overlays_trampoline_lowered:
0x8: {  	[smem:$0x3FAA] =	sst s0  }
0x9: {  	[smem:$0x3FAB] =	sst s1  }
0xa: {  	[smem:$0x3FAC] =	sst s2  }
0xb: {  	[smem:$0x3FAD] =	sst s3  }
0xc: {  	[smem:$0x3FAE] =	sst s4  }
0xd: {  	[smem:$0x3FAF] =	sst s5  }
0xe: {  	[smem:$0x3FB0] =	sst s6  }
0xf: {  	[smem:$0x3FB1] =	sst s7  }
0x10: {  	[smem:$0x3FB2] =	sst s8  }
0x11: {  	[smem:$0x3FB3] =	sst s9;
	s0 =	simm.s32 @!p0 $0x0  }
0x12: {  	s1 =	sld [smem:$0x3F99];
	s0 =	simm.s32 @p0 $0x1  }
0x13: {  	[smem:$0x3FB4] =	sst s0;
	s0 =	simm.s32 @!p1 $0x0  }
0x14: {  	s2 =	sld [smem:$0x3F98];
	s0 =	simm.s32 @p1 $0x1  }
0x15: {  	[smem:$0x3FB5] =	sst s0;
	s0 =	simm.s32 @!p2 $0x0  }
0x16: {  	s3 =	sld [smem:$0x3FDB];
	s0 =	simm.s32 @p2 $0x1  }
0x17: {  	s4 =	simm.s32 $0x1BF5;
	[smem:$0x3FB7] =	sst s0  }
0x18: {  	s0 =	sld [smem:$0x3F9A];
	_ =	swait.ge [sflag:s4], $0x0  }
0x19: {  	s7 =	sld [smem:$0x3F9B]  }
0x1a: {  	s8 =	sadd.s32 $0xFFFFE003, lr  }
0x1b: {  	s9 =	sadd.s32 $0xFFFFFEF7, lr;
	s5 =	simm.s32 $0xFFFFFFFF;
	p2 =	slt.u32 s8, $0xFFFFF086  }
0x1c: {  	p1 =	slt.u32 s9, $0xF7A;
	s5 =	simm.s32 @!p2 $0x0  }
0x1d: {  	s5 =	simm.s32 @p1 $0x1;
	p0 =	seq.s32 s7, s2  }
0x1e: {  	s7 =	smul.u32 @!p0 $0xF7A, s2;
	p2 =	seq.s32 @!p0 s5, $0x0  }
0x1f: {  	s9 =	smul.u32 $0xF7A, s1;
	s8 =	simm.s32 @!p0 $0x1BF5;
	p2 =	por !p2, p0  }
0x20: {  	[sflag:s8] =	ssyncset.s32 @!p0 $0xFFFFF086;
	s6 =	sadd.s32 @!p0 s3, s7;
	s7 =	simm.s32 @!p0 $0x108  }
0x21: {  	s3 =	sadd.s32 s3, s9;
	s6 =	sadd.s32 @!p0 $0x88, s6;
	s7 =	simm.s32 @p2 $0x1082  }
0x22: {  	[simem:s7], [sflag:s8] =	dma.local @!p0 [hbm:s6], $0xF7A  }
0x23: {  	s9 =	sor.u32 $0xD0000000, s2;
	s6 =	simm.s32 $0x108;
	_ =	swait.ge @!p0 [sflag:s8], $0x0  }
0x24: {  	s3 =	sadd.s32 $0x88, s3;
	s6 =	simm.s32 @!p1 $0x1082;
	[sflag:s4] =	ssyncset.s32 $0xFFFFF086  }
0x25: {  	[simem:s6], [sflag:s4] =	dma.local [hbm:s3], $0xF7A  }
0x26: {  	[smem:$0x3F9B] =	sst s1;
	(tag) =	ssettag s2;
	_ =	strace s9  }
0x27: {  	s1 =	sld [smem:$0x3FAB]  }
0x28: {  	s2 =	sld [smem:$0x3FAC]  }
0x29: {  	s4 =	sld [smem:$0x3FAE]  }
0x2a: {  	p0 =	seq.s32 s5, $0x0;
	s5 =	sld [smem:$0x3FAF]  }
0x2b: {  	s6 =	sld [smem:$0x3FB0]  }
0x2c: {  	s7 =	sld [smem:$0x3FB1]  }
0x2d: {  	s3 =	simm.s32 $0x108;
	s8 =	sld [smem:$0x3FB2]  }
0x2e: {  	s3 =	simm.s32 @!p0 $0x1082;
	s9 =	sld [smem:$0x3FB3]  }
0x2f: {  	lr =	sadd.s32 s0, s3;
	s0 =	sld [smem:$0x3FAA]  }
0x30: {  	s3 =	sld [smem:$0x3FAD]  }
0x31: {  	[smem:$0x3FB6] =	sst s10  }
0x32: {  	s10 =	sld [smem:$0x3FB4];
	_ =	sdelay $0x3  }
0x33: {  	p0 =	seq.s32 s10, $0x1;
	s10 =	sld [smem:$0x3FB6];
	_ =	sdelay $0x3  }
0x34: {  	[smem:$0x3FB6] =	sst s10  }
0x35: {  	s10 =	sld [smem:$0x3FB5];
	_ =	sdelay $0x3  }
0x36: {  	p1 =	seq.s32 s10, $0x1;
	s10 =	sld [smem:$0x3FB6];
	_ =	sdelay $0x3  }
0x37: {  	[smem:$0x3FB6] =	sst s10  }
0x38: {  	s10 =	sld [smem:$0x3FB7]  }
0x39: {  	_ = 	snop;
	(pc) =	sbr.ind lr, $3  }
0x3a: {  	_ = 	snop  }
0x3b: {  	_ = 	snop  }
0x3c: {  	p2 =	seq.s32 s10, $0x1;
	s10 =	sld [smem:$0x3FB6]  }
0x3d: {  	_ =	shalt  }
0x3e: {  	_ =	shalt  }
0x3f: {  	_ =	shalt  }
0x40: {  	_ =	shalt  }
0x41: {  	_ =	shalt  }
0x42: {  	_ =	shalt  }
0x43: {  	_ =	shalt  }
0x44: {  	_ =	shalt  }
0x45: {  	_ =	shalt  }
0x46: {  	_ =	shalt  }
0x47: {  	_ =	shalt  }
0x48: {  	_ =	shalt  }
0x49: {  	_ =	shalt  }
0x4a: {  	_ =	shalt  }
0x4b: {  	_ =	shalt  }
0x4c: {  	_ =	shalt  }
0x4d: {  	_ =	shalt  }
0x4e: {  	_ =	shalt  }
0x4f: {  	_ =	shalt  }
0x50: {  	_ =	shalt  }
0x51: {  	_ =	shalt  }
0x52: {  	_ =	shalt  }
0x53: {  	_ =	shalt  }
0x54: {  	_ =	shalt  }
0x55: {  	_ =	shalt  }
0x56: {  	_ =	shalt  }
0x57: {  	_ =	shalt  }
0x58: {  	_ =	shalt  }
0x59: {  	_ =	shalt  }
0x5a: {  	_ =	shalt  }
0x5b: {  	_ =	shalt  }
0x5c: {  	_ =	shalt  }
0x5d: {  	_ =	shalt  }
0x5e: {  	_ =	shalt  }
0x5f: {  	_ =	shalt  }
0x60: {  	_ =	shalt  }
0x61: {  	_ =	shalt  }
0x62: {  	_ =	shalt  }
0x63: {  	_ =	shalt  }
0x64: {  	_ =	shalt  }
0x65: {  	_ =	shalt  }
0x66: {  	_ =	shalt  }
0x67: {  	_ =	shalt  }
0x68: {  	_ =	shalt  }
0x69: {  	_ =	shalt  }
0x6a: {  	_ =	shalt  }
0x6b: {  	_ =	shalt  }
0x6c: {  	_ =	shalt  }
0x6d: {  	_ =	shalt  }
0x6e: {  	_ =	shalt  }
0x6f: {  	_ =	shalt  }
0x70: {  	_ =	shalt  }
0x71: {  	_ =	shalt  }
0x72: {  	_ =	shalt  }
0x73: {  	_ =	shalt  }
0x74: {  	_ =	shalt  }
0x75: {  	_ =	shalt  }
0x76: {  	_ =	shalt  }
0x77: {  	_ =	shalt  }
0x78: {  	_ =	shalt  }
0x79: {  	_ =	shalt  }
0x7a: {  	_ =	shalt  }
0x7b: {  	_ =	shalt  }
0x7c: {  	_ =	shalt  }
0x7d: {  	_ =	shalt  }
0x7e: {  	_ =	shalt  }
0x7f: {  	_ =	shalt  }
0x80: {  	_ =	shalt  }
0x81: {  	_ =	shalt  }
0x82: {  	_ =	shalt  }
0x83: {  	_ =	shalt  }
0x84: {  	_ =	shalt  }
0x85: {  	_ =	shalt  }
0x86: {  	_ =	shalt  }
0x87: {  	_ =	shalt  }
.Lfunc_end0:
.L_simem_size_0:
called_computation.2_lowered:
.L_overlay_start_0:
0x88: {  	s2 =	sld [smem:$0x3FD9]  }
0x89: {  	s3 =	sld [smem:$0x3FFE];
	_ =	sdelay $0x1  }
0x8a: {  	s1 =	srdreg.scid  }
0x8b: {  	s0 =	sand.u32 $0x1, s1  }
0x8c: {  	s17 =	sshll.u32 s0, $0xA;
	s2 =	sadd.s32 s3, s2  }
0x8d: {  	s2 =	sadd.s32 s2, s17  }
0x8e: {  	[smem:$0x3FC2] =	sst s2  }
0x8f: {  	_ = 	snop  }
0x90: {  	s2 =	sld [smem:$0x3FD0];
	(tm) =	ssettm $0x1  }
0x91: {  	s18 =	sld [smem:$0x3FFB];
	_ =	sdelay $0x3  }
0x92: {  	_ =	strace s18  }
0x93: {  	s3 =	sld [smem:$0x3FFC];
	_ =	sdelay $0x3  }
0x94: {  	_ =	strace s3  }
0x95: {  	s3 =	sld [smem:$0x3FFD];
	_ =	sdelay $0x3  }
0x96: {  	_ =	strace s3  }
0x97: {  	_ =	strace $0x8FFFFFFF  }
0x98: {  	s19 =	sld [smem:$0x3FDB];
	_ =	sdelay $0x1  }
0x99: {  	s4 =	simm.s32 $_scs_section_size  }
0x9a: {  	s5 =	simm.s32 $_size__tile_overlayer_lowered;
	s6 =	simm.s32 $_tile_overlayer_lowered  }
0x9b: {  	s22 =	simm.s32 $0x1BFF;
	s21 =	sshll.u32 s6, $0x1;
	s3 =	sadd.s32 s4, s19  }
0x9c: {  	s7 =	simm.s32 $0x0;
	s20 =	sshll.u32 s5, $0x1;
	s5 =	sadd.s32 s21, s3  }
0x9d: {  	[timem:s7], [sflag:s22] =	dma.local [hbm:s5], s20  }
0x9e: {  	_ =	swait.ge [sflag:s22], s20  }
0x9f: {  	s4 =	ssub.s32 $0x0, s20;
	[sflag:s22] =	ssyncset.done $0x0  }
0xa0: {  	[sflag:s22] =	ssyncadd.s32 s4;
	_ =	sdelay $0x1  }
0xa1: {  	s23 =	simm.s32 $0x1B8B  }
0xa2: {  	_ =	swait.ge [sflag:s23], $0x1  }
0xa3: {  	[sflag:s23] =	ssyncset.done $0x0  }
0xa4: {  	s25 =	simm.s32 $0x1B8E;
	s24 =	sld [smem:$0x3FFE];
	[sflag:s23] =	ssyncadd.s32 $0xFFFFFFFF  }
0xa5: {  	s26 =	simm.s32 $execute0_lowered;
	[smem:$0x3FD2] =	sst s25  }
0xa6: {  	s5 =	sshll.u32 s26, $0x1;
	_ =	strace $0x8000004C;
	[dreg:$0x1] =	wrdreg $0xFFFFFFFF  }
0xa7: {  	s28 =	simm.s32 $_size_execute0_lowered;
	s3 =	sadd.s32 s3, s5;
	[dreg:$0x0] =	wrdreg $0x0  }
0xa8: {  	s5 =	sshll.u32 s28, $0x1;
	[dreg:$0x2] =	wrdreg s3  }
0xa9: {  	[dreg:$0x3] =	wrdreg s5  }
0xaa: {  	[dreg:$0x4] =	wrdreg $0xC0  }
0xab: {  	_ =	task [dreg:s7], $0x5FFFF  }
0xac: {  	[dreg:$0x1] =	wrdreg $0xFFFFFFFF  }
0xad: {  	[dreg:$0x0] =	wrdreg $0x60  }
0xae: {  	[dreg:$0x2] =	wrdreg s24  }
0xaf: {  	[dreg:$0x3] =	wrdreg s2  }
0xb0: {  	[dreg:$0x4] =	wrdreg $0xA8000  }
0xb1: {  	[dreg:$0x5] =	wrdreg $0x9  }
0xb2: {  	_ =	task.clear_ibuf [dreg:s7], $0x6FFFF;
	_ =	strace $0x9000004C  }
0xb3: {  	s29 =	simm.s32 $0x9;
	_ =	strace $0x8000004E  }
0xb4: {  	_ =	swait.ge [sflag:s29], $0x1  }
0xb5: {  	[sflag:s29] =	ssyncadd.s32 $0xFFFFFFFF  }
0xb6: {  	_ =	strace $0x9000004E  }
0xb7: {  	_ =	sfence  }
0xb8: {  	s30 =	sld [smem:$0x0];
	_ =	sdelay $0x2  }
0xb9: {  	s31 =	sshll.u32 s1, $0xD;
	s1 =	sshrl.u32 s1, $0x2  }
0xba: {  	s3 =	sand.u32 $0x4000, s31;
	s1 =	sadd.s32 s1, s30  }
0xbb: {  	s0 =	sor.u32 s3, s0;
	s1 =	sshll.u32 s1, $0x11  }
0xbc: {  	s0 =	sor.u32 s1, s0  }
0xbd: {  	s0 =	sadd.s32 $0x8F2B, s0  }
0xbe: {  	[sflag:s0] =	ssyncadd.remote.s32 $0x1  }
0xbf: {  	_ =	sfence.sel $0xFFFF  }
0xc0: {  	[dreg:$0x0] =	wrdreg $0xFFFFFFFF;
	(pc) =	sbr.abs _section_cstart, $3  }
0xc1: {  	[dreg:$0x1] =	wrdreg $0xFFFFFFFF  }
0xc2: {  	_ =	task.clear_ibuf [dreg:s7], $0x2FFFF;
	_ =	strace $0x9FFFFFFF  }
0xc3: {  	(tm) =	ssettm $0x7FFFFFFF  }
tec
execute0_lowered:
.L_overlay_start_1:
0x0: {  	(tag) =	ssettag $0x1  }
0x1: {  	s0 =	rddreg [dreg:$0x0]  }
0x2: {  	s1 =	rddreg [dreg:$0x1]  }
0x3: {  	s2 =	rddreg [dreg:$0x2];
	s3 =	srdreg.scid  }
0x4: {  	s17 =	stileid.u32;
	s28 =	simm.s32 $0x2800;
	s29 =	simm.s32 $0x5  }
0x5: {  	s30 =	simm.s32 $0x3;
	s31 =	simm.s32 $0x1400;
	s6 =	smul.u32 $0x13C00, s17  }
0x6: {  	s4 =	sand.u32 $0x1, s3;
	s3 =	simm.s32 $0x0;
	s10 =	smul.u32 $0x4C00, s17  }
0x7: {  	s7 =	sadd.s32 $0x5D800, s0;
	s8 =	sadd.s32 $0x67800, s0;
	s13 =	smul.u32 $0x980, s17  }
0x8: {  	s16 =	sshll.u32 s17, $0x7;
	s5 =	ssub.s32 $0x2, s4;
	p0 =	seq.s32 s4, $0x1  }
0x9: {  	s4 =	smul.u32 $0x140000, s4;
	[smem:$0x7FF] =	sst s3;
	s9 =	sshrl.u32 s5, $0x1  }
0xa: {  	s11 =	sadd.s32 $0x8000, s6;
	s12 =	sadd.s32 $0xC000, s6;
	s25 =	sadd.s32 $0x10000, s6  }
0xb: {  	s10 =	sshrl.u32 s10, $0x3;
	s14 =	sadd.s32 s7, s13;
	s13 =	sadd.s32 s1, s13  }
0xc: {  	s5 =	ssub.s32 s5, s9;
	s9 =	sadd.s32 $0x4000, s6;
	[dreg:$0x4] =	wrdreg s14  }
0xd: {  	[dreg:$0x5] =	wrdreg s13;
	s23 =	sadd.s32 $0x280, s10;
	s26 =	sadd.s32 $0x500, s10  }
0xe: {  	s10 =	sadd.s32 $0x780, s10;
	s19 =	sadd.s32 s6, s4;
	s21 =	sadd.s32 s4, s11  }
0xf: {  	s24 =	sadd.s32 s7, s23;
	s13 =	sadd.s32 s1, s23;
	s15 =	sadd.s32 s7, s26  }
0x10: {  	s18 =	sadd.s32 s7, s10;
	s10 =	sadd.s32 s1, s10;
	[dreg:$0x6] =	wrdreg s24  }
0x11: {  	s20 =	sadd.s32 s4, s9;
	s22 =	sshrl.u32 s21, $0x3;
	[dreg:$0x7] =	wrdreg s13  }
0x12: {  	s23 =	sadd.s32 s4, s12;
	s4 =	sadd.s32 s4, s25;
	[dreg:$0x8] =	wrdreg s15  }
0x13: {  	s25 =	sadd.s32 s25, s2;
	s13 =	sadd.s32 s1, s26;
	[dreg:$0xa] =	wrdreg s18  }
0x14: {  	[dreg:$0xb] =	wrdreg s10;
	s6 =	sshrl.u32 s20, $0x3;
	s4 =	sshrl.u32 s4, $0x3  }
0x15: {  	s24 =	smul.u32 $0x4F000, s17;
	s20 =	sadd.s32 $0xC800, s0;
	[dreg:$0x9] =	wrdreg s13  }
0x16: {  	s13 =	sor.u32 $0x9800, s16;
	s15 =	sadd.s32 s8, s6;
	s16 =	sadd.s32 s8, s22  }
0x17: {  	s18 =	sadd.s32 s8, s4;
	s22 =	sadd.s32 s9, s2;
	s4 =	simm.s32 $0x1  }
0x18: {  	s6 =	simm.s32 $0x2;
	s7 =	sadd.s32 s7, s13;
	s1 =	sadd.s32 s1, s13  }
0x19: {  	s26 =	sshrl.u32 s24, $0x2;
	s24 =	sadd.s32 s12, s2;
	[dreg:$0xc] =	wrdreg s7  }
0x1a: {  	s12 =	simm.s32 $0x0;
	[dreg:$0xd] =	wrdreg s1;
	s1 =	sshrl.u32 s19, $0x3  }
.Ltmp0:
0x1b: {  	s19 =	sadd.s32 $0xD000, s0;
	s21 =	sadd.s32 s26, s2;
	(pc) =	sbr.rel .LBB2_1-.Ltmp0, $4  }
0x1c: {  	s26 =	smax.u32 s5, $0x1;
	s0 =	simm.s32 $0x80;
	s5 =	simm.s32 $0x100  }
0x1d: {  	s7 =	simm.s32 $0x1480;
	s14 =	sadd.s32 s8, s1;
	s1 =	sshrl.u32 s23, $0x3  }
0x1e: {  	_ =	strace $0x8000004D;
	s23 =	sadd.s32 s11, s2;
	s11 =	simm.s32 $0x2780  }
0x1f: {  	s17 =	sadd.s32 s8, s1;
	s1 =	simm.s32 $0x6800;
	s8 =	simm.s32 $0x4  }
.LBB2_13:
0x20: {  	s9 =	rddreg [dreg:$0xc]  }
0x21: {  	[tilespmem:s3], [sflag:$0x5] =	stream.linear.gather [hbm4b:s9+s3], $0x400, $0x38;
	[tilespmem:$0x1E400] =	vst v63  }
0x22: {  	_ =	swait.ge [sflag:s29], $0x400  }
0x23: {  	[sflag:s29] =	ssyncset.done $0x0  }
0x24: {  	s10 =	rddreg [dreg:$0xd];
	[sflag:s29] =	ssyncadd.s32 $0xFFFFFC00  }
0x25: {  	[tilespmem:s31], [sflag:$0x5] =	stream.linear.gather [hbm4b:s10+s3], $0x400, $0x38;
	[tilespmem:$0x1E400] =	vst v63  }
0x26: {  	_ =	swait.ge [sflag:s29], $0x400  }
0x27: {  	[sflag:s29] =	ssyncset.done $0x0  }
0x28: {  	[sflag:s29] =	ssyncadd.s32 $0xFFFFFC00  }
0x29: {  	[tilespmem:s28], [sflag:$0x1] =	stream.indirect.gather [hbm4b:s19+s0], $0x80, s3, s0, $0xb8;
	[tilespmem:$0x1E400] =	vst v63  }
0x2a: {  	_ = 	snop  }
0x2b: {  	[tilespmem:s1], [sflag:$0x2] =	stream.indirect.gather [hbm4b:s19+s0], $0x80, s0, s0, $0xb8;
	[tilespmem:$0x1E400] =	vst v63  }
0x2c: {  	_ =	swait.ge [sflag:s4], $0x4000  }
0x2d: {  	[sflag:s4] =	ssyncset.done $0x0  }
0x2e: {  	[sflag:s4] =	ssyncadd.s32 $0xFFFFC000  }
0x2f: {  	[spmem:s2] =	stream.indirect.scatter.add.f32 [tilespmem:s28], [sflag:$0x3], $0x80, s31, s0, $0xb8;
	[tilespmem:$0x1E400] =	vst v63  }
0x30: {  	_ =	swait.ge [sflag:s30], $0x4000  }
0x31: {  	[sflag:s30] =	ssyncset.done $0x0  }
0x32: {  	[sflag:s30] =	ssyncadd.s32 $0xFFFFC000  }
0x33: {  	[tilespmem:s28], [sflag:$0x1] =	stream.indirect.gather [hbm4b:s19+s0], $0x80, s5, s0, $0xb8;
	[tilespmem:$0x1E400] =	vst v63  }
0x34: {  	_ =	swait.ge [sflag:s6], $0x4000  }
0x35: {  	[sflag:s6] =	ssyncset.done $0x0  }
0x36: {  	[sflag:s6] =	ssyncadd.s32 $0xFFFFC000  }
0x37: {  	[spmem:s2] =	stream.indirect.scatter.add.f32 [tilespmem:s1], [sflag:$0x4], $0x80, s7, s0, $0xb8;
	[tilespmem:$0x1E400] =	vst v63  }
0x38: {  	_ =	swait.ge [sflag:s8], $0x4000  }
0x39: {  	[sflag:s8] =	ssyncset.done $0x0  }
0x3a: {  	s13 =	simm.s32 $0x180;
	[sflag:s8] =	ssyncadd.s32 $0xFFFFC000  }
0x3b: {  	[tilespmem:s1], [sflag:$0x2] =	stream.indirect.gather [hbm4b:s19+s0], $0x80, s13, s0, $0xb8;
	[tilespmem:$0x1E400] =	vst v63  }
0x3c: {  	_ =	swait.ge [sflag:s4], $0x4000  }
0x3d: {  	[sflag:s4] =	ssyncset.done $0x0  }
0x3e: {  	s10 =	simm.s32 $0x1500;
	[sflag:s4] =	ssyncadd.s32 $0xFFFFC000  }
0x3f: {  	[spmem:s2] =	stream.indirect.scatter.add.f32 [tilespmem:s28], [sflag:$0x3], $0x80, s10, s0, $0xb8;
	[tilespmem:$0x1E400] =	vst v63  }
0x40: {  	_ =	swait.ge [sflag:s30], $0x4000  }
0x41: {  	[sflag:s30] =	ssyncset.done $0x0  }
0x42: {  	s13 =	simm.s32 $0x200;
	[sflag:s30] =	ssyncadd.s32 $0xFFFFC000  }
0x43: {  	[tilespmem:s28], [sflag:$0x1] =	stream.indirect.gather [hbm4b:s19+s0], $0x80, s13, s0, $0xb8;
	[tilespmem:$0x1E400] =	vst v63  }
0x44: {  	_ =	swait.ge [sflag:s6], $0x4000  }
0x45: {  	[sflag:s6] =	ssyncset.done $0x0  }
0x46: {  	s10 =	simm.s32 $0x1580;
	[sflag:s6] =	ssyncadd.s32 $0xFFFFC000  }
0x47: {  	[spmem:s2] =	stream.indirect.scatter.add.f32 [tilespmem:s1], [sflag:$0x4], $0x80, s10, s0, $0xb8;
	[tilespmem:$0x1E400] =	vst v63  }
0x48: {  	_ =	swait.ge [sflag:s8], $0x4000  }
0x49: {  	[sflag:s8] =	ssyncset.done $0x0  }
0x4a: {  	s13 =	simm.s32 $0x280;
	[sflag:s8] =	ssyncadd.s32 $0xFFFFC000  }
0x4b: {  	[tilespmem:s1], [sflag:$0x2] =	stream.indirect.gather [hbm4b:s19+s0], $0x80, s13, s0, $0xb8;
	[tilespmem:$0x1E400] =	vst v63  }
0x4c: {  	_ =	swait.ge [sflag:s4], $0x4000  }
0x4d: {  	[sflag:s4] =	ssyncset.done $0x0  }
0x4e: {  	s10 =	simm.s32 $0x1600;
	[sflag:s4] =	ssyncadd.s32 $0xFFFFC000  }
0x4f: {  	[spmem:s2] =	stream.indirect.scatter.add.f32 [tilespmem:s28], [sflag:$0x3], $0x80, s10, s0, $0xb8;
	[tilespmem:$0x1E400] =	vst v63  }
0x50: {  	_ =	swait.ge [sflag:s30], $0x4000  }
0x51: {  	[sflag:s30] =	ssyncset.done $0x0  }
0x52: {  	s13 =	simm.s32 $0x300;
	[sflag:s30] =	ssyncadd.s32 $0xFFFFC000  }
0x53: {  	[tilespmem:s28], [sflag:$0x1] =	stream.indirect.gather [hbm4b:s19+s0], $0x80, s13, s0, $0xb8;
	[tilespmem:$0x1E400] =	vst v63  }
0x54: {  	_ =	swait.ge [sflag:s6], $0x4000  }
0x55: {  	[sflag:s6] =	ssyncset.done $0x0  }
0x56: {  	s10 =	simm.s32 $0x1680;
	[sflag:s6] =	ssyncadd.s32 $0xFFFFC000  }
0x57: {  	[spmem:s2] =	stream.indirect.scatter.add.f32 [tilespmem:s1], [sflag:$0x4], $0x80, s10, s0, $0xb8;
	[tilespmem:$0x1E400] =	vst v63  }
0x58: {  	_ =	swait.ge [sflag:s8], $0x4000  }
0x59: {  	[sflag:s8] =	ssyncset.done $0x0  }
0x5a: {  	s13 =	simm.s32 $0x380;
	[sflag:s8] =	ssyncadd.s32 $0xFFFFC000  }
0x5b: {  	[tilespmem:s1], [sflag:$0x2] =	stream.indirect.gather [hbm4b:s19+s0], $0x80, s13, s0, $0xb8;
	[tilespmem:$0x1E400] =	vst v63  }
0x5c: {  	_ =	swait.ge [sflag:s4], $0x4000  }
0x5d: {  	[sflag:s4] =	ssyncset.done $0x0  }
0x5e: {  	s10 =	simm.s32 $0x1700;
	[sflag:s4] =	ssyncadd.s32 $0xFFFFC000  }
0x5f: {  	[spmem:s2] =	stream.indirect.scatter.add.f32 [tilespmem:s28], [sflag:$0x3], $0x80, s10, s0, $0xb8;
	[tilespmem:$0x1E400] =	vst v63  }
0x60: {  	_ =	swait.ge [sflag:s30], $0x4000  }
0x61: {  	[sflag:s30] =	ssyncset.done $0x0  }
0x62: {  	[sflag:s30] =	ssyncadd.s32 $0xFFFFC000  }
0x63: {  	_ =	swait.ge [sflag:s6], $0x4000  }
0x64: {  	[sflag:s6] =	ssyncset.done $0x0  }
0x65: {  	s13 =	simm.s32 $0x1780;
	[sflag:s6] =	ssyncadd.s32 $0xFFFFC000  }
0x66: {  	[spmem:s2] =	stream.indirect.scatter.add.f32 [tilespmem:s1], [sflag:$0x4], $0x80, s13, s0, $0xb8;
	[tilespmem:$0x1E400] =	vst v63  }
.LBB2_11:
0x67: {  	_ =	swait.ge [sflag:s8], $0x4000  }
0x68: {  	[sflag:s8] =	ssyncset.done $0x0  }
0x69: {  	[sflag:s8] =	ssyncadd.s32 $0xFFFFC000  }
0x6a: {  	[bflag:$0x0] =	sbarrier.arrive $0xFFFF  }
0x6b: {  	[tilespmem:s28], [sflag:$0x5] =	stream.linear.gather [spmem:s21], $0x4000, $0x38;
	[tilespmem:$0x1E400] =	vst v63  }
0x6c: {  	_ =	swait.ge [sflag:s29], $0x4000  }
0x6d: {  	[sflag:s29] =	ssyncset.done $0x0  }
0x6e: {  	[sflag:s29] =	ssyncadd.s32 $0xFFFFC000  }
0x6f: {  	[hbm4b:s14+s3] =	stream.linear.scatter [tilespmem:s28], [sflag:$0x1], $0x4000, $0x38;
	[tilespmem:$0x1E400] =	vst v63  }
0x70: {  	_ = 	snop  }
0x71: {  	[tilespmem:s1], [sflag:$0x5] =	stream.linear.gather [spmem:s22], $0x4000, $0x38;
	[tilespmem:$0x1E400] =	vst v63  }
0x72: {  	_ =	swait.ge [sflag:s29], $0x4000  }
0x73: {  	[sflag:s29] =	ssyncset.done $0x0  }
0x74: {  	[sflag:s29] =	ssyncadd.s32 $0xFFFFC000  }
0x75: {  	[hbm4b:s15+s3] =	stream.linear.scatter [tilespmem:s1], [sflag:$0x2], $0x4000, $0x38;
	[tilespmem:$0x1E400] =	vst v63  }
0x76: {  	_ =	swait.ge [sflag:s4], $0x4000  }
0x77: {  	[sflag:s4] =	ssyncset.done $0x0  }
0x78: {  	[sflag:s4] =	ssyncadd.s32 $0xFFFFC000  }
0x79: {  	[tilespmem:s28], [sflag:$0x5] =	stream.linear.gather [spmem:s23], $0x4000, $0x38;
	[tilespmem:$0x1E400] =	vst v63  }
0x7a: {  	_ =	swait.ge [sflag:s29], $0x4000  }
0x7b: {  	[sflag:s29] =	ssyncset.done $0x0  }
0x7c: {  	[sflag:s29] =	ssyncadd.s32 $0xFFFFC000  }
0x7d: {  	[hbm4b:s16+s3] =	stream.linear.scatter [tilespmem:s28], [sflag:$0x1], $0x4000, $0x38;
	[tilespmem:$0x1E400] =	vst v63  }
0x7e: {  	_ =	swait.ge [sflag:s6], $0x4000  }
0x7f: {  	[sflag:s6] =	ssyncset.done $0x0  }
0x80: {  	[sflag:s6] =	ssyncadd.s32 $0xFFFFC000  }
0x81: {  	[tilespmem:s1], [sflag:$0x5] =	stream.linear.gather [spmem:s24], $0x4000, $0x38;
	[tilespmem:$0x1E400] =	vst v63  }
0x82: {  	_ =	swait.ge [sflag:s29], $0x4000  }
0x83: {  	[sflag:s29] =	ssyncset.done $0x0  }
0x84: {  	[sflag:s29] =	ssyncadd.s32 $0xFFFFC000  }
0x85: {  	[hbm4b:s17+s3] =	stream.linear.scatter [tilespmem:s1], [sflag:$0x2], $0x4000, $0x38;
	[tilespmem:$0x1E400] =	vst v63  }
0x86: {  	_ =	swait.ge [sflag:s4], $0x4000  }
0x87: {  	[sflag:s4] =	ssyncset.done $0x0  }
0x88: {  	[sflag:s4] =	ssyncadd.s32 $0xFFFFC000  }
0x89: {  	[tilespmem:s28], [sflag:$0x5] =	stream.linear.gather [spmem:s25], $0x3C00, $0x38;
	[tilespmem:$0x1E400] =	vst v63  }
0x8a: {  	_ =	swait.ge [sflag:s29], $0x3C00  }
0x8b: {  	[sflag:s29] =	ssyncset.done $0x0  }
0x8c: {  	s12 =	sadd.s32 $0x1, s12;
	[sflag:s29] =	ssyncadd.s32 $0xFFFFC400  }
0x8d: {  	[hbm4b:s18+s3] =	stream.linear.scatter [tilespmem:s28], [sflag:$0x1], $0x3C00, $0x38;
	[tilespmem:$0x1E400] =	vst v63  }
0x8e: {  	p1 =	sne.s32 s12, s26;
	_ =	swait.ge [sflag:s6], $0x4000  }
.Ltmp1:
0x8f: {  	[sflag:s6] =	ssyncset.done $0x0;
	(pc) =	sbr.rel @!p1 .LBB2_12-.Ltmp1, $4  }
0x90: {  	[sflag:s6] =	ssyncadd.s32 $0xFFFFC000  }
0x91: {  	_ =	swait.ge [sflag:s4], $0x3C00  }
0x92: {  	[sflag:s4] =	ssyncset.done $0x0  }
0x93: {  	[sflag:s4] =	ssyncadd.s32 $0xFFFFC400  }
.LBB2_1:
0x94: {  	[tilespmem:s28], [sflag:$0x5] =	stream.linear.gather [hbm4b:s20+s3], $0x4000, $0x38;
	[tilespmem:$0x1E400] =	vst v63  }
0x95: {  	_ =	swait.ge [sflag:s29], $0x4000  }
0x96: {  	[sflag:s29] =	ssyncset.done $0x0  }
0x97: {  	[sflag:s29] =	ssyncadd.s32 $0xFFFFC000  }
0x98: {  	[spmem:s21] =	stream.linear.scatter [tilespmem:s28], [sflag:$0x3], $0x4000, $0x38;
	[tilespmem:$0x1E400] =	vst v63  }
0x99: {  	_ = 	snop  }
0x9a: {  	[spmem:s22] =	stream.linear.scatter [tilespmem:s28], [sflag:$0x3], $0x4000, $0x38;
	[tilespmem:$0x1E400] =	vst v63  }
0x9b: {  	_ = 	snop  }
0x9c: {  	[spmem:s23] =	stream.linear.scatter [tilespmem:s28], [sflag:$0x3], $0x4000, $0x38;
	[tilespmem:$0x1E400] =	vst v63  }
0x9d: {  	_ = 	snop  }
0x9e: {  	[spmem:s24] =	stream.linear.scatter [tilespmem:s28], [sflag:$0x3], $0x4000, $0x38;
	[tilespmem:$0x1E400] =	vst v63  }
0x9f: {  	_ = 	snop  }
0xa0: {  	[spmem:s25] =	stream.linear.scatter [tilespmem:s28], [sflag:$0x3], $0x3C00, $0x38;
	[tilespmem:$0x1E400] =	vst v63  }
0xa1: {  	_ =	swait.ge [sflag:s30], $0x4000  }
0xa2: {  	[sflag:s30] =	ssyncset.done $0x0  }
0xa3: {  	[sflag:s30] =	ssyncadd.s32 $0xFFFFC000  }
0xa4: {  	_ =	swait.ge [sflag:s30], $0x4000  }
0xa5: {  	[sflag:s30] =	ssyncset.done $0x0  }
0xa6: {  	[sflag:s30] =	ssyncadd.s32 $0xFFFFC000  }
0xa7: {  	_ =	swait.ge [sflag:s30], $0x4000  }
0xa8: {  	[sflag:s30] =	ssyncset.done $0x0  }
0xa9: {  	[sflag:s30] =	ssyncadd.s32 $0xFFFFC000  }
0xaa: {  	_ =	swait.ge [sflag:s30], $0x4000  }
0xab: {  	[sflag:s30] =	ssyncset.done $0x0  }
0xac: {  	[sflag:s30] =	ssyncadd.s32 $0xFFFFC000  }
.Ltmp2:
0xad: {  	_ =	swait.ge [sflag:s30], $0x3C00;
	(pc) =	sbr.rel @p0 .LBB2_13-.Ltmp2, $3  }
0xae: {  	[sflag:s30] =	ssyncset.done $0x0  }
0xaf: {  	[sflag:s30] =	ssyncadd.s32 $0xFFFFC400  }
0xb0: {  	[bflag:$0x0] =	sbarrier.arrive $0xFFFF;
	_ =	sdelay $0x1  }
0xb1: {  	s9 =	rddreg [dreg:$0x4]  }
0xb2: {  	[tilespmem:s3], [sflag:$0x5] =	stream.linear.gather [hbm4b:s9+s3], $0x1400, $0x38;
	[tilespmem:$0x1E400] =	vst v63  }
0xb3: {  	_ =	swait.ge [sflag:s29], $0x1400  }
0xb4: {  	[sflag:s29] =	ssyncset.done $0x0  }
0xb5: {  	s10 =	rddreg [dreg:$0x5];
	[sflag:s29] =	ssyncadd.s32 $0xFFFFEC00  }
0xb6: {  	[tilespmem:s31], [sflag:$0x5] =	stream.linear.gather [hbm4b:s10+s3], $0x1400, $0x38;
	[tilespmem:$0x1E400] =	vst v63  }
0xb7: {  	_ =	swait.ge [sflag:s29], $0x1400  }
0xb8: {  	[sflag:s29] =	ssyncset.done $0x0  }
0xb9: {  	[sflag:s29] =	ssyncadd.s32 $0xFFFFEC00  }
0xba: {  	[tilespmem:s28], [sflag:$0x1] =	stream.indirect.gather [hbm4b:s19+s0], $0x80, s3, s0, $0xb8;
	[tilespmem:$0x1E400] =	vst v63  }
0xbb: {  	_ = 	snop  }
0xbc: {  	[tilespmem:s1], [sflag:$0x2] =	stream.indirect.gather [hbm4b:s19+s0], $0x80, s0, s0, $0xb8;
	[tilespmem:$0x1E400] =	vst v63  }
0xbd: {  	_ =	swait.ge [sflag:s4], $0x4000  }
0xbe: {  	[sflag:s4] =	ssyncset.done $0x0  }
0xbf: {  	[sflag:s4] =	ssyncadd.s32 $0xFFFFC000  }
0xc0: {  	[spmem:s2] =	stream.indirect.scatter.add.f32 [tilespmem:s28], [sflag:$0x3], $0x80, s31, s0, $0xb8;
	[tilespmem:$0x1E400] =	vst v63  }
0xc1: {  	_ =	swait.ge [sflag:s30], $0x4000  }
0xc2: {  	[sflag:s30] =	ssyncset.done $0x0  }
0xc3: {  	[sflag:s30] =	ssyncadd.s32 $0xFFFFC000  }
0xc4: {  	[tilespmem:s28], [sflag:$0x1] =	stream.indirect.gather [hbm4b:s19+s0], $0x80, s5, s0, $0xb8;
	[tilespmem:$0x1E400] =	vst v63  }
0xc5: {  	_ =	swait.ge [sflag:s6], $0x4000  }
0xc6: {  	[sflag:s6] =	ssyncset.done $0x0  }
0xc7: {  	[sflag:s6] =	ssyncadd.s32 $0xFFFFC000  }
0xc8: {  	[spmem:s2] =	stream.indirect.scatter.add.f32 [tilespmem:s1], [sflag:$0x4], $0x80, s7, s0, $0xb8;
	[tilespmem:$0x1E400] =	vst v63  }
0xc9: {  	_ =	swait.ge [sflag:s8], $0x4000  }
0xca: {  	[sflag:s8] =	ssyncset.done $0x0  }
0xcb: {  	s13 =	simm.s32 $0x180;
	[sflag:s8] =	ssyncadd.s32 $0xFFFFC000  }
0xcc: {  	[tilespmem:s1], [sflag:$0x2] =	stream.indirect.gather [hbm4b:s19+s0], $0x80, s13, s0, $0xb8;
	[tilespmem:$0x1E400] =	vst v63  }
0xcd: {  	_ =	swait.ge [sflag:s4], $0x4000  }
0xce: {  	[sflag:s4] =	ssyncset.done $0x0  }
0xcf: {  	s10 =	simm.s32 $0x1500;
	[sflag:s4] =	ssyncadd.s32 $0xFFFFC000  }
0xd0: {  	[spmem:s2] =	stream.indirect.scatter.add.f32 [tilespmem:s28], [sflag:$0x3], $0x80, s10, s0, $0xb8;
	[tilespmem:$0x1E400] =	vst v63  }
0xd1: {  	_ =	swait.ge [sflag:s30], $0x4000  }
0xd2: {  	[sflag:s30] =	ssyncset.done $0x0  }
0xd3: {  	s13 =	simm.s32 $0x200;
	[sflag:s30] =	ssyncadd.s32 $0xFFFFC000  }
0xd4: {  	[tilespmem:s28], [sflag:$0x1] =	stream.indirect.gather [hbm4b:s19+s0], $0x80, s13, s0, $0xb8;
	[tilespmem:$0x1E400] =	vst v63  }
0xd5: {  	_ =	swait.ge [sflag:s6], $0x4000  }
0xd6: {  	[sflag:s6] =	ssyncset.done $0x0  }
0xd7: {  	s9 =	simm.s32 $0x1580;
	s13 =	simm.s32 $0xFFFFBC00;
	[sflag:s6] =	ssyncadd.s32 $0xFFFFC000  }
.LBB2_3:
0xd8: {  	[spmem:s2] =	stream.indirect.scatter.add.f32 [tilespmem:s1], [sflag:$0x4], $0x80, s9, s0, $0xb8;
	[tilespmem:$0x1E400] =	vst v63  }
0xd9: {  	s9 =	smov.u32 s13  }
0xda: {  	p1 =	sne.s32 s13, $0xFFFFFC00;
	s13 =	sadd.s32 $0x400, s13;
	_ =	swait.ge [sflag:s8], $0x4000  }
0xdb: {  	s9 =	sshra.s32 s9, $0x2;
	[sflag:s8] =	ssyncset.done $0x0  }
0xdc: {  	s10 =	sadd.s32 $0x1380, s9;
	[sflag:s8] =	ssyncadd.s32 $0xFFFFC000  }
0xdd: {  	[tilespmem:s1], [sflag:$0x2] =	stream.indirect.gather [hbm4b:s19+s0], $0x80, s10, s0, $0xb8;
	[tilespmem:$0x1E400] =	vst v63  }
0xde: {  	_ =	swait.ge [sflag:s4], $0x4000  }
0xdf: {  	[sflag:s4] =	ssyncset.done $0x0  }
0xe0: {  	s10 =	sadd.s32 $0x2700, s9;
	[sflag:s4] =	ssyncadd.s32 $0xFFFFC000  }
0xe1: {  	[spmem:s2] =	stream.indirect.scatter.add.f32 [tilespmem:s28], [sflag:$0x3], $0x80, s10, s0, $0xb8;
	[tilespmem:$0x1E400] =	vst v63  }
0xe2: {  	_ =	swait.ge [sflag:s30], $0x4000  }
0xe3: {  	[sflag:s30] =	ssyncset.done $0x0  }
.Ltmp3:
0xe4: {  	s10 =	sadd.s32 $0x1400, s9;
	[sflag:s30] =	ssyncadd.s32 $0xFFFFC000;
	(pc) =	sbr.rel @p1 .LBB2_3-.Ltmp3, $4  }
0xe5: {  	[tilespmem:s28], [sflag:$0x1] =	stream.indirect.gather [hbm4b:s19+s0], $0x80, s10, s0, $0xb8;
	[tilespmem:$0x1E400] =	vst v63  }
0xe6: {  	_ =	swait.ge [sflag:s6], $0x4000  }
0xe7: {  	[sflag:s6] =	ssyncset.done $0x0  }
0xe8: {  	s9 =	sadd.s32 $0x2780, s9;
	[sflag:s6] =	ssyncadd.s32 $0xFFFFC000  }
0xe9: {  	[spmem:s2] =	stream.indirect.scatter.add.f32 [tilespmem:s1], [sflag:$0x4], $0x80, s9, s0, $0xb8;
	[tilespmem:$0x1E400] =	vst v63  }
0xea: {  	_ =	swait.ge [sflag:s8], $0x4000  }
0xeb: {  	[sflag:s8] =	ssyncset.done $0x0  }
0xec: {  	s13 =	simm.s32 $0x1380;
	[sflag:s8] =	ssyncadd.s32 $0xFFFFC000  }
0xed: {  	[tilespmem:s1], [sflag:$0x2] =	stream.indirect.gather [hbm4b:s19+s0], $0x80, s13, s0, $0xb8;
	[tilespmem:$0x1E400] =	vst v63  }
0xee: {  	_ =	swait.ge [sflag:s4], $0x4000  }
0xef: {  	[sflag:s4] =	ssyncset.done $0x0  }
0xf0: {  	s10 =	simm.s32 $0x2700;
	[sflag:s4] =	ssyncadd.s32 $0xFFFFC000  }
0xf1: {  	[spmem:s2] =	stream.indirect.scatter.add.f32 [tilespmem:s28], [sflag:$0x3], $0x80, s10, s0, $0xb8;
	[tilespmem:$0x1E400] =	vst v63  }
0xf2: {  	_ =	swait.ge [sflag:s30], $0x4000  }
0xf3: {  	[sflag:s30] =	ssyncset.done $0x0  }
0xf4: {  	[sflag:s30] =	ssyncadd.s32 $0xFFFFC000  }
0xf5: {  	_ =	swait.ge [sflag:s6], $0x4000  }
0xf6: {  	[sflag:s6] =	ssyncset.done $0x0  }
0xf7: {  	[sflag:s6] =	ssyncadd.s32 $0xFFFFC000  }
0xf8: {  	[spmem:s2] =	stream.indirect.scatter.add.f32 [tilespmem:s1], [sflag:$0x4], $0x80, s11, s0, $0xb8;
	[tilespmem:$0x1E400] =	vst v63  }
0xf9: {  	_ =	swait.ge [sflag:s8], $0x4000  }
0xfa: {  	[sflag:s8] =	ssyncset.done $0x0  }
0xfb: {  	s13 =	rddreg [dreg:$0x6];
	[sflag:s8] =	ssyncadd.s32 $0xFFFFC000  }
0xfc: {  	[tilespmem:s3], [sflag:$0x5] =	stream.linear.gather [hbm4b:s13+s3], $0x1400, $0x38;
	[tilespmem:$0x1E400] =	vst v63  }
0xfd: {  	_ =	swait.ge [sflag:s29], $0x1400  }
0xfe: {  	[sflag:s29] =	ssyncset.done $0x0  }
0xff: {  	s10 =	rddreg [dreg:$0x7];
	[sflag:s29] =	ssyncadd.s32 $0xFFFFEC00  }
0x100: {  	[tilespmem:s31], [sflag:$0x5] =	stream.linear.gather [hbm4b:s10+s3], $0x1400, $0x38;
	[tilespmem:$0x1E400] =	vst v63  }
0x101: {  	_ =	swait.ge [sflag:s29], $0x1400  }
0x102: {  	[sflag:s29] =	ssyncset.done $0x0  }
0x103: {  	[sflag:s29] =	ssyncadd.s32 $0xFFFFEC00  }
0x104: {  	[tilespmem:s28], [sflag:$0x1] =	stream.indirect.gather [hbm4b:s19+s0], $0x80, s3, s0, $0xb8;
	[tilespmem:$0x1E400] =	vst v63  }
0x105: {  	_ = 	snop  }
0x106: {  	[tilespmem:s1], [sflag:$0x2] =	stream.indirect.gather [hbm4b:s19+s0], $0x80, s0, s0, $0xb8;
	[tilespmem:$0x1E400] =	vst v63  }
0x107: {  	_ =	swait.ge [sflag:s4], $0x4000  }
0x108: {  	[sflag:s4] =	ssyncset.done $0x0  }
0x109: {  	[sflag:s4] =	ssyncadd.s32 $0xFFFFC000  }
0x10a: {  	[spmem:s2] =	stream.indirect.scatter.add.f32 [tilespmem:s28], [sflag:$0x3], $0x80, s31, s0, $0xb8;
	[tilespmem:$0x1E400] =	vst v63  }
0x10b: {  	_ =	swait.ge [sflag:s30], $0x4000  }
0x10c: {  	[sflag:s30] =	ssyncset.done $0x0  }
0x10d: {  	[sflag:s30] =	ssyncadd.s32 $0xFFFFC000  }
0x10e: {  	[tilespmem:s28], [sflag:$0x1] =	stream.indirect.gather [hbm4b:s19+s0], $0x80, s5, s0, $0xb8;
	[tilespmem:$0x1E400] =	vst v63  }
0x10f: {  	_ =	swait.ge [sflag:s6], $0x4000  }
0x110: {  	[sflag:s6] =	ssyncset.done $0x0  }
0x111: {  	[sflag:s6] =	ssyncadd.s32 $0xFFFFC000  }
0x112: {  	[spmem:s2] =	stream.indirect.scatter.add.f32 [tilespmem:s1], [sflag:$0x4], $0x80, s7, s0, $0xb8;
	[tilespmem:$0x1E400] =	vst v63  }
0x113: {  	_ =	swait.ge [sflag:s8], $0x4000  }
0x114: {  	[sflag:s8] =	ssyncset.done $0x0  }
0x115: {  	s13 =	simm.s32 $0x180;
	[sflag:s8] =	ssyncadd.s32 $0xFFFFC000  }
0x116: {  	[tilespmem:s1], [sflag:$0x2] =	stream.indirect.gather [hbm4b:s19+s0], $0x80, s13, s0, $0xb8;
	[tilespmem:$0x1E400] =	vst v63  }
0x117: {  	_ =	swait.ge [sflag:s4], $0x4000  }
0x118: {  	[sflag:s4] =	ssyncset.done $0x0  }
0x119: {  	s10 =	simm.s32 $0x1500;
	[sflag:s4] =	ssyncadd.s32 $0xFFFFC000  }
0x11a: {  	[spmem:s2] =	stream.indirect.scatter.add.f32 [tilespmem:s28], [sflag:$0x3], $0x80, s10, s0, $0xb8;
	[tilespmem:$0x1E400] =	vst v63  }
0x11b: {  	_ =	swait.ge [sflag:s30], $0x4000  }
0x11c: {  	[sflag:s30] =	ssyncset.done $0x0  }
0x11d: {  	s13 =	simm.s32 $0x200;
	[sflag:s30] =	ssyncadd.s32 $0xFFFFC000  }
0x11e: {  	[tilespmem:s28], [sflag:$0x1] =	stream.indirect.gather [hbm4b:s19+s0], $0x80, s13, s0, $0xb8;
	[tilespmem:$0x1E400] =	vst v63  }
0x11f: {  	_ =	swait.ge [sflag:s6], $0x4000  }
0x120: {  	[sflag:s6] =	ssyncset.done $0x0  }
0x121: {  	s9 =	simm.s32 $0x1580;
	s13 =	simm.s32 $0xFFFFBC00;
	[sflag:s6] =	ssyncadd.s32 $0xFFFFC000  }
.LBB2_5:
0x122: {  	[spmem:s2] =	stream.indirect.scatter.add.f32 [tilespmem:s1], [sflag:$0x4], $0x80, s9, s0, $0xb8;
	[tilespmem:$0x1E400] =	vst v63  }
0x123: {  	s9 =	smov.u32 s13  }
0x124: {  	p1 =	sne.s32 s13, $0xFFFFFC00;
	s13 =	sadd.s32 $0x400, s13;
	_ =	swait.ge [sflag:s8], $0x4000  }
0x125: {  	s9 =	sshra.s32 s9, $0x2;
	[sflag:s8] =	ssyncset.done $0x0  }
0x126: {  	s10 =	sadd.s32 $0x1380, s9;
	[sflag:s8] =	ssyncadd.s32 $0xFFFFC000  }
0x127: {  	[tilespmem:s1], [sflag:$0x2] =	stream.indirect.gather [hbm4b:s19+s0], $0x80, s10, s0, $0xb8;
	[tilespmem:$0x1E400] =	vst v63  }
0x128: {  	_ =	swait.ge [sflag:s4], $0x4000  }
0x129: {  	[sflag:s4] =	ssyncset.done $0x0  }
0x12a: {  	s10 =	sadd.s32 $0x2700, s9;
	[sflag:s4] =	ssyncadd.s32 $0xFFFFC000  }
0x12b: {  	[spmem:s2] =	stream.indirect.scatter.add.f32 [tilespmem:s28], [sflag:$0x3], $0x80, s10, s0, $0xb8;
	[tilespmem:$0x1E400] =	vst v63  }
0x12c: {  	_ =	swait.ge [sflag:s30], $0x4000  }
0x12d: {  	[sflag:s30] =	ssyncset.done $0x0  }
.Ltmp4:
0x12e: {  	s10 =	sadd.s32 $0x1400, s9;
	[sflag:s30] =	ssyncadd.s32 $0xFFFFC000;
	(pc) =	sbr.rel @p1 .LBB2_5-.Ltmp4, $4  }
0x12f: {  	[tilespmem:s28], [sflag:$0x1] =	stream.indirect.gather [hbm4b:s19+s0], $0x80, s10, s0, $0xb8;
	[tilespmem:$0x1E400] =	vst v63  }
0x130: {  	_ =	swait.ge [sflag:s6], $0x4000  }
0x131: {  	[sflag:s6] =	ssyncset.done $0x0  }
0x132: {  	s9 =	sadd.s32 $0x2780, s9;
	[sflag:s6] =	ssyncadd.s32 $0xFFFFC000  }
0x133: {  	[spmem:s2] =	stream.indirect.scatter.add.f32 [tilespmem:s1], [sflag:$0x4], $0x80, s9, s0, $0xb8;
	[tilespmem:$0x1E400] =	vst v63  }
0x134: {  	_ =	swait.ge [sflag:s8], $0x4000  }
0x135: {  	[sflag:s8] =	ssyncset.done $0x0  }
0x136: {  	s13 =	simm.s32 $0x1380;
	[sflag:s8] =	ssyncadd.s32 $0xFFFFC000  }
0x137: {  	[tilespmem:s1], [sflag:$0x2] =	stream.indirect.gather [hbm4b:s19+s0], $0x80, s13, s0, $0xb8;
	[tilespmem:$0x1E400] =	vst v63  }
0x138: {  	_ =	swait.ge [sflag:s4], $0x4000  }
0x139: {  	[sflag:s4] =	ssyncset.done $0x0  }
0x13a: {  	s10 =	simm.s32 $0x2700;
	[sflag:s4] =	ssyncadd.s32 $0xFFFFC000  }
0x13b: {  	[spmem:s2] =	stream.indirect.scatter.add.f32 [tilespmem:s28], [sflag:$0x3], $0x80, s10, s0, $0xb8;
	[tilespmem:$0x1E400] =	vst v63  }
0x13c: {  	_ =	swait.ge [sflag:s30], $0x4000  }
0x13d: {  	[sflag:s30] =	ssyncset.done $0x0  }
0x13e: {  	[sflag:s30] =	ssyncadd.s32 $0xFFFFC000  }
0x13f: {  	_ =	swait.ge [sflag:s6], $0x4000  }
0x140: {  	[sflag:s6] =	ssyncset.done $0x0  }
0x141: {  	[sflag:s6] =	ssyncadd.s32 $0xFFFFC000  }
0x142: {  	[spmem:s2] =	stream.indirect.scatter.add.f32 [tilespmem:s1], [sflag:$0x4], $0x80, s11, s0, $0xb8;
	[tilespmem:$0x1E400] =	vst v63  }
0x143: {  	_ =	swait.ge [sflag:s8], $0x4000  }
0x144: {  	[sflag:s8] =	ssyncset.done $0x0  }
0x145: {  	s13 =	rddreg [dreg:$0x8];
	[sflag:s8] =	ssyncadd.s32 $0xFFFFC000  }
0x146: {  	[tilespmem:s3], [sflag:$0x5] =	stream.linear.gather [hbm4b:s13+s3], $0x1400, $0x38;
	[tilespmem:$0x1E400] =	vst v63  }
0x147: {  	_ =	swait.ge [sflag:s29], $0x1400  }
0x148: {  	[sflag:s29] =	ssyncset.done $0x0  }
0x149: {  	s10 =	rddreg [dreg:$0x9];
	[sflag:s29] =	ssyncadd.s32 $0xFFFFEC00  }
0x14a: {  	[tilespmem:s31], [sflag:$0x5] =	stream.linear.gather [hbm4b:s10+s3], $0x1400, $0x38;
	[tilespmem:$0x1E400] =	vst v63  }
0x14b: {  	_ =	swait.ge [sflag:s29], $0x1400  }
0x14c: {  	[sflag:s29] =	ssyncset.done $0x0  }
0x14d: {  	[sflag:s29] =	ssyncadd.s32 $0xFFFFEC00  }
0x14e: {  	[tilespmem:s28], [sflag:$0x1] =	stream.indirect.gather [hbm4b:s19+s0], $0x80, s3, s0, $0xb8;
	[tilespmem:$0x1E400] =	vst v63  }
0x14f: {  	_ = 	snop  }
0x150: {  	[tilespmem:s1], [sflag:$0x2] =	stream.indirect.gather [hbm4b:s19+s0], $0x80, s0, s0, $0xb8;
	[tilespmem:$0x1E400] =	vst v63  }
0x151: {  	_ =	swait.ge [sflag:s4], $0x4000  }
0x152: {  	[sflag:s4] =	ssyncset.done $0x0  }
0x153: {  	[sflag:s4] =	ssyncadd.s32 $0xFFFFC000  }
0x154: {  	[spmem:s2] =	stream.indirect.scatter.add.f32 [tilespmem:s28], [sflag:$0x3], $0x80, s31, s0, $0xb8;
	[tilespmem:$0x1E400] =	vst v63  }
0x155: {  	_ =	swait.ge [sflag:s30], $0x4000  }
0x156: {  	[sflag:s30] =	ssyncset.done $0x0  }
0x157: {  	[sflag:s30] =	ssyncadd.s32 $0xFFFFC000  }
0x158: {  	[tilespmem:s28], [sflag:$0x1] =	stream.indirect.gather [hbm4b:s19+s0], $0x80, s5, s0, $0xb8;
	[tilespmem:$0x1E400] =	vst v63  }
0x159: {  	_ =	swait.ge [sflag:s6], $0x4000  }
0x15a: {  	[sflag:s6] =	ssyncset.done $0x0  }
0x15b: {  	[sflag:s6] =	ssyncadd.s32 $0xFFFFC000  }
0x15c: {  	[spmem:s2] =	stream.indirect.scatter.add.f32 [tilespmem:s1], [sflag:$0x4], $0x80, s7, s0, $0xb8;
	[tilespmem:$0x1E400] =	vst v63  }
0x15d: {  	_ =	swait.ge [sflag:s8], $0x4000  }
0x15e: {  	[sflag:s8] =	ssyncset.done $0x0  }
0x15f: {  	s13 =	simm.s32 $0x180;
	[sflag:s8] =	ssyncadd.s32 $0xFFFFC000  }
0x160: {  	[tilespmem:s1], [sflag:$0x2] =	stream.indirect.gather [hbm4b:s19+s0], $0x80, s13, s0, $0xb8;
	[tilespmem:$0x1E400] =	vst v63  }
0x161: {  	_ =	swait.ge [sflag:s4], $0x4000  }
0x162: {  	[sflag:s4] =	ssyncset.done $0x0  }
0x163: {  	s10 =	simm.s32 $0x1500;
	[sflag:s4] =	ssyncadd.s32 $0xFFFFC000  }
0x164: {  	[spmem:s2] =	stream.indirect.scatter.add.f32 [tilespmem:s28], [sflag:$0x3], $0x80, s10, s0, $0xb8;
	[tilespmem:$0x1E400] =	vst v63  }
0x165: {  	_ =	swait.ge [sflag:s30], $0x4000  }
0x166: {  	[sflag:s30] =	ssyncset.done $0x0  }
0x167: {  	s13 =	simm.s32 $0x200;
	[sflag:s30] =	ssyncadd.s32 $0xFFFFC000  }
0x168: {  	[tilespmem:s28], [sflag:$0x1] =	stream.indirect.gather [hbm4b:s19+s0], $0x80, s13, s0, $0xb8;
	[tilespmem:$0x1E400] =	vst v63  }
0x169: {  	_ =	swait.ge [sflag:s6], $0x4000  }
0x16a: {  	[sflag:s6] =	ssyncset.done $0x0  }
0x16b: {  	s9 =	simm.s32 $0x1580;
	s13 =	simm.s32 $0xFFFFBC00;
	[sflag:s6] =	ssyncadd.s32 $0xFFFFC000  }
.LBB2_7:
0x16c: {  	[spmem:s2] =	stream.indirect.scatter.add.f32 [tilespmem:s1], [sflag:$0x4], $0x80, s9, s0, $0xb8;
	[tilespmem:$0x1E400] =	vst v63  }
0x16d: {  	s9 =	smov.u32 s13  }
0x16e: {  	p1 =	sne.s32 s13, $0xFFFFFC00;
	s13 =	sadd.s32 $0x400, s13;
	_ =	swait.ge [sflag:s8], $0x4000  }
0x16f: {  	s9 =	sshra.s32 s9, $0x2;
	[sflag:s8] =	ssyncset.done $0x0  }
0x170: {  	s10 =	sadd.s32 $0x1380, s9;
	[sflag:s8] =	ssyncadd.s32 $0xFFFFC000  }
0x171: {  	[tilespmem:s1], [sflag:$0x2] =	stream.indirect.gather [hbm4b:s19+s0], $0x80, s10, s0, $0xb8;
	[tilespmem:$0x1E400] =	vst v63  }
0x172: {  	_ =	swait.ge [sflag:s4], $0x4000  }
0x173: {  	[sflag:s4] =	ssyncset.done $0x0  }
0x174: {  	s10 =	sadd.s32 $0x2700, s9;
	[sflag:s4] =	ssyncadd.s32 $0xFFFFC000  }
0x175: {  	[spmem:s2] =	stream.indirect.scatter.add.f32 [tilespmem:s28], [sflag:$0x3], $0x80, s10, s0, $0xb8;
	[tilespmem:$0x1E400] =	vst v63  }
0x176: {  	_ =	swait.ge [sflag:s30], $0x4000  }
0x177: {  	[sflag:s30] =	ssyncset.done $0x0  }
.Ltmp5:
0x178: {  	s10 =	sadd.s32 $0x1400, s9;
	[sflag:s30] =	ssyncadd.s32 $0xFFFFC000;
	(pc) =	sbr.rel @p1 .LBB2_7-.Ltmp5, $4  }
0x179: {  	[tilespmem:s28], [sflag:$0x1] =	stream.indirect.gather [hbm4b:s19+s0], $0x80, s10, s0, $0xb8;
	[tilespmem:$0x1E400] =	vst v63  }
0x17a: {  	_ =	swait.ge [sflag:s6], $0x4000  }
0x17b: {  	[sflag:s6] =	ssyncset.done $0x0  }
0x17c: {  	s9 =	sadd.s32 $0x2780, s9;
	[sflag:s6] =	ssyncadd.s32 $0xFFFFC000  }
0x17d: {  	[spmem:s2] =	stream.indirect.scatter.add.f32 [tilespmem:s1], [sflag:$0x4], $0x80, s9, s0, $0xb8;
	[tilespmem:$0x1E400] =	vst v63  }
0x17e: {  	_ =	swait.ge [sflag:s8], $0x4000  }
0x17f: {  	[sflag:s8] =	ssyncset.done $0x0  }
0x180: {  	s13 =	simm.s32 $0x1380;
	[sflag:s8] =	ssyncadd.s32 $0xFFFFC000  }
0x181: {  	[tilespmem:s1], [sflag:$0x2] =	stream.indirect.gather [hbm4b:s19+s0], $0x80, s13, s0, $0xb8;
	[tilespmem:$0x1E400] =	vst v63  }
0x182: {  	_ =	swait.ge [sflag:s4], $0x4000  }
0x183: {  	[sflag:s4] =	ssyncset.done $0x0  }
0x184: {  	s10 =	simm.s32 $0x2700;
	[sflag:s4] =	ssyncadd.s32 $0xFFFFC000  }
0x185: {  	[spmem:s2] =	stream.indirect.scatter.add.f32 [tilespmem:s28], [sflag:$0x3], $0x80, s10, s0, $0xb8;
	[tilespmem:$0x1E400] =	vst v63  }
0x186: {  	_ =	swait.ge [sflag:s30], $0x4000  }
0x187: {  	[sflag:s30] =	ssyncset.done $0x0  }
0x188: {  	[sflag:s30] =	ssyncadd.s32 $0xFFFFC000  }
0x189: {  	_ =	swait.ge [sflag:s6], $0x4000  }
0x18a: {  	[sflag:s6] =	ssyncset.done $0x0  }
0x18b: {  	[sflag:s6] =	ssyncadd.s32 $0xFFFFC000  }
0x18c: {  	[spmem:s2] =	stream.indirect.scatter.add.f32 [tilespmem:s1], [sflag:$0x4], $0x80, s11, s0, $0xb8;
	[tilespmem:$0x1E400] =	vst v63  }
0x18d: {  	_ =	swait.ge [sflag:s8], $0x4000  }
0x18e: {  	[sflag:s8] =	ssyncset.done $0x0  }
0x18f: {  	s13 =	rddreg [dreg:$0xa];
	[sflag:s8] =	ssyncadd.s32 $0xFFFFC000  }
0x190: {  	[tilespmem:s3], [sflag:$0x5] =	stream.linear.gather [hbm4b:s13+s3], $0x1000, $0x38;
	[tilespmem:$0x1E400] =	vst v63  }
0x191: {  	_ =	swait.ge [sflag:s29], $0x1000  }
0x192: {  	[sflag:s29] =	ssyncset.done $0x0  }
0x193: {  	s10 =	rddreg [dreg:$0xb];
	[sflag:s29] =	ssyncadd.s32 $0xFFFFF000  }
0x194: {  	[tilespmem:s31], [sflag:$0x5] =	stream.linear.gather [hbm4b:s10+s3], $0x1000, $0x38;
	[tilespmem:$0x1E400] =	vst v63  }
0x195: {  	_ =	swait.ge [sflag:s29], $0x1000  }
0x196: {  	[sflag:s29] =	ssyncset.done $0x0  }
0x197: {  	[sflag:s29] =	ssyncadd.s32 $0xFFFFF000  }
0x198: {  	[tilespmem:s28], [sflag:$0x1] =	stream.indirect.gather [hbm4b:s19+s0], $0x80, s3, s0, $0xb8;
	[tilespmem:$0x1E400] =	vst v63  }
0x199: {  	_ = 	snop  }
0x19a: {  	[tilespmem:s1], [sflag:$0x2] =	stream.indirect.gather [hbm4b:s19+s0], $0x80, s0, s0, $0xb8;
	[tilespmem:$0x1E400] =	vst v63  }
0x19b: {  	_ =	swait.ge [sflag:s4], $0x4000  }
0x19c: {  	[sflag:s4] =	ssyncset.done $0x0  }
0x19d: {  	[sflag:s4] =	ssyncadd.s32 $0xFFFFC000  }
0x19e: {  	[spmem:s2] =	stream.indirect.scatter.add.f32 [tilespmem:s28], [sflag:$0x3], $0x80, s31, s0, $0xb8;
	[tilespmem:$0x1E400] =	vst v63  }
0x19f: {  	_ =	swait.ge [sflag:s30], $0x4000  }
0x1a0: {  	[sflag:s30] =	ssyncset.done $0x0  }
0x1a1: {  	[sflag:s30] =	ssyncadd.s32 $0xFFFFC000  }
0x1a2: {  	[tilespmem:s28], [sflag:$0x1] =	stream.indirect.gather [hbm4b:s19+s0], $0x80, s5, s0, $0xb8;
	[tilespmem:$0x1E400] =	vst v63  }
0x1a3: {  	_ =	swait.ge [sflag:s6], $0x4000  }
0x1a4: {  	[sflag:s6] =	ssyncset.done $0x0  }
0x1a5: {  	[sflag:s6] =	ssyncadd.s32 $0xFFFFC000  }
0x1a6: {  	[spmem:s2] =	stream.indirect.scatter.add.f32 [tilespmem:s1], [sflag:$0x4], $0x80, s7, s0, $0xb8;
	[tilespmem:$0x1E400] =	vst v63  }
0x1a7: {  	_ =	swait.ge [sflag:s8], $0x4000  }
0x1a8: {  	[sflag:s8] =	ssyncset.done $0x0  }
0x1a9: {  	s13 =	simm.s32 $0x180;
	[sflag:s8] =	ssyncadd.s32 $0xFFFFC000  }
0x1aa: {  	[tilespmem:s1], [sflag:$0x2] =	stream.indirect.gather [hbm4b:s19+s0], $0x80, s13, s0, $0xb8;
	[tilespmem:$0x1E400] =	vst v63  }
0x1ab: {  	_ =	swait.ge [sflag:s4], $0x4000  }
0x1ac: {  	[sflag:s4] =	ssyncset.done $0x0  }
0x1ad: {  	s10 =	simm.s32 $0x1500;
	[sflag:s4] =	ssyncadd.s32 $0xFFFFC000  }
0x1ae: {  	[spmem:s2] =	stream.indirect.scatter.add.f32 [tilespmem:s28], [sflag:$0x3], $0x80, s10, s0, $0xb8;
	[tilespmem:$0x1E400] =	vst v63  }
0x1af: {  	_ =	swait.ge [sflag:s30], $0x4000  }
0x1b0: {  	[sflag:s30] =	ssyncset.done $0x0  }
0x1b1: {  	s13 =	simm.s32 $0x200;
	[sflag:s30] =	ssyncadd.s32 $0xFFFFC000  }
0x1b2: {  	[tilespmem:s28], [sflag:$0x1] =	stream.indirect.gather [hbm4b:s19+s0], $0x80, s13, s0, $0xb8;
	[tilespmem:$0x1E400] =	vst v63  }
0x1b3: {  	_ =	swait.ge [sflag:s6], $0x4000  }
0x1b4: {  	[sflag:s6] =	ssyncset.done $0x0  }
0x1b5: {  	s9 =	simm.s32 $0x1580;
	s13 =	simm.s32 $0xFFFFCC00;
	[sflag:s6] =	ssyncadd.s32 $0xFFFFC000  }
.LBB2_9:
0x1b6: {  	[spmem:s2] =	stream.indirect.scatter.add.f32 [tilespmem:s1], [sflag:$0x4], $0x80, s9, s0, $0xb8;
	[tilespmem:$0x1E400] =	vst v63  }
0x1b7: {  	s9 =	smov.u32 s13  }
0x1b8: {  	p1 =	seq.s32 s13, $0xFFFFFC00;
	s13 =	sadd.s32 $0x400, s13;
	_ =	swait.ge [sflag:s8], $0x4000  }
0x1b9: {  	s9 =	sshra.s32 s9, $0x2;
	[sflag:s8] =	ssyncset.done $0x0  }
0x1ba: {  	s10 =	sadd.s32 $0xF80, s9;
	[sflag:s8] =	ssyncadd.s32 $0xFFFFC000  }
0x1bb: {  	[tilespmem:s1], [sflag:$0x2] =	stream.indirect.gather [hbm4b:s19+s0], $0x80, s10, s0, $0xb8;
	[tilespmem:$0x1E400] =	vst v63  }
0x1bc: {  	_ =	swait.ge [sflag:s4], $0x4000  }
0x1bd: {  	[sflag:s4] =	ssyncset.done $0x0  }
0x1be: {  	s10 =	sadd.s32 $0x2300, s9;
	[sflag:s4] =	ssyncadd.s32 $0xFFFFC000  }
0x1bf: {  	[spmem:s2] =	stream.indirect.scatter.add.f32 [tilespmem:s28], [sflag:$0x3], $0x80, s10, s0, $0xb8;
	[tilespmem:$0x1E400] =	vst v63  }
0x1c0: {  	_ =	swait.ge [sflag:s30], $0x4000  }
0x1c1: {  	[sflag:s30] =	ssyncset.done $0x0  }
.Ltmp6:
0x1c2: {  	s10 =	sadd.s32 $0x1000, s9;
	[sflag:s30] =	ssyncadd.s32 $0xFFFFC000;
	(pc) =	sbr.rel @!p1 .LBB2_9-.Ltmp6, $4  }
0x1c3: {  	[tilespmem:s28], [sflag:$0x1] =	stream.indirect.gather [hbm4b:s19+s0], $0x80, s10, s0, $0xb8;
	[tilespmem:$0x1E400] =	vst v63  }
0x1c4: {  	_ =	swait.ge [sflag:s6], $0x4000  }
0x1c5: {  	[sflag:s6] =	ssyncset.done $0x0  }
0x1c6: {  	s9 =	sadd.s32 $0x2380, s9;
	[sflag:s6] =	ssyncadd.s32 $0xFFFFC000  }
0x1c7: {  	[spmem:s2] =	stream.indirect.scatter.add.f32 [tilespmem:s1], [sflag:$0x4], $0x80, s9, s0, $0xb8;
	[tilespmem:$0x1E400] =	vst v63  }
0x1c8: {  	_ =	swait.ge [sflag:s8], $0x4000  }
0x1c9: {  	[sflag:s8] =	ssyncset.done $0x0  }
0x1ca: {  	s13 =	simm.s32 $0xF80;
	[sflag:s8] =	ssyncadd.s32 $0xFFFFC000  }
0x1cb: {  	[tilespmem:s1], [sflag:$0x2] =	stream.indirect.gather [hbm4b:s19+s0], $0x80, s13, s0, $0xb8;
	[tilespmem:$0x1E400] =	vst v63  }
0x1cc: {  	_ =	swait.ge [sflag:s4], $0x4000  }
0x1cd: {  	[sflag:s4] =	ssyncset.done $0x0  }
0x1ce: {  	s10 =	simm.s32 $0x2300;
	[sflag:s4] =	ssyncadd.s32 $0xFFFFC000  }
0x1cf: {  	[spmem:s2] =	stream.indirect.scatter.add.f32 [tilespmem:s28], [sflag:$0x3], $0x80, s10, s0, $0xb8;
	[tilespmem:$0x1E400] =	vst v63  }
0x1d0: {  	_ =	swait.ge [sflag:s30], $0x4000  }
0x1d1: {  	[sflag:s30] =	ssyncset.done $0x0  }
.Ltmp7:
0x1d2: {  	[sflag:s30] =	ssyncadd.s32 $0xFFFFC000;
	(pc) =	sbr.rel .LBB2_11-.Ltmp7, $4  }
0x1d3: {  	_ =	swait.ge [sflag:s6], $0x4000  }
0x1d4: {  	[sflag:s6] =	ssyncset.done $0x0  }
0x1d5: {  	s13 =	simm.s32 $0x2380;
	[sflag:s6] =	ssyncadd.s32 $0xFFFFC000  }
0x1d6: {  	[spmem:s2] =	stream.indirect.scatter.add.f32 [tilespmem:s1], [sflag:$0x4], $0x80, s13, s0, $0xb8;
	[tilespmem:$0x1E400] =	vst v63  }
.LBB2_12:
0x1d7: {  	_ =	sfence.sel $0x180000  }
0x1d8: {  	[bflag:$0x0] =	sbarrier.arrive $0xFFFF  }
0x1d9: {  	_ =	strace $0x9000004D  }
0x1da: {  	s0 =	stileid.u32;
	[bflag:$0x2] =	sbarrier.arrive $0xFFFF  }
0x1db: {  	p0 =	sne.s32 s0, $0x0;
	s0 =	rddreg [dreg:$0x3]  }
0x1dc: {  	s0 =	sadd.s32 @!p0 $0x100000, s0  }
0x1dd: {  	[sflag:s0] =	ssyncadd.tile.s32 @!p0 $0x1;
	_ =	shalt  }
.Lfunc_end2:
_tile_overlayer_lowered:
.L_overlay_start_2:
0x1de: {  	(tag) =	ssettag $0x2  }
0x1df: {  	s0 =	rddreg [dreg:$0x0];
	s2 =	stileid.u32  }
0x1e0: {  	s1 =	rddreg [dreg:$0x1];
	p0 =	sne.s32 s2, $0x0  }
0x1e1: {  	s3 =	rddreg [dreg:$0x2];
	[bflag:$0x3] =	sbarrier.arrive $0xFFFF;
	s2 =	simm.s32 @!p0 $0x1C05  }
0x1e2: {  	[timem:s3], [sflag:s2] =	dma.local @!p0 [hbm:s0], s1  }
0x1e3: {  	s0 =	simm.s32 @!p0 $0x5  }
0x1e4: {  	_ =	swait.ge @!p0 [sflag:s0], s1  }
0x1e5: {  	s1 =	ssub.s32 @!p0 $0x0, s1;
	[sflag:s0] =	ssyncset.done @!p0 $0x0  }
0x1e6: {  	[sflag:s0] =	ssyncadd.s32 @!p0 s1  }
0x1e7: {  	[bflag:$0x3] =	sbarrier.arrive $0xFFFF  }
0x1e8: {  	_ =	shalt  }

// kernel: kernel.9.cloned.1.call-start
scs
__scs_entry_jumppad:
0x0: {  	(pc) =	sbr.rel $0x88, $3  }
0x1: {  	(tag) =	ssettag $0x0;
	lr =	simm.s32 $0x1  }
0x2: {  	[smem:$0x3F9B] =	sst lr;
	_ =	strace $0xD0000000  }
0x3: {  	_ = 	snop  }
0x4: {  	_ = 	snop  }
0x5: {  	_ = 	snop  }
0x6: {  	_ = 	snop  }
0x7: {  	_ = 	snop  }
__scs_overlays_trampoline_lowered:
0x8: {  	[smem:$0x3FAA] =	sst s0  }
0x9: {  	[smem:$0x3FAB] =	sst s1  }
0xa: {  	[smem:$0x3FAC] =	sst s2  }
0xb: {  	[smem:$0x3FAD] =	sst s3  }
0xc: {  	[smem:$0x3FAE] =	sst s4  }
0xd: {  	[smem:$0x3FAF] =	sst s5  }
0xe: {  	[smem:$0x3FB0] =	sst s6  }
0xf: {  	[smem:$0x3FB1] =	sst s7  }
0x10: {  	[smem:$0x3FB2] =	sst s8  }
0x11: {  	[smem:$0x3FB3] =	sst s9;
	s0 =	simm.s32 @!p0 $0x0  }
0x12: {  	s1 =	sld [smem:$0x3F99];
	s0 =	simm.s32 @p0 $0x1  }
0x13: {  	[smem:$0x3FB4] =	sst s0;
	s0 =	simm.s32 @!p1 $0x0  }
0x14: {  	s2 =	sld [smem:$0x3F98];
	s0 =	simm.s32 @p1 $0x1  }
0x15: {  	[smem:$0x3FB5] =	sst s0;
	s0 =	simm.s32 @!p2 $0x0  }
0x16: {  	s3 =	sld [smem:$0x3FDB];
	s0 =	simm.s32 @p2 $0x1  }
0x17: {  	s4 =	simm.s32 $0x1BF5;
	[smem:$0x3FB7] =	sst s0  }
0x18: {  	s0 =	sld [smem:$0x3F9A];
	_ =	swait.ge [sflag:s4], $0x0  }
0x19: {  	s7 =	sld [smem:$0x3F9B]  }
0x1a: {  	s8 =	sadd.s32 $0xFFFFE003, lr  }
0x1b: {  	s9 =	sadd.s32 $0xFFFFFEF7, lr;
	s5 =	simm.s32 $0xFFFFFFFF;
	p2 =	slt.u32 s8, $0xFFFFF086  }
0x1c: {  	p1 =	slt.u32 s9, $0xF7A;
	s5 =	simm.s32 @!p2 $0x0  }
0x1d: {  	s5 =	simm.s32 @p1 $0x1;
	p0 =	seq.s32 s7, s2  }
0x1e: {  	s7 =	smul.u32 @!p0 $0xF7A, s2;
	p2 =	seq.s32 @!p0 s5, $0x0  }
0x1f: {  	s9 =	smul.u32 $0xF7A, s1;
	s8 =	simm.s32 @!p0 $0x1BF5;
	p2 =	por !p2, p0  }
0x20: {  	[sflag:s8] =	ssyncset.s32 @!p0 $0xFFFFF086;
	s6 =	sadd.s32 @!p0 s3, s7;
	s7 =	simm.s32 @!p0 $0x108  }
0x21: {  	s3 =	sadd.s32 s3, s9;
	s6 =	sadd.s32 @!p0 $0x88, s6;
	s7 =	simm.s32 @p2 $0x1082  }
0x22: {  	[simem:s7], [sflag:s8] =	dma.local @!p0 [hbm:s6], $0xF7A  }
0x23: {  	s9 =	sor.u32 $0xD0000000, s2;
	s6 =	simm.s32 $0x108;
	_ =	swait.ge @!p0 [sflag:s8], $0x0  }
0x24: {  	s3 =	sadd.s32 $0x88, s3;
	s6 =	simm.s32 @!p1 $0x1082;
	[sflag:s4] =	ssyncset.s32 $0xFFFFF086  }
0x25: {  	[simem:s6], [sflag:s4] =	dma.local [hbm:s3], $0xF7A  }
0x26: {  	[smem:$0x3F9B] =	sst s1;
	(tag) =	ssettag s2;
	_ =	strace s9  }
0x27: {  	s1 =	sld [smem:$0x3FAB]  }
0x28: {  	s2 =	sld [smem:$0x3FAC]  }
0x29: {  	s4 =	sld [smem:$0x3FAE]  }
0x2a: {  	p0 =	seq.s32 s5, $0x0;
	s5 =	sld [smem:$0x3FAF]  }
0x2b: {  	s6 =	sld [smem:$0x3FB0]  }
0x2c: {  	s7 =	sld [smem:$0x3FB1]  }
0x2d: {  	s3 =	simm.s32 $0x108;
	s8 =	sld [smem:$0x3FB2]  }
0x2e: {  	s3 =	simm.s32 @!p0 $0x1082;
	s9 =	sld [smem:$0x3FB3]  }
0x2f: {  	lr =	sadd.s32 s0, s3;
	s0 =	sld [smem:$0x3FAA]  }
0x30: {  	s3 =	sld [smem:$0x3FAD]  }
0x31: {  	[smem:$0x3FB6] =	sst s10  }
0x32: {  	s10 =	sld [smem:$0x3FB4];
	_ =	sdelay $0x3  }
0x33: {  	p0 =	seq.s32 s10, $0x1;
	s10 =	sld [smem:$0x3FB6];
	_ =	sdelay $0x3  }
0x34: {  	[smem:$0x3FB6] =	sst s10  }
0x35: {  	s10 =	sld [smem:$0x3FB5];
	_ =	sdelay $0x3  }
0x36: {  	p1 =	seq.s32 s10, $0x1;
	s10 =	sld [smem:$0x3FB6];
	_ =	sdelay $0x3  }
0x37: {  	[smem:$0x3FB6] =	sst s10  }
0x38: {  	s10 =	sld [smem:$0x3FB7]  }
0x39: {  	_ = 	snop;
	(pc) =	sbr.ind lr, $3  }
0x3a: {  	_ = 	snop  }
0x3b: {  	_ = 	snop  }
0x3c: {  	p2 =	seq.s32 s10, $0x1;
	s10 =	sld [smem:$0x3FB6]  }
0x3d: {  	_ =	shalt  }
0x3e: {  	_ =	shalt  }
0x3f: {  	_ =	shalt  }
0x40: {  	_ =	shalt  }
0x41: {  	_ =	shalt  }
0x42: {  	_ =	shalt  }
0x43: {  	_ =	shalt  }
0x44: {  	_ =	shalt  }
0x45: {  	_ =	shalt  }
0x46: {  	_ =	shalt  }
0x47: {  	_ =	shalt  }
0x48: {  	_ =	shalt  }
0x49: {  	_ =	shalt  }
0x4a: {  	_ =	shalt  }
0x4b: {  	_ =	shalt  }
0x4c: {  	_ =	shalt  }
0x4d: {  	_ =	shalt  }
0x4e: {  	_ =	shalt  }
0x4f: {  	_ =	shalt  }
0x50: {  	_ =	shalt  }
0x51: {  	_ =	shalt  }
0x52: {  	_ =	shalt  }
0x53: {  	_ =	shalt  }
0x54: {  	_ =	shalt  }
0x55: {  	_ =	shalt  }
0x56: {  	_ =	shalt  }
0x57: {  	_ =	shalt  }
0x58: {  	_ =	shalt  }
0x59: {  	_ =	shalt  }
0x5a: {  	_ =	shalt  }
0x5b: {  	_ =	shalt  }
0x5c: {  	_ =	shalt  }
0x5d: {  	_ =	shalt  }
0x5e: {  	_ =	shalt  }
0x5f: {  	_ =	shalt  }
0x60: {  	_ =	shalt  }
0x61: {  	_ =	shalt  }
0x62: {  	_ =	shalt  }
0x63: {  	_ =	shalt  }
0x64: {  	_ =	shalt  }
0x65: {  	_ =	shalt  }
0x66: {  	_ =	shalt  }
0x67: {  	_ =	shalt  }
0x68: {  	_ =	shalt  }
0x69: {  	_ =	shalt  }
0x6a: {  	_ =	shalt  }
0x6b: {  	_ =	shalt  }
0x6c: {  	_ =	shalt  }
0x6d: {  	_ =	shalt  }
0x6e: {  	_ =	shalt  }
0x6f: {  	_ =	shalt  }
0x70: {  	_ =	shalt  }
0x71: {  	_ =	shalt  }
0x72: {  	_ =	shalt  }
0x73: {  	_ =	shalt  }
0x74: {  	_ =	shalt  }
0x75: {  	_ =	shalt  }
0x76: {  	_ =	shalt  }
0x77: {  	_ =	shalt  }
0x78: {  	_ =	shalt  }
0x79: {  	_ =	shalt  }
0x7a: {  	_ =	shalt  }
0x7b: {  	_ =	shalt  }
0x7c: {  	_ =	shalt  }
0x7d: {  	_ =	shalt  }
0x7e: {  	_ =	shalt  }
0x7f: {  	_ =	shalt  }
0x80: {  	_ =	shalt  }
0x81: {  	_ =	shalt  }
0x82: {  	_ =	shalt  }
0x83: {  	_ =	shalt  }
0x84: {  	_ =	shalt  }
0x85: {  	_ =	shalt  }
0x86: {  	_ =	shalt  }
0x87: {  	_ =	shalt  }
.Lfunc_end0:
.L_simem_size_0:
called_computation_lowered:
.L_overlay_start_0:
0x88: {  	s2 =	sld [smem:$0x3FD9]  }
0x89: {  	s3 =	sld [smem:$0x3FFE];
	_ =	sdelay $0x1  }
0x8a: {  	s1 =	srdreg.scid  }
0x8b: {  	s0 =	sand.u32 $0x1, s1  }
0x8c: {  	s16 =	sshll.u32 s0, $0xA;
	s2 =	sadd.s32 s3, s2  }
0x8d: {  	s2 =	sadd.s32 s2, s16  }
0x8e: {  	[smem:$0x3FC2] =	sst s2  }
0x8f: {  	_ = 	snop  }
0x90: {  	(tm) =	ssettm $0x1  }
0x91: {  	s17 =	sld [smem:$0x3FFB];
	_ =	sdelay $0x3  }
0x92: {  	_ =	strace s17  }
0x93: {  	s2 =	sld [smem:$0x3FFC];
	_ =	sdelay $0x3  }
0x94: {  	_ =	strace s2  }
0x95: {  	s2 =	sld [smem:$0x3FFD];
	_ =	sdelay $0x3  }
0x96: {  	_ =	strace s2  }
0x97: {  	_ =	strace $0x8FFFFFFF  }
0x98: {  	s18 =	sld [smem:$0x3FDB];
	_ =	sdelay $0x1  }
0x99: {  	s19 =	simm.s32 $_scs_section_size  }
0x9a: {  	s4 =	simm.s32 $_size__tile_overlayer_lowered;
	s5 =	simm.s32 $_tile_overlayer_lowered  }
0x9b: {  	s22 =	simm.s32 $0x1BFF;
	s21 =	sshll.u32 s5, $0x1;
	s2 =	sadd.s32 s19, s18  }
0x9c: {  	s6 =	simm.s32 $0x0;
	s20 =	sshll.u32 s4, $0x1;
	s4 =	sadd.s32 s21, s2  }
0x9d: {  	[timem:s6], [sflag:s22] =	dma.local [hbm:s4], s20  }
0x9e: {  	_ =	swait.ge [sflag:s22], s20  }
0x9f: {  	s3 =	ssub.s32 $0x0, s20;
	[sflag:s22] =	ssyncset.done $0x0  }
0xa0: {  	[sflag:s22] =	ssyncadd.s32 s3;
	_ =	sdelay $0x1  }
0xa1: {  	s23 =	simm.s32 $0x1B8B  }
0xa2: {  	_ =	swait.ge [sflag:s23], $0x1  }
0xa3: {  	[sflag:s23] =	ssyncset.done $0x0  }
0xa4: {  	s25 =	simm.s32 $0x1B8E;
	s24 =	sld [smem:$0x3FFE];
	[sflag:s23] =	ssyncadd.s32 $0xFFFFFFFF  }
0xa5: {  	s26 =	simm.s32 $execute0_lowered;
	[smem:$0x3FD2] =	sst s25  }
0xa6: {  	s4 =	sshll.u32 s26, $0x1;
	_ =	strace $0x80000046;
	[dreg:$0x1] =	wrdreg $0xFFFFFFFF  }
0xa7: {  	s28 =	simm.s32 $_size_execute0_lowered;
	s2 =	sadd.s32 s2, s4;
	[dreg:$0x0] =	wrdreg $0x0  }
0xa8: {  	s4 =	sshll.u32 s28, $0x1;
	[dreg:$0x2] =	wrdreg s2  }
0xa9: {  	[dreg:$0x3] =	wrdreg s4  }
0xaa: {  	[dreg:$0x4] =	wrdreg $0xC0  }
0xab: {  	_ =	task [dreg:s6], $0x5FFFF  }
0xac: {  	[dreg:$0x1] =	wrdreg $0xFFFFFFFF  }
0xad: {  	[dreg:$0x0] =	wrdreg $0x60  }
0xae: {  	[dreg:$0x2] =	wrdreg s24  }
0xaf: {  	[dreg:$0x3] =	wrdreg $0xA8000  }
0xb0: {  	[dreg:$0x4] =	wrdreg $0x9  }
0xb1: {  	_ =	task.clear_ibuf [dreg:s6], $0x5FFFF;
	_ =	strace $0x90000046  }
0xb2: {  	s29 =	simm.s32 $0x9;
	_ =	strace $0x80000048  }
0xb3: {  	_ =	swait.ge [sflag:s29], $0x1  }
0xb4: {  	[sflag:s29] =	ssyncadd.s32 $0xFFFFFFFF  }
0xb5: {  	_ =	strace $0x90000048  }
0xb6: {  	_ =	sfence  }
0xb7: {  	s30 =	sld [smem:$0x0];
	_ =	sdelay $0x2  }
0xb8: {  	s31 =	sshll.u32 s1, $0xD;
	s1 =	sshrl.u32 s1, $0x2  }
0xb9: {  	s3 =	sand.u32 $0x4000, s31;
	s1 =	sadd.s32 s1, s30  }
0xba: {  	s0 =	sor.u32 s3, s0;
	s1 =	sshll.u32 s1, $0x11  }
0xbb: {  	s0 =	sor.u32 s1, s0  }
0xbc: {  	s0 =	sadd.s32 $0x8F2B, s0  }
0xbd: {  	[sflag:s0] =	ssyncadd.remote.s32 $0x1  }
0xbe: {  	_ =	sfence.sel $0xFFFF  }
0xbf: {  	[dreg:$0x0] =	wrdreg $0xFFFFFFFF;
	(pc) =	sbr.abs _section_cstart, $3  }
0xc0: {  	[dreg:$0x1] =	wrdreg $0xFFFFFFFF  }
0xc1: {  	_ =	task.clear_ibuf [dreg:s6], $0x2FFFF;
	_ =	strace $0x9FFFFFFF  }
0xc2: {  	(tm) =	ssettm $0x7FFFFFFF  }
0xc3: {  	_ =	shalt  }
tec
execute0_lowered:
.L_overlay_start_1:
0x0: {  	(tag) =	ssettag $0x1  }
0x1: {  	s1 =	srdreg.scid;
	s6 =	rddreg [dreg:$0x0]  }
0x2: {  	s0 =	stileid.u32;
	s2 =	rddreg [dreg:$0x1]  }
0x3: {  	s3 =	simm.s32 $0x0;
	s20 =	simm.s32 $0x2800;
	s21 =	simm.s32 $0x80  }
0x4: {  	s22 =	simm.s32 $0x1;
	s23 =	simm.s32 $0x0;
	s8 =	sand.u32 $0x1, s1  }
0x5: {  	s29 =	sshll.u32 s0, $0x1;
	s1 =	rddreg [dreg:$0x2];
	s10 =	smul.u32 $0x4F000, s0  }
0x6: {  	[smem:$0x7FF] =	sst s3;
	s5 =	sadd.s32 $0xC800, s6;
	s12 =	smul.u32 $0x13C00, s0  }
0x7: {  	s16 =	sadd.s32 $0xD800, s6;
	s4 =	sor.u32 s8, s29;
	s18 =	smul.u32 $0x140000, s8  }
0x8: {  	_ =	strace $0x80000047;
	s9 =	ssub.s32 $0x2, s8;
	s4 =	smul.u32 $0x500, s4  }
0x9: {  	s11 =	sshrl.u32 s9, $0x1;
	s30 =	sshrl.u32 s10, $0x2;
	s31 =	sadd.s32 $0x4000, s12  }
0xa: {  	s14 =	sadd.s32 $0x8000, s12;
	s15 =	sadd.s32 $0xC000, s12;
	s19 =	sadd.s32 $0x10000, s12  }
0xb: {  	s17 =	ssub.s32 s9, s11;
	s8 =	sadd.s32 s31, s2;
	s9 =	sadd.s32 s14, s2  }
0xc: {  	s10 =	sadd.s32 s15, s2;
	s12 =	sadd.s32 s12, s18;
	s13 =	sadd.s32 s18, s31  }
0xd: {  	s11 =	sadd.s32 s19, s2;
	s14 =	sadd.s32 s18, s14;
	s15 =	sadd.s32 s18, s15  }
0xe: {  	s18 =	sadd.s32 s18, s19;
	s19 =	simm.s32 $0x2;
	s7 =	sadd.s32 s4, s6  }
0xf: {  	s4 =	sadd.s32 $0xD000, s6;
	s12 =	sshrl.u32 s12, $0x3;
	s13 =	sshrl.u32 s13, $0x3  }
0x10: {  	s14 =	sshrl.u32 s14, $0x3;
	s15 =	sshrl.u32 s15, $0x3;
	s18 =	sshrl.u32 s18, $0x3  }
0x11: {  	s17 =	smax.u32 s17, $0x1;
	s6 =	sadd.s32 $0x2800, s7;
	s7 =	sadd.s32 s30, s2  }
0x12: {  	s12 =	sadd.s32 s16, s12;
	s13 =	sadd.s32 s16, s13;
	s14 =	sadd.s32 s16, s14  }
0x13: {  	s15 =	sadd.s32 s16, s15;
	s16 =	sadd.s32 s16, s18;
	s18 =	simm.s32 $0x6800  }
.LBB2_1:
0x14: {  	[tilespmem:s18], [sflag:$0x2] =	stream.linear.gather [hbm4b:s5+s3], $0x4000, $0x38;
	[tilespmem:$0x1E400] =	vst v63  }
0x15: {  	_ =	swait.ge [sflag:s19], $0x4000  }
0x16: {  	[sflag:s19] =	ssyncset.done $0x0  }
0x17: {  	[sflag:s19] =	ssyncadd.s32 $0xFFFFC000  }
0x18: {  	[tilespmem:s20], [sflag:$0x2] =	stream.linear.gather [hbm4b:s4+s3], $0x4000, $0x38;
	[tilespmem:$0x1E400] =	vst v63  }
0x19: {  	_ =	swait.ge [sflag:s19], $0x4000  }
0x1a: {  	[sflag:s19] =	ssyncset.done $0x0  }
0x1b: {  	[sflag:s19] =	ssyncadd.s32 $0xFFFFC000  }
0x1c: {  	[tilespmem:s3], [sflag:$0x2] =	stream.linear.gather [hbm4b:s6+s3], $0x2800, $0x38;
	[tilespmem:$0x1E400] =	vst v63  }
0x1d: {  	_ =	swait.ge [sflag:s19], $0x2800  }
0x1e: {  	[sflag:s19] =	ssyncset.done $0x0  }
0x1f: {  	[sflag:s19] =	ssyncadd.s32 $0xFFFFD800  }
0x20: {  	[spmem:s7] =	stream.linear.scatter [tilespmem:s18], [sflag:$0x2], $0x4000, $0x38;
	[tilespmem:$0x1E400] =	vst v63  }
0x21: {  	_ =	swait.ge [sflag:s19], $0x4000  }
0x22: {  	[sflag:s19] =	ssyncset.done $0x0  }
0x23: {  	[sflag:s19] =	ssyncadd.s32 $0xFFFFC000  }
0x24: {  	[spmem:s8] =	stream.linear.scatter [tilespmem:s18], [sflag:$0x2], $0x4000, $0x38;
	[tilespmem:$0x1E400] =	vst v63  }
0x25: {  	_ =	swait.ge [sflag:s19], $0x4000  }
0x26: {  	[sflag:s19] =	ssyncset.done $0x0  }
0x27: {  	[sflag:s19] =	ssyncadd.s32 $0xFFFFC000  }
0x28: {  	[spmem:s9] =	stream.linear.scatter [tilespmem:s18], [sflag:$0x2], $0x4000, $0x38;
	[tilespmem:$0x1E400] =	vst v63  }
0x29: {  	_ =	swait.ge [sflag:s19], $0x4000  }
0x2a: {  	[sflag:s19] =	ssyncset.done $0x0  }
0x2b: {  	[sflag:s19] =	ssyncadd.s32 $0xFFFFC000  }
0x2c: {  	[spmem:s10] =	stream.linear.scatter [tilespmem:s18], [sflag:$0x2], $0x4000, $0x38;
	[tilespmem:$0x1E400] =	vst v63  }
0x2d: {  	_ =	swait.ge [sflag:s19], $0x4000  }
0x2e: {  	[sflag:s19] =	ssyncset.done $0x0  }
0x2f: {  	[sflag:s19] =	ssyncadd.s32 $0xFFFFC000  }
0x30: {  	[spmem:s11] =	stream.linear.scatter [tilespmem:s18], [sflag:$0x2], $0x3C00, $0x38;
	[tilespmem:$0x1E400] =	vst v63  }
0x31: {  	_ =	swait.ge [sflag:s19], $0x3C00  }
0x32: {  	[sflag:s19] =	ssyncset.done $0x0  }
0x33: {  	[sflag:s19] =	ssyncadd.s32 $0xFFFFC400  }
0x34: {  	s24 =	simm.s32 $0x0;
	[bflag:$0x0] =	sbarrier.arrive $0xFFFF  }
.LBB2_2:
0x35: {  	p0 =	sne.s32 s24, $0x9E00  }
.Ltmp0:
0x36: {  	_ = 	snop;
	(pc) =	sbr.rel @p0 .LBB2_2-.Ltmp0, $3  }
0x37: {  	_ =	sdelay $0x1  }
0x38: {  	s25 =	sshra.s32 s24, $0x2;
	s24 =	sadd.s32 $0x200, s24  }
0x39: {  	[spmem:s2] =	stream.indirect.scatter.add.f32 [tilespmem:s20], [sflag:$0x1], $0x80, s25, s21, $0xb8;
	[tilespmem:$0x1E400] =	vst v63  }
0x3a: {  	_ =	swait.ge [sflag:s22], $0x4000  }
0x3b: {  	s24 =	simm.s32 $0x4F;
	[sflag:s22] =	ssyncset.done $0x0  }
.LBB2_4:
0x3c: {  	p0 =	sne.s32 s24, $0x1;
	s24 =	sadd.s32 $0xFFFFFFFF, s24;
	[sflag:s22] =	ssyncadd.s32 $0xFFFFC000  }
.Ltmp1:
0x3d: {  	(pc) =	sbr.rel @p0 .LBB2_4-.Ltmp1, $3  }
0x3e: {  	_ =	sdelay $0x1  }
0x3f: {  	_ =	swait.ge [sflag:s22], $0x4000  }
0x40: {  	[sflag:s22] =	ssyncset.done $0x0  }
0x41: {  	[sflag:s22] =	ssyncadd.s32 $0xFFFFC000  }
0x42: {  	[bflag:$0x0] =	sbarrier.arrive $0xFFFF  }
0x43: {  	[tilespmem:s18], [sflag:$0x2] =	stream.linear.gather [spmem:s7], $0x4000, $0x38;
	[tilespmem:$0x1E400] =	vst v63  }
0x44: {  	_ =	swait.ge [sflag:s19], $0x4000  }
0x45: {  	[sflag:s19] =	ssyncset.done $0x0  }
0x46: {  	[sflag:s19] =	ssyncadd.s32 $0xFFFFC000  }
0x47: {  	[hbm4b:s12+s3] =	stream.linear.scatter [tilespmem:s18], [sflag:$0x1], $0x4000, $0x38;
	[tilespmem:$0x1E400] =	vst v63  }
0x48: {  	_ = 	snop  }
0x49: {  	[tilespmem:s20], [sflag:$0x2] =	stream.linear.gather [spmem:s8], $0x4000, $0x38;
	[tilespmem:$0x1E400] =	vst v63  }
0x4a: {  	_ =	swait.ge [sflag:s19], $0x4000  }
0x4b: {  	[sflag:s19] =	ssyncset.done $0x0  }
0x4c: {  	[sflag:s19] =	ssyncadd.s32 $0xFFFFC000  }
0x4d: {  	[hbm4b:s13+s3] =	stream.linear.scatter [tilespmem:s20], [sflag:$0x1], $0x4000, $0x38;
	[tilespmem:$0x1E400] =	vst v63  }
0x4e: {  	_ =	swait.ge [sflag:s22], $0x4000  }
0x4f: {  	[sflag:s22] =	ssyncset.done $0x0  }
0x50: {  	[sflag:s22] =	ssyncadd.s32 $0xFFFFC000  }
0x51: {  	[tilespmem:s18], [sflag:$0x2] =	stream.linear.gather [spmem:s9], $0x4000, $0x38;
	[tilespmem:$0x1E400] =	vst v63  }
0x52: {  	_ =	swait.ge [sflag:s19], $0x4000  }
0x53: {  	[sflag:s19] =	ssyncset.done $0x0  }
0x54: {  	[sflag:s19] =	ssyncadd.s32 $0xFFFFC000  }
0x55: {  	[hbm4b:s14+s3] =	stream.linear.scatter [tilespmem:s18], [sflag:$0x1], $0x4000, $0x38;
	[tilespmem:$0x1E400] =	vst v63  }
0x56: {  	_ =	swait.ge [sflag:s22], $0x4000  }
0x57: {  	[sflag:s22] =	ssyncset.done $0x0  }
0x58: {  	[sflag:s22] =	ssyncadd.s32 $0xFFFFC000  }
0x59: {  	[tilespmem:s20], [sflag:$0x2] =	stream.linear.gather [spmem:s10], $0x4000, $0x38;
	[tilespmem:$0x1E400] =	vst v63  }
0x5a: {  	_ =	swait.ge [sflag:s19], $0x4000  }
0x5b: {  	[sflag:s19] =	ssyncset.done $0x0  }
0x5c: {  	[sflag:s19] =	ssyncadd.s32 $0xFFFFC000  }
0x5d: {  	[hbm4b:s15+s3] =	stream.linear.scatter [tilespmem:s20], [sflag:$0x1], $0x4000, $0x38;
	[tilespmem:$0x1E400] =	vst v63  }
0x5e: {  	_ =	swait.ge [sflag:s22], $0x4000  }
0x5f: {  	[sflag:s22] =	ssyncset.done $0x0  }
0x60: {  	[sflag:s22] =	ssyncadd.s32 $0xFFFFC000  }
0x61: {  	[tilespmem:s18], [sflag:$0x2] =	stream.linear.gather [spmem:s11], $0x3C00, $0x38;
	[tilespmem:$0x1E400] =	vst v63  }
0x62: {  	_ =	swait.ge [sflag:s19], $0x3C00  }
0x63: {  	[sflag:s19] =	ssyncset.done $0x0  }
0x64: {  	s23 =	sadd.s32 $0x1, s23;
	[sflag:s19] =	ssyncadd.s32 $0xFFFFC400  }
0x65: {  	[hbm4b:s16+s3] =	stream.linear.scatter [tilespmem:s18], [sflag:$0x1], $0x3C00, $0x38;
	[tilespmem:$0x1E400] =	vst v63  }
0x66: {  	p0 =	sne.s32 s23, s17;
	_ =	swait.ge [sflag:s22], $0x4000  }
.Ltmp2:
0x67: {  	[sflag:s22] =	ssyncset.done $0x0;
	(pc) =	sbr.rel @p0 .LBB2_1-.Ltmp2, $4  }
0x68: {  	[sflag:s22] =	ssyncadd.s32 $0xFFFFC000  }
0x69: {  	_ =	swait.ge [sflag:s22], $0x3C00  }
0x6a: {  	[sflag:s22] =	ssyncset.done $0x0  }
0x6b: {  	[sflag:s22] =	ssyncadd.s32 $0xFFFFC400  }
0x6c: {  	_ =	sfence.sel $0x180000  }
0x6d: {  	[bflag:$0x0] =	sbarrier.arrive $0xFFFF  }
0x6e: {  	p0 =	sne.s32 s0, $0x0;
	_ =	strace $0x90000047  }
0x6f: {  	s0 =	sadd.s32 @!p0 $0x100000, s1;
	[bflag:$0x2] =	sbarrier.arrive $0xFFFF  }
0x70: {  	[sflag:s0] =	ssyncadd.tile.s32 @!p0 $0x1;
	_ =	shalt  }
.Lfunc_end2:
_tile_overlayer_lowered:
.L_overlay_start_2:
0x71: {  	(tag) =	ssettag $0x2  }
0x72: {  	s0 =	rddreg [dreg:$0x0];
	s2 =	stileid.u32  }
0x73: {  	s1 =	rddreg [dreg:$0x1];
	p0 =	sne.s32 s2, $0x0  }
0x74: {  	s3 =	rddreg [dreg:$0x2];
	[bflag:$0x3] =	sbarrier.arrive $0xFFFF;
	s2 =	simm.s32 @!p0 $0x1C02  }
0x75: {  	[timem:s3], [sflag:s2] =	dma.local @!p0 [hbm:s0], s1  }
0x76: {  	s0 =	simm.s32 @!p0 $0x2  }
0x77: {  	_ =	swait.ge @!p0 [sflag:s0], s1  }
0x78: {  	s1 =	ssub.s32 @!p0 $0x0, s1;
	[sflag:s0] =	ssyncset.done @!p0 $0x0  }
0x79: {  	[sflag:s0] =	ssyncadd.s32 @!p0 s1  }
0x7a: {  	[bflag:$0x3] =	sbarrier.arrive $0xFFFF  }
0x7b: {  	_ =	shalt  }

</sc_bundles>
